<compile_context>
chip_gen: v7x
topology: tpu7x:2x2x1
jax: 0.10.2.dev20260603
libtpu: 0.0.44.dev20260713+nightly
codegen_flags: <defaults>
</compile_context>

<pallas_src>
import functools

import jax
import jax.numpy as jnp
from jax import lax
from jax.experimental import pallas as pl
from jax.experimental.pallas import tpu as pltpu
from jax.experimental.pallas import tpu_sc as plsc

N_NODES = 10000
N_EDGES = 320000
D = 128
DH = D // 2

NC = 2
NS = 16
CHUNK = 128
NCHUNK = 160
EPT = NCHUNK * CHUNK
E_PAD = NS * EPT - N_EDGES
NSLOT = 4
GPC = CHUNK // 16
ROWS_MAIN = 624
ROWS_LAST = N_NODES - (NS - 1) * ROWS_MAIN
FBH = DH // 16


def _sc_spmm(x2, src, dst, w):
    mesh = plsc.VectorSubcoreMesh(core_axis_name="c", subcore_axis_name="s")

    @functools.partial(
        pl.kernel,
        mesh=mesh,
        compiler_params=pltpu.CompilerParams(use_tc_tiling_on_sc=False),
        out_type=jax.ShapeDtypeStruct((NC, N_NODES, DH), jnp.float32),
        scratch_types=[
            pltpu.VMEM((NCHUNK, CHUNK), jnp.int32),
            pltpu.VMEM((NCHUNK, CHUNK), jnp.int32),
            [pltpu.VMEM((CHUNK,), jnp.float32) for _ in range(NSLOT)],
            [pltpu.VMEM((CHUNK, DH), jnp.float32) for _ in range(NSLOT)],
            pltpu.VMEM_SHARED((N_NODES, DH), jnp.float32),
            [pltpu.SemaphoreType.DMA for _ in range(NSLOT)],
            [pltpu.SemaphoreType.DMA for _ in range(NSLOT)],
        ],
    )
    def spmm(x_hbm, src_hbm, dst_hbm, w_hbm, out_hbm,
             src_v, dst_v, wb, rowsb, acc_sh, gsem, ssem):
        c = lax.axis_index("c")
        s = lax.axis_index("s")
        row0 = pl.multiple_of(s * ROWS_MAIN, 8)

        zero16 = jnp.zeros((16,), jnp.float32)

        def zrow(r, carry):
            for f in range(FBH):
                rowsb[0][r, pl.ds(f * 16, 16)] = zero16
            return carry

        lax.fori_loop(0, CHUNK, zrow, 0)
        for k in range(ROWS_MAIN // CHUNK):
            pltpu.sync_copy(
                rowsb[0], acc_sh.at[pl.ds(row0 + k * CHUNK, CHUNK)])

        @pl.when(s < NS - 1)
        def _():
            pltpu.sync_copy(
                rowsb[0].at[pl.ds(0, ROWS_MAIN % CHUNK)],
                acc_sh.at[pl.ds(row0 + (ROWS_MAIN // CHUNK) * CHUNK,
                                ROWS_MAIN % CHUNK)])

        @pl.when(s == NS - 1)
        def _():
            for k in range(ROWS_MAIN // CHUNK, ROWS_LAST // CHUNK):
                pltpu.sync_copy(
                    rowsb[0], acc_sh.at[pl.ds(row0 + k * CHUNK, CHUNK)])

        plsc.subcore_barrier()

        pltpu.sync_copy(src_hbm.at[c, s], src_v)
        pltpu.sync_copy(dst_hbm.at[s], dst_v)

        def start_gather(ci, b):
            pltpu.async_copy(w_hbm.at[s, ci], wb[b], gsem[b])
            pltpu.async_copy(x_hbm.at[src_v.at[ci]], rowsb[b], gsem[b])

        def wait_gather(ci, b):
            pltpu.make_async_copy(w_hbm.at[s, ci], wb[b], gsem[b]).wait()
            pltpu.make_async_copy(
                x_hbm.at[src_v.at[ci]], rowsb[b], gsem[b]).wait()

        def start_scatter(ci, b):
            pltpu.async_copy(rowsb[b], acc_sh.at[dst_v.at[ci]], ssem[b],
                             add=True)

        def wait_scatter(ci, b):
            pltpu.make_async_copy(
                rowsb[b], acc_sh.at[dst_v.at[ci]], ssem[b]).wait()

        start_gather(0, 0)
        start_gather(1, 1)

        def quad_body(i, carry):
            for b in range(NSLOT):
                cur = i * NSLOT + b
                bg = (b + 2) % NSLOT

                @pl.when(cur + 2 < NCHUNK)
                def _():
                    @pl.when(cur >= 2)
                    def _():
                        wait_scatter(cur, bg)
                    start_gather(cur + 2, bg)

                wait_gather(cur, b)

                def mul_group(g, gcarry):
                    wvec = wb[b][pl.ds(g * 16, 16)]
                    for e in range(16):
                        wval = wvec[e]
                        r = g * 16 + e
                        for f in range(FBH):
                            blk = rowsb[b][r, pl.ds(f * 16, 16)]
                            rowsb[b][r, pl.ds(f * 16, 16)] = blk * wval
                    return gcarry

                lax.fori_loop(0, GPC, mul_group, 0)

                start_scatter(cur, b)
            return carry

        lax.fori_loop(0, NCHUNK // NSLOT, quad_body, 0)

        for b in range(NSLOT):
            wait_scatter(0, b)

        plsc.subcore_barrier()

        @pl.when(s < NS - 1)
        def _():
            pltpu.sync_copy(acc_sh.at[pl.ds(row0, ROWS_MAIN)],
                            out_hbm.at[c, pl.ds(row0, ROWS_MAIN)])

        @pl.when(s == NS - 1)
        def _():
            pltpu.sync_copy(acc_sh.at[pl.ds(row0, ROWS_LAST)],
                            out_hbm.at[c, pl.ds(row0, ROWS_LAST)])

    return spmm(x2, src, dst, w)


BR = 2000


def _combine_kernel(p_ref, w0_ref, w1_ref, b_ref, o_ref):
    o_ref[...] = (
        jnp.dot(p_ref[0], w0_ref[...], preferred_element_type=jnp.float32)
        + jnp.dot(p_ref[1], w1_ref[...], preferred_element_type=jnp.float32)
        + b_ref[...])


def _tc_combine(p, W0, W1, b2):
    return pl.pallas_call(
        _combine_kernel,
        grid=(N_NODES // BR,),
        in_specs=[
            pl.BlockSpec((NC, BR, DH), lambda i: (0, i, 0)),
            pl.BlockSpec((DH, D), lambda i: (0, 0)),
            pl.BlockSpec((DH, D), lambda i: (0, 0)),
            pl.BlockSpec((1, D), lambda i: (0, 0)),
        ],
        out_specs=pl.BlockSpec((BR, D), lambda i: (i, 0)),
        out_shape=jax.ShapeDtypeStruct((N_NODES, D), jnp.float32),
    )(p, W0, W1, b2)


def kernel(x, edge_index, edge_weight, W, b):
    x2 = jnp.concatenate([x[:, :DH], x[:, DH:]], axis=0)
    pad_idx = (jnp.arange(E_PAD, dtype=jnp.int32) * 8) % N_NODES
    src = jnp.concatenate(
        [edge_index[1].astype(jnp.int32), pad_idx]).reshape(NS, NCHUNK, CHUNK)
    src2 = jnp.stack([src, src + N_NODES])
    dst = jnp.concatenate(
        [edge_index[0].astype(jnp.int32), pad_idx]).reshape(NS, NCHUNK, CHUNK)
    w = jnp.concatenate(
        [edge_weight.astype(jnp.float32),
         jnp.zeros((E_PAD,), jnp.float32)]).reshape(NS, NCHUNK, CHUNK)
    p = _sc_spmm(x2, src2, dst, w)
    return _tc_combine(p, W[:DH], W[DH:], b.reshape(1, D))

# --- scband reference (transcript-rebuilt; emitter-appended) ---
"""Pipeline reference for scband-graph-convolution-27728308863039 (READ-ONLY COPY).

The authoritative reference and input builder live on the scoring server;
editing this copy changes nothing except your own understanding.
"""

import jax, jax.numpy as jnp
import numpy as np
import math

N_NODES = 10000
N_EDGES = 320000
D_IN = 128
D_OUT = 128


def setup_inputs(seed: int = 0) -> dict:
    key = jax.random.key(seed)
    k1, k2, k3, k4, k5 = jax.random.split(key, 5)
    x = jax.random.normal(k1, (N_NODES, D_IN), dtype=jnp.float32)
    edge_index = jax.random.randint(k2, (2, N_EDGES), 0, N_NODES)
    edge_weight = jax.random.uniform(k3, (N_EDGES,), dtype=jnp.float32)
    stdv = 1.0 / math.sqrt(D_OUT)
    W = jax.random.uniform(k4, (D_IN, D_OUT), minval=-stdv, maxval=stdv, dtype=jnp.float32)
    b = jax.random.uniform(k5, (D_OUT,), minval=-stdv, maxval=stdv, dtype=jnp.float32)
    return {"x": x, "edge_index": edge_index, "edge_weight": edge_weight, "W": W, "b": b}


def reference(x, edge_index, edge_weight, W, b):
    # support = input @ weight  (torch.mm)
    support = x @ W
    # output = spmm(adj, support): adj represented as COO (dst=edge_index[0], src=edge_index[1], val=edge_weight)
    src = edge_index[1]
    dst = edge_index[0]
    msgs = jnp.take(support, src, axis=0) * edge_weight[:, None]
    out = jax.ops.segment_sum(msgs, dst, num_segments=N_NODES)
    # bias add (with_bias=True); batch_norm=False so no BN
    out = out + b
    return out

if __name__ == "__main__":
    import jax
    _d = setup_inputs()
    print(jax.jit(kernel)(*tuple(_d.values())))

</pallas_src>

<mosaic_0001>
#map = affine_map<(d0, d1) -> (0, 0)>
#map1 = affine_map<(d0, d1) -> (0, 0, 0, 0)>
#map2 = affine_map<(d0, d1) -> (0, 0, 0)>
module attributes {stable_mosaic.version = 14 : i64} {
  func.func @spmm(%arg0: i32, %arg1: i32, %arg2: memref<20000x64xf32, #tpu.memory_space<hbm>>, %arg3: memref<2x16x160x128xi32, #tpu.memory_space<hbm>>, %arg4: memref<16x160x128xi32, #tpu.memory_space<hbm>>, %arg5: memref<16x160x128xf32, #tpu.memory_space<hbm>>, %arg6: memref<2x10000x64xf32, #tpu.memory_space<hbm>>, %arg7: memref<160x128xi32, #tpu.memory_space<vmem>>, %arg8: memref<160x128xi32, #tpu.memory_space<vmem>>, %arg9: memref<128xf32, #tpu.memory_space<vmem>>, %arg10: memref<128xf32, #tpu.memory_space<vmem>>, %arg11: memref<128xf32, #tpu.memory_space<vmem>>, %arg12: memref<128xf32, #tpu.memory_space<vmem>>, %arg13: memref<128x64xf32, #tpu.memory_space<vmem>>, %arg14: memref<128x64xf32, #tpu.memory_space<vmem>>, %arg15: memref<128x64xf32, #tpu.memory_space<vmem>>, %arg16: memref<128x64xf32, #tpu.memory_space<vmem>>, %arg17: memref<10000x64xf32, #tpu.memory_space<vmem_shared>>, %arg18: memref<!tpu.dma_semaphore, #tpu.memory_space<semaphore_mem>>, %arg19: memref<!tpu.dma_semaphore, #tpu.memory_space<semaphore_mem>>, %arg20: memref<!tpu.dma_semaphore, #tpu.memory_space<semaphore_mem>>, %arg21: memref<!tpu.dma_semaphore, #tpu.memory_space<semaphore_mem>>, %arg22: memref<!tpu.dma_semaphore, #tpu.memory_space<semaphore_mem>>, %arg23: memref<!tpu.dma_semaphore, #tpu.memory_space<semaphore_mem>>, %arg24: memref<!tpu.dma_semaphore, #tpu.memory_space<semaphore_mem>>, %arg25: memref<!tpu.dma_semaphore, #tpu.memory_space<semaphore_mem>>) attributes {dimension_semantics = [#tpu.dimension_semantics<core_parallel>, #tpu.dimension_semantics<subcore_parallel>], iteration_bounds = array<i64: 2, 16>, scalar_prefetch = 0 : i64, scratch_operands = 19 : i64, tpu.core_type = #tpu.core_type<sc_vector_subcore>, window_params = [{transform_indices = #map}, {transform_indices = #map1}, {transform_indices = #map2}, {transform_indices = #map2}, {transform_indices = #map2}]} {
    %mul3A = arith.constant 624 : i32
    %mul3A_0 = arith.muli %arg1, %mul3A : i32
    %multiple_of3A = tpu.assume_multiple %mul3A_0, 8 : i32
    %broadcast_in_dim3A = arith.constant 0.000000e+00 : f32
    %broadcast_in_dim3A_1 = vector.broadcast %broadcast_in_dim3A : f32 to vector<16xf32>
    %scan3A = arith.constant 0 : i32
    %scan3A_2 = arith.constant 0 : i32
    %scan3A_3 = arith.constant 128 : i32
    %scan3A_4 = arith.addi %scan3A_2, %scan3A_3 : i32
    %scan3A_5 = arith.constant 1 : i32
    scf.for %scan3A_91 = %scan3A_2 to %scan3A_4 step %scan3A_5  : i32 {
      %swap3A = arith.index_cast %scan3A_91 : i32 to index
      %swap3A_92 = arith.constant 0 : index
      %swap3A_93 = tpu.vector_load %arg13[%swap3A, %swap3A_92] {strides = array<i32>} : memref<128x64xf32, #tpu.memory_space<vmem>>, vector<1x16xf32>,
      %swap3A_94 = vector.shape_cast %swap3A_93 : vector<1x16xf32> to vector<16xf32>
      %swap3A_95 = vector.shape_cast %broadcast_in_dim3A_1 : vector<16xf32> to vector<1x16xf32>
      tpu.vector_store %arg13[%swap3A, %swap3A_92], %swap3A_95 {strides = array<i32>} : memref<128x64xf32, #tpu.memory_space<vmem>>, vector<1x16xf32>,
      %swap3A_96 = arith.index_cast %scan3A_91 : i32 to index
      %swap3A_97 = arith.constant 16 : index
      %swap3A_98 = tpu.vector_load %arg13[%swap3A_96, %swap3A_97] {strides = array<i32>} : memref<128x64xf32, #tpu.memory_space<vmem>>, vector<1x16xf32>,
      %swap3A_99 = vector.shape_cast %swap3A_98 : vector<1x16xf32> to vector<16xf32>
      %swap3A_100 = vector.shape_cast %broadcast_in_dim3A_1 : vector<16xf32> to vector<1x16xf32>
      tpu.vector_store %arg13[%swap3A_96, %swap3A_97], %swap3A_100 {strides = array<i32>} : memref<128x64xf32, #tpu.memory_space<vmem>>, vector<1x16xf32>,
      %swap3A_101 = arith.index_cast %scan3A_91 : i32 to index
      %swap3A_102 = arith.constant 32 : index
      %swap3A_103 = tpu.vector_load %arg13[%swap3A_101, %swap3A_102] {strides = array<i32>} : memref<128x64xf32, #tpu.memory_space<vmem>>, vector<1x16xf32>,
      %swap3A_104 = vector.shape_cast %swap3A_103 : vector<1x16xf32> to vector<16xf32>
      %swap3A_105 = vector.shape_cast %broadcast_in_dim3A_1 : vector<16xf32> to vector<1x16xf32>
      tpu.vector_store %arg13[%swap3A_101, %swap3A_102], %swap3A_105 {strides = array<i32>} : memref<128x64xf32, #tpu.memory_space<vmem>>, vector<1x16xf32>,
      %swap3A_106 = arith.index_cast %scan3A_91 : i32 to index
      %swap3A_107 = arith.constant 48 : index
      %swap3A_108 = tpu.vector_load %arg13[%swap3A_106, %swap3A_107] {strides = array<i32>} : memref<128x64xf32, #tpu.memory_space<vmem>>, vector<1x16xf32>,
      %swap3A_109 = vector.shape_cast %swap3A_108 : vector<1x16xf32> to vector<16xf32>
      %swap3A_110 = vector.shape_cast %broadcast_in_dim3A_1 : vector<16xf32> to vector<1x16xf32>
      tpu.vector_store %arg13[%swap3A_106, %swap3A_107], %swap3A_110 {strides = array<i32>} : memref<128x64xf32, #tpu.memory_space<vmem>>, vector<1x16xf32>,
    }
    %scan3A_6 = arith.constant 128 : i32
    %add3A = arith.constant 0 : i32
    %add3A_7 = arith.addi %multiple_of3A, %add3A : i32
    "tpu.region"() ({
      %run_scoped3A = tpu.sem_alloc : memref<!tpu.dma_semaphore, #tpu.memory_space<semaphore_mem>>
      %dma_start3A_91 = arith.constant 0 : i32
      %dma_start3A_92 = tpu.memref_slice %arg17[%add3A_7, %dma_start3A_91] : memref<10000x64xf32, #tpu.memory_space<vmem_shared>> -> memref<128x64xf32, #tpu.memory_space<vmem_shared>>
      %dma_start3A_93 = arith.constant 0 : i32
      %dma_start3A_94 = tpu.memref_slice %arg17[%add3A_7, %dma_start3A_93] : memref<10000x64xf32, #tpu.memory_space<vmem_shared>> -> memref<128x64xf32, #tpu.memory_space<vmem_shared>>
      tpu.enqueue_dma source(%arg13 : memref<128x64xf32, #tpu.memory_space<vmem>>) target(%dma_start3A_94 : memref<128x64xf32, #tpu.memory_space<vmem_shared>>) target_semaphore(%run_scoped3A : memref<!tpu.dma_semaphore, #tpu.memory_space<semaphore_mem>>)
      %dma_wait3A_95 = arith.constant 0 : i32
      %dma_wait3A_96 = tpu.memref_slice %arg17[%add3A_7, %dma_wait3A_95] : memref<10000x64xf32, #tpu.memory_space<vmem_shared>> -> memref<128x64xf32, #tpu.memory_space<vmem_shared>>
      %dma_wait3A_97 = arith.constant 0 : i32
      %dma_wait3A_98 = tpu.memref_slice %arg17[%add3A_7, %dma_wait3A_97] : memref<10000x64xf32, #tpu.memory_space<vmem_shared>> -> memref<128x64xf32, #tpu.memory_space<vmem_shared>>
      tpu.wait_dma2 semaphore(%run_scoped3A : memref<!tpu.dma_semaphore, #tpu.memory_space<semaphore_mem>>) src(%arg13 : memref<128x64xf32, #tpu.memory_space<vmem>>) dst(%dma_wait3A_98 : memref<128x64xf32, #tpu.memory_space<vmem_shared>>)
      tpu.yield
    }) : () -> ()
    %add3A_8 = arith.constant 128 : i32
    %add3A_9 = arith.addi %multiple_of3A, %add3A_8 : i32
    "tpu.region"() ({
      %run_scoped3A = tpu.sem_alloc : memref<!tpu.dma_semaphore, #tpu.memory_space<semaphore_mem>>
      %dma_start3A_91 = arith.constant 0 : i32
      %dma_start3A_92 = tpu.memref_slice %arg17[%add3A_9, %dma_start3A_91] : memref<10000x64xf32, #tpu.memory_space<vmem_shared>> -> memref<128x64xf32, #tpu.memory_space<vmem_shared>>
      %dma_start3A_93 = arith.constant 0 : i32
      %dma_start3A_94 = tpu.memref_slice %arg17[%add3A_9, %dma_start3A_93] : memref<10000x64xf32, #tpu.memory_space<vmem_shared>> -> memref<128x64xf32, #tpu.memory_space<vmem_shared>>
      tpu.enqueue_dma source(%arg13 : memref<128x64xf32, #tpu.memory_space<vmem>>) target(%dma_start3A_94 : memref<128x64xf32, #tpu.memory_space<vmem_shared>>) target_semaphore(%run_scoped3A : memref<!tpu.dma_semaphore, #tpu.memory_space<semaphore_mem>>)
      %dma_wait3A_95 = arith.constant 0 : i32
      %dma_wait3A_96 = tpu.memref_slice %arg17[%add3A_9, %dma_wait3A_95] : memref<10000x64xf32, #tpu.memory_space<vmem_shared>> -> memref<128x64xf32, #tpu.memory_space<vmem_shared>>
      %dma_wait3A_97 = arith.constant 0 : i32
      %dma_wait3A_98 = tpu.memref_slice %arg17[%add3A_9, %dma_wait3A_97] : memref<10000x64xf32, #tpu.memory_space<vmem_shared>> -> memref<128x64xf32, #tpu.memory_space<vmem_shared>>
      tpu.wait_dma2 semaphore(%run_scoped3A : memref<!tpu.dma_semaphore, #tpu.memory_space<semaphore_mem>>) src(%arg13 : memref<128x64xf32, #tpu.memory_space<vmem>>) dst(%dma_wait3A_98 : memref<128x64xf32, #tpu.memory_space<vmem_shared>>)
      tpu.yield
    }) : () -> ()
    %add3A_10 = arith.constant 256 : i32
    %add3A_11 = arith.addi %multiple_of3A, %add3A_10 : i32
    "tpu.region"() ({
      %run_scoped3A = tpu.sem_alloc : memref<!tpu.dma_semaphore, #tpu.memory_space<semaphore_mem>>
      %dma_start3A_91 = arith.constant 0 : i32
      %dma_start3A_92 = tpu.memref_slice %arg17[%add3A_11, %dma_start3A_91] : memref<10000x64xf32, #tpu.memory_space<vmem_shared>> -> memref<128x64xf32, #tpu.memory_space<vmem_shared>>
      %dma_start3A_93 = arith.constant 0 : i32
      %dma_start3A_94 = tpu.memref_slice %arg17[%add3A_11, %dma_start3A_93] : memref<10000x64xf32, #tpu.memory_space<vmem_shared>> -> memref<128x64xf32, #tpu.memory_space<vmem_shared>>
      tpu.enqueue_dma source(%arg13 : memref<128x64xf32, #tpu.memory_space<vmem>>) target(%dma_start3A_94 : memref<128x64xf32, #tpu.memory_space<vmem_shared>>) target_semaphore(%run_scoped3A : memref<!tpu.dma_semaphore, #tpu.memory_space<semaphore_mem>>)
      %dma_wait3A_95 = arith.constant 0 : i32
      %dma_wait3A_96 = tpu.memref_slice %arg17[%add3A_11, %dma_wait3A_95] : memref<10000x64xf32, #tpu.memory_space<vmem_shared>> -> memref<128x64xf32, #tpu.memory_space<vmem_shared>>
      %dma_wait3A_97 = arith.constant 0 : i32
      %dma_wait3A_98 = tpu.memref_slice %arg17[%add3A_11, %dma_wait3A_97] : memref<10000x64xf32, #tpu.memory_space<vmem_shared>> -> memref<128x64xf32, #tpu.memory_space<vmem_shared>>
      tpu.wait_dma2 semaphore(%run_scoped3A : memref<!tpu.dma_semaphore, #tpu.memory_space<semaphore_mem>>) src(%arg13 : memref<128x64xf32, #tpu.memory_space<vmem>>) dst(%dma_wait3A_98 : memref<128x64xf32, #tpu.memory_space<vmem_shared>>)
      tpu.yield
    }) : () -> ()
    %add3A_12 = arith.constant 384 : i32
    %add3A_13 = arith.addi %multiple_of3A, %add3A_12 : i32
    "tpu.region"() ({
      %run_scoped3A = tpu.sem_alloc : memref<!tpu.dma_semaphore, #tpu.memory_space<semaphore_mem>>
      %dma_start3A_91 = arith.constant 0 : i32
      %dma_start3A_92 = tpu.memref_slice %arg17[%add3A_13, %dma_start3A_91] : memref<10000x64xf32, #tpu.memory_space<vmem_shared>> -> memref<128x64xf32, #tpu.memory_space<vmem_shared>>
      %dma_start3A_93 = arith.constant 0 : i32
      %dma_start3A_94 = tpu.memref_slice %arg17[%add3A_13, %dma_start3A_93] : memref<10000x64xf32, #tpu.memory_space<vmem_shared>> -> memref<128x64xf32, #tpu.memory_space<vmem_shared>>
      tpu.enqueue_dma source(%arg13 : memref<128x64xf32, #tpu.memory_space<vmem>>) target(%dma_start3A_94 : memref<128x64xf32, #tpu.memory_space<vmem_shared>>) target_semaphore(%run_scoped3A : memref<!tpu.dma_semaphore, #tpu.memory_space<semaphore_mem>>)
      %dma_wait3A_95 = arith.constant 0 : i32
      %dma_wait3A_96 = tpu.memref_slice %arg17[%add3A_13, %dma_wait3A_95] : memref<10000x64xf32, #tpu.memory_space<vmem_shared>> -> memref<128x64xf32, #tpu.memory_space<vmem_shared>>
      %dma_wait3A_97 = arith.constant 0 : i32
      %dma_wait3A_98 = tpu.memref_slice %arg17[%add3A_13, %dma_wait3A_97] : memref<10000x64xf32, #tpu.memory_space<vmem_shared>> -> memref<128x64xf32, #tpu.memory_space<vmem_shared>>
      tpu.wait_dma2 semaphore(%run_scoped3A : memref<!tpu.dma_semaphore, #tpu.memory_space<semaphore_mem>>) src(%arg13 : memref<128x64xf32, #tpu.memory_space<vmem>>) dst(%dma_wait3A_98 : memref<128x64xf32, #tpu.memory_space<vmem_shared>>)
      tpu.yield
    }) : () -> ()
    %lt3A = arith.constant 15 : i32
    %lt3A_14 = arith.cmpi slt, %arg1, %lt3A : i32
    %convert_element_type3A = arith.extui %lt3A_14 : i1 to i32
    %cond3A = arith.constant 0 : i32
    %cond3A_15 = arith.cmpi ne, %convert_element_type3A, %cond3A : i32
    scf.if %cond3A_15 {
      %add3A_91 = arith.constant 512 : i32
      %add3A_92 = arith.addi %multiple_of3A, %add3A_91 : i32
      "tpu.region"() ({
        %run_scoped3A = tpu.sem_alloc : memref<!tpu.dma_semaphore, #tpu.memory_space<semaphore_mem>>
        %dma_start3A_93 = arith.constant 0 : i32
        %dma_start3A_94 = arith.constant 0 : i32
        %dma_start3A_95 = tpu.memref_slice %arg13[%dma_start3A_93, %dma_start3A_94] : memref<128x64xf32, #tpu.memory_space<vmem>> -> memref<112x64xf32, #tpu.memory_space<vmem>>
        %dma_start3A_96 = arith.constant 0 : i32
        %dma_start3A_97 = tpu.memref_slice %arg17[%add3A_92, %dma_start3A_96] : memref<10000x64xf32, #tpu.memory_space<vmem_shared>> -> memref<112x64xf32, #tpu.memory_space<vmem_shared>>
        %dma_start3A_98 = arith.constant 0 : i32
        %dma_start3A_99 = tpu.memref_slice %arg17[%add3A_92, %dma_start3A_98] : memref<10000x64xf32, #tpu.memory_space<vmem_shared>> -> memref<112x64xf32, #tpu.memory_space<vmem_shared>>
        %dma_start3A_100 = arith.constant 0 : i32
        %dma_start3A_101 = arith.constant 0 : i32
        %dma_start3A_102 = tpu.memref_slice %arg13[%dma_start3A_100, %dma_start3A_101] : memref<128x64xf32, #tpu.memory_space<vmem>> -> memref<112x64xf32, #tpu.memory_space<vmem>>
        tpu.enqueue_dma source(%dma_start3A_102 : memref<112x64xf32, #tpu.memory_space<vmem>>) target(%dma_start3A_99 : memref<112x64xf32, #tpu.memory_space<vmem_shared>>) target_semaphore(%run_scoped3A : memref<!tpu.dma_semaphore, #tpu.memory_space<semaphore_mem>>)
        %dma_wait3A_103 = arith.constant 0 : i32
        %dma_wait3A_104 = arith.constant 0 : i32
        %dma_wait3A_105 = tpu.memref_slice %arg13[%dma_wait3A_103, %dma_wait3A_104] : memref<128x64xf32, #tpu.memory_space<vmem>> -> memref<112x64xf32, #tpu.memory_space<vmem>>
        %dma_wait3A_106 = arith.constant 0 : i32
        %dma_wait3A_107 = tpu.memref_slice %arg17[%add3A_92, %dma_wait3A_106] : memref<10000x64xf32, #tpu.memory_space<vmem_shared>> -> memref<112x64xf32, #tpu.memory_space<vmem_shared>>
        %dma_wait3A_108 = arith.constant 0 : i32
        %dma_wait3A_109 = tpu.memref_slice %arg17[%add3A_92, %dma_wait3A_108] : memref<10000x64xf32, #tpu.memory_space<vmem_shared>> -> memref<112x64xf32, #tpu.memory_space<vmem_shared>>
        %dma_wait3A_110 = arith.constant 0 : i32
        %dma_wait3A_111 = arith.constant 0 : i32
        %dma_wait3A_112 = tpu.memref_slice %arg13[%dma_wait3A_110, %dma_wait3A_111] : memref<128x64xf32, #tpu.memory_space<vmem>> -> memref<112x64xf32, #tpu.memory_space<vmem>>
        tpu.wait_dma2 semaphore(%run_scoped3A : memref<!tpu.dma_semaphore, #tpu.memory_space<semaphore_mem>>) src(%dma_wait3A_112 : memref<112x64xf32, #tpu.memory_space<vmem>>) dst(%dma_wait3A_109 : memref<112x64xf32, #tpu.memory_space<vmem_shared>>)
        tpu.yield
      }) : () -> ()
    } else {
    }
    %eq3A = arith.constant 15 : i32
    %eq3A_16 = arith.cmpi eq, %arg1, %eq3A : i32
    %convert_element_type3A_17 = arith.extui %eq3A_16 : i1 to i32
    %cond3A_18 = arith.constant 0 : i32
    %cond3A_19 = arith.cmpi ne, %convert_element_type3A_17, %cond3A_18 : i32
    scf.if %cond3A_19 {
      %add3A_91 = arith.constant 512 : i32
      %add3A_92 = arith.addi %multiple_of3A, %add3A_91 : i32
      "tpu.region"() ({
        %run_scoped3A = tpu.sem_alloc : memref<!tpu.dma_semaphore, #tpu.memory_space<semaphore_mem>>
        %dma_start3A_93 = arith.constant 0 : i32
        %dma_start3A_94 = tpu.memref_slice %arg17[%add3A_92, %dma_start3A_93] : memref<10000x64xf32, #tpu.memory_space<vmem_shared>> -> memref<128x64xf32, #tpu.memory_space<vmem_shared>>
        %dma_start3A_95 = arith.constant 0 : i32
        %dma_start3A_96 = tpu.memref_slice %arg17[%add3A_92, %dma_start3A_95] : memref<10000x64xf32, #tpu.memory_space<vmem_shared>> -> memref<128x64xf32, #tpu.memory_space<vmem_shared>>
        tpu.enqueue_dma source(%arg13 : memref<128x64xf32, #tpu.memory_space<vmem>>) target(%dma_start3A_96 : memref<128x64xf32, #tpu.memory_space<vmem_shared>>) target_semaphore(%run_scoped3A : memref<!tpu.dma_semaphore, #tpu.memory_space<semaphore_mem>>)
        %dma_wait3A_97 = arith.constant 0 : i32
        %dma_wait3A_98 = tpu.memref_slice %arg17[%add3A_92, %dma_wait3A_97] : memref<10000x64xf32, #tpu.memory_space<vmem_shared>> -> memref<128x64xf32, #tpu.memory_space<vmem_shared>>
        %dma_wait3A_99 = arith.constant 0 : i32
        %dma_wait3A_100 = tpu.memref_slice %arg17[%add3A_92, %dma_wait3A_99] : memref<10000x64xf32, #tpu.memory_space<vmem_shared>> -> memref<128x64xf32, #tpu.memory_space<vmem_shared>>
        tpu.wait_dma2 semaphore(%run_scoped3A : memref<!tpu.dma_semaphore, #tpu.memory_space<semaphore_mem>>) src(%arg13 : memref<128x64xf32, #tpu.memory_space<vmem>>) dst(%dma_wait3A_100 : memref<128x64xf32, #tpu.memory_space<vmem_shared>>)
        tpu.yield
      }) : () -> ()
    } else {
    }
    %barrier3A = arith.constant 0 : index
    tpu.barrier barrier_id(%barrier3A)
    "tpu.region"() ({
      %run_scoped3A = tpu.sem_alloc : memref<!tpu.dma_semaphore, #tpu.memory_space<semaphore_mem>>
      %dma_start3A_91 = arith.constant 0 : i32
      %dma_start3A_92 = arith.constant 0 : i32
      %dma_start3A_93 = tpu.memref_slice %arg3[%arg0, %arg1, %dma_start3A_91, %dma_start3A_92] : memref<2x16x160x128xi32, #tpu.memory_space<hbm>> -> memref<1x1x160x128xi32, #tpu.memory_space<hbm>>
      %dma_start3A_94 = tpu.memref_squeeze %dma_start3A_93 : memref<1x1x160x128xi32, #tpu.memory_space<hbm>> -> memref<160x128xi32, #tpu.memory_space<hbm>>
      %dma_start3A_95 = arith.constant 0 : i32
      %dma_start3A_96 = arith.constant 0 : i32
      %dma_start3A_97 = tpu.memref_slice %arg3[%arg0, %arg1, %dma_start3A_95, %dma_start3A_96] : memref<2x16x160x128xi32, #tpu.memory_space<hbm>> -> memref<1x1x160x128xi32, #tpu.memory_space<hbm>>
      %dma_start3A_98 = tpu.memref_squeeze %dma_start3A_97 : memref<1x1x160x128xi32, #tpu.memory_space<hbm>> -> memref<160x128xi32, #tpu.memory_space<hbm>>
      tpu.enqueue_dma source(%dma_start3A_98 : memref<160x128xi32, #tpu.memory_space<hbm>>) target(%arg7 : memref<160x128xi32, #tpu.memory_space<vmem>>) target_semaphore(%run_scoped3A : memref<!tpu.dma_semaphore, #tpu.memory_space<semaphore_mem>>)
      %dma_wait3A_99 = arith.constant 0 : i32
      %dma_wait3A_100 = arith.constant 0 : i32
      %dma_wait3A_101 = tpu.memref_slice %arg3[%arg0, %arg1, %dma_wait3A_99, %dma_wait3A_100] : memref<2x16x160x128xi32, #tpu.memory_space<hbm>> -> memref<1x1x160x128xi32, #tpu.memory_space<hbm>>
      %dma_wait3A_102 = tpu.memref_squeeze %dma_wait3A_101 : memref<1x1x160x128xi32, #tpu.memory_space<hbm>> -> memref<160x128xi32, #tpu.memory_space<hbm>>
      %dma_wait3A_103 = arith.constant 0 : i32
      %dma_wait3A_104 = arith.constant 0 : i32
      %dma_wait3A_105 = tpu.memref_slice %arg3[%arg0, %arg1, %dma_wait3A_103, %dma_wait3A_104] : memref<2x16x160x128xi32, #tpu.memory_space<hbm>> -> memref<1x1x160x128xi32, #tpu.memory_space<hbm>>
      %dma_wait3A_106 = tpu.memref_squeeze %dma_wait3A_105 : memref<1x1x160x128xi32, #tpu.memory_space<hbm>> -> memref<160x128xi32, #tpu.memory_space<hbm>>
      tpu.wait_dma2 semaphore(%run_scoped3A : memref<!tpu.dma_semaphore, #tpu.memory_space<semaphore_mem>>) src(%dma_wait3A_106 : memref<160x128xi32, #tpu.memory_space<hbm>>) dst(%arg7 : memref<160x128xi32, #tpu.memory_space<vmem>>)
      tpu.yield
    }) : () -> ()
    "tpu.region"() ({
      %run_scoped3A = tpu.sem_alloc : memref<!tpu.dma_semaphore, #tpu.memory_space<semaphore_mem>>
      %dma_start3A_91 = arith.constant 0 : i32
      %dma_start3A_92 = arith.constant 0 : i32
      %dma_start3A_93 = tpu.memref_slice %arg4[%arg1, %dma_start3A_91, %dma_start3A_92] : memref<16x160x128xi32, #tpu.memory_space<hbm>> -> memref<1x160x128xi32, #tpu.memory_space<hbm>>
      %dma_start3A_94 = tpu.memref_squeeze %dma_start3A_93 : memref<1x160x128xi32, #tpu.memory_space<hbm>> -> memref<160x128xi32, #tpu.memory_space<hbm>>
      %dma_start3A_95 = arith.constant 0 : i32
      %dma_start3A_96 = arith.constant 0 : i32
      %dma_start3A_97 = tpu.memref_slice %arg4[%arg1, %dma_start3A_95, %dma_start3A_96] : memref<16x160x128xi32, #tpu.memory_space<hbm>> -> memref<1x160x128xi32, #tpu.memory_space<hbm>>
      %dma_start3A_98 = tpu.memref_squeeze %dma_start3A_97 : memref<1x160x128xi32, #tpu.memory_space<hbm>> -> memref<160x128xi32, #tpu.memory_space<hbm>>
      tpu.enqueue_dma source(%dma_start3A_98 : memref<160x128xi32, #tpu.memory_space<hbm>>) target(%arg8 : memref<160x128xi32, #tpu.memory_space<vmem>>) target_semaphore(%run_scoped3A : memref<!tpu.dma_semaphore, #tpu.memory_space<semaphore_mem>>)
      %dma_wait3A_99 = arith.constant 0 : i32
      %dma_wait3A_100 = arith.constant 0 : i32
      %dma_wait3A_101 = tpu.memref_slice %arg4[%arg1, %dma_wait3A_99, %dma_wait3A_100] : memref<16x160x128xi32, #tpu.memory_space<hbm>> -> memref<1x160x128xi32, #tpu.memory_space<hbm>>
      %dma_wait3A_102 = tpu.memref_squeeze %dma_wait3A_101 : memref<1x160x128xi32, #tpu.memory_space<hbm>> -> memref<160x128xi32, #tpu.memory_space<hbm>>
      %dma_wait3A_103 = arith.constant 0 : i32
      %dma_wait3A_104 = arith.constant 0 : i32
      %dma_wait3A_105 = tpu.memref_slice %arg4[%arg1, %dma_wait3A_103, %dma_wait3A_104] : memref<16x160x128xi32, #tpu.memory_space<hbm>> -> memref<1x160x128xi32, #tpu.memory_space<hbm>>
      %dma_wait3A_106 = tpu.memref_squeeze %dma_wait3A_105 : memref<1x160x128xi32, #tpu.memory_space<hbm>> -> memref<160x128xi32, #tpu.memory_space<hbm>>
      tpu.wait_dma2 semaphore(%run_scoped3A : memref<!tpu.dma_semaphore, #tpu.memory_space<semaphore_mem>>) src(%dma_wait3A_106 : memref<160x128xi32, #tpu.memory_space<hbm>>) dst(%arg8 : memref<160x128xi32, #tpu.memory_space<vmem>>)
      tpu.yield
    }) : () -> ()
    %dma_start3A = arith.constant 0 : i32
    %dma_start3A_20 = arith.constant 0 : i32
    %dma_start3A_21 = tpu.memref_slice %arg5[%arg1, %dma_start3A, %dma_start3A_20] : memref<16x160x128xf32, #tpu.memory_space<hbm>> -> memref<1x1x128xf32, #tpu.memory_space<hbm>>
    %dma_start3A_22 = tpu.memref_squeeze %dma_start3A_21 : memref<1x1x128xf32, #tpu.memory_space<hbm>> -> memref<128xf32, #tpu.memory_space<hbm>>
    %dma_start3A_23 = arith.constant 0 : i32
    %dma_start3A_24 = tpu.memref_slice %arg5[%arg1, %dma_start3A, %dma_start3A_23] : memref<16x160x128xf32, #tpu.memory_space<hbm>> -> memref<1x1x128xf32, #tpu.memory_space<hbm>>
    %dma_start3A_25 = tpu.memref_squeeze %dma_start3A_24 : memref<1x1x128xf32, #tpu.memory_space<hbm>> -> memref<128xf32, #tpu.memory_space<hbm>>
    tpu.enqueue_dma source(%dma_start3A_25 : memref<128xf32, #tpu.memory_space<hbm>>) target(%arg9 : memref<128xf32, #tpu.memory_space<vmem>>) target_semaphore(%arg18 : memref<!tpu.dma_semaphore, #tpu.memory_space<semaphore_mem>>)
    %dma_start3A_26 = arith.constant 0 : i32
    %dma_start3A_27 = arith.constant 0 : i32
    %dma_start3A_28 = tpu.memref_slice %arg7[%dma_start3A_26, %dma_start3A_27] : memref<160x128xi32, #tpu.memory_space<vmem>> -> memref<1x128xi32, #tpu.memory_space<vmem>>
    %dma_start3A_29 = tpu.memref_squeeze %dma_start3A_28 : memref<1x128xi32, #tpu.memory_space<vmem>> -> memref<128xi32, #tpu.memory_space<vmem>>
    %dma_start3A_30 = arith.constant 0 : i32
    %dma_start3A_31 = arith.constant 0 : i32
    %dma_start3A_32 = tpu.memref_slice %arg2[%dma_start3A_30, %dma_start3A_31] : memref<20000x64xf32, #tpu.memory_space<hbm>> -> memref<20000x64xf32, #tpu.memory_space<hbm>>
    tpu.enqueue_indirect_dma source(%dma_start3A_32 : memref<20000x64xf32, #tpu.memory_space<hbm>>) target(%arg13 : memref<128x64xf32, #tpu.memory_space<vmem>>) offsets(%dma_start3A_29 : memref<128xi32, #tpu.memory_space<vmem>>) semaphore(%arg18 : memref<!tpu.dma_semaphore, #tpu.memory_space<semaphore_mem>>)
    %dma_start3A_33 = arith.constant 1 : i32
    %dma_start3A_34 = arith.constant 0 : i32
    %dma_start3A_35 = tpu.memref_slice %arg5[%arg1, %dma_start3A_33, %dma_start3A_34] : memref<16x160x128xf32, #tpu.memory_space<hbm>> -> memref<1x1x128xf32, #tpu.memory_space<hbm>>
    %dma_start3A_36 = tpu.memref_squeeze %dma_start3A_35 : memref<1x1x128xf32, #tpu.memory_space<hbm>> -> memref<128xf32, #tpu.memory_space<hbm>>
    %dma_start3A_37 = arith.constant 0 : i32
    %dma_start3A_38 = tpu.memref_slice %arg5[%arg1, %dma_start3A_33, %dma_start3A_37] : memref<16x160x128xf32, #tpu.memory_space<hbm>> -> memref<1x1x128xf32, #tpu.memory_space<hbm>>
    %dma_start3A_39 = tpu.memref_squeeze %dma_start3A_38 : memref<1x1x128xf32, #tpu.memory_space<hbm>> -> memref<128xf32, #tpu.memory_space<hbm>>
    tpu.enqueue_dma source(%dma_start3A_39 : memref<128xf32, #tpu.memory_space<hbm>>) target(%arg10 : memref<128xf32, #tpu.memory_space<vmem>>) target_semaphore(%arg19 : memref<!tpu.dma_semaphore, #tpu.memory_space<semaphore_mem>>)
    %dma_start3A_40 = arith.constant 1 : i32
    %dma_start3A_41 = arith.constant 0 : i32
    %dma_start3A_42 = tpu.memref_slice %arg7[%dma_start3A_40, %dma_start3A_41] : memref<160x128xi32, #tpu.memory_space<vmem>> -> memref<1x128xi32, #tpu.memory_space<vmem>>
    %dma_start3A_43 = tpu.memref_squeeze %dma_start3A_42 : memref<1x128xi32, #tpu.memory_space<vmem>> -> memref<128xi32, #tpu.memory_space<vmem>>
    %dma_start3A_44 = arith.constant 0 : i32
    %dma_start3A_45 = arith.constant 0 : i32
    %dma_start3A_46 = tpu.memref_slice %arg2[%dma_start3A_44, %dma_start3A_45] : memref<20000x64xf32, #tpu.memory_space<hbm>> -> memref<20000x64xf32, #tpu.memory_space<hbm>>
    tpu.enqueue_indirect_dma source(%dma_start3A_46 : memref<20000x64xf32, #tpu.memory_space<hbm>>) target(%arg14 : memref<128x64xf32, #tpu.memory_space<vmem>>) offsets(%dma_start3A_43 : memref<128xi32, #tpu.memory_space<vmem>>) semaphore(%arg19 : memref<!tpu.dma_semaphore, #tpu.memory_space<semaphore_mem>>)
    %scan3A_47 = arith.constant 0 : i32
    %scan3A_48 = arith.constant 0 : i32
    %scan3A_49 = arith.constant 40 : i32
    %scan3A_50 = arith.addi %scan3A_48, %scan3A_49 : i32
    %scan3A_51 = arith.constant 1 : i32
    scf.for %scan3A_91 = %scan3A_48 to %scan3A_50 step %scan3A_51  : i32 {
      %mul3A_92 = arith.constant 4 : i32
      %mul3A_93 = arith.muli %scan3A_91, %mul3A_92 : i32
      %add3A_94 = arith.constant 0 : i32
      %add3A_95 = arith.addi %mul3A_93, %add3A_94 : i32
      %add3A_96 = arith.constant 2 : i32
      %add3A_97 = arith.addi %add3A_95, %add3A_96 : i32
      %lt3A_98 = arith.constant 160 : i32
      %lt3A_99 = arith.cmpi slt, %add3A_97, %lt3A_98 : i32
      %convert_element_type3A_100 = arith.extui %lt3A_99 : i1 to i32
      %cond3A_101 = arith.constant 0 : i32
      %cond3A_102 = arith.cmpi ne, %convert_element_type3A_100, %cond3A_101 : i32
      scf.if %cond3A_102 {
        %ge3A = arith.constant 2 : i32
        %ge3A_232 = arith.cmpi sge, %add3A_95, %ge3A : i32
        %convert_element_type3A_233 = arith.extui %ge3A_232 : i1 to i32
        %cond3A_234 = arith.constant 0 : i32
        %cond3A_235 = arith.cmpi ne, %convert_element_type3A_233, %cond3A_234 : i32
        scf.if %cond3A_235 {
          %dma_wait3A_250 = arith.constant 0 : i32
          %dma_wait3A_251 = tpu.memref_slice %arg8[%add3A_95, %dma_wait3A_250] : memref<160x128xi32, #tpu.memory_space<vmem>> -> memref<1x128xi32, #tpu.memory_space<vmem>>
          %dma_wait3A_252 = tpu.memref_squeeze %dma_wait3A_251 : memref<1x128xi32, #tpu.memory_space<vmem>> -> memref<128xi32, #tpu.memory_space<vmem>>
          %dma_wait3A_253 = arith.constant 0 : i32
          %dma_wait3A_254 = arith.constant 0 : i32
          %dma_wait3A_255 = tpu.memref_slice %arg17[%dma_wait3A_253, %dma_wait3A_254] : memref<10000x64xf32, #tpu.memory_space<vmem_shared>> -> memref<10000x64xf32, #tpu.memory_space<vmem_shared>>
          tpu.wait_indirect_dma semaphore(%arg24 : memref<!tpu.dma_semaphore, #tpu.memory_space<semaphore_mem>>) src(%arg15 : memref<128x64xf32, #tpu.memory_space<vmem>>) dst(%dma_wait3A_255 : memref<10000x64xf32, #tpu.memory_space<vmem_shared>>)
        } else {
        }
        %add3A_236 = arith.constant 2 : i32
        %add3A_237 = arith.addi %add3A_95, %add3A_236 : i32
        %dma_start3A_238 = arith.constant 0 : i32
        %dma_start3A_239 = tpu.memref_slice %arg5[%arg1, %add3A_237, %dma_start3A_238] : memref<16x160x128xf32, #tpu.memory_space<hbm>> -> memref<1x1x128xf32, #tpu.memory_space<hbm>>
        %dma_start3A_240 = tpu.memref_squeeze %dma_start3A_239 : memref<1x1x128xf32, #tpu.memory_space<hbm>> -> memref<128xf32, #tpu.memory_space<hbm>>
        %dma_start3A_241 = arith.constant 0 : i32
        %dma_start3A_242 = tpu.memref_slice %arg5[%arg1, %add3A_237, %dma_start3A_241] : memref<16x160x128xf32, #tpu.memory_space<hbm>> -> memref<1x1x128xf32, #tpu.memory_space<hbm>>
        %dma_start3A_243 = tpu.memref_squeeze %dma_start3A_242 : memref<1x1x128xf32, #tpu.memory_space<hbm>> -> memref<128xf32, #tpu.memory_space<hbm>>
        tpu.enqueue_dma source(%dma_start3A_243 : memref<128xf32, #tpu.memory_space<hbm>>) target(%arg11 : memref<128xf32, #tpu.memory_space<vmem>>) target_semaphore(%arg20 : memref<!tpu.dma_semaphore, #tpu.memory_space<semaphore_mem>>)
        %dma_start3A_244 = arith.constant 0 : i32
        %dma_start3A_245 = tpu.memref_slice %arg7[%add3A_237, %dma_start3A_244] : memref<160x128xi32, #tpu.memory_space<vmem>> -> memref<1x128xi32, #tpu.memory_space<vmem>>
        %dma_start3A_246 = tpu.memref_squeeze %dma_start3A_245 : memref<1x128xi32, #tpu.memory_space<vmem>> -> memref<128xi32, #tpu.memory_space<vmem>>
        %dma_start3A_247 = arith.constant 0 : i32
        %dma_start3A_248 = arith.constant 0 : i32
        %dma_start3A_249 = tpu.memref_slice %arg2[%dma_start3A_247, %dma_start3A_248] : memref<20000x64xf32, #tpu.memory_space<hbm>> -> memref<20000x64xf32, #tpu.memory_space<hbm>>
        tpu.enqueue_indirect_dma source(%dma_start3A_249 : memref<20000x64xf32, #tpu.memory_space<hbm>>) target(%arg15 : memref<128x64xf32, #tpu.memory_space<vmem>>) offsets(%dma_start3A_246 : memref<128xi32, #tpu.memory_space<vmem>>) semaphore(%arg20 : memref<!tpu.dma_semaphore, #tpu.memory_space<semaphore_mem>>)
      } else {
      }
      %dma_wait3A_103 = arith.constant 0 : i32
      %dma_wait3A_104 = tpu.memref_slice %arg5[%arg1, %add3A_95, %dma_wait3A_103] : memref<16x160x128xf32, #tpu.memory_space<hbm>> -> memref<1x1x128xf32, #tpu.memory_space<hbm>>
      %dma_wait3A_105 = tpu.memref_squeeze %dma_wait3A_104 : memref<1x1x128xf32, #tpu.memory_space<hbm>> -> memref<128xf32, #tpu.memory_space<hbm>>
      %dma_wait3A_106 = arith.constant 0 : i32
      %dma_wait3A_107 = tpu.memref_slice %arg5[%arg1, %add3A_95, %dma_wait3A_106] : memref<16x160x128xf32, #tpu.memory_space<hbm>> -> memref<1x1x128xf32, #tpu.memory_space<hbm>>
      %dma_wait3A_108 = tpu.memref_squeeze %dma_wait3A_107 : memref<1x1x128xf32, #tpu.memory_space<hbm>> -> memref<128xf32, #tpu.memory_space<hbm>>
      tpu.wait_dma2 semaphore(%arg18 : memref<!tpu.dma_semaphore, #tpu.memory_space<semaphore_mem>>) src(%dma_wait3A_108 : memref<128xf32, #tpu.memory_space<hbm>>) dst(%arg9 : memref<128xf32, #tpu.memory_space<vmem>>)
      %dma_wait3A_109 = arith.constant 0 : i32
      %dma_wait3A_110 = tpu.memref_slice %arg7[%add3A_95, %dma_wait3A_109] : memref<160x128xi32, #tpu.memory_space<vmem>> -> memref<1x128xi32, #tpu.memory_space<vmem>>
      %dma_wait3A_111 = tpu.memref_squeeze %dma_wait3A_110 : memref<1x128xi32, #tpu.memory_space<vmem>> -> memref<128xi32, #tpu.memory_space<vmem>>
      %dma_wait3A_112 = arith.constant 0 : i32
      %dma_wait3A_113 = arith.constant 0 : i32
      %dma_wait3A_114 = tpu.memref_slice %arg2[%dma_wait3A_112, %dma_wait3A_113] : memref<20000x64xf32, #tpu.memory_space<hbm>> -> memref<20000x64xf32, #tpu.memory_space<hbm>>
      tpu.wait_indirect_dma semaphore(%arg18 : memref<!tpu.dma_semaphore, #tpu.memory_space<semaphore_mem>>) src(%dma_wait3A_114 : memref<20000x64xf32, #tpu.memory_space<hbm>>) dst(%arg13 : memref<128x64xf32, #tpu.memory_space<vmem>>)
      %scan3A_115 = arith.constant 0 : i32
      %scan3A_116 = arith.constant 0 : i32
      %scan3A_117 = arith.constant 8 : i32
      %scan3A_118 = arith.addi %scan3A_116, %scan3A_117 : i32
      %scan3A_119 = arith.constant 1 : i32
      scf.for %scan3A_232 = %scan3A_116 to %scan3A_118 step %scan3A_119  : i32 {
        %mul3A_233 = arith.constant 16 : i32
        %mul3A_234 = arith.muli %scan3A_232, %mul3A_233 : i32
        %get3A = arith.index_cast %mul3A_234 : i32 to index
        %get3A_235 = tpu.vector_load %arg9[%get3A] {strides = array<i32>} : memref<128xf32, #tpu.memory_space<vmem>>, vector<16xf32>,
        %get3A_236 = vector.shape_cast %get3A_235 : vector<16xf32> to vector<16xf32>
        %slice3A = vector.extract_strided_slice %get3A_236 {offsets = [0], sizes = [1], strides = [1]} : vector<16xf32> to vector<1xf32>
        %squeeze3A = vector.extract %slice3A[0] : f32 from vector<1xf32>
        %mul3A_237 = arith.constant 16 : i32
        %mul3A_238 = arith.muli %scan3A_232, %mul3A_237 : i32
        %add3A_239 = arith.constant 0 : i32
        %add3A_240 = arith.addi %mul3A_238, %add3A_239 : i32
        %get3A_241 = arith.index_cast %add3A_240 : i32 to index
        %get3A_242 = arith.constant 0 : index
        %get3A_243 = tpu.vector_load %arg13[%get3A_241, %get3A_242] {strides = array<i32>} : memref<128x64xf32, #tpu.memory_space<vmem>>, vector<1x16xf32>,
        %get3A_244 = vector.shape_cast %get3A_243 : vector<1x16xf32> to vector<16xf32>
        %mul3A_245 = vector.broadcast %squeeze3A : f32 to vector<16xf32>
        %mul3A_246 = arith.mulf %get3A_244, %mul3A_245 : vector<16xf32>
        %swap3A = arith.index_cast %add3A_240 : i32 to index
        %swap3A_247 = arith.constant 0 : index
        %swap3A_248 = tpu.vector_load %arg13[%swap3A, %swap3A_247] {strides = array<i32>} : memref<128x64xf32, #tpu.memory_space<vmem>>, vector<1x16xf32>,
        %swap3A_249 = vector.shape_cast %swap3A_248 : vector<1x16xf32> to vector<16xf32>
        %swap3A_250 = vector.shape_cast %mul3A_246 : vector<16xf32> to vector<1x16xf32>
        tpu.vector_store %arg13[%swap3A, %swap3A_247], %swap3A_250 {strides = array<i32>} : memref<128x64xf32, #tpu.memory_space<vmem>>, vector<1x16xf32>,
        %get3A_251 = arith.index_cast %add3A_240 : i32 to index
        %get3A_252 = arith.constant 16 : index
        %get3A_253 = tpu.vector_load %arg13[%get3A_251, %get3A_252] {strides = array<i32>} : memref<128x64xf32, #tpu.memory_space<vmem>>, vector<1x16xf32>,
        %get3A_254 = vector.shape_cast %get3A_253 : vector<1x16xf32> to vector<16xf32>
        %mul3A_255 = vector.broadcast %squeeze3A : f32 to vector<16xf32>
        %mul3A_256 = arith.mulf %get3A_254, %mul3A_255 : vector<16xf32>
        %swap3A_257 = arith.index_cast %add3A_240 : i32 to index
        %swap3A_258 = arith.constant 16 : index
        %swap3A_259 = tpu.vector_load %arg13[%swap3A_257, %swap3A_258] {strides = array<i32>} : memref<128x64xf32, #tpu.memory_space<vmem>>, vector<1x16xf32>,
        %swap3A_260 = vector.shape_cast %swap3A_259 : vector<1x16xf32> to vector<16xf32>
        %swap3A_261 = vector.shape_cast %mul3A_256 : vector<16xf32> to vector<1x16xf32>
        tpu.vector_store %arg13[%swap3A_257, %swap3A_258], %swap3A_261 {strides = array<i32>} : memref<128x64xf32, #tpu.memory_space<vmem>>, vector<1x16xf32>,
        %get3A_262 = arith.index_cast %add3A_240 : i32 to index
        %get3A_263 = arith.constant 32 : index
        %get3A_264 = tpu.vector_load %arg13[%get3A_262, %get3A_263] {strides = array<i32>} : memref<128x64xf32, #tpu.memory_space<vmem>>, vector<1x16xf32>,
        %get3A_265 = vector.shape_cast %get3A_264 : vector<1x16xf32> to vector<16xf32>
        %mul3A_266 = vector.broadcast %squeeze3A : f32 to vector<16xf32>
        %mul3A_267 = arith.mulf %get3A_265, %mul3A_266 : vector<16xf32>
        %swap3A_268 = arith.index_cast %add3A_240 : i32 to index
        %swap3A_269 = arith.constant 32 : index
        %swap3A_270 = tpu.vector_load %arg13[%swap3A_268, %swap3A_269] {strides = array<i32>} : memref<128x64xf32, #tpu.memory_space<vmem>>, vector<1x16xf32>,
        %swap3A_271 = vector.shape_cast %swap3A_270 : vector<1x16xf32> to vector<16xf32>
        %swap3A_272 = vector.shape_cast %mul3A_267 : vector<16xf32> to vector<1x16xf32>
        tpu.vector_store %arg13[%swap3A_268, %swap3A_269], %swap3A_272 {strides = array<i32>} : memref<128x64xf32, #tpu.memory_space<vmem>>, vector<1x16xf32>,
        %get3A_273 = arith.index_cast %add3A_240 : i32 to index
        %get3A_274 = arith.constant 48 : index
        %get3A_275 = tpu.vector_load %arg13[%get3A_273, %get3A_274] {strides = array<i32>} : memref<128x64xf32, #tpu.memory_space<vmem>>, vector<1x16xf32>,
        %get3A_276 = vector.shape_cast %get3A_275 : vector<1x16xf32> to vector<16xf32>
        %mul3A_277 = vector.broadcast %squeeze3A : f32 to vector<16xf32>
        %mul3A_278 = arith.mulf %get3A_276, %mul3A_277 : vector<16xf32>
        %swap3A_279 = arith.index_cast %add3A_240 : i32 to index
        %swap3A_280 = arith.constant 48 : index
        %swap3A_281 = tpu.vector_load %arg13[%swap3A_279, %swap3A_280] {strides = array<i32>} : memref<128x64xf32, #tpu.memory_space<vmem>>, vector<1x16xf32>,
        %swap3A_282 = vector.shape_cast %swap3A_281 : vector<1x16xf32> to vector<16xf32>
        %swap3A_283 = vector.shape_cast %mul3A_278 : vector<16xf32> to vector<1x16xf32>
        tpu.vector_store %arg13[%swap3A_279, %swap3A_280], %swap3A_283 {strides = array<i32>} : memref<128x64xf32, #tpu.memory_space<vmem>>, vector<1x16xf32>,
        %slice3A_284 = vector.extract_strided_slice %get3A_236 {offsets = [1], sizes = [1], strides = [1]} : vector<16xf32> to vector<1xf32>
        %squeeze3A_285 = vector.extract %slice3A_284[0] : f32 from vector<1xf32>
        %mul3A_286 = arith.constant 16 : i32
        %mul3A_287 = arith.muli %scan3A_232, %mul3A_286 : i32
        %add3A_288 = arith.constant 1 : i32
        %add3A_289 = arith.addi %mul3A_287, %add3A_288 : i32
        %get3A_290 = arith.index_cast %add3A_289 : i32 to index
        %get3A_291 = arith.constant 0 : index
        %get3A_292 = tpu.vector_load %arg13[%get3A_290, %get3A_291] {strides = array<i32>} : memref<128x64xf32, #tpu.memory_space<vmem>>, vector<1x16xf32>,
        %get3A_293 = vector.shape_cast %get3A_292 : vector<1x16xf32> to vector<16xf32>
        %mul3A_294 = vector.broadcast %squeeze3A_285 : f32 to vector<16xf32>
        %mul3A_295 = arith.mulf %get3A_293, %mul3A_294 : vector<16xf32>
        %swap3A_296 = arith.index_cast %add3A_289 : i32 to index
        %swap3A_297 = arith.constant 0 : index
        %swap3A_298 = tpu.vector_load %arg13[%swap3A_296, %swap3A_297] {strides = array<i32>} : memref<128x64xf32, #tpu.memory_space<vmem>>, vector<1x16xf32>,
        %swap3A_299 = vector.shape_cast %swap3A_298 : vector<1x16xf32> to vector<16xf32>
        %swap3A_300 = vector.shape_cast %mul3A_295 : vector<16xf32> to vector<1x16xf32>
        tpu.vector_store %arg13[%swap3A_296, %swap3A_297], %swap3A_300 {strides = array<i32>} : memref<128x64xf32, #tpu.memory_space<vmem>>, vector<1x16xf32>,
        %get3A_301 = arith.index_cast %add3A_289 : i32 to index
        %get3A_302 = arith.constant 16 : index
        %get3A_303 = tpu.vector_load %arg13[%get3A_301, %get3A_302] {strides = array<i32>} : memref<128x64xf32, #tpu.memory_space<vmem>>, vector<1x16xf32>,
        %get3A_304 = vector.shape_cast %get3A_303 : vector<1x16xf32> to vector<16xf32>
        %mul3A_305 = vector.broadcast %squeeze3A_285 : f32 to vector<16xf32>
        %mul3A_306 = arith.mulf %get3A_304, %mul3A_305 : vector<16xf32>
        %swap3A_307 = arith.index_cast %add3A_289 : i32 to index
        %swap3A_308 = arith.constant 16 : index
        %swap3A_309 = tpu.vector_load %arg13[%swap3A_307, %swap3A_308] {strides = array<i32>} : memref<128x64xf32, #tpu.memory_space<vmem>>, vector<1x16xf32>,
        %swap3A_310 = vector.shape_cast %swap3A_309 : vector<1x16xf32> to vector<16xf32>
        %swap3A_311 = vector.shape_cast %mul3A_306 : vector<16xf32> to vector<1x16xf32>
        tpu.vector_store %arg13[%swap3A_307, %swap3A_308], %swap3A_311 {strides = array<i32>} : memref<128x64xf32, #tpu.memory_space<vmem>>, vector<1x16xf32>,
        %get3A_312 = arith.index_cast %add3A_289 : i32 to index
        %get3A_313 = arith.constant 32 : index
        %get3A_314 = tpu.vector_load %arg13[%get3A_312, %get3A_313] {strides = array<i32>} : memref<128x64xf32, #tpu.memory_space<vmem>>, vector<1x16xf32>,
        %get3A_315 = vector.shape_cast %get3A_314 : vector<1x16xf32> to vector<16xf32>
        %mul3A_316 = vector.broadcast %squeeze3A_285 : f32 to vector<16xf32>
        %mul3A_317 = arith.mulf %get3A_315, %mul3A_316 : vector<16xf32>
        %swap3A_318 = arith.index_cast %add3A_289 : i32 to index
        %swap3A_319 = arith.constant 32 : index
        %swap3A_320 = tpu.vector_load %arg13[%swap3A_318, %swap3A_319] {strides = array<i32>} : memref<128x64xf32, #tpu.memory_space<vmem>>, vector<1x16xf32>,
        %swap3A_321 = vector.shape_cast %swap3A_320 : vector<1x16xf32> to vector<16xf32>
        %swap3A_322 = vector.shape_cast %mul3A_317 : vector<16xf32> to vector<1x16xf32>
        tpu.vector_store %arg13[%swap3A_318, %swap3A_319], %swap3A_322 {strides = array<i32>} : memref<128x64xf32, #tpu.memory_space<vmem>>, vector<1x16xf32>,
        %get3A_323 = arith.index_cast %add3A_289 : i32 to index
        %get3A_324 = arith.constant 48 : index
        %get3A_325 = tpu.vector_load %arg13[%get3A_323, %get3A_324] {strides = array<i32>} : memref<128x64xf32, #tpu.memory_space<vmem>>, vector<1x16xf32>,
        %get3A_326 = vector.shape_cast %get3A_325 : vector<1x16xf32> to vector<16xf32>
        %mul3A_327 = vector.broadcast %squeeze3A_285 : f32 to vector<16xf32>
        %mul3A_328 = arith.mulf %get3A_326, %mul3A_327 : vector<16xf32>
        %swap3A_329 = arith.index_cast %add3A_289 : i32 to index
        %swap3A_330 = arith.constant 48 : index
        %swap3A_331 = tpu.vector_load %arg13[%swap3A_329, %swap3A_330] {strides = array<i32>} : memref<128x64xf32, #tpu.memory_space<vmem>>, vector<1x16xf32>,
        %swap3A_332 = vector.shape_cast %swap3A_331 : vector<1x16xf32> to vector<16xf32>
        %swap3A_333 = vector.shape_cast %mul3A_328 : vector<16xf32> to vector<1x16xf32>
        tpu.vector_store %arg13[%swap3A_329, %swap3A_330], %swap3A_333 {strides = array<i32>} : memref<128x64xf32, #tpu.memory_space<vmem>>, vector<1x16xf32>,
        %slice3A_334 = vector.extract_strided_slice %get3A_236 {offsets = [2], sizes = [1], strides = [1]} : vector<16xf32> to vector<1xf32>
        %squeeze3A_335 = vector.extract %slice3A_334[0] : f32 from vector<1xf32>
        %mul3A_336 = arith.constant 16 : i32
        %mul3A_337 = arith.muli %scan3A_232, %mul3A_336 : i32
        %add3A_338 = arith.constant 2 : i32
        %add3A_339 = arith.addi %mul3A_337, %add3A_338 : i32
        %get3A_340 = arith.index_cast %add3A_339 : i32 to index
        %get3A_341 = arith.constant 0 : index
        %get3A_342 = tpu.vector_load %arg13[%get3A_340, %get3A_341] {strides = array<i32>} : memref<128x64xf32, #tpu.memory_space<vmem>>, vector<1x16xf32>,
        %get3A_343 = vector.shape_cast %get3A_342 : vector<1x16xf32> to vector<16xf32>
        %mul3A_344 = vector.broadcast %squeeze3A_335 : f32 to vector<16xf32>
        %mul3A_345 = arith.mulf %get3A_343, %mul3A_344 : vector<16xf32>
        %swap3A_346 = arith.index_cast %add3A_339 : i32 to index
        %swap3A_347 = arith.constant 0 : index
        %swap3A_348 = tpu.vector_load %arg13[%swap3A_346, %swap3A_347] {strides = array<i32>} : memref<128x64xf32, #tpu.memory_space<vmem>>, vector<1x16xf32>,
        %swap3A_349 = vector.shape_cast %swap3A_348 : vector<1x16xf32> to vector<16xf32>
        %swap3A_350 = vector.shape_cast %mul3A_345 : vector<16xf32> to vector<1x16xf32>
        tpu.vector_store %arg13[%swap3A_346, %swap3A_347], %swap3A_350 {strides = array<i32>} : memref<128x64xf32, #tpu.memory_space<vmem>>, vector<1x16xf32>,
        %get3A_351 = arith.index_cast %add3A_339 : i32 to index
        %get3A_352 = arith.constant 16 : index
        %get3A_353 = tpu.vector_load %arg13[%get3A_351, %get3A_352] {strides = array<i32>} : memref<128x64xf32, #tpu.memory_space<vmem>>, vector<1x16xf32>,
        %get3A_354 = vector.shape_cast %get3A_353 : vector<1x16xf32> to vector<16xf32>
        %mul3A_355 = vector.broadcast %squeeze3A_335 : f32 to vector<16xf32>
        %mul3A_356 = arith.mulf %get3A_354, %mul3A_355 : vector<16xf32>
        %swap3A_357 = arith.index_cast %add3A_339 : i32 to index
        %swap3A_358 = arith.constant 16 : index
        %swap3A_359 = tpu.vector_load %arg13[%swap3A_357, %swap3A_358] {strides = array<i32>} : memref<128x64xf32, #tpu.memory_space<vmem>>, vector<1x16xf32>,
        %swap3A_360 = vector.shape_cast %swap3A_359 : vector<1x16xf32> to vector<16xf32>
        %swap3A_361 = vector.shape_cast %mul3A_356 : vector<16xf32> to vector<1x16xf32>
        tpu.vector_store %arg13[%swap3A_357, %swap3A_358], %swap3A_361 {strides = array<i32>} : memref<128x64xf32, #tpu.memory_space<vmem>>, vector<1x16xf32>,
        %get3A_362 = arith.index_cast %add3A_339 : i32 to index
        %get3A_363 = arith.constant 32 : index
        %get3A_364 = tpu.vector_load %arg13[%get3A_362, %get3A_363] {strides = array<i32>} : memref<128x64xf32, #tpu.memory_space<vmem>>, vector<1x16xf32>,
        %get3A_365 = vector.shape_cast %get3A_364 : vector<1x16xf32> to vector<16xf32>
        %mul3A_366 = vector.broadcast %squeeze3A_335 : f32 to vector<16xf32>
        %mul3A_367 = arith.mulf %get3A_365, %mul3A_366 : vector<16xf32>
        %swap3A_368 = arith.index_cast %add3A_339 : i32 to index
        %swap3A_369 = arith.constant 32 : index
        %swap3A_370 = tpu.vector_load %arg13[%swap3A_368, %swap3A_369] {strides = array<i32>} : memref<128x64xf32, #tpu.memory_space<vmem>>, vector<1x16xf32>,
        %swap3A_371 = vector.shape_cast %swap3A_370 : vector<1x16xf32> to vector<16xf32>
        %swap3A_372 = vector.shape_cast %mul3A_367 : vector<16xf32> to vector<1x16xf32>
        tpu.vector_store %arg13[%swap3A_368, %swap3A_369], %swap3A_372 {strides = array<i32>} : memref<128x64xf32, #tpu.memory_space<vmem>>, vector<1x16xf32>,
        %get3A_373 = arith.index_cast %add3A_339 : i32 to index
        %get3A_374 = arith.constant 48 : index
        %get3A_375 = tpu.vector_load %arg13[%get3A_373, %get3A_374] {strides = array<i32>} : memref<128x64xf32, #tpu.memory_space<vmem>>, vector<1x16xf32>,
        %get3A_376 = vector.shape_cast %get3A_375 : vector<1x16xf32> to vector<16xf32>
        %mul3A_377 = vector.broadcast %squeeze3A_335 : f32 to vector<16xf32>
        %mul3A_378 = arith.mulf %get3A_376, %mul3A_377 : vector<16xf32>
        %swap3A_379 = arith.index_cast %add3A_339 : i32 to index
        %swap3A_380 = arith.constant 48 : index
        %swap3A_381 = tpu.vector_load %arg13[%swap3A_379, %swap3A_380] {strides = array<i32>} : memref<128x64xf32, #tpu.memory_space<vmem>>, vector<1x16xf32>,
        %swap3A_382 = vector.shape_cast %swap3A_381 : vector<1x16xf32> to vector<16xf32>
        %swap3A_383 = vector.shape_cast %mul3A_378 : vector<16xf32> to vector<1x16xf32>
        tpu.vector_store %arg13[%swap3A_379, %swap3A_380], %swap3A_383 {strides = array<i32>} : memref<128x64xf32, #tpu.memory_space<vmem>>, vector<1x16xf32>,
        %slice3A_384 = vector.extract_strided_slice %get3A_236 {offsets = [3], sizes = [1], strides = [1]} : vector<16xf32> to vector<1xf32>
        %squeeze3A_385 = vector.extract %slice3A_384[0] : f32 from vector<1xf32>
        %mul3A_386 = arith.constant 16 : i32
        %mul3A_387 = arith.muli %scan3A_232, %mul3A_386 : i32
        %add3A_388 = arith.constant 3 : i32
        %add3A_389 = arith.addi %mul3A_387, %add3A_388 : i32
        %get3A_390 = arith.index_cast %add3A_389 : i32 to index
        %get3A_391 = arith.constant 0 : index
        %get3A_392 = tpu.vector_load %arg13[%get3A_390, %get3A_391] {strides = array<i32>} : memref<128x64xf32, #tpu.memory_space<vmem>>, vector<1x16xf32>,
        %get3A_393 = vector.shape_cast %get3A_392 : vector<1x16xf32> to vector<16xf32>
        %mul3A_394 = vector.broadcast %squeeze3A_385 : f32 to vector<16xf32>
        %mul3A_395 = arith.mulf %get3A_393, %mul3A_394 : vector<16xf32>
        %swap3A_396 = arith.index_cast %add3A_389 : i32 to index
        %swap3A_397 = arith.constant 0 : index
        %swap3A_398 = tpu.vector_load %arg13[%swap3A_396, %swap3A_397] {strides = array<i32>} : memref<128x64xf32, #tpu.memory_space<vmem>>, vector<1x16xf32>,
        %swap3A_399 = vector.shape_cast %swap3A_398 : vector<1x16xf32> to vector<16xf32>
        %swap3A_400 = vector.shape_cast %mul3A_395 : vector<16xf32> to vector<1x16xf32>
        tpu.vector_store %arg13[%swap3A_396, %swap3A_397], %swap3A_400 {strides = array<i32>} : memref<128x64xf32, #tpu.memory_space<vmem>>, vector<1x16xf32>,
        %get3A_401 = arith.index_cast %add3A_389 : i32 to index
        %get3A_402 = arith.constant 16 : index
        %get3A_403 = tpu.vector_load %arg13[%get3A_401, %get3A_402] {strides = array<i32>} : memref<128x64xf32, #tpu.memory_space<vmem>>, vector<1x16xf32>,
        %get3A_404 = vector.shape_cast %get3A_403 : vector<1x16xf32> to vector<16xf32>
        %mul3A_405 = vector.broadcast %squeeze3A_385 : f32 to vector<16xf32>
        %mul3A_406 = arith.mulf %get3A_404, %mul3A_405 : vector<16xf32>
        %swap3A_407 = arith.index_cast %add3A_389 : i32 to index
        %swap3A_408 = arith.constant 16 : index
        %swap3A_409 = tpu.vector_load %arg13[%swap3A_407, %swap3A_408] {strides = array<i32>} : memref<128x64xf32, #tpu.memory_space<vmem>>, vector<1x16xf32>,
        %swap3A_410 = vector.shape_cast %swap3A_409 : vector<1x16xf32> to vector<16xf32>
        %swap3A_411 = vector.shape_cast %mul3A_406 : vector<16xf32> to vector<1x16xf32>
        tpu.vector_store %arg13[%swap3A_407, %swap3A_408], %swap3A_411 {strides = array<i32>} : memref<128x64xf32, #tpu.memory_space<vmem>>, vector<1x16xf32>,
        %get3A_412 = arith.index_cast %add3A_389 : i32 to index
        %get3A_413 = arith.constant 32 : index
        %get3A_414 = tpu.vector_load %arg13[%get3A_412, %get3A_413] {strides = array<i32>} : memref<128x64xf32, #tpu.memory_space<vmem>>, vector<1x16xf32>,
        %get3A_415 = vector.shape_cast %get3A_414 : vector<1x16xf32> to vector<16xf32>
        %mul3A_416 = vector.broadcast %squeeze3A_385 : f32 to vector<16xf32>
        %mul3A_417 = arith.mulf %get3A_415, %mul3A_416 : vector<16xf32>
        %swap3A_418 = arith.index_cast %add3A_389 : i32 to index
        %swap3A_419 = arith.constant 32 : index
        %swap3A_420 = tpu.vector_load %arg13[%swap3A_418, %swap3A_419] {strides = array<i32>} : memref<128x64xf32, #tpu.memory_space<vmem>>, vector<1x16xf32>,
        %swap3A_421 = vector.shape_cast %swap3A_420 : vector<1x16xf32> to vector<16xf32>
        %swap3A_422 = vector.shape_cast %mul3A_417 : vector<16xf32> to vector<1x16xf32>
        tpu.vector_store %arg13[%swap3A_418, %swap3A_419], %swap3A_422 {strides = array<i32>} : memref<128x64xf32, #tpu.memory_space<vmem>>, vector<1x16xf32>,
        %get3A_423 = arith.index_cast %add3A_389 : i32 to index
        %get3A_424 = arith.constant 48 : index
        %get3A_425 = tpu.vector_load %arg13[%get3A_423, %get3A_424] {strides = array<i32>} : memref<128x64xf32, #tpu.memory_space<vmem>>, vector<1x16xf32>,
        %get3A_426 = vector.shape_cast %get3A_425 : vector<1x16xf32> to vector<16xf32>
        %mul3A_427 = vector.broadcast %squeeze3A_385 : f32 to vector<16xf32>
        %mul3A_428 = arith.mulf %get3A_426, %mul3A_427 : vector<16xf32>
        %swap3A_429 = arith.index_cast %add3A_389 : i32 to index
        %swap3A_430 = arith.constant 48 : index
        %swap3A_431 = tpu.vector_load %arg13[%swap3A_429, %swap3A_430] {strides = array<i32>} : memref<128x64xf32, #tpu.memory_space<vmem>>, vector<1x16xf32>,
        %swap3A_432 = vector.shape_cast %swap3A_431 : vector<1x16xf32> to vector<16xf32>
        %swap3A_433 = vector.shape_cast %mul3A_428 : vector<16xf32> to vector<1x16xf32>
        tpu.vector_store %arg13[%swap3A_429, %swap3A_430], %swap3A_433 {strides = array<i32>} : memref<128x64xf32, #tpu.memory_space<vmem>>, vector<1x16xf32>,
        %slice3A_434 = vector.extract_strided_slice %get3A_236 {offsets = [4], sizes = [1], strides = [1]} : vector<16xf32> to vector<1xf32>
        %squeeze3A_435 = vector.extract %slice3A_434[0] : f32 from vector<1xf32>
        %mul3A_436 = arith.constant 16 : i32
        %mul3A_437 = arith.muli %scan3A_232, %mul3A_436 : i32
        %add3A_438 = arith.constant 4 : i32
        %add3A_439 = arith.addi %mul3A_437, %add3A_438 : i32
        %get3A_440 = arith.index_cast %add3A_439 : i32 to index
        %get3A_441 = arith.constant 0 : index
        %get3A_442 = tpu.vector_load %arg13[%get3A_440, %get3A_441] {strides = array<i32>} : memref<128x64xf32, #tpu.memory_space<vmem>>, vector<1x16xf32>,
        %get3A_443 = vector.shape_cast %get3A_442 : vector<1x16xf32> to vector<16xf32>
        %mul3A_444 = vector.broadcast %squeeze3A_435 : f32 to vector<16xf32>
        %mul3A_445 = arith.mulf %get3A_443, %mul3A_444 : vector<16xf32>
        %swap3A_446 = arith.index_cast %add3A_439 : i32 to index
        %swap3A_447 = arith.constant 0 : index
        %swap3A_448 = tpu.vector_load %arg13[%swap3A_446, %swap3A_447] {strides = array<i32>} : memref<128x64xf32, #tpu.memory_space<vmem>>, vector<1x16xf32>,
        %swap3A_449 = vector.shape_cast %swap3A_448 : vector<1x16xf32> to vector<16xf32>
        %swap3A_450 = vector.shape_cast %mul3A_445 : vector<16xf32> to vector<1x16xf32>
        tpu.vector_store %arg13[%swap3A_446, %swap3A_447], %swap3A_450 {strides = array<i32>} : memref<128x64xf32, #tpu.memory_space<vmem>>, vector<1x16xf32>,
        %get3A_451 = arith.index_cast %add3A_439 : i32 to index
        %get3A_452 = arith.constant 16 : index
        %get3A_453 = tpu.vector_load %arg13[%get3A_451, %get3A_452] {strides = array<i32>} : memref<128x64xf32, #tpu.memory_space<vmem>>, vector<1x16xf32>,
        %get3A_454 = vector.shape_cast %get3A_453 : vector<1x16xf32> to vector<16xf32>
        %mul3A_455 = vector.broadcast %squeeze3A_435 : f32 to vector<16xf32>
        %mul3A_456 = arith.mulf %get3A_454, %mul3A_455 : vector<16xf32>
        %swap3A_457 = arith.index_cast %add3A_439 : i32 to index
        %swap3A_458 = arith.constant 16 : index
        %swap3A_459 = tpu.vector_load %arg13[%swap3A_457, %swap3A_458] {strides = array<i32>} : memref<128x64xf32, #tpu.memory_space<vmem>>, vector<1x16xf32>,
        %swap3A_460 = vector.shape_cast %swap3A_459 : vector<1x16xf32> to vector<16xf32>
        %swap3A_461 = vector.shape_cast %mul3A_456 : vector<16xf32> to vector<1x16xf32>
        tpu.vector_store %arg13[%swap3A_457, %swap3A_458], %swap3A_461 {strides = array<i32>} : memref<128x64xf32, #tpu.memory_space<vmem>>, vector<1x16xf32>,
        %get3A_462 = arith.index_cast %add3A_439 : i32 to index
        %get3A_463 = arith.constant 32 : index
        %get3A_464 = tpu.vector_load %arg13[%get3A_462, %get3A_463] {strides = array<i32>} : memref<128x64xf32, #tpu.memory_space<vmem>>, vector<1x16xf32>,
        %get3A_465 = vector.shape_cast %get3A_464 : vector<1x16xf32> to vector<16xf32>
        %mul3A_466 = vector.broadcast %squeeze3A_435 : f32 to vector<16xf32>
        %mul3A_467 = arith.mulf %get3A_465, %mul3A_466 : vector<16xf32>
        %swap3A_468 = arith.index_cast %add3A_439 : i32 to index
        %swap3A_469 = arith.constant 32 : index
        %swap3A_470 = tpu.vector_load %arg13[%swap3A_468, %swap3A_469] {strides = array<i32>} : memref<128x64xf32, #tpu.memory_space<vmem>>, vector<1x16xf32>,
        %swap3A_471 = vector.shape_cast %swap3A_470 : vector<1x16xf32> to vector<16xf32>
        %swap3A_472 = vector.shape_cast %mul3A_467 : vector<16xf32> to vector<1x16xf32>
        tpu.vector_store %arg13[%swap3A_468, %swap3A_469], %swap3A_472 {strides = array<i32>} : memref<128x64xf32, #tpu.memory_space<vmem>>, vector<1x16xf32>,
        %get3A_473 = arith.index_cast %add3A_439 : i32 to index
        %get3A_474 = arith.constant 48 : index
        %get3A_475 = tpu.vector_load %arg13[%get3A_473, %get3A_474] {strides = array<i32>} : memref<128x64xf32, #tpu.memory_space<vmem>>, vector<1x16xf32>,
        %get3A_476 = vector.shape_cast %get3A_475 : vector<1x16xf32> to vector<16xf32>
        %mul3A_477 = vector.broadcast %squeeze3A_435 : f32 to vector<16xf32>
        %mul3A_478 = arith.mulf %get3A_476, %mul3A_477 : vector<16xf32>
        %swap3A_479 = arith.index_cast %add3A_439 : i32 to index
        %swap3A_480 = arith.constant 48 : index
        %swap3A_481 = tpu.vector_load %arg13[%swap3A_479, %swap3A_480] {strides = array<i32>} : memref<128x64xf32, #tpu.memory_space<vmem>>, vector<1x16xf32>,
        %swap3A_482 = vector.shape_cast %swap3A_481 : vector<1x16xf32> to vector<16xf32>
        %swap3A_483 = vector.shape_cast %mul3A_478 : vector<16xf32> to vector<1x16xf32>
        tpu.vector_store %arg13[%swap3A_479, %swap3A_480], %swap3A_483 {strides = array<i32>} : memref<128x64xf32, #tpu.memory_space<vmem>>, vector<1x16xf32>,
        %slice3A_484 = vector.extract_strided_slice %get3A_236 {offsets = [5], sizes = [1], strides = [1]} : vector<16xf32> to vector<1xf32>
        %squeeze3A_485 = vector.extract %slice3A_484[0] : f32 from vector<1xf32>
        %mul3A_486 = arith.constant 16 : i32
        %mul3A_487 = arith.muli %scan3A_232, %mul3A_486 : i32
        %add3A_488 = arith.constant 5 : i32
        %add3A_489 = arith.addi %mul3A_487, %add3A_488 : i32
        %get3A_490 = arith.index_cast %add3A_489 : i32 to index
        %get3A_491 = arith.constant 0 : index
        %get3A_492 = tpu.vector_load %arg13[%get3A_490, %get3A_491] {strides = array<i32>} : memref<128x64xf32, #tpu.memory_space<vmem>>, vector<1x16xf32>,
        %get3A_493 = vector.shape_cast %get3A_492 : vector<1x16xf32> to vector<16xf32>
        %mul3A_494 = vector.broadcast %squeeze3A_485 : f32 to vector<16xf32>
        %mul3A_495 = arith.mulf %get3A_493, %mul3A_494 : vector<16xf32>
        %swap3A_496 = arith.index_cast %add3A_489 : i32 to index
        %swap3A_497 = arith.constant 0 : index
        %swap3A_498 = tpu.vector_load %arg13[%swap3A_496, %swap3A_497] {strides = array<i32>} : memref<128x64xf32, #tpu.memory_space<vmem>>, vector<1x16xf32>,
        %swap3A_499 = vector.shape_cast %swap3A_498 : vector<1x16xf32> to vector<16xf32>
        %swap3A_500 = vector.shape_cast %mul3A_495 : vector<16xf32> to vector<1x16xf32>
        tpu.vector_store %arg13[%swap3A_496, %swap3A_497], %swap3A_500 {strides = array<i32>} : memref<128x64xf32, #tpu.memory_space<vmem>>, vector<1x16xf32>,
        %get3A_501 = arith.index_cast %add3A_489 : i32 to index
        %get3A_502 = arith.constant 16 : index
        %get3A_503 = tpu.vector_load %arg13[%get3A_501, %get3A_502] {strides = array<i32>} : memref<128x64xf32, #tpu.memory_space<vmem>>, vector<1x16xf32>,
        %get3A_504 = vector.shape_cast %get3A_503 : vector<1x16xf32> to vector<16xf32>
        %mul3A_505 = vector.broadcast %squeeze3A_485 : f32 to vector<16xf32>
        %mul3A_506 = arith.mulf %get3A_504, %mul3A_505 : vector<16xf32>
        %swap3A_507 = arith.index_cast %add3A_489 : i32 to index
        %swap3A_508 = arith.constant 16 : index
        %swap3A_509 = tpu.vector_load %arg13[%swap3A_507, %swap3A_508] {strides = array<i32>} : memref<128x64xf32, #tpu.memory_space<vmem>>, vector<1x16xf32>,
        %swap3A_510 = vector.shape_cast %swap3A_509 : vector<1x16xf32> to vector<16xf32>
        %swap3A_511 = vector.shape_cast %mul3A_506 : vector<16xf32> to vector<1x16xf32>
        tpu.vector_store %arg13[%swap3A_507, %swap3A_508], %swap3A_511 {strides = array<i32>} : memref<128x64xf32, #tpu.memory_space<vmem>>, vector<1x16xf32>,
        %get3A_512 = arith.index_cast %add3A_489 : i32 to index
        %get3A_513 = arith.constant 32 : index
        %get3A_514 = tpu.vector_load %arg13[%get3A_512, %get3A_513] {strides = array<i32>} : memref<128x64xf32, #tpu.memory_space<vmem>>, vector<1x16xf32>,
        %get3A_515 = vector.shape_cast %get3A_514 : vector<1x16xf32> to vector<16xf32>
        %mul3A_516 = vector.broadcast %squeeze3A_485 : f32 to vector<16xf32>
        %mul3A_517 = arith.mulf %get3A_515, %mul3A_516 : vector<16xf32>
        %swap3A_518 = arith.index_cast %add3A_489 : i32 to index
        %swap3A_519 = arith.constant 32 : index
        %swap3A_520 = tpu.vector_load %arg13[%swap3A_518, %swap3A_519] {strides = array<i32>} : memref<128x64xf32, #tpu.memory_space<vmem>>, vector<1x16xf32>,
        %swap3A_521 = vector.shape_cast %swap3A_520 : vector<1x16xf32> to vector<16xf32>
        %swap3A_522 = vector.shape_cast %mul3A_517 : vector<16xf32> to vector<1x16xf32>
        tpu.vector_store %arg13[%swap3A_518, %swap3A_519], %swap3A_522 {strides = array<i32>} : memref<128x64xf32, #tpu.memory_space<vmem>>, vector<1x16xf32>,
        %get3A_523 = arith.index_cast %add3A_489 : i32 to index
        %get3A_524 = arith.constant 48 : index
        %get3A_525 = tpu.vector_load %arg13[%get3A_523, %get3A_524] {strides = array<i32>} : memref<128x64xf32, #tpu.memory_space<vmem>>, vector<1x16xf32>,
        %get3A_526 = vector.shape_cast %get3A_525 : vector<1x16xf32> to vector<16xf32>
        %mul3A_527 = vector.broadcast %squeeze3A_485 : f32 to vector<16xf32>
        %mul3A_528 = arith.mulf %get3A_526, %mul3A_527 : vector<16xf32>
        %swap3A_529 = arith.index_cast %add3A_489 : i32 to index
        %swap3A_530 = arith.constant 48 : index
        %swap3A_531 = tpu.vector_load %arg13[%swap3A_529, %swap3A_530] {strides = array<i32>} : memref<128x64xf32, #tpu.memory_space<vmem>>, vector<1x16xf32>,
        %swap3A_532 = vector.shape_cast %swap3A_531 : vector<1x16xf32> to vector<16xf32>
        %swap3A_533 = vector.shape_cast %mul3A_528 : vector<16xf32> to vector<1x16xf32>
        tpu.vector_store %arg13[%swap3A_529, %swap3A_530], %swap3A_533 {strides = array<i32>} : memref<128x64xf32, #tpu.memory_space<vmem>>, vector<1x16xf32>,
        %slice3A_534 = vector.extract_strided_slice %get3A_236 {offsets = [6], sizes = [1], strides = [1]} : vector<16xf32> to vector<1xf32>
        %squeeze3A_535 = vector.extract %slice3A_534[0] : f32 from vector<1xf32>
        %mul3A_536 = arith.constant 16 : i32
        %mul3A_537 = arith.muli %scan3A_232, %mul3A_536 : i32
        %add3A_538 = arith.constant 6 : i32
        %add3A_539 = arith.addi %mul3A_537, %add3A_538 : i32
        %get3A_540 = arith.index_cast %add3A_539 : i32 to index
        %get3A_541 = arith.constant 0 : index
        %get3A_542 = tpu.vector_load %arg13[%get3A_540, %get3A_541] {strides = array<i32>} : memref<128x64xf32, #tpu.memory_space<vmem>>, vector<1x16xf32>,
        %get3A_543 = vector.shape_cast %get3A_542 : vector<1x16xf32> to vector<16xf32>
        %mul3A_544 = vector.broadcast %squeeze3A_535 : f32 to vector<16xf32>
        %mul3A_545 = arith.mulf %get3A_543, %mul3A_544 : vector<16xf32>
        %swap3A_546 = arith.index_cast %add3A_539 : i32 to index
        %swap3A_547 = arith.constant 0 : index
        %swap3A_548 = tpu.vector_load %arg13[%swap3A_546, %swap3A_547] {strides = array<i32>} : memref<128x64xf32, #tpu.memory_space<vmem>>, vector<1x16xf32>,
        %swap3A_549 = vector.shape_cast %swap3A_548 : vector<1x16xf32> to vector<16xf32>
        %swap3A_550 = vector.shape_cast %mul3A_545 : vector<16xf32> to vector<1x16xf32>
        tpu.vector_store %arg13[%swap3A_546, %swap3A_547], %swap3A_550 {strides = array<i32>} : memref<128x64xf32, #tpu.memory_space<vmem>>, vector<1x16xf32>,
        %get3A_551 = arith.index_cast %add3A_539 : i32 to index
        %get3A_552 = arith.constant 16 : index
        %get3A_553 = tpu.vector_load %arg13[%get3A_551, %get3A_552] {strides = array<i32>} : memref<128x64xf32, #tpu.memory_space<vmem>>, vector<1x16xf32>,
        %get3A_554 = vector.shape_cast %get3A_553 : vector<1x16xf32> to vector<16xf32>
        %mul3A_555 = vector.broadcast %squeeze3A_535 : f32 to vector<16xf32>
        %mul3A_556 = arith.mulf %get3A_554, %mul3A_555 : vector<16xf32>
        %swap3A_557 = arith.index_cast %add3A_539 : i32 to index
        %swap3A_558 = arith.constant 16 : index
        %swap3A_559 = tpu.vector_load %arg13[%swap3A_557, %swap3A_558] {strides = array<i32>} : memref<128x64xf32, #tpu.memory_space<vmem>>, vector<1x16xf32>,
        %swap3A_560 = vector.shape_cast %swap3A_559 : vector<1x16xf32> to vector<16xf32>
        %swap3A_561 = vector.shape_cast %mul3A_556 : vector<16xf32> to vector<1x16xf32>
        tpu.vector_store %arg13[%swap3A_557, %swap3A_558], %swap3A_561 {strides = array<i32>} : memref<128x64xf32, #tpu.memory_space<vmem>>, vector<1x16xf32>,
        %get3A_562 = arith.index_cast %add3A_539 : i32 to index
        %get3A_563 = arith.constant 32 : index
        %get3A_564 = tpu.vector_load %arg13[%get3A_562, %get3A_563] {strides = array<i32>} : memref<128x64xf32, #tpu.memory_space<vmem>>, vector<1x16xf32>,
        %get3A_565 = vector.shape_cast %get3A_564 : vector<1x16xf32> to vector<16xf32>
        %mul3A_566 = vector.broadcast %squeeze3A_535 : f32 to vector<16xf32>
        %mul3A_567 = arith.mulf %get3A_565, %mul3A_566 : vector<16xf32>
        %swap3A_568 = arith.index_cast %add3A_539 : i32 to index
        %swap3A_569 = arith.constant 32 : index
        %swap3A_570 = tpu.vector_load %arg13[%swap3A_568, %swap3A_569] {strides = array<i32>} : memref<128x64xf32, #tpu.memory_space<vmem>>, vector<1x16xf32>,
        %swap3A_571 = vector.shape_cast %swap3A_570 : vector<1x16xf32> to vector<16xf32>
        %swap3A_572 = vector.shape_cast %mul3A_567 : vector<16xf32> to vector<1x16xf32>
        tpu.vector_store %arg13[%swap3A_568, %swap3A_569], %swap3A_572 {strides = array<i32>} : memref<128x64xf32, #tpu.memory_space<vmem>>, vector<1x16xf32>,
        %get3A_573 = arith.index_cast %add3A_539 : i32 to index
        %get3A_574 = arith.constant 48 : index
        %get3A_575 = tpu.vector_load %arg13[%get3A_573, %get3A_574] {strides = array<i32>} : memref<128x64xf32, #tpu.memory_space<vmem>>, vector<1x16xf32>,
        %get3A_576 = vector.shape_cast %get3A_575 : vector<1x16xf32> to vector<16xf32>
        %mul3A_577 = vector.broadcast %squeeze3A_535 : f32 to vector<16xf32>
        %mul3A_578 = arith.mulf %get3A_576, %mul3A_577 : vector<16xf32>
        %swap3A_579 = arith.index_cast %add3A_539 : i32 to index
        %swap3A_580 = arith.constant 48 : index
        %swap3A_581 = tpu.vector_load %arg13[%swap3A_579, %swap3A_580] {strides = array<i32>} : memref<128x64xf32, #tpu.memory_space<vmem>>, vector<1x16xf32>,
        %swap3A_582 = vector.shape_cast %swap3A_581 : vector<1x16xf32> to vector<16xf32>
        %swap3A_583 = vector.shape_cast %mul3A_578 : vector<16xf32> to vector<1x16xf32>
        tpu.vector_store %arg13[%swap3A_579, %swap3A_580], %swap3A_583 {strides = array<i32>} : memref<128x64xf32, #tpu.memory_space<vmem>>, vector<1x16xf32>,
        %slice3A_584 = vector.extract_strided_slice %get3A_236 {offsets = [7], sizes = [1], strides = [1]} : vector<16xf32> to vector<1xf32>
        %squeeze3A_585 = vector.extract %slice3A_584[0] : f32 from vector<1xf32>
        %mul3A_586 = arith.constant 16 : i32
        %mul3A_587 = arith.muli %scan3A_232, %mul3A_586 : i32
        %add3A_588 = arith.constant 7 : i32
        %add3A_589 = arith.addi %mul3A_587, %add3A_588 : i32
        %get3A_590 = arith.index_cast %add3A_589 : i32 to index
        %get3A_591 = arith.constant 0 : index
        %get3A_592 = tpu.vector_load %arg13[%get3A_590, %get3A_591] {strides = array<i32>} : memref<128x64xf32, #tpu.memory_space<vmem>>, vector<1x16xf32>,
        %get3A_593 = vector.shape_cast %get3A_592 : vector<1x16xf32> to vector<16xf32>
        %mul3A_594 = vector.broadcast %squeeze3A_585 : f32 to vector<16xf32>
        %mul3A_595 = arith.mulf %get3A_593, %mul3A_594 : vector<16xf32>
        %swap3A_596 = arith.index_cast %add3A_589 : i32 to index
        %swap3A_597 = arith.constant 0 : index
        %swap3A_598 = tpu.vector_load %arg13[%swap3A_596, %swap3A_597] {strides = array<i32>} : memref<128x64xf32, #tpu.memory_space<vmem>>, vector<1x16xf32>,
        %swap3A_599 = vector.shape_cast %swap3A_598 : vector<1x16xf32> to vector<16xf32>
        %swap3A_600 = vector.shape_cast %mul3A_595 : vector<16xf32> to vector<1x16xf32>
        tpu.vector_store %arg13[%swap3A_596, %swap3A_597], %swap3A_600 {strides = array<i32>} : memref<128x64xf32, #tpu.memory_space<vmem>>, vector<1x16xf32>,
        %get3A_601 = arith.index_cast %add3A_589 : i32 to index
        %get3A_602 = arith.constant 16 : index
        %get3A_603 = tpu.vector_load %arg13[%get3A_601, %get3A_602] {strides = array<i32>} : memref<128x64xf32, #tpu.memory_space<vmem>>, vector<1x16xf32>,
        %get3A_604 = vector.shape_cast %get3A_603 : vector<1x16xf32> to vector<16xf32>
        %mul3A_605 = vector.broadcast %squeeze3A_585 : f32 to vector<16xf32>
        %mul3A_606 = arith.mulf %get3A_604, %mul3A_605 : vector<16xf32>
        %swap3A_607 = arith.index_cast %add3A_589 : i32 to index
        %swap3A_608 = arith.constant 16 : index
        %swap3A_609 = tpu.vector_load %arg13[%swap3A_607, %swap3A_608] {strides = array<i32>} : memref<128x64xf32, #tpu.memory_space<vmem>>, vector<1x16xf32>,
        %swap3A_610 = vector.shape_cast %swap3A_609 : vector<1x16xf32> to vector<16xf32>
        %swap3A_611 = vector.shape_cast %mul3A_606 : vector<16xf32> to vector<1x16xf32>
        tpu.vector_store %arg13[%swap3A_607, %swap3A_608], %swap3A_611 {strides = array<i32>} : memref<128x64xf32, #tpu.memory_space<vmem>>, vector<1x16xf32>,
        %get3A_612 = arith.index_cast %add3A_589 : i32 to index
        %get3A_613 = arith.constant 32 : index
        %get3A_614 = tpu.vector_load %arg13[%get3A_612, %get3A_613] {strides = array<i32>} : memref<128x64xf32, #tpu.memory_space<vmem>>, vector<1x16xf32>,
        %get3A_615 = vector.shape_cast %get3A_614 : vector<1x16xf32> to vector<16xf32>
        %mul3A_616 = vector.broadcast %squeeze3A_585 : f32 to vector<16xf32>
        %mul3A_617 = arith.mulf %get3A_615, %mul3A_616 : vector<16xf32>
        %swap3A_618 = arith.index_cast %add3A_589 : i32 to index
        %swap3A_619 = arith.constant 32 : index
        %swap3A_620 = tpu.vector_load %arg13[%swap3A_618, %swap3A_619] {strides = array<i32>} : memref<128x64xf32, #tpu.memory_space<vmem>>, vector<1x16xf32>,
        %swap3A_621 = vector.shape_cast %swap3A_620 : vector<1x16xf32> to vector<16xf32>
        %swap3A_622 = vector.shape_cast %mul3A_617 : vector<16xf32> to vector<1x16xf32>
        tpu.vector_store %arg13[%swap3A_618, %swap3A_619], %swap3A_622 {strides = array<i32>} : memref<128x64xf32, #tpu.memory_space<vmem>>, vector<1x16xf32>,
        %get3A_623 = arith.index_cast %add3A_589 : i32 to index
        %get3A_624 = arith.constant 48 : index
        %get3A_625 = tpu.vector_load %arg13[%get3A_623, %get3A_624] {strides = array<i32>} : memref<128x64xf32, #tpu.memory_space<vmem>>, vector<1x16xf32>,
        %get3A_626 = vector.shape_cast %get3A_625 : vector<1x16xf32> to vector<16xf32>
        %mul3A_627 = vector.broadcast %squeeze3A_585 : f32 to vector<16xf32>
        %mul3A_628 = arith.mulf %get3A_626, %mul3A_627 : vector<16xf32>
        %swap3A_629 = arith.index_cast %add3A_589 : i32 to index
        %swap3A_630 = arith.constant 48 : index
        %swap3A_631 = tpu.vector_load %arg13[%swap3A_629, %swap3A_630] {strides = array<i32>} : memref<128x64xf32, #tpu.memory_space<vmem>>, vector<1x16xf32>,
        %swap3A_632 = vector.shape_cast %swap3A_631 : vector<1x16xf32> to vector<16xf32>
        %swap3A_633 = vector.shape_cast %mul3A_628 : vector<16xf32> to vector<1x16xf32>
        tpu.vector_store %arg13[%swap3A_629, %swap3A_630], %swap3A_633 {strides = array<i32>} : memref<128x64xf32, #tpu.memory_space<vmem>>, vector<1x16xf32>,
        %slice3A_634 = vector.extract_strided_slice %get3A_236 {offsets = [8], sizes = [1], strides = [1]} : vector<16xf32> to vector<1xf32>
        %squeeze3A_635 = vector.extract %slice3A_634[0] : f32 from vector<1xf32>
        %mul3A_636 = arith.constant 16 : i32
        %mul3A_637 = arith.muli %scan3A_232, %mul3A_636 : i32
        %add3A_638 = arith.constant 8 : i32
        %add3A_639 = arith.addi %mul3A_637, %add3A_638 : i32
        %get3A_640 = arith.index_cast %add3A_639 : i32 to index
        %get3A_641 = arith.constant 0 : index
        %get3A_642 = tpu.vector_load %arg13[%get3A_640, %get3A_641] {strides = array<i32>} : memref<128x64xf32, #tpu.memory_space<vmem>>, vector<1x16xf32>,
        %get3A_643 = vector.shape_cast %get3A_642 : vector<1x16xf32> to vector<16xf32>
        %mul3A_644 = vector.broadcast %squeeze3A_635 : f32 to vector<16xf32>
        %mul3A_645 = arith.mulf %get3A_643, %mul3A_644 : vector<16xf32>
        %swap3A_646 = arith.index_cast %add3A_639 : i32 to index
        %swap3A_647 = arith.constant 0 : index
        %swap3A_648 = tpu.vector_load %arg13[%swap3A_646, %swap3A_647] {strides = array<i32>} : memref<128x64xf32, #tpu.memory_space<vmem>>, vector<1x16xf32>,
        %swap3A_649 = vector.shape_cast %swap3A_648 : vector<1x16xf32> to vector<16xf32>
        %swap3A_650 = vector.shape_cast %mul3A_645 : vector<16xf32> to vector<1x16xf32>
        tpu.vector_store %arg13[%swap3A_646, %swap3A_647], %swap3A_650 {strides = array<i32>} : memref<128x64xf32, #tpu.memory_space<vmem>>, vector<1x16xf32>,
        %get3A_651 = arith.index_cast %add3A_639 : i32 to index
        %get3A_652 = arith.constant 16 : index
        %get3A_653 = tpu.vector_load %arg13[%get3A_651, %get3A_652] {strides = array<i32>} : memref<128x64xf32, #tpu.memory_space<vmem>>, vector<1x16xf32>,
        %get3A_654 = vector.shape_cast %get3A_653 : vector<1x16xf32> to vector<16xf32>
        %mul3A_655 = vector.broadcast %squeeze3A_635 : f32 to vector<16xf32>
        %mul3A_656 = arith.mulf %get3A_654, %mul3A_655 : vector<16xf32>
        %swap3A_657 = arith.index_cast %add3A_639 : i32 to index
        %swap3A_658 = arith.constant 16 : index
        %swap3A_659 = tpu.vector_load %arg13[%swap3A_657, %swap3A_658] {strides = array<i32>} : memref<128x64xf32, #tpu.memory_space<vmem>>, vector<1x16xf32>,
        %swap3A_660 = vector.shape_cast %swap3A_659 : vector<1x16xf32> to vector<16xf32>
        %swap3A_661 = vector.shape_cast %mul3A_656 : vector<16xf32> to vector<1x16xf32>
        tpu.vector_store %arg13[%swap3A_657, %swap3A_658], %swap3A_661 {strides = array<i32>} : memref<128x64xf32, #tpu.memory_space<vmem>>, vector<1x16xf32>,
        %get3A_662 = arith.index_cast %add3A_639 : i32 to index
        %get3A_663 = arith.constant 32 : index
        %get3A_664 = tpu.vector_load %arg13[%get3A_662, %get3A_663] {strides = array<i32>} : memref<128x64xf32, #tpu.memory_space<vmem>>, vector<1x16xf32>,
        %get3A_665 = vector.shape_cast %get3A_664 : vector<1x16xf32> to vector<16xf32>
        %mul3A_666 = vector.broadcast %squeeze3A_635 : f32 to vector<16xf32>
        %mul3A_667 = arith.mulf %get3A_665, %mul3A_666 : vector<16xf32>
        %swap3A_668 = arith.index_cast %add3A_639 : i32 to index
        %swap3A_669 = arith.constant 32 : index
        %swap3A_670 = tpu.vector_load %arg13[%swap3A_668, %swap3A_669] {strides = array<i32>} : memref<128x64xf32, #tpu.memory_space<vmem>>, vector<1x16xf32>,
        %swap3A_671 = vector.shape_cast %swap3A_670 : vector<1x16xf32> to vector<16xf32>
        %swap3A_672 = vector.shape_cast %mul3A_667 : vector<16xf32> to vector<1x16xf32>
        tpu.vector_store %arg13[%swap3A_668, %swap3A_669], %swap3A_672 {strides = array<i32>} : memref<128x64xf32, #tpu.memory_space<vmem>>, vector<1x16xf32>,
        %get3A_673 = arith.index_cast %add3A_639 : i32 to index
        %get3A_674 = arith.constant 48 : index
        %get3A_675 = tpu.vector_load %arg13[%get3A_673, %get3A_674] {strides = array<i32>} : memref<128x64xf32, #tpu.memory_space<vmem>>, vector<1x16xf32>,
        %get3A_676 = vector.shape_cast %get3A_675 : vector<1x16xf32> to vector<16xf32>
        %mul3A_677 = vector.broadcast %squeeze3A_635 : f32 to vector<16xf32>
        %mul3A_678 = arith.mulf %get3A_676, %mul3A_677 : vector<16xf32>
        %swap3A_679 = arith.index_cast %add3A_639 : i32 to index
        %swap3A_680 = arith.constant 48 : index
        %swap3A_681 = tpu.vector_load %arg13[%swap3A_679, %swap3A_680] {strides = array<i32>} : memref<128x64xf32, #tpu.memory_space<vmem>>, vector<1x16xf32>,
        %swap3A_682 = vector.shape_cast %swap3A_681 : vector<1x16xf32> to vector<16xf32>
        %swap3A_683 = vector.shape_cast %mul3A_678 : vector<16xf32> to vector<1x16xf32>
        tpu.vector_store %arg13[%swap3A_679, %swap3A_680], %swap3A_683 {strides = array<i32>} : memref<128x64xf32, #tpu.memory_space<vmem>>, vector<1x16xf32>,
        %slice3A_684 = vector.extract_strided_slice %get3A_236 {offsets = [9], sizes = [1], strides = [1]} : vector<16xf32> to vector<1xf32>
        %squeeze3A_685 = vector.extract %slice3A_684[0] : f32 from vector<1xf32>
        %mul3A_686 = arith.constant 16 : i32
        %mul3A_687 = arith.muli %scan3A_232, %mul3A_686 : i32
        %add3A_688 = arith.constant 9 : i32
        %add3A_689 = arith.addi %mul3A_687, %add3A_688 : i32
        %get3A_690 = arith.index_cast %add3A_689 : i32 to index
        %get3A_691 = arith.constant 0 : index
        %get3A_692 = tpu.vector_load %arg13[%get3A_690, %get3A_691] {strides = array<i32>} : memref<128x64xf32, #tpu.memory_space<vmem>>, vector<1x16xf32>,
        %get3A_693 = vector.shape_cast %get3A_692 : vector<1x16xf32> to vector<16xf32>
        %mul3A_694 = vector.broadcast %squeeze3A_685 : f32 to vector<16xf32>
        %mul3A_695 = arith.mulf %get3A_693, %mul3A_694 : vector<16xf32>
        %swap3A_696 = arith.index_cast %add3A_689 : i32 to index
        %swap3A_697 = arith.constant 0 : index
        %swap3A_698 = tpu.vector_load %arg13[%swap3A_696, %swap3A_697] {strides = array<i32>} : memref<128x64xf32, #tpu.memory_space<vmem>>, vector<1x16xf32>,
        %swap3A_699 = vector.shape_cast %swap3A_698 : vector<1x16xf32> to vector<16xf32>
        %swap3A_700 = vector.shape_cast %mul3A_695 : vector<16xf32> to vector<1x16xf32>
        tpu.vector_store %arg13[%swap3A_696, %swap3A_697], %swap3A_700 {strides = array<i32>} : memref<128x64xf32, #tpu.memory_space<vmem>>, vector<1x16xf32>,
        %get3A_701 = arith.index_cast %add3A_689 : i32 to index
        %get3A_702 = arith.constant 16 : index
        %get3A_703 = tpu.vector_load %arg13[%get3A_701, %get3A_702] {strides = array<i32>} : memref<128x64xf32, #tpu.memory_space<vmem>>, vector<1x16xf32>,
        %get3A_704 = vector.shape_cast %get3A_703 : vector<1x16xf32> to vector<16xf32>
        %mul3A_705 = vector.broadcast %squeeze3A_685 : f32 to vector<16xf32>
        %mul3A_706 = arith.mulf %get3A_704, %mul3A_705 : vector<16xf32>
        %swap3A_707 = arith.index_cast %add3A_689 : i32 to index
        %swap3A_708 = arith.constant 16 : index
        %swap3A_709 = tpu.vector_load %arg13[%swap3A_707, %swap3A_708] {strides = array<i32>} : memref<128x64xf32, #tpu.memory_space<vmem>>, vector<1x16xf32>,
        %swap3A_710 = vector.shape_cast %swap3A_709 : vector<1x16xf32> to vector<16xf32>
        %swap3A_711 = vector.shape_cast %mul3A_706 : vector<16xf32> to vector<1x16xf32>
        tpu.vector_store %arg13[%swap3A_707, %swap3A_708], %swap3A_711 {strides = array<i32>} : memref<128x64xf32, #tpu.memory_space<vmem>>, vector<1x16xf32>,
        %get3A_712 = arith.index_cast %add3A_689 : i32 to index
        %get3A_713 = arith.constant 32 : index
        %get3A_714 = tpu.vector_load %arg13[%get3A_712, %get3A_713] {strides = array<i32>} : memref<128x64xf32, #tpu.memory_space<vmem>>, vector<1x16xf32>,
        %get3A_715 = vector.shape_cast %get3A_714 : vector<1x16xf32> to vector<16xf32>
        %mul3A_716 = vector.broadcast %squeeze3A_685 : f32 to vector<16xf32>
        %mul3A_717 = arith.mulf %get3A_715, %mul3A_716 : vector<16xf32>
        %swap3A_718 = arith.index_cast %add3A_689 : i32 to index
        %swap3A_719 = arith.constant 32 : index
        %swap3A_720 = tpu.vector_load %arg13[%swap3A_718, %swap3A_719] {strides = array<i32>} : memref<128x64xf32, #tpu.memory_space<vmem>>, vector<1x16xf32>,
        %swap3A_721 = vector.shape_cast %swap3A_720 : vector<1x16xf32> to vector<16xf32>
        %swap3A_722 = vector.shape_cast %mul3A_717 : vector<16xf32> to vector<1x16xf32>
        tpu.vector_store %arg13[%swap3A_718, %swap3A_719], %swap3A_722 {strides = array<i32>} : memref<128x64xf32, #tpu.memory_space<vmem>>, vector<1x16xf32>,
        %get3A_723 = arith.index_cast %add3A_689 : i32 to index
        %get3A_724 = arith.constant 48 : index
        %get3A_725 = tpu.vector_load %arg13[%get3A_723, %get3A_724] {strides = array<i32>} : memref<128x64xf32, #tpu.memory_space<vmem>>, vector<1x16xf32>,
        %get3A_726 = vector.shape_cast %get3A_725 : vector<1x16xf32> to vector<16xf32>
        %mul3A_727 = vector.broadcast %squeeze3A_685 : f32 to vector<16xf32>
        %mul3A_728 = arith.mulf %get3A_726, %mul3A_727 : vector<16xf32>
        %swap3A_729 = arith.index_cast %add3A_689 : i32 to index
        %swap3A_730 = arith.constant 48 : index
        %swap3A_731 = tpu.vector_load %arg13[%swap3A_729, %swap3A_730] {strides = array<i32>} : memref<128x64xf32, #tpu.memory_space<vmem>>, vector<1x16xf32>,
        %swap3A_732 = vector.shape_cast %swap3A_731 : vector<1x16xf32> to vector<16xf32>
        %swap3A_733 = vector.shape_cast %mul3A_728 : vector<16xf32> to vector<1x16xf32>
        tpu.vector_store %arg13[%swap3A_729, %swap3A_730], %swap3A_733 {strides = array<i32>} : memref<128x64xf32, #tpu.memory_space<vmem>>, vector<1x16xf32>,
        %slice3A_734 = vector.extract_strided_slice %get3A_236 {offsets = [10], sizes = [1], strides = [1]} : vector<16xf32> to vector<1xf32>
        %squeeze3A_735 = vector.extract %slice3A_734[0] : f32 from vector<1xf32>
        %mul3A_736 = arith.constant 16 : i32
        %mul3A_737 = arith.muli %scan3A_232, %mul3A_736 : i32
        %add3A_738 = arith.constant 10 : i32
        %add3A_739 = arith.addi %mul3A_737, %add3A_738 : i32
        %get3A_740 = arith.index_cast %add3A_739 : i32 to index
        %get3A_741 = arith.constant 0 : index
        %get3A_742 = tpu.vector_load %arg13[%get3A_740, %get3A_741] {strides = array<i32>} : memref<128x64xf32, #tpu.memory_space<vmem>>, vector<1x16xf32>,
        %get3A_743 = vector.shape_cast %get3A_742 : vector<1x16xf32> to vector<16xf32>
        %mul3A_744 = vector.broadcast %squeeze3A_735 : f32 to vector<16xf32>
        %mul3A_745 = arith.mulf %get3A_743, %mul3A_744 : vector<16xf32>
        %swap3A_746 = arith.index_cast %add3A_739 : i32 to index
        %swap3A_747 = arith.constant 0 : index
        %swap3A_748 = tpu.vector_load %arg13[%swap3A_746, %swap3A_747] {strides = array<i32>} : memref<128x64xf32, #tpu.memory_space<vmem>>, vector<1x16xf32>,
        %swap3A_749 = vector.shape_cast %swap3A_748 : vector<1x16xf32> to vector<16xf32>
        %swap3A_750 = vector.shape_cast %mul3A_745 : vector<16xf32> to vector<1x16xf32>
        tpu.vector_store %arg13[%swap3A_746, %swap3A_747], %swap3A_750 {strides = array<i32>} : memref<128x64xf32, #tpu.memory_space<vmem>>, vector<1x16xf32>,
        %get3A_751 = arith.index_cast %add3A_739 : i32 to index
        %get3A_752 = arith.constant 16 : index
        %get3A_753 = tpu.vector_load %arg13[%get3A_751, %get3A_752] {strides = array<i32>} : memref<128x64xf32, #tpu.memory_space<vmem>>, vector<1x16xf32>,
        %get3A_754 = vector.shape_cast %get3A_753 : vector<1x16xf32> to vector<16xf32>
        %mul3A_755 = vector.broadcast %squeeze3A_735 : f32 to vector<16xf32>
        %mul3A_756 = arith.mulf %get3A_754, %mul3A_755 : vector<16xf32>
        %swap3A_757 = arith.index_cast %add3A_739 : i32 to index
        %swap3A_758 = arith.constant 16 : index
        %swap3A_759 = tpu.vector_load %arg13[%swap3A_757, %swap3A_758] {strides = array<i32>} : memref<128x64xf32, #tpu.memory_space<vmem>>, vector<1x16xf32>,
        %swap3A_760 = vector.shape_cast %swap3A_759 : vector<1x16xf32> to vector<16xf32>
        %swap3A_761 = vector.shape_cast %mul3A_756 : vector<16xf32> to vector<1x16xf32>
        tpu.vector_store %arg13[%swap3A_757, %swap3A_758], %swap3A_761 {strides = array<i32>} : memref<128x64xf32, #tpu.memory_space<vmem>>, vector<1x16xf32>,
        %get3A_762 = arith.index_cast %add3A_739 : i32 to index
        %get3A_763 = arith.constant 32 : index
        %get3A_764 = tpu.vector_load %arg13[%get3A_762, %get3A_763] {strides = array<i32>} : memref<128x64xf32, #tpu.memory_space<vmem>>, vector<1x16xf32>,
        %get3A_765 = vector.shape_cast %get3A_764 : vector<1x16xf32> to vector<16xf32>
        %mul3A_766 = vector.broadcast %squeeze3A_735 : f32 to vector<16xf32>
        %mul3A_767 = arith.mulf %get3A_765, %mul3A_766 : vector<16xf32>
        %swap3A_768 = arith.index_cast %add3A_739 : i32 to index
        %swap3A_769 = arith.constant 32 : index
        %swap3A_770 = tpu.vector_load %arg13[%swap3A_768, %swap3A_769] {strides = array<i32>} : memref<128x64xf32, #tpu.memory_space<vmem>>, vector<1x16xf32>,
        %swap3A_771 = vector.shape_cast %swap3A_770 : vector<1x16xf32> to vector<16xf32>
        %swap3A_772 = vector.shape_cast %mul3A_767 : vector<16xf32> to vector<1x16xf32>
        tpu.vector_store %arg13[%swap3A_768, %swap3A_769], %swap3A_772 {strides = array<i32>} : memref<128x64xf32, #tpu.memory_space<vmem>>, vector<1x16xf32>,
        %get3A_773 = arith.index_cast %add3A_739 : i32 to index
        %get3A_774 = arith.constant 48 : index
        %get3A_775 = tpu.vector_load %arg13[%get3A_773, %get3A_774] {strides = array<i32>} : memref<128x64xf32, #tpu.memory_space<vmem>>, vector<1x16xf32>,
        %get3A_776 = vector.shape_cast %get3A_775 : vector<1x16xf32> to vector<16xf32>
        %mul3A_777 = vector.broadcast %squeeze3A_735 : f32 to vector<16xf32>
        %mul3A_778 = arith.mulf %get3A_776, %mul3A_777 : vector<16xf32>
        %swap3A_779 = arith.index_cast %add3A_739 : i32 to index
        %swap3A_780 = arith.constant 48 : index
        %swap3A_781 = tpu.vector_load %arg13[%swap3A_779, %swap3A_780] {strides = array<i32>} : memref<128x64xf32, #tpu.memory_space<vmem>>, vector<1x16xf32>,
        %swap3A_782 = vector.shape_cast %swap3A_781 : vector<1x16xf32> to vector<16xf32>
        %swap3A_783 = vector.shape_cast %mul3A_778 : vector<16xf32> to vector<1x16xf32>
        tpu.vector_store %arg13[%swap3A_779, %swap3A_780], %swap3A_783 {strides = array<i32>} : memref<128x64xf32, #tpu.memory_space<vmem>>, vector<1x16xf32>,
        %slice3A_784 = vector.extract_strided_slice %get3A_236 {offsets = [11], sizes = [1], strides = [1]} : vector<16xf32> to vector<1xf32>
        %squeeze3A_785 = vector.extract %slice3A_784[0] : f32 from vector<1xf32>
        %mul3A_786 = arith.constant 16 : i32
        %mul3A_787 = arith.muli %scan3A_232, %mul3A_786 : i32
        %add3A_788 = arith.constant 11 : i32
        %add3A_789 = arith.addi %mul3A_787, %add3A_788 : i32
        %get3A_790 = arith.index_cast %add3A_789 : i32 to index
        %get3A_791 = arith.constant 0 : index
        %get3A_792 = tpu.vector_load %arg13[%get3A_790, %get3A_791] {strides = array<i32>} : memref<128x64xf32, #tpu.memory_space<vmem>>, vector<1x16xf32>,
        %get3A_793 = vector.shape_cast %get3A_792 : vector<1x16xf32> to vector<16xf32>
        %mul3A_794 = vector.broadcast %squeeze3A_785 : f32 to vector<16xf32>
        %mul3A_795 = arith.mulf %get3A_793, %mul3A_794 : vector<16xf32>
        %swap3A_796 = arith.index_cast %add3A_789 : i32 to index
        %swap3A_797 = arith.constant 0 : index
        %swap3A_798 = tpu.vector_load %arg13[%swap3A_796, %swap3A_797] {strides = array<i32>} : memref<128x64xf32, #tpu.memory_space<vmem>>, vector<1x16xf32>,
        %swap3A_799 = vector.shape_cast %swap3A_798 : vector<1x16xf32> to vector<16xf32>
        %swap3A_800 = vector.shape_cast %mul3A_795 : vector<16xf32> to vector<1x16xf32>
        tpu.vector_store %arg13[%swap3A_796, %swap3A_797], %swap3A_800 {strides = array<i32>} : memref<128x64xf32, #tpu.memory_space<vmem>>, vector<1x16xf32>,
        %get3A_801 = arith.index_cast %add3A_789 : i32 to index
        %get3A_802 = arith.constant 16 : index
        %get3A_803 = tpu.vector_load %arg13[%get3A_801, %get3A_802] {strides = array<i32>} : memref<128x64xf32, #tpu.memory_space<vmem>>, vector<1x16xf32>,
        %get3A_804 = vector.shape_cast %get3A_803 : vector<1x16xf32> to vector<16xf32>
        %mul3A_805 = vector.broadcast %squeeze3A_785 : f32 to vector<16xf32>
        %mul3A_806 = arith.mulf %get3A_804, %mul3A_805 : vector<16xf32>
        %swap3A_807 = arith.index_cast %add3A_789 : i32 to index
        %swap3A_808 = arith.constant 16 : index
        %swap3A_809 = tpu.vector_load %arg13[%swap3A_807, %swap3A_808] {strides = array<i32>} : memref<128x64xf32, #tpu.memory_space<vmem>>, vector<1x16xf32>,
        %swap3A_810 = vector.shape_cast %swap3A_809 : vector<1x16xf32> to vector<16xf32>
        %swap3A_811 = vector.shape_cast %mul3A_806 : vector<16xf32> to vector<1x16xf32>
        tpu.vector_store %arg13[%swap3A_807, %swap3A_808], %swap3A_811 {strides = array<i32>} : memref<128x64xf32, #tpu.memory_space<vmem>>, vector<1x16xf32>,
        %get3A_812 = arith.index_cast %add3A_789 : i32 to index
        %get3A_813 = arith.constant 32 : index
        %get3A_814 = tpu.vector_load %arg13[%get3A_812, %get3A_813] {strides = array<i32>} : memref<128x64xf32, #tpu.memory_space<vmem>>, vector<1x16xf32>,
        %get3A_815 = vector.shape_cast %get3A_814 : vector<1x16xf32> to vector<16xf32>
        %mul3A_816 = vector.broadcast %squeeze3A_785 : f32 to vector<16xf32>
        %mul3A_817 = arith.mulf %get3A_815, %mul3A_816 : vector<16xf32>
        %swap3A_818 = arith.index_cast %add3A_789 : i32 to index
        %swap3A_819 = arith.constant 32 : index
        %swap3A_820 = tpu.vector_load %arg13[%swap3A_818, %swap3A_819] {strides = array<i32>} : memref<128x64xf32, #tpu.memory_space<vmem>>, vector<1x16xf32>,
        %swap3A_821 = vector.shape_cast %swap3A_820 : vector<1x16xf32> to vector<16xf32>
        %swap3A_822 = vector.shape_cast %mul3A_817 : vector<16xf32> to vector<1x16xf32>
        tpu.vector_store %arg13[%swap3A_818, %swap3A_819], %swap3A_822 {strides = array<i32>} : memref<128x64xf32, #tpu.memory_space<vmem>>, vector<1x16xf32>,
        %get3A_823 = arith.index_cast %add3A_789 : i32 to index
        %get3A_824 = arith.constant 48 : index
        %get3A_825 = tpu.vector_load %arg13[%get3A_823, %get3A_824] {strides = array<i32>} : memref<128x64xf32, #tpu.memory_space<vmem>>, vector<1x16xf32>,
        %get3A_826 = vector.shape_cast %get3A_825 : vector<1x16xf32> to vector<16xf32>
        %mul3A_827 = vector.broadcast %squeeze3A_785 : f32 to vector<16xf32>
        %mul3A_828 = arith.mulf %get3A_826, %mul3A_827 : vector<16xf32>
        %swap3A_829 = arith.index_cast %add3A_789 : i32 to index
        %swap3A_830 = arith.constant 48 : index
        %swap3A_831 = tpu.vector_load %arg13[%swap3A_829, %swap3A_830] {strides = array<i32>} : memref<128x64xf32, #tpu.memory_space<vmem>>, vector<1x16xf32>,
        %swap3A_832 = vector.shape_cast %swap3A_831 : vector<1x16xf32> to vector<16xf32>
        %swap3A_833 = vector.shape_cast %mul3A_828 : vector<16xf32> to vector<1x16xf32>
        tpu.vector_store %arg13[%swap3A_829, %swap3A_830], %swap3A_833 {strides = array<i32>} : memref<128x64xf32, #tpu.memory_space<vmem>>, vector<1x16xf32>,
        %slice3A_834 = vector.extract_strided_slice %get3A_236 {offsets = [12], sizes = [1], strides = [1]} : vector<16xf32> to vector<1xf32>
        %squeeze3A_835 = vector.extract %slice3A_834[0] : f32 from vector<1xf32>
        %mul3A_836 = arith.constant 16 : i32
        %mul3A_837 = arith.muli %scan3A_232, %mul3A_836 : i32
        %add3A_838 = arith.constant 12 : i32
        %add3A_839 = arith.addi %mul3A_837, %add3A_838 : i32
        %get3A_840 = arith.index_cast %add3A_839 : i32 to index
        %get3A_841 = arith.constant 0 : index
        %get3A_842 = tpu.vector_load %arg13[%get3A_840, %get3A_841] {strides = array<i32>} : memref<128x64xf32, #tpu.memory_space<vmem>>, vector<1x16xf32>,
        %get3A_843 = vector.shape_cast %get3A_842 : vector<1x16xf32> to vector<16xf32>
        %mul3A_844 = vector.broadcast %squeeze3A_835 : f32 to vector<16xf32>
        %mul3A_845 = arith.mulf %get3A_843, %mul3A_844 : vector<16xf32>
        %swap3A_846 = arith.index_cast %add3A_839 : i32 to index
        %swap3A_847 = arith.constant 0 : index
        %swap3A_848 = tpu.vector_load %arg13[%swap3A_846, %swap3A_847] {strides = array<i32>} : memref<128x64xf32, #tpu.memory_space<vmem>>, vector<1x16xf32>,
        %swap3A_849 = vector.shape_cast %swap3A_848 : vector<1x16xf32> to vector<16xf32>
        %swap3A_850 = vector.shape_cast %mul3A_845 : vector<16xf32> to vector<1x16xf32>
        tpu.vector_store %arg13[%swap3A_846, %swap3A_847], %swap3A_850 {strides = array<i32>} : memref<128x64xf32, #tpu.memory_space<vmem>>, vector<1x16xf32>,
        %get3A_851 = arith.index_cast %add3A_839 : i32 to index
        %get3A_852 = arith.constant 16 : index
        %get3A_853 = tpu.vector_load %arg13[%get3A_851, %get3A_852] {strides = array<i32>} : memref<128x64xf32, #tpu.memory_space<vmem>>, vector<1x16xf32>,
        %get3A_854 = vector.shape_cast %get3A_853 : vector<1x16xf32> to vector<16xf32>
        %mul3A_855 = vector.broadcast %squeeze3A_835 : f32 to vector<16xf32>
        %mul3A_856 = arith.mulf %get3A_854, %mul3A_855 : vector<16xf32>
        %swap3A_857 = arith.index_cast %add3A_839 : i32 to index
        %swap3A_858 = arith.constant 16 : index
        %swap3A_859 = tpu.vector_load %arg13[%swap3A_857, %swap3A_858] {strides = array<i32>} : memref<128x64xf32, #tpu.memory_space<vmem>>, vector<1x16xf32>,
        %swap3A_860 = vector.shape_cast %swap3A_859 : vector<1x16xf32> to vector<16xf32>
        %swap3A_861 = vector.shape_cast %mul3A_856 : vector<16xf32> to vector<1x16xf32>
        tpu.vector_store %arg13[%swap3A_857, %swap3A_858], %swap3A_861 {strides = array<i32>} : memref<128x64xf32, #tpu.memory_space<vmem>>, vector<1x16xf32>,
        %get3A_862 = arith.index_cast %add3A_839 : i32 to index
        %get3A_863 = arith.constant 32 : index
        %get3A_864 = tpu.vector_load %arg13[%get3A_862, %get3A_863] {strides = array<i32>} : memref<128x64xf32, #tpu.memory_space<vmem>>, vector<1x16xf32>,
        %get3A_865 = vector.shape_cast %get3A_864 : vector<1x16xf32> to vector<16xf32>
        %mul3A_866 = vector.broadcast %squeeze3A_835 : f32 to vector<16xf32>
        %mul3A_867 = arith.mulf %get3A_865, %mul3A_866 : vector<16xf32>
        %swap3A_868 = arith.index_cast %add3A_839 : i32 to index
        %swap3A_869 = arith.constant 32 : index
        %swap3A_870 = tpu.vector_load %arg13[%swap3A_868, %swap3A_869] {strides = array<i32>} : memref<128x64xf32, #tpu.memory_space<vmem>>, vector<1x16xf32>,
        %swap3A_871 = vector.shape_cast %swap3A_870 : vector<1x16xf32> to vector<16xf32>
        %swap3A_872 = vector.shape_cast %mul3A_867 : vector<16xf32> to vector<1x16xf32>
        tpu.vector_store %arg13[%swap3A_868, %swap3A_869], %swap3A_872 {strides = array<i32>} : memref<128x64xf32, #tpu.memory_space<vmem>>, vector<1x16xf32>,
        %get3A_873 = arith.index_cast %add3A_839 : i32 to index
        %get3A_874 = arith.constant 48 : index
        %get3A_875 = tpu.vector_load %arg13[%get3A_873, %get3A_874] {strides = array<i32>} : memref<128x64xf32, #tpu.memory_space<vmem>>, vector<1x16xf32>,
        %get3A_876 = vector.shape_cast %get3A_875 : vector<1x16xf32> to vector<16xf32>
        %mul3A_877 = vector.broadcast %squeeze3A_835 : f32 to vector<16xf32>
        %mul3A_878 = arith.mulf %get3A_876, %mul3A_877 : vector<16xf32>
        %swap3A_879 = arith.index_cast %add3A_839 : i32 to index
        %swap3A_880 = arith.constant 48 : index
        %swap3A_881 = tpu.vector_load %arg13[%swap3A_879, %swap3A_880] {strides = array<i32>} : memref<128x64xf32, #tpu.memory_space<vmem>>, vector<1x16xf32>,
        %swap3A_882 = vector.shape_cast %swap3A_881 : vector<1x16xf32> to vector<16xf32>
        %swap3A_883 = vector.shape_cast %mul3A_878 : vector<16xf32> to vector<1x16xf32>
        tpu.vector_store %arg13[%swap3A_879, %swap3A_880], %swap3A_883 {strides = array<i32>} : memref<128x64xf32, #tpu.memory_space<vmem>>, vector<1x16xf32>,
        %slice3A_884 = vector.extract_strided_slice %get3A_236 {offsets = [13], sizes = [1], strides = [1]} : vector<16xf32> to vector<1xf32>
        %squeeze3A_885 = vector.extract %slice3A_884[0] : f32 from vector<1xf32>
        %mul3A_886 = arith.constant 16 : i32
        %mul3A_887 = arith.muli %scan3A_232, %mul3A_886 : i32
        %add3A_888 = arith.constant 13 : i32
        %add3A_889 = arith.addi %mul3A_887, %add3A_888 : i32
        %get3A_890 = arith.index_cast %add3A_889 : i32 to index
        %get3A_891 = arith.constant 0 : index
        %get3A_892 = tpu.vector_load %arg13[%get3A_890, %get3A_891] {strides = array<i32>} : memref<128x64xf32, #tpu.memory_space<vmem>>, vector<1x16xf32>,
        %get3A_893 = vector.shape_cast %get3A_892 : vector<1x16xf32> to vector<16xf32>
        %mul3A_894 = vector.broadcast %squeeze3A_885 : f32 to vector<16xf32>
        %mul3A_895 = arith.mulf %get3A_893, %mul3A_894 : vector<16xf32>
        %swap3A_896 = arith.index_cast %add3A_889 : i32 to index
        %swap3A_897 = arith.constant 0 : index
        %swap3A_898 = tpu.vector_load %arg13[%swap3A_896, %swap3A_897] {strides = array<i32>} : memref<128x64xf32, #tpu.memory_space<vmem>>, vector<1x16xf32>,
        %swap3A_899 = vector.shape_cast %swap3A_898 : vector<1x16xf32> to vector<16xf32>
        %swap3A_900 = vector.shape_cast %mul3A_895 : vector<16xf32> to vector<1x16xf32>
        tpu.vector_store %arg13[%swap3A_896, %swap3A_897], %swap3A_900 {strides = array<i32>} : memref<128x64xf32, #tpu.memory_space<vmem>>, vector<1x16xf32>,
        %get3A_901 = arith.index_cast %add3A_889 : i32 to index
        %get3A_902 = arith.constant 16 : index
        %get3A_903 = tpu.vector_load %arg13[%get3A_901, %get3A_902] {strides = array<i32>} : memref<128x64xf32, #tpu.memory_space<vmem>>, vector<1x16xf32>,
        %get3A_904 = vector.shape_cast %get3A_903 : vector<1x16xf32> to vector<16xf32>
        %mul3A_905 = vector.broadcast %squeeze3A_885 : f32 to vector<16xf32>
        %mul3A_906 = arith.mulf %get3A_904, %mul3A_905 : vector<16xf32>
        %swap3A_907 = arith.index_cast %add3A_889 : i32 to index
        %swap3A_908 = arith.constant 16 : index
        %swap3A_909 = tpu.vector_load %arg13[%swap3A_907, %swap3A_908] {strides = array<i32>} : memref<128x64xf32, #tpu.memory_space<vmem>>, vector<1x16xf32>,
        %swap3A_910 = vector.shape_cast %swap3A_909 : vector<1x16xf32> to vector<16xf32>
        %swap3A_911 = vector.shape_cast %mul3A_906 : vector<16xf32> to vector<1x16xf32>
        tpu.vector_store %arg13[%swap3A_907, %swap3A_908], %swap3A_911 {strides = array<i32>} : memref<128x64xf32, #tpu.memory_space<vmem>>, vector<1x16xf32>,
        %get3A_912 = arith.index_cast %add3A_889 : i32 to index
        %get3A_913 = arith.constant 32 : index
        %get3A_914 = tpu.vector_load %arg13[%get3A_912, %get3A_913] {strides = array<i32>} : memref<128x64xf32, #tpu.memory_space<vmem>>, vector<1x16xf32>,
        %get3A_915 = vector.shape_cast %get3A_914 : vector<1x16xf32> to vector<16xf32>
        %mul3A_916 = vector.broadcast %squeeze3A_885 : f32 to vector<16xf32>
        %mul3A_917 = arith.mulf %get3A_915, %mul3A_916 : vector<16xf32>
        %swap3A_918 = arith.index_cast %add3A_889 : i32 to index
        %swap3A_919 = arith.constant 32 : index
        %swap3A_920 = tpu.vector_load %arg13[%swap3A_918, %swap3A_919] {strides = array<i32>} : memref<128x64xf32, #tpu.memory_space<vmem>>, vector<1x16xf32>,
        %swap3A_921 = vector.shape_cast %swap3A_920 : vector<1x16xf32> to vector<16xf32>
        %swap3A_922 = vector.shape_cast %mul3A_917 : vector<16xf32> to vector<1x16xf32>
        tpu.vector_store %arg13[%swap3A_918, %swap3A_919], %swap3A_922 {strides = array<i32>} : memref<128x64xf32, #tpu.memory_space<vmem>>, vector<1x16xf32>,
        %get3A_923 = arith.index_cast %add3A_889 : i32 to index
        %get3A_924 = arith.constant 48 : index
        %get3A_925 = tpu.vector_load %arg13[%get3A_923, %get3A_924] {strides = array<i32>} : memref<128x64xf32, #tpu.memory_space<vmem>>, vector<1x16xf32>,
        %get3A_926 = vector.shape_cast %get3A_925 : vector<1x16xf32> to vector<16xf32>
        %mul3A_927 = vector.broadcast %squeeze3A_885 : f32 to vector<16xf32>
        %mul3A_928 = arith.mulf %get3A_926, %mul3A_927 : vector<16xf32>
        %swap3A_929 = arith.index_cast %add3A_889 : i32 to index
        %swap3A_930 = arith.constant 48 : index
        %swap3A_931 = tpu.vector_load %arg13[%swap3A_929, %swap3A_930] {strides = array<i32>} : memref<128x64xf32, #tpu.memory_space<vmem>>, vector<1x16xf32>,
        %swap3A_932 = vector.shape_cast %swap3A_931 : vector<1x16xf32> to vector<16xf32>
        %swap3A_933 = vector.shape_cast %mul3A_928 : vector<16xf32> to vector<1x16xf32>
        tpu.vector_store %arg13[%swap3A_929, %swap3A_930], %swap3A_933 {strides = array<i32>} : memref<128x64xf32, #tpu.memory_space<vmem>>, vector<1x16xf32>,
        %slice3A_934 = vector.extract_strided_slice %get3A_236 {offsets = [14], sizes = [1], strides = [1]} : vector<16xf32> to vector<1xf32>
        %squeeze3A_935 = vector.extract %slice3A_934[0] : f32 from vector<1xf32>
        %mul3A_936 = arith.constant 16 : i32
        %mul3A_937 = arith.muli %scan3A_232, %mul3A_936 : i32
        %add3A_938 = arith.constant 14 : i32
        %add3A_939 = arith.addi %mul3A_937, %add3A_938 : i32
        %get3A_940 = arith.index_cast %add3A_939 : i32 to index
        %get3A_941 = arith.constant 0 : index
        %get3A_942 = tpu.vector_load %arg13[%get3A_940, %get3A_941] {strides = array<i32>} : memref<128x64xf32, #tpu.memory_space<vmem>>, vector<1x16xf32>,
        %get3A_943 = vector.shape_cast %get3A_942 : vector<1x16xf32> to vector<16xf32>
        %mul3A_944 = vector.broadcast %squeeze3A_935 : f32 to vector<16xf32>
        %mul3A_945 = arith.mulf %get3A_943, %mul3A_944 : vector<16xf32>
        %swap3A_946 = arith.index_cast %add3A_939 : i32 to index
        %swap3A_947 = arith.constant 0 : index
        %swap3A_948 = tpu.vector_load %arg13[%swap3A_946, %swap3A_947] {strides = array<i32>} : memref<128x64xf32, #tpu.memory_space<vmem>>, vector<1x16xf32>,
        %swap3A_949 = vector.shape_cast %swap3A_948 : vector<1x16xf32> to vector<16xf32>
        %swap3A_950 = vector.shape_cast %mul3A_945 : vector<16xf32> to vector<1x16xf32>
        tpu.vector_store %arg13[%swap3A_946, %swap3A_947], %swap3A_950 {strides = array<i32>} : memref<128x64xf32, #tpu.memory_space<vmem>>, vector<1x16xf32>,
        %get3A_951 = arith.index_cast %add3A_939 : i32 to index
        %get3A_952 = arith.constant 16 : index
        %get3A_953 = tpu.vector_load %arg13[%get3A_951, %get3A_952] {strides = array<i32>} : memref<128x64xf32, #tpu.memory_space<vmem>>, vector<1x16xf32>,
        %get3A_954 = vector.shape_cast %get3A_953 : vector<1x16xf32> to vector<16xf32>
        %mul3A_955 = vector.broadcast %squeeze3A_935 : f32 to vector<16xf32>
        %mul3A_956 = arith.mulf %get3A_954, %mul3A_955 : vector<16xf32>
        %swap3A_957 = arith.index_cast %add3A_939 : i32 to index
        %swap3A_958 = arith.constant 16 : index
        %swap3A_959 = tpu.vector_load %arg13[%swap3A_957, %swap3A_958] {strides = array<i32>} : memref<128x64xf32, #tpu.memory_space<vmem>>, vector<1x16xf32>,
        %swap3A_960 = vector.shape_cast %swap3A_959 : vector<1x16xf32> to vector<16xf32>
        %swap3A_961 = vector.shape_cast %mul3A_956 : vector<16xf32> to vector<1x16xf32>
        tpu.vector_store %arg13[%swap3A_957, %swap3A_958], %swap3A_961 {strides = array<i32>} : memref<128x64xf32, #tpu.memory_space<vmem>>, vector<1x16xf32>,
        %get3A_962 = arith.index_cast %add3A_939 : i32 to index
        %get3A_963 = arith.constant 32 : index
        %get3A_964 = tpu.vector_load %arg13[%get3A_962, %get3A_963] {strides = array<i32>} : memref<128x64xf32, #tpu.memory_space<vmem>>, vector<1x16xf32>,
        %get3A_965 = vector.shape_cast %get3A_964 : vector<1x16xf32> to vector<16xf32>
        %mul3A_966 = vector.broadcast %squeeze3A_935 : f32 to vector<16xf32>
        %mul3A_967 = arith.mulf %get3A_965, %mul3A_966 : vector<16xf32>
        %swap3A_968 = arith.index_cast %add3A_939 : i32 to index
        %swap3A_969 = arith.constant 32 : index
        %swap3A_970 = tpu.vector_load %arg13[%swap3A_968, %swap3A_969] {strides = array<i32>} : memref<128x64xf32, #tpu.memory_space<vmem>>, vector<1x16xf32>,
        %swap3A_971 = vector.shape_cast %swap3A_970 : vector<1x16xf32> to vector<16xf32>
        %swap3A_972 = vector.shape_cast %mul3A_967 : vector<16xf32> to vector<1x16xf32>
        tpu.vector_store %arg13[%swap3A_968, %swap3A_969], %swap3A_972 {strides = array<i32>} : memref<128x64xf32, #tpu.memory_space<vmem>>, vector<1x16xf32>,
        %get3A_973 = arith.index_cast %add3A_939 : i32 to index
        %get3A_974 = arith.constant 48 : index
        %get3A_975 = tpu.vector_load %arg13[%get3A_973, %get3A_974] {strides = array<i32>} : memref<128x64xf32, #tpu.memory_space<vmem>>, vector<1x16xf32>,
        %get3A_976 = vector.shape_cast %get3A_975 : vector<1x16xf32> to vector<16xf32>
        %mul3A_977 = vector.broadcast %squeeze3A_935 : f32 to vector<16xf32>
        %mul3A_978 = arith.mulf %get3A_976, %mul3A_977 : vector<16xf32>
        %swap3A_979 = arith.index_cast %add3A_939 : i32 to index
        %swap3A_980 = arith.constant 48 : index
        %swap3A_981 = tpu.vector_load %arg13[%swap3A_979, %swap3A_980] {strides = array<i32>} : memref<128x64xf32, #tpu.memory_space<vmem>>, vector<1x16xf32>,
        %swap3A_982 = vector.shape_cast %swap3A_981 : vector<1x16xf32> to vector<16xf32>
        %swap3A_983 = vector.shape_cast %mul3A_978 : vector<16xf32> to vector<1x16xf32>
        tpu.vector_store %arg13[%swap3A_979, %swap3A_980], %swap3A_983 {strides = array<i32>} : memref<128x64xf32, #tpu.memory_space<vmem>>, vector<1x16xf32>,
        %slice3A_984 = vector.extract_strided_slice %get3A_236 {offsets = [15], sizes = [1], strides = [1]} : vector<16xf32> to vector<1xf32>
        %squeeze3A_985 = vector.extract %slice3A_984[0] : f32 from vector<1xf32>
        %mul3A_986 = arith.constant 16 : i32
        %mul3A_987 = arith.muli %scan3A_232, %mul3A_986 : i32
        %add3A_988 = arith.constant 15 : i32
        %add3A_989 = arith.addi %mul3A_987, %add3A_988 : i32
        %get3A_990 = arith.index_cast %add3A_989 : i32 to index
        %get3A_991 = arith.constant 0 : index
        %get3A_992 = tpu.vector_load %arg13[%get3A_990, %get3A_991] {strides = array<i32>} : memref<128x64xf32, #tpu.memory_space<vmem>>, vector<1x16xf32>,
        %get3A_993 = vector.shape_cast %get3A_992 : vector<1x16xf32> to vector<16xf32>
        %mul3A_994 = vector.broadcast %squeeze3A_985 : f32 to vector<16xf32>
        %mul3A_995 = arith.mulf %get3A_993, %mul3A_994 : vector<16xf32>
        %swap3A_996 = arith.index_cast %add3A_989 : i32 to index
        %swap3A_997 = arith.constant 0 : index
        %swap3A_998 = tpu.vector_load %arg13[%swap3A_996, %swap3A_997] {strides = array<i32>} : memref<128x64xf32, #tpu.memory_space<vmem>>, vector<1x16xf32>,
        %swap3A_999 = vector.shape_cast %swap3A_998 : vector<1x16xf32> to vector<16xf32>
        %swap3A_1000 = vector.shape_cast %mul3A_995 : vector<16xf32> to vector<1x16xf32>
        tpu.vector_store %arg13[%swap3A_996, %swap3A_997], %swap3A_1000 {strides = array<i32>} : memref<128x64xf32, #tpu.memory_space<vmem>>, vector<1x16xf32>,
        %get3A_1001 = arith.index_cast %add3A_989 : i32 to index
        %get3A_1002 = arith.constant 16 : index
        %get3A_1003 = tpu.vector_load %arg13[%get3A_1001, %get3A_1002] {strides = array<i32>} : memref<128x64xf32, #tpu.memory_space<vmem>>, vector<1x16xf32>,
        %get3A_1004 = vector.shape_cast %get3A_1003 : vector<1x16xf32> to vector<16xf32>
        %mul3A_1005 = vector.broadcast %squeeze3A_985 : f32 to vector<16xf32>
        %mul3A_1006 = arith.mulf %get3A_1004, %mul3A_1005 : vector<16xf32>
        %swap3A_1007 = arith.index_cast %add3A_989 : i32 to index
        %swap3A_1008 = arith.constant 16 : index
        %swap3A_1009 = tpu.vector_load %arg13[%swap3A_1007, %swap3A_1008] {strides = array<i32>} : memref<128x64xf32, #tpu.memory_space<vmem>>, vector<1x16xf32>,
        %swap3A_1010 = vector.shape_cast %swap3A_1009 : vector<1x16xf32> to vector<16xf32>
        %swap3A_1011 = vector.shape_cast %mul3A_1006 : vector<16xf32> to vector<1x16xf32>
        tpu.vector_store %arg13[%swap3A_1007, %swap3A_1008], %swap3A_1011 {strides = array<i32>} : memref<128x64xf32, #tpu.memory_space<vmem>>, vector<1x16xf32>,
        %get3A_1012 = arith.index_cast %add3A_989 : i32 to index
        %get3A_1013 = arith.constant 32 : index
        %get3A_1014 = tpu.vector_load %arg13[%get3A_1012, %get3A_1013] {strides = array<i32>} : memref<128x64xf32, #tpu.memory_space<vmem>>, vector<1x16xf32>,
        %get3A_1015 = vector.shape_cast %get3A_1014 : vector<1x16xf32> to vector<16xf32>
        %mul3A_1016 = vector.broadcast %squeeze3A_985 : f32 to vector<16xf32>
        %mul3A_1017 = arith.mulf %get3A_1015, %mul3A_1016 : vector<16xf32>
        %swap3A_1018 = arith.index_cast %add3A_989 : i32 to index
        %swap3A_1019 = arith.constant 32 : index
        %swap3A_1020 = tpu.vector_load %arg13[%swap3A_1018, %swap3A_1019] {strides = array<i32>} : memref<128x64xf32, #tpu.memory_space<vmem>>, vector<1x16xf32>,
        %swap3A_1021 = vector.shape_cast %swap3A_1020 : vector<1x16xf32> to vector<16xf32>
        %swap3A_1022 = vector.shape_cast %mul3A_1017 : vector<16xf32> to vector<1x16xf32>
        tpu.vector_store %arg13[%swap3A_1018, %swap3A_1019], %swap3A_1022 {strides = array<i32>} : memref<128x64xf32, #tpu.memory_space<vmem>>, vector<1x16xf32>,
        %get3A_1023 = arith.index_cast %add3A_989 : i32 to index
        %get3A_1024 = arith.constant 48 : index
        %get3A_1025 = tpu.vector_load %arg13[%get3A_1023, %get3A_1024] {strides = array<i32>} : memref<128x64xf32, #tpu.memory_space<vmem>>, vector<1x16xf32>,
        %get3A_1026 = vector.shape_cast %get3A_1025 : vector<1x16xf32> to vector<16xf32>
        %mul3A_1027 = vector.broadcast %squeeze3A_985 : f32 to vector<16xf32>
        %mul3A_1028 = arith.mulf %get3A_1026, %mul3A_1027 : vector<16xf32>
        %swap3A_1029 = arith.index_cast %add3A_989 : i32 to index
        %swap3A_1030 = arith.constant 48 : index
        %swap3A_1031 = tpu.vector_load %arg13[%swap3A_1029, %swap3A_1030] {strides = array<i32>} : memref<128x64xf32, #tpu.memory_space<vmem>>, vector<1x16xf32>,
        %swap3A_1032 = vector.shape_cast %swap3A_1031 : vector<1x16xf32> to vector<16xf32>
        %swap3A_1033 = vector.shape_cast %mul3A_1028 : vector<16xf32> to vector<1x16xf32>
        tpu.vector_store %arg13[%swap3A_1029, %swap3A_1030], %swap3A_1033 {strides = array<i32>} : memref<128x64xf32, #tpu.memory_space<vmem>>, vector<1x16xf32>,
      }
      %scan3A_120 = arith.constant 8 : i32
      %dma_start3A_121 = arith.constant 0 : i32
      %dma_start3A_122 = tpu.memref_slice %arg8[%add3A_95, %dma_start3A_121] : memref<160x128xi32, #tpu.memory_space<vmem>> -> memref<1x128xi32, #tpu.memory_space<vmem>>
      %dma_start3A_123 = tpu.memref_squeeze %dma_start3A_122 : memref<1x128xi32, #tpu.memory_space<vmem>> -> memref<128xi32, #tpu.memory_space<vmem>>
      %dma_start3A_124 = arith.constant 0 : i32
      %dma_start3A_125 = arith.constant 0 : i32
      %dma_start3A_126 = tpu.memref_slice %arg17[%dma_start3A_124, %dma_start3A_125] : memref<10000x64xf32, #tpu.memory_space<vmem_shared>> -> memref<10000x64xf32, #tpu.memory_space<vmem_shared>>
      tpu.enqueue_indirect_dma source(%arg13 : memref<128x64xf32, #tpu.memory_space<vmem>>) target(%dma_start3A_126 : memref<10000x64xf32, #tpu.memory_space<vmem_shared>>) offsets(%dma_start3A_123 : memref<128xi32, #tpu.memory_space<vmem>>) semaphore(%arg22 : memref<!tpu.dma_semaphore, #tpu.memory_space<semaphore_mem>>) {add = true}
      %mul3A_127 = arith.constant 4 : i32
      %mul3A_128 = arith.muli %scan3A_91, %mul3A_127 : i32
      %add3A_129 = arith.constant 1 : i32
      %add3A_130 = arith.addi %mul3A_128, %add3A_129 : i32
      %add3A_131 = arith.constant 2 : i32
      %add3A_132 = arith.addi %add3A_130, %add3A_131 : i32
      %lt3A_133 = arith.constant 160 : i32
      %lt3A_134 = arith.cmpi slt, %add3A_132, %lt3A_133 : i32
      %convert_element_type3A_135 = arith.extui %lt3A_134 : i1 to i32
      %cond3A_136 = arith.constant 0 : i32
      %cond3A_137 = arith.cmpi ne, %convert_element_type3A_135, %cond3A_136 : i32
      scf.if %cond3A_137 {
        %ge3A = arith.constant 2 : i32
        %ge3A_232 = arith.cmpi sge, %add3A_130, %ge3A : i32
        %convert_element_type3A_233 = arith.extui %ge3A_232 : i1 to i32
        %cond3A_234 = arith.constant 0 : i32
        %cond3A_235 = arith.cmpi ne, %convert_element_type3A_233, %cond3A_234 : i32
        scf.if %cond3A_235 {
          %dma_wait3A_250 = arith.constant 0 : i32
          %dma_wait3A_251 = tpu.memref_slice %arg8[%add3A_130, %dma_wait3A_250] : memref<160x128xi32, #tpu.memory_space<vmem>> -> memref<1x128xi32, #tpu.memory_space<vmem>>
          %dma_wait3A_252 = tpu.memref_squeeze %dma_wait3A_251 : memref<1x128xi32, #tpu.memory_space<vmem>> -> memref<128xi32, #tpu.memory_space<vmem>>
          %dma_wait3A_253 = arith.constant 0 : i32
          %dma_wait3A_254 = arith.constant 0 : i32
          %dma_wait3A_255 = tpu.memref_slice %arg17[%dma_wait3A_253, %dma_wait3A_254] : memref<10000x64xf32, #tpu.memory_space<vmem_shared>> -> memref<10000x64xf32, #tpu.memory_space<vmem_shared>>
          tpu.wait_indirect_dma semaphore(%arg25 : memref<!tpu.dma_semaphore, #tpu.memory_space<semaphore_mem>>) src(%arg16 : memref<128x64xf32, #tpu.memory_space<vmem>>) dst(%dma_wait3A_255 : memref<10000x64xf32, #tpu.memory_space<vmem_shared>>)
        } else {
        }
        %add3A_236 = arith.constant 2 : i32
        %add3A_237 = arith.addi %add3A_130, %add3A_236 : i32
        %dma_start3A_238 = arith.constant 0 : i32
        %dma_start3A_239 = tpu.memref_slice %arg5[%arg1, %add3A_237, %dma_start3A_238] : memref<16x160x128xf32, #tpu.memory_space<hbm>> -> memref<1x1x128xf32, #tpu.memory_space<hbm>>
        %dma_start3A_240 = tpu.memref_squeeze %dma_start3A_239 : memref<1x1x128xf32, #tpu.memory_space<hbm>> -> memref<128xf32, #tpu.memory_space<hbm>>
        %dma_start3A_241 = arith.constant 0 : i32
        %dma_start3A_242 = tpu.memref_slice %arg5[%arg1, %add3A_237, %dma_start3A_241] : memref<16x160x128xf32, #tpu.memory_space<hbm>> -> memref<1x1x128xf32, #tpu.memory_space<hbm>>
        %dma_start3A_243 = tpu.memref_squeeze %dma_start3A_242 : memref<1x1x128xf32, #tpu.memory_space<hbm>> -> memref<128xf32, #tpu.memory_space<hbm>>
        tpu.enqueue_dma source(%dma_start3A_243 : memref<128xf32, #tpu.memory_space<hbm>>) target(%arg12 : memref<128xf32, #tpu.memory_space<vmem>>) target_semaphore(%arg21 : memref<!tpu.dma_semaphore, #tpu.memory_space<semaphore_mem>>)
        %dma_start3A_244 = arith.constant 0 : i32
        %dma_start3A_245 = tpu.memref_slice %arg7[%add3A_237, %dma_start3A_244] : memref<160x128xi32, #tpu.memory_space<vmem>> -> memref<1x128xi32, #tpu.memory_space<vmem>>
        %dma_start3A_246 = tpu.memref_squeeze %dma_start3A_245 : memref<1x128xi32, #tpu.memory_space<vmem>> -> memref<128xi32, #tpu.memory_space<vmem>>
        %dma_start3A_247 = arith.constant 0 : i32
        %dma_start3A_248 = arith.constant 0 : i32
        %dma_start3A_249 = tpu.memref_slice %arg2[%dma_start3A_247, %dma_start3A_248] : memref<20000x64xf32, #tpu.memory_space<hbm>> -> memref<20000x64xf32, #tpu.memory_space<hbm>>
        tpu.enqueue_indirect_dma source(%dma_start3A_249 : memref<20000x64xf32, #tpu.memory_space<hbm>>) target(%arg16 : memref<128x64xf32, #tpu.memory_space<vmem>>) offsets(%dma_start3A_246 : memref<128xi32, #tpu.memory_space<vmem>>) semaphore(%arg21 : memref<!tpu.dma_semaphore, #tpu.memory_space<semaphore_mem>>)
      } else {
      }
      %dma_wait3A_138 = arith.constant 0 : i32
      %dma_wait3A_139 = tpu.memref_slice %arg5[%arg1, %add3A_130, %dma_wait3A_138] : memref<16x160x128xf32, #tpu.memory_space<hbm>> -> memref<1x1x128xf32, #tpu.memory_space<hbm>>
      %dma_wait3A_140 = tpu.memref_squeeze %dma_wait3A_139 : memref<1x1x128xf32, #tpu.memory_space<hbm>> -> memref<128xf32, #tpu.memory_space<hbm>>
      %dma_wait3A_141 = arith.constant 0 : i32
      %dma_wait3A_142 = tpu.memref_slice %arg5[%arg1, %add3A_130, %dma_wait3A_141] : memref<16x160x128xf32, #tpu.memory_space<hbm>> -> memref<1x1x128xf32, #tpu.memory_space<hbm>>
      %dma_wait3A_143 = tpu.memref_squeeze %dma_wait3A_142 : memref<1x1x128xf32, #tpu.memory_space<hbm>> -> memref<128xf32, #tpu.memory_space<hbm>>
      tpu.wait_dma2 semaphore(%arg19 : memref<!tpu.dma_semaphore, #tpu.memory_space<semaphore_mem>>) src(%dma_wait3A_143 : memref<128xf32, #tpu.memory_space<hbm>>) dst(%arg10 : memref<128xf32, #tpu.memory_space<vmem>>)
      %dma_wait3A_144 = arith.constant 0 : i32
      %dma_wait3A_145 = tpu.memref_slice %arg7[%add3A_130, %dma_wait3A_144] : memref<160x128xi32, #tpu.memory_space<vmem>> -> memref<1x128xi32, #tpu.memory_space<vmem>>
      %dma_wait3A_146 = tpu.memref_squeeze %dma_wait3A_145 : memref<1x128xi32, #tpu.memory_space<vmem>> -> memref<128xi32, #tpu.memory_space<vmem>>
      %dma_wait3A_147 = arith.constant 0 : i32
      %dma_wait3A_148 = arith.constant 0 : i32
      %dma_wait3A_149 = tpu.memref_slice %arg2[%dma_wait3A_147, %dma_wait3A_148] : memref<20000x64xf32, #tpu.memory_space<hbm>> -> memref<20000x64xf32, #tpu.memory_space<hbm>>
      tpu.wait_indirect_dma semaphore(%arg19 : memref<!tpu.dma_semaphore, #tpu.memory_space<semaphore_mem>>) src(%dma_wait3A_149 : memref<20000x64xf32, #tpu.memory_space<hbm>>) dst(%arg14 : memref<128x64xf32, #tpu.memory_space<vmem>>)
      %scan3A_150 = arith.constant 0 : i32
      %scan3A_151 = arith.constant 0 : i32
      %scan3A_152 = arith.constant 8 : i32
      %scan3A_153 = arith.addi %scan3A_151, %scan3A_152 : i32
      %scan3A_154 = arith.constant 1 : i32
      scf.for %scan3A_232 = %scan3A_151 to %scan3A_153 step %scan3A_154  : i32 {
        %mul3A_233 = arith.constant 16 : i32
        %mul3A_234 = arith.muli %scan3A_232, %mul3A_233 : i32
        %get3A = arith.index_cast %mul3A_234 : i32 to index
        %get3A_235 = tpu.vector_load %arg10[%get3A] {strides = array<i32>} : memref<128xf32, #tpu.memory_space<vmem>>, vector<16xf32>,
        %get3A_236 = vector.shape_cast %get3A_235 : vector<16xf32> to vector<16xf32>
        %slice3A = vector.extract_strided_slice %get3A_236 {offsets = [0], sizes = [1], strides = [1]} : vector<16xf32> to vector<1xf32>
        %squeeze3A = vector.extract %slice3A[0] : f32 from vector<1xf32>
        %mul3A_237 = arith.constant 16 : i32
        %mul3A_238 = arith.muli %scan3A_232, %mul3A_237 : i32
        %add3A_239 = arith.constant 0 : i32
        %add3A_240 = arith.addi %mul3A_238, %add3A_239 : i32
        %get3A_241 = arith.index_cast %add3A_240 : i32 to index
        %get3A_242 = arith.constant 0 : index
        %get3A_243 = tpu.vector_load %arg14[%get3A_241, %get3A_242] {strides = array<i32>} : memref<128x64xf32, #tpu.memory_space<vmem>>, vector<1x16xf32>,
        %get3A_244 = vector.shape_cast %get3A_243 : vector<1x16xf32> to vector<16xf32>
        %mul3A_245 = vector.broadcast %squeeze3A : f32 to vector<16xf32>
        %mul3A_246 = arith.mulf %get3A_244, %mul3A_245 : vector<16xf32>
        %swap3A = arith.index_cast %add3A_240 : i32 to index
        %swap3A_247 = arith.constant 0 : index
        %swap3A_248 = tpu.vector_load %arg14[%swap3A, %swap3A_247] {strides = array<i32>} : memref<128x64xf32, #tpu.memory_space<vmem>>, vector<1x16xf32>,
        %swap3A_249 = vector.shape_cast %swap3A_248 : vector<1x16xf32> to vector<16xf32>
        %swap3A_250 = vector.shape_cast %mul3A_246 : vector<16xf32> to vector<1x16xf32>
        tpu.vector_store %arg14[%swap3A, %swap3A_247], %swap3A_250 {strides = array<i32>} : memref<128x64xf32, #tpu.memory_space<vmem>>, vector<1x16xf32>,
        %get3A_251 = arith.index_cast %add3A_240 : i32 to index
        %get3A_252 = arith.constant 16 : index
        %get3A_253 = tpu.vector_load %arg14[%get3A_251, %get3A_252] {strides = array<i32>} : memref<128x64xf32, #tpu.memory_space<vmem>>, vector<1x16xf32>,
        %get3A_254 = vector.shape_cast %get3A_253 : vector<1x16xf32> to vector<16xf32>
        %mul3A_255 = vector.broadcast %squeeze3A : f32 to vector<16xf32>
        %mul3A_256 = arith.mulf %get3A_254, %mul3A_255 : vector<16xf32>
        %swap3A_257 = arith.index_cast %add3A_240 : i32 to index
        %swap3A_258 = arith.constant 16 : index
        %swap3A_259 = tpu.vector_load %arg14[%swap3A_257, %swap3A_258] {strides = array<i32>} : memref<128x64xf32, #tpu.memory_space<vmem>>, vector<1x16xf32>,
        %swap3A_260 = vector.shape_cast %swap3A_259 : vector<1x16xf32> to vector<16xf32>
        %swap3A_261 = vector.shape_cast %mul3A_256 : vector<16xf32> to vector<1x16xf32>
        tpu.vector_store %arg14[%swap3A_257, %swap3A_258], %swap3A_261 {strides = array<i32>} : memref<128x64xf32, #tpu.memory_space<vmem>>, vector<1x16xf32>,
        %get3A_262 = arith.index_cast %add3A_240 : i32 to index
        %get3A_263 = arith.constant 32 : index
        %get3A_264 = tpu.vector_load %arg14[%get3A_262, %get3A_263] {strides = array<i32>} : memref<128x64xf32, #tpu.memory_space<vmem>>, vector<1x16xf32>,
        %get3A_265 = vector.shape_cast %get3A_264 : vector<1x16xf32> to vector<16xf32>
        %mul3A_266 = vector.broadcast %squeeze3A : f32 to vector<16xf32>
        %mul3A_267 = arith.mulf %get3A_265, %mul3A_266 : vector<16xf32>
        %swap3A_268 = arith.index_cast %add3A_240 : i32 to index
        %swap3A_269 = arith.constant 32 : index
        %swap3A_270 = tpu.vector_load %arg14[%swap3A_268, %swap3A_269] {strides = array<i32>} : memref<128x64xf32, #tpu.memory_space<vmem>>, vector<1x16xf32>,
        %swap3A_271 = vector.shape_cast %swap3A_270 : vector<1x16xf32> to vector<16xf32>
        %swap3A_272 = vector.shape_cast %mul3A_267 : vector<16xf32> to vector<1x16xf32>
        tpu.vector_store %arg14[%swap3A_268, %swap3A_269], %swap3A_272 {strides = array<i32>} : memref<128x64xf32, #tpu.memory_space<vmem>>, vector<1x16xf32>,
        %get3A_273 = arith.index_cast %add3A_240 : i32 to index
        %get3A_274 = arith.constant 48 : index
        %get3A_275 = tpu.vector_load %arg14[%get3A_273, %get3A_274] {strides = array<i32>} : memref<128x64xf32, #tpu.memory_space<vmem>>, vector<1x16xf32>,
        %get3A_276 = vector.shape_cast %get3A_275 : vector<1x16xf32> to vector<16xf32>
        %mul3A_277 = vector.broadcast %squeeze3A : f32 to vector<16xf32>
        %mul3A_278 = arith.mulf %get3A_276, %mul3A_277 : vector<16xf32>
        %swap3A_279 = arith.index_cast %add3A_240 : i32 to index
        %swap3A_280 = arith.constant 48 : index
        %swap3A_281 = tpu.vector_load %arg14[%swap3A_279, %swap3A_280] {strides = array<i32>} : memref<128x64xf32, #tpu.memory_space<vmem>>, vector<1x16xf32>,
        %swap3A_282 = vector.shape_cast %swap3A_281 : vector<1x16xf32> to vector<16xf32>
        %swap3A_283 = vector.shape_cast %mul3A_278 : vector<16xf32> to vector<1x16xf32>
        tpu.vector_store %arg14[%swap3A_279, %swap3A_280], %swap3A_283 {strides = array<i32>} : memref<128x64xf32, #tpu.memory_space<vmem>>, vector<1x16xf32>,
        %slice3A_284 = vector.extract_strided_slice %get3A_236 {offsets = [1], sizes = [1], strides = [1]} : vector<16xf32> to vector<1xf32>
        %squeeze3A_285 = vector.extract %slice3A_284[0] : f32 from vector<1xf32>
        %mul3A_286 = arith.constant 16 : i32
        %mul3A_287 = arith.muli %scan3A_232, %mul3A_286 : i32
        %add3A_288 = arith.constant 1 : i32
        %add3A_289 = arith.addi %mul3A_287, %add3A_288 : i32
        %get3A_290 = arith.index_cast %add3A_289 : i32 to index
        %get3A_291 = arith.constant 0 : index
        %get3A_292 = tpu.vector_load %arg14[%get3A_290, %get3A_291] {strides = array<i32>} : memref<128x64xf32, #tpu.memory_space<vmem>>, vector<1x16xf32>,
        %get3A_293 = vector.shape_cast %get3A_292 : vector<1x16xf32> to vector<16xf32>
        %mul3A_294 = vector.broadcast %squeeze3A_285 : f32 to vector<16xf32>
        %mul3A_295 = arith.mulf %get3A_293, %mul3A_294 : vector<16xf32>
        %swap3A_296 = arith.index_cast %add3A_289 : i32 to index
        %swap3A_297 = arith.constant 0 : index
        %swap3A_298 = tpu.vector_load %arg14[%swap3A_296, %swap3A_297] {strides = array<i32>} : memref<128x64xf32, #tpu.memory_space<vmem>>, vector<1x16xf32>,
        %swap3A_299 = vector.shape_cast %swap3A_298 : vector<1x16xf32> to vector<16xf32>
        %swap3A_300 = vector.shape_cast %mul3A_295 : vector<16xf32> to vector<1x16xf32>
        tpu.vector_store %arg14[%swap3A_296, %swap3A_297], %swap3A_300 {strides = array<i32>} : memref<128x64xf32, #tpu.memory_space<vmem>>, vector<1x16xf32>,
        %get3A_301 = arith.index_cast %add3A_289 : i32 to index
        %get3A_302 = arith.constant 16 : index
        %get3A_303 = tpu.vector_load %arg14[%get3A_301, %get3A_302] {strides = array<i32>} : memref<128x64xf32, #tpu.memory_space<vmem>>, vector<1x16xf32>,
        %get3A_304 = vector.shape_cast %get3A_303 : vector<1x16xf32> to vector<16xf32>
        %mul3A_305 = vector.broadcast %squeeze3A_285 : f32 to vector<16xf32>
        %mul3A_306 = arith.mulf %get3A_304, %mul3A_305 : vector<16xf32>
        %swap3A_307 = arith.index_cast %add3A_289 : i32 to index
        %swap3A_308 = arith.constant 16 : index
        %swap3A_309 = tpu.vector_load %arg14[%swap3A_307, %swap3A_308] {strides = array<i32>} : memref<128x64xf32, #tpu.memory_space<vmem>>, vector<1x16xf32>,
        %swap3A_310 = vector.shape_cast %swap3A_309 : vector<1x16xf32> to vector<16xf32>
        %swap3A_311 = vector.shape_cast %mul3A_306 : vector<16xf32> to vector<1x16xf32>
        tpu.vector_store %arg14[%swap3A_307, %swap3A_308], %swap3A_311 {strides = array<i32>} : memref<128x64xf32, #tpu.memory_space<vmem>>, vector<1x16xf32>,
        %get3A_312 = arith.index_cast %add3A_289 : i32 to index
        %get3A_313 = arith.constant 32 : index
        %get3A_314 = tpu.vector_load %arg14[%get3A_312, %get3A_313] {strides = array<i32>} : memref<128x64xf32, #tpu.memory_space<vmem>>, vector<1x16xf32>,
        %get3A_315 = vector.shape_cast %get3A_314 : vector<1x16xf32> to vector<16xf32>
        %mul3A_316 = vector.broadcast %squeeze3A_285 : f32 to vector<16xf32>
        %mul3A_317 = arith.mulf %get3A_315, %mul3A_316 : vector<16xf32>
        %swap3A_318 = arith.index_cast %add3A_289 : i32 to index
        %swap3A_319 = arith.constant 32 : index
        %swap3A_320 = tpu.vector_load %arg14[%swap3A_318, %swap3A_319] {strides = array<i32>} : memref<128x64xf32, #tpu.memory_space<vmem>>, vector<1x16xf32>,
        %swap3A_321 = vector.shape_cast %swap3A_320 : vector<1x16xf32> to vector<16xf32>
        %swap3A_322 = vector.shape_cast %mul3A_317 : vector<16xf32> to vector<1x16xf32>
        tpu.vector_store %arg14[%swap3A_318, %swap3A_319], %swap3A_322 {strides = array<i32>} : memref<128x64xf32, #tpu.memory_space<vmem>>, vector<1x16xf32>,
        %get3A_323 = arith.index_cast %add3A_289 : i32 to index
        %get3A_324 = arith.constant 48 : index
        %get3A_325 = tpu.vector_load %arg14[%get3A_323, %get3A_324] {strides = array<i32>} : memref<128x64xf32, #tpu.memory_space<vmem>>, vector<1x16xf32>,
        %get3A_326 = vector.shape_cast %get3A_325 : vector<1x16xf32> to vector<16xf32>
        %mul3A_327 = vector.broadcast %squeeze3A_285 : f32 to vector<16xf32>
        %mul3A_328 = arith.mulf %get3A_326, %mul3A_327 : vector<16xf32>
        %swap3A_329 = arith.index_cast %add3A_289 : i32 to index
        %swap3A_330 = arith.constant 48 : index
        %swap3A_331 = tpu.vector_load %arg14[%swap3A_329, %swap3A_330] {strides = array<i32>} : memref<128x64xf32, #tpu.memory_space<vmem>>, vector<1x16xf32>,
        %swap3A_332 = vector.shape_cast %swap3A_331 : vector<1x16xf32> to vector<16xf32>
        %swap3A_333 = vector.shape_cast %mul3A_328 : vector<16xf32> to vector<1x16xf32>
        tpu.vector_store %arg14[%swap3A_329, %swap3A_330], %swap3A_333 {strides = array<i32>} : memref<128x64xf32, #tpu.memory_space<vmem>>, vector<1x16xf32>,
        %slice3A_334 = vector.extract_strided_slice %get3A_236 {offsets = [2], sizes = [1], strides = [1]} : vector<16xf32> to vector<1xf32>
        %squeeze3A_335 = vector.extract %slice3A_334[0] : f32 from vector<1xf32>
        %mul3A_336 = arith.constant 16 : i32
        %mul3A_337 = arith.muli %scan3A_232, %mul3A_336 : i32
        %add3A_338 = arith.constant 2 : i32
        %add3A_339 = arith.addi %mul3A_337, %add3A_338 : i32
        %get3A_340 = arith.index_cast %add3A_339 : i32 to index
        %get3A_341 = arith.constant 0 : index
        %get3A_342 = tpu.vector_load %arg14[%get3A_340, %get3A_341] {strides = array<i32>} : memref<128x64xf32, #tpu.memory_space<vmem>>, vector<1x16xf32>,
        %get3A_343 = vector.shape_cast %get3A_342 : vector<1x16xf32> to vector<16xf32>
        %mul3A_344 = vector.broadcast %squeeze3A_335 : f32 to vector<16xf32>
        %mul3A_345 = arith.mulf %get3A_343, %mul3A_344 : vector<16xf32>
        %swap3A_346 = arith.index_cast %add3A_339 : i32 to index
        %swap3A_347 = arith.constant 0 : index
        %swap3A_348 = tpu.vector_load %arg14[%swap3A_346, %swap3A_347] {strides = array<i32>} : memref<128x64xf32, #tpu.memory_space<vmem>>, vector<1x16xf32>,
        %swap3A_349 = vector.shape_cast %swap3A_348 : vector<1x16xf32> to vector<16xf32>
        %swap3A_350 = vector.shape_cast %mul3A_345 : vector<16xf32> to vector<1x16xf32>
        tpu.vector_store %arg14[%swap3A_346, %swap3A_347], %swap3A_350 {strides = array<i32>} : memref<128x64xf32, #tpu.memory_space<vmem>>, vector<1x16xf32>,
        %get3A_351 = arith.index_cast %add3A_339 : i32 to index
        %get3A_352 = arith.constant 16 : index
        %get3A_353 = tpu.vector_load %arg14[%get3A_351, %get3A_352] {strides = array<i32>} : memref<128x64xf32, #tpu.memory_space<vmem>>, vector<1x16xf32>,
        %get3A_354 = vector.shape_cast %get3A_353 : vector<1x16xf32> to vector<16xf32>
        %mul3A_355 = vector.broadcast %squeeze3A_335 : f32 to vector<16xf32>
        %mul3A_356 = arith.mulf %get3A_354, %mul3A_355 : vector<16xf32>
        %swap3A_357 = arith.index_cast %add3A_339 : i32 to index
        %swap3A_358 = arith.constant 16 : index
        %swap3A_359 = tpu.vector_load %arg14[%swap3A_357, %swap3A_358] {strides = array<i32>} : memref<128x64xf32, #tpu.memory_space<vmem>>, vector<1x16xf32>,
        %swap3A_360 = vector.shape_cast %swap3A_359 : vector<1x16xf32> to vector<16xf32>
        %swap3A_361 = vector.shape_cast %mul3A_356 : vector<16xf32> to vector<1x16xf32>
        tpu.vector_store %arg14[%swap3A_357, %swap3A_358], %swap3A_361 {strides = array<i32>} : memref<128x64xf32, #tpu.memory_space<vmem>>, vector<1x16xf32>,
        %get3A_362 = arith.index_cast %add3A_339 : i32 to index
        %get3A_363 = arith.constant 32 : index
        %get3A_364 = tpu.vector_load %arg14[%get3A_362, %get3A_363] {strides = array<i32>} : memref<128x64xf32, #tpu.memory_space<vmem>>, vector<1x16xf32>,
        %get3A_365 = vector.shape_cast %get3A_364 : vector<1x16xf32> to vector<16xf32>
        %mul3A_366 = vector.broadcast %squeeze3A_335 : f32 to vector<16xf32>
        %mul3A_367 = arith.mulf %get3A_365, %mul3A_366 : vector<16xf32>
        %swap3A_368 = arith.index_cast %add3A_339 : i32 to index
        %swap3A_369 = arith.constant 32 : index
        %swap3A_370 = tpu.vector_load %arg14[%swap3A_368, %swap3A_369] {strides = array<i32>} : memref<128x64xf32, #tpu.memory_space<vmem>>, vector<1x16xf32>,
        %swap3A_371 = vector.shape_cast %swap3A_370 : vector<1x16xf32> to vector<16xf32>
        %swap3A_372 = vector.shape_cast %mul3A_367 : vector<16xf32> to vector<1x16xf32>
        tpu.vector_store %arg14[%swap3A_368, %swap3A_369], %swap3A_372 {strides = array<i32>} : memref<128x64xf32, #tpu.memory_space<vmem>>, vector<1x16xf32>,
        %get3A_373 = arith.index_cast %add3A_339 : i32 to index
        %get3A_374 = arith.constant 48 : index
        %get3A_375 = tpu.vector_load %arg14[%get3A_373, %get3A_374] {strides = array<i32>} : memref<128x64xf32, #tpu.memory_space<vmem>>, vector<1x16xf32>,
        %get3A_376 = vector.shape_cast %get3A_375 : vector<1x16xf32> to vector<16xf32>
        %mul3A_377 = vector.broadcast %squeeze3A_335 : f32 to vector<16xf32>
        %mul3A_378 = arith.mulf %get3A_376, %mul3A_377 : vector<16xf32>
        %swap3A_379 = arith.index_cast %add3A_339 : i32 to index
        %swap3A_380 = arith.constant 48 : index
        %swap3A_381 = tpu.vector_load %arg14[%swap3A_379, %swap3A_380] {strides = array<i32>} : memref<128x64xf32, #tpu.memory_space<vmem>>, vector<1x16xf32>,
        %swap3A_382 = vector.shape_cast %swap3A_381 : vector<1x16xf32> to vector<16xf32>
        %swap3A_383 = vector.shape_cast %mul3A_378 : vector<16xf32> to vector<1x16xf32>
        tpu.vector_store %arg14[%swap3A_379, %swap3A_380], %swap3A_383 {strides = array<i32>} : memref<128x64xf32, #tpu.memory_space<vmem>>, vector<1x16xf32>,
        %slice3A_384 = vector.extract_strided_slice %get3A_236 {offsets = [3], sizes = [1], strides = [1]} : vector<16xf32> to vector<1xf32>
        %squeeze3A_385 = vector.extract %slice3A_384[0] : f32 from vector<1xf32>
        %mul3A_386 = arith.constant 16 : i32
        %mul3A_387 = arith.muli %scan3A_232, %mul3A_386 : i32
        %add3A_388 = arith.constant 3 : i32
        %add3A_389 = arith.addi %mul3A_387, %add3A_388 : i32
        %get3A_390 = arith.index_cast %add3A_389 : i32 to index
        %get3A_391 = arith.constant 0 : index
        %get3A_392 = tpu.vector_load %arg14[%get3A_390, %get3A_391] {strides = array<i32>} : memref<128x64xf32, #tpu.memory_space<vmem>>, vector<1x16xf32>,
        %get3A_393 = vector.shape_cast %get3A_392 : vector<1x16xf32> to vector<16xf32>
        %mul3A_394 = vector.broadcast %squeeze3A_385 : f32 to vector<16xf32>
        %mul3A_395 = arith.mulf %get3A_393, %mul3A_394 : vector<16xf32>
        %swap3A_396 = arith.index_cast %add3A_389 : i32 to index
        %swap3A_397 = arith.constant 0 : index
        %swap3A_398 = tpu.vector_load %arg14[%swap3A_396, %swap3A_397] {strides = array<i32>} : memref<128x64xf32, #tpu.memory_space<vmem>>, vector<1x16xf32>,
        %swap3A_399 = vector.shape_cast %swap3A_398 : vector<1x16xf32> to vector<16xf32>
        %swap3A_400 = vector.shape_cast %mul3A_395 : vector<16xf32> to vector<1x16xf32>
        tpu.vector_store %arg14[%swap3A_396, %swap3A_397], %swap3A_400 {strides = array<i32>} : memref<128x64xf32, #tpu.memory_space<vmem>>, vector<1x16xf32>,
        %get3A_401 = arith.index_cast %add3A_389 : i32 to index
        %get3A_402 = arith.constant 16 : index
        %get3A_403 = tpu.vector_load %arg14[%get3A_401, %get3A_402] {strides = array<i32>} : memref<128x64xf32, #tpu.memory_space<vmem>>, vector<1x16xf32>,
        %get3A_404 = vector.shape_cast %get3A_403 : vector<1x16xf32> to vector<16xf32>
        %mul3A_405 = vector.broadcast %squeeze3A_385 : f32 to vector<16xf32>
        %mul3A_406 = arith.mulf %get3A_404, %mul3A_405 : vector<16xf32>
        %swap3A_407 = arith.index_cast %add3A_389 : i32 to index
        %swap3A_408 = arith.constant 16 : index
        %swap3A_409 = tpu.vector_load %arg14[%swap3A_407, %swap3A_408] {strides = array<i32>} : memref<128x64xf32, #tpu.memory_space<vmem>>, vector<1x16xf32>,
        %swap3A_410 = vector.shape_cast %swap3A_409 : vector<1x16xf32> to vector<16xf32>
        %swap3A_411 = vector.shape_cast %mul3A_406 : vector<16xf32> to vector<1x16xf32>
        tpu.vector_store %arg14[%swap3A_407, %swap3A_408], %swap3A_411 {strides = array<i32>} : memref<128x64xf32, #tpu.memory_space<vmem>>, vector<1x16xf32>,
        %get3A_412 = arith.index_cast %add3A_389 : i32 to index
        %get3A_413 = arith.constant 32 : index
        %get3A_414 = tpu.vector_load %arg14[%get3A_412, %get3A_413] {strides = array<i32>} : memref<128x64xf32, #tpu.memory_space<vmem>>, vector<1x16xf32>,
        %get3A_415 = vector.shape_cast %get3A_414 : vector<1x16xf32> to vector<16xf32>
        %mul3A_416 = vector.broadcast %squeeze3A_385 : f32 to vector<16xf32>
        %mul3A_417 = arith.mulf %get3A_415, %mul3A_416 : vector<16xf32>
        %swap3A_418 = arith.index_cast %add3A_389 : i32 to index
        %swap3A_419 = arith.constant 32 : index
        %swap3A_420 = tpu.vector_load %arg14[%swap3A_418, %swap3A_419] {strides = array<i32>} : memref<128x64xf32, #tpu.memory_space<vmem>>, vector<1x16xf32>,
        %swap3A_421 = vector.shape_cast %swap3A_420 : vector<1x16xf32> to vector<16xf32>
        %swap3A_422 = vector.shape_cast %mul3A_417 : vector<16xf32> to vector<1x16xf32>
        tpu.vector_store %arg14[%swap3A_418, %swap3A_419], %swap3A_422 {strides = array<i32>} : memref<128x64xf32, #tpu.memory_space<vmem>>, vector<1x16xf32>,
        %get3A_423 = arith.index_cast %add3A_389 : i32 to index
        %get3A_424 = arith.constant 48 : index
        %get3A_425 = tpu.vector_load %arg14[%get3A_423, %get3A_424] {strides = array<i32>} : memref<128x64xf32, #tpu.memory_space<vmem>>, vector<1x16xf32>,
        %get3A_426 = vector.shape_cast %get3A_425 : vector<1x16xf32> to vector<16xf32>
        %mul3A_427 = vector.broadcast %squeeze3A_385 : f32 to vector<16xf32>
        %mul3A_428 = arith.mulf %get3A_426, %mul3A_427 : vector<16xf32>
        %swap3A_429 = arith.index_cast %add3A_389 : i32 to index
        %swap3A_430 = arith.constant 48 : index
        %swap3A_431 = tpu.vector_load %arg14[%swap3A_429, %swap3A_430] {strides = array<i32>} : memref<128x64xf32, #tpu.memory_space<vmem>>, vector<1x16xf32>,
        %swap3A_432 = vector.shape_cast %swap3A_431 : vector<1x16xf32> to vector<16xf32>
        %swap3A_433 = vector.shape_cast %mul3A_428 : vector<16xf32> to vector<1x16xf32>
        tpu.vector_store %arg14[%swap3A_429, %swap3A_430], %swap3A_433 {strides = array<i32>} : memref<128x64xf32, #tpu.memory_space<vmem>>, vector<1x16xf32>,
        %slice3A_434 = vector.extract_strided_slice %get3A_236 {offsets = [4], sizes = [1], strides = [1]} : vector<16xf32> to vector<1xf32>
        %squeeze3A_435 = vector.extract %slice3A_434[0] : f32 from vector<1xf32>
        %mul3A_436 = arith.constant 16 : i32
        %mul3A_437 = arith.muli %scan3A_232, %mul3A_436 : i32
        %add3A_438 = arith.constant 4 : i32
        %add3A_439 = arith.addi %mul3A_437, %add3A_438 : i32
        %get3A_440 = arith.index_cast %add3A_439 : i32 to index
        %get3A_441 = arith.constant 0 : index
        %get3A_442 = tpu.vector_load %arg14[%get3A_440, %get3A_441] {strides = array<i32>} : memref<128x64xf32, #tpu.memory_space<vmem>>, vector<1x16xf32>,
        %get3A_443 = vector.shape_cast %get3A_442 : vector<1x16xf32> to vector<16xf32>
        %mul3A_444 = vector.broadcast %squeeze3A_435 : f32 to vector<16xf32>
        %mul3A_445 = arith.mulf %get3A_443, %mul3A_444 : vector<16xf32>
        %swap3A_446 = arith.index_cast %add3A_439 : i32 to index
        %swap3A_447 = arith.constant 0 : index
        %swap3A_448 = tpu.vector_load %arg14[%swap3A_446, %swap3A_447] {strides = array<i32>} : memref<128x64xf32, #tpu.memory_space<vmem>>, vector<1x16xf32>,
        %swap3A_449 = vector.shape_cast %swap3A_448 : vector<1x16xf32> to vector<16xf32>
        %swap3A_450 = vector.shape_cast %mul3A_445 : vector<16xf32> to vector<1x16xf32>
        tpu.vector_store %arg14[%swap3A_446, %swap3A_447], %swap3A_450 {strides = array<i32>} : memref<128x64xf32, #tpu.memory_space<vmem>>, vector<1x16xf32>,
        %get3A_451 = arith.index_cast %add3A_439 : i32 to index
        %get3A_452 = arith.constant 16 : index
        %get3A_453 = tpu.vector_load %arg14[%get3A_451, %get3A_452] {strides = array<i32>} : memref<128x64xf32, #tpu.memory_space<vmem>>, vector<1x16xf32>,
        %get3A_454 = vector.shape_cast %get3A_453 : vector<1x16xf32> to vector<16xf32>
        %mul3A_455 = vector.broadcast %squeeze3A_435 : f32 to vector<16xf32>
        %mul3A_456 = arith.mulf %get3A_454, %mul3A_455 : vector<16xf32>
        %swap3A_457 = arith.index_cast %add3A_439 : i32 to index
        %swap3A_458 = arith.constant 16 : index
        %swap3A_459 = tpu.vector_load %arg14[%swap3A_457, %swap3A_458] {strides = array<i32>} : memref<128x64xf32, #tpu.memory_space<vmem>>, vector<1x16xf32>,
        %swap3A_460 = vector.shape_cast %swap3A_459 : vector<1x16xf32> to vector<16xf32>
        %swap3A_461 = vector.shape_cast %mul3A_456 : vector<16xf32> to vector<1x16xf32>
        tpu.vector_store %arg14[%swap3A_457, %swap3A_458], %swap3A_461 {strides = array<i32>} : memref<128x64xf32, #tpu.memory_space<vmem>>, vector<1x16xf32>,
        %get3A_462 = arith.index_cast %add3A_439 : i32 to index
        %get3A_463 = arith.constant 32 : index
        %get3A_464 = tpu.vector_load %arg14[%get3A_462, %get3A_463] {strides = array<i32>} : memref<128x64xf32, #tpu.memory_space<vmem>>, vector<1x16xf32>,
        %get3A_465 = vector.shape_cast %get3A_464 : vector<1x16xf32> to vector<16xf32>
        %mul3A_466 = vector.broadcast %squeeze3A_435 : f32 to vector<16xf32>
        %mul3A_467 = arith.mulf %get3A_465, %mul3A_466 : vector<16xf32>
        %swap3A_468 = arith.index_cast %add3A_439 : i32 to index
        %swap3A_469 = arith.constant 32 : index
        %swap3A_470 = tpu.vector_load %arg14[%swap3A_468, %swap3A_469] {strides = array<i32>} : memref<128x64xf32, #tpu.memory_space<vmem>>, vector<1x16xf32>,
        %swap3A_471 = vector.shape_cast %swap3A_470 : vector<1x16xf32> to vector<16xf32>
        %swap3A_472 = vector.shape_cast %mul3A_467 : vector<16xf32> to vector<1x16xf32>
        tpu.vector_store %arg14[%swap3A_468, %swap3A_469], %swap3A_472 {strides = array<i32>} : memref<128x64xf32, #tpu.memory_space<vmem>>, vector<1x16xf32>,
        %get3A_473 = arith.index_cast %add3A_439 : i32 to index
        %get3A_474 = arith.constant 48 : index
        %get3A_475 = tpu.vector_load %arg14[%get3A_473, %get3A_474] {strides = array<i32>} : memref<128x64xf32, #tpu.memory_space<vmem>>, vector<1x16xf32>,
        %get3A_476 = vector.shape_cast %get3A_475 : vector<1x16xf32> to vector<16xf32>
        %mul3A_477 = vector.broadcast %squeeze3A_435 : f32 to vector<16xf32>
        %mul3A_478 = arith.mulf %get3A_476, %mul3A_477 : vector<16xf32>
        %swap3A_479 = arith.index_cast %add3A_439 : i32 to index
        %swap3A_480 = arith.constant 48 : index
        %swap3A_481 = tpu.vector_load %arg14[%swap3A_479, %swap3A_480] {strides = array<i32>} : memref<128x64xf32, #tpu.memory_space<vmem>>, vector<1x16xf32>,
        %swap3A_482 = vector.shape_cast %swap3A_481 : vector<1x16xf32> to vector<16xf32>
        %swap3A_483 = vector.shape_cast %mul3A_478 : vector<16xf32> to vector<1x16xf32>
        tpu.vector_store %arg14[%swap3A_479, %swap3A_480], %swap3A_483 {strides = array<i32>} : memref<128x64xf32, #tpu.memory_space<vmem>>, vector<1x16xf32>,
        %slice3A_484 = vector.extract_strided_slice %get3A_236 {offsets = [5], sizes = [1], strides = [1]} : vector<16xf32> to vector<1xf32>
        %squeeze3A_485 = vector.extract %slice3A_484[0] : f32 from vector<1xf32>
        %mul3A_486 = arith.constant 16 : i32
        %mul3A_487 = arith.muli %scan3A_232, %mul3A_486 : i32
        %add3A_488 = arith.constant 5 : i32
        %add3A_489 = arith.addi %mul3A_487, %add3A_488 : i32
        %get3A_490 = arith.index_cast %add3A_489 : i32 to index
        %get3A_491 = arith.constant 0 : index
        %get3A_492 = tpu.vector_load %arg14[%get3A_490, %get3A_491] {strides = array<i32>} : memref<128x64xf32, #tpu.memory_space<vmem>>, vector<1x16xf32>,
        %get3A_493 = vector.shape_cast %get3A_492 : vector<1x16xf32> to vector<16xf32>
        %mul3A_494 = vector.broadcast %squeeze3A_485 : f32 to vector<16xf32>
        %mul3A_495 = arith.mulf %get3A_493, %mul3A_494 : vector<16xf32>
        %swap3A_496 = arith.index_cast %add3A_489 : i32 to index
        %swap3A_497 = arith.constant 0 : index
        %swap3A_498 = tpu.vector_load %arg14[%swap3A_496, %swap3A_497] {strides = array<i32>} : memref<128x64xf32, #tpu.memory_space<vmem>>, vector<1x16xf32>,
        %swap3A_499 = vector.shape_cast %swap3A_498 : vector<1x16xf32> to vector<16xf32>
        %swap3A_500 = vector.shape_cast %mul3A_495 : vector<16xf32> to vector<1x16xf32>
        tpu.vector_store %arg14[%swap3A_496, %swap3A_497], %swap3A_500 {strides = array<i32>} : memref<128x64xf32, #tpu.memory_space<vmem>>, vector<1x16xf32>,
        %get3A_501 = arith.index_cast %add3A_489 : i32 to index
        %get3A_502 = arith.constant 16 : index
        %get3A_503 = tpu.vector_load %arg14[%get3A_501, %get3A_502] {strides = array<i32>} : memref<128x64xf32, #tpu.memory_space<vmem>>, vector<1x16xf32>,
        %get3A_504 = vector.shape_cast %get3A_503 : vector<1x16xf32> to vector<16xf32>
        %mul3A_505 = vector.broadcast %squeeze3A_485 : f32 to vector<16xf32>
        %mul3A_506 = arith.mulf %get3A_504, %mul3A_505 : vector<16xf32>
        %swap3A_507 = arith.index_cast %add3A_489 : i32 to index
        %swap3A_508 = arith.constant 16 : index
        %swap3A_509 = tpu.vector_load %arg14[%swap3A_507, %swap3A_508] {strides = array<i32>} : memref<128x64xf32, #tpu.memory_space<vmem>>, vector<1x16xf32>,
        %swap3A_510 = vector.shape_cast %swap3A_509 : vector<1x16xf32> to vector<16xf32>
        %swap3A_511 = vector.shape_cast %mul3A_506 : vector<16xf32> to vector<1x16xf32>
        tpu.vector_store %arg14[%swap3A_507, %swap3A_508], %swap3A_511 {strides = array<i32>} : memref<128x64xf32, #tpu.memory_space<vmem>>, vector<1x16xf32>,
        %get3A_512 = arith.index_cast %add3A_489 : i32 to index
        %get3A_513 = arith.constant 32 : index
        %get3A_514 = tpu.vector_load %arg14[%get3A_512, %get3A_513] {strides = array<i32>} : memref<128x64xf32, #tpu.memory_space<vmem>>, vector<1x16xf32>,
        %get3A_515 = vector.shape_cast %get3A_514 : vector<1x16xf32> to vector<16xf32>
        %mul3A_516 = vector.broadcast %squeeze3A_485 : f32 to vector<16xf32>
        %mul3A_517 = arith.mulf %get3A_515, %mul3A_516 : vector<16xf32>
        %swap3A_518 = arith.index_cast %add3A_489 : i32 to index
        %swap3A_519 = arith.constant 32 : index
        %swap3A_520 = tpu.vector_load %arg14[%swap3A_518, %swap3A_519] {strides = array<i32>} : memref<128x64xf32, #tpu.memory_space<vmem>>, vector<1x16xf32>,
        %swap3A_521 = vector.shape_cast %swap3A_520 : vector<1x16xf32> to vector<16xf32>
        %swap3A_522 = vector.shape_cast %mul3A_517 : vector<16xf32> to vector<1x16xf32>
        tpu.vector_store %arg14[%swap3A_518, %swap3A_519], %swap3A_522 {strides = array<i32>} : memref<128x64xf32, #tpu.memory_space<vmem>>, vector<1x16xf32>,
        %get3A_523 = arith.index_cast %add3A_489 : i32 to index
        %get3A_524 = arith.constant 48 : index
        %get3A_525 = tpu.vector_load %arg14[%get3A_523, %get3A_524] {strides = array<i32>} : memref<128x64xf32, #tpu.memory_space<vmem>>, vector<1x16xf32>,
        %get3A_526 = vector.shape_cast %get3A_525 : vector<1x16xf32> to vector<16xf32>
        %mul3A_527 = vector.broadcast %squeeze3A_485 : f32 to vector<16xf32>
        %mul3A_528 = arith.mulf %get3A_526, %mul3A_527 : vector<16xf32>
        %swap3A_529 = arith.index_cast %add3A_489 : i32 to index
        %swap3A_530 = arith.constant 48 : index
        %swap3A_531 = tpu.vector_load %arg14[%swap3A_529, %swap3A_530] {strides = array<i32>} : memref<128x64xf32, #tpu.memory_space<vmem>>, vector<1x16xf32>,
        %swap3A_532 = vector.shape_cast %swap3A_531 : vector<1x16xf32> to vector<16xf32>
        %swap3A_533 = vector.shape_cast %mul3A_528 : vector<16xf32> to vector<1x16xf32>
        tpu.vector_store %arg14[%swap3A_529, %swap3A_530], %swap3A_533 {strides = array<i32>} : memref<128x64xf32, #tpu.memory_space<vmem>>, vector<1x16xf32>,
        %slice3A_534 = vector.extract_strided_slice %get3A_236 {offsets = [6], sizes = [1], strides = [1]} : vector<16xf32> to vector<1xf32>
        %squeeze3A_535 = vector.extract %slice3A_534[0] : f32 from vector<1xf32>
        %mul3A_536 = arith.constant 16 : i32
        %mul3A_537 = arith.muli %scan3A_232, %mul3A_536 : i32
        %add3A_538 = arith.constant 6 : i32
        %add3A_539 = arith.addi %mul3A_537, %add3A_538 : i32
        %get3A_540 = arith.index_cast %add3A_539 : i32 to index
        %get3A_541 = arith.constant 0 : index
        %get3A_542 = tpu.vector_load %arg14[%get3A_540, %get3A_541] {strides = array<i32>} : memref<128x64xf32, #tpu.memory_space<vmem>>, vector<1x16xf32>,
        %get3A_543 = vector.shape_cast %get3A_542 : vector<1x16xf32> to vector<16xf32>
        %mul3A_544 = vector.broadcast %squeeze3A_535 : f32 to vector<16xf32>
        %mul3A_545 = arith.mulf %get3A_543, %mul3A_544 : vector<16xf32>
        %swap3A_546 = arith.index_cast %add3A_539 : i32 to index
        %swap3A_547 = arith.constant 0 : index
        %swap3A_548 = tpu.vector_load %arg14[%swap3A_546, %swap3A_547] {strides = array<i32>} : memref<128x64xf32, #tpu.memory_space<vmem>>, vector<1x16xf32>,
        %swap3A_549 = vector.shape_cast %swap3A_548 : vector<1x16xf32> to vector<16xf32>
        %swap3A_550 = vector.shape_cast %mul3A_545 : vector<16xf32> to vector<1x16xf32>
        tpu.vector_store %arg14[%swap3A_546, %swap3A_547], %swap3A_550 {strides = array<i32>} : memref<128x64xf32, #tpu.memory_space<vmem>>, vector<1x16xf32>,
        %get3A_551 = arith.index_cast %add3A_539 : i32 to index
        %get3A_552 = arith.constant 16 : index
        %get3A_553 = tpu.vector_load %arg14[%get3A_551, %get3A_552] {strides = array<i32>} : memref<128x64xf32, #tpu.memory_space<vmem>>, vector<1x16xf32>,
        %get3A_554 = vector.shape_cast %get3A_553 : vector<1x16xf32> to vector<16xf32>
        %mul3A_555 = vector.broadcast %squeeze3A_535 : f32 to vector<16xf32>
        %mul3A_556 = arith.mulf %get3A_554, %mul3A_555 : vector<16xf32>
        %swap3A_557 = arith.index_cast %add3A_539 : i32 to index
        %swap3A_558 = arith.constant 16 : index
        %swap3A_559 = tpu.vector_load %arg14[%swap3A_557, %swap3A_558] {strides = array<i32>} : memref<128x64xf32, #tpu.memory_space<vmem>>, vector<1x16xf32>,
        %swap3A_560 = vector.shape_cast %swap3A_559 : vector<1x16xf32> to vector<16xf32>
        %swap3A_561 = vector.shape_cast %mul3A_556 : vector<16xf32> to vector<1x16xf32>
        tpu.vector_store %arg14[%swap3A_557, %swap3A_558], %swap3A_561 {strides = array<i32>} : memref<128x64xf32, #tpu.memory_space<vmem>>, vector<1x16xf32>,
        %get3A_562 = arith.index_cast %add3A_539 : i32 to index
        %get3A_563 = arith.constant 32 : index
        %get3A_564 = tpu.vector_load %arg14[%get3A_562, %get3A_563] {strides = array<i32>} : memref<128x64xf32, #tpu.memory_space<vmem>>, vector<1x16xf32>,
        %get3A_565 = vector.shape_cast %get3A_564 : vector<1x16xf32> to vector<16xf32>
        %mul3A_566 = vector.broadcast %squeeze3A_535 : f32 to vector<16xf32>
        %mul3A_567 = arith.mulf %get3A_565, %mul3A_566 : vector<16xf32>
        %swap3A_568 = arith.index_cast %add3A_539 : i32 to index
        %swap3A_569 = arith.constant 32 : index
        %swap3A_570 = tpu.vector_load %arg14[%swap3A_568, %swap3A_569] {strides = array<i32>} : memref<128x64xf32, #tpu.memory_space<vmem>>, vector<1x16xf32>,
        %swap3A_571 = vector.shape_cast %swap3A_570 : vector<1x16xf32> to vector<16xf32>
        %swap3A_572 = vector.shape_cast %mul3A_567 : vector<16xf32> to vector<1x16xf32>
        tpu.vector_store %arg14[%swap3A_568, %swap3A_569], %swap3A_572 {strides = array<i32>} : memref<128x64xf32, #tpu.memory_space<vmem>>, vector<1x16xf32>,
        %get3A_573 = arith.index_cast %add3A_539 : i32 to index
        %get3A_574 = arith.constant 48 : index
        %get3A_575 = tpu.vector_load %arg14[%get3A_573, %get3A_574] {strides = array<i32>} : memref<128x64xf32, #tpu.memory_space<vmem>>, vector<1x16xf32>,
        %get3A_576 = vector.shape_cast %get3A_575 : vector<1x16xf32> to vector<16xf32>
        %mul3A_577 = vector.broadcast %squeeze3A_535 : f32 to vector<16xf32>
        %mul3A_578 = arith.mulf %get3A_576, %mul3A_577 : vector<16xf32>
        %swap3A_579 = arith.index_cast %add3A_539 : i32 to index
        %swap3A_580 = arith.constant 48 : index
        %swap3A_581 = tpu.vector_load %arg14[%swap3A_579, %swap3A_580] {strides = array<i32>} : memref<128x64xf32, #tpu.memory_space<vmem>>, vector<1x16xf32>,
        %swap3A_582 = vector.shape_cast %swap3A_581 : vector<1x16xf32> to vector<16xf32>
        %swap3A_583 = vector.shape_cast %mul3A_578 : vector<16xf32> to vector<1x16xf32>
        tpu.vector_store %arg14[%swap3A_579, %swap3A_580], %swap3A_583 {strides = array<i32>} : memref<128x64xf32, #tpu.memory_space<vmem>>, vector<1x16xf32>,
        %slice3A_584 = vector.extract_strided_slice %get3A_236 {offsets = [7], sizes = [1], strides = [1]} : vector<16xf32> to vector<1xf32>
        %squeeze3A_585 = vector.extract %slice3A_584[0] : f32 from vector<1xf32>
        %mul3A_586 = arith.constant 16 : i32
        %mul3A_587 = arith.muli %scan3A_232, %mul3A_586 : i32
        %add3A_588 = arith.constant 7 : i32
        %add3A_589 = arith.addi %mul3A_587, %add3A_588 : i32
        %get3A_590 = arith.index_cast %add3A_589 : i32 to index
        %get3A_591 = arith.constant 0 : index
        %get3A_592 = tpu.vector_load %arg14[%get3A_590, %get3A_591] {strides = array<i32>} : memref<128x64xf32, #tpu.memory_space<vmem>>, vector<1x16xf32>,
        %get3A_593 = vector.shape_cast %get3A_592 : vector<1x16xf32> to vector<16xf32>
        %mul3A_594 = vector.broadcast %squeeze3A_585 : f32 to vector<16xf32>
        %mul3A_595 = arith.mulf %get3A_593, %mul3A_594 : vector<16xf32>
        %swap3A_596 = arith.index_cast %add3A_589 : i32 to index
        %swap3A_597 = arith.constant 0 : index
        %swap3A_598 = tpu.vector_load %arg14[%swap3A_596, %swap3A_597] {strides = array<i32>} : memref<128x64xf32, #tpu.memory_space<vmem>>, vector<1x16xf32>,
        %swap3A_599 = vector.shape_cast %swap3A_598 : vector<1x16xf32> to vector<16xf32>
        %swap3A_600 = vector.shape_cast %mul3A_595 : vector<16xf32> to vector<1x16xf32>
        tpu.vector_store %arg14[%swap3A_596, %swap3A_597], %swap3A_600 {strides = array<i32>} : memref<128x64xf32, #tpu.memory_space<vmem>>, vector<1x16xf32>,
        %get3A_601 = arith.index_cast %add3A_589 : i32 to index
        %get3A_602 = arith.constant 16 : index
        %get3A_603 = tpu.vector_load %arg14[%get3A_601, %get3A_602] {strides = array<i32>} : memref<128x64xf32, #tpu.memory_space<vmem>>, vector<1x16xf32>,
        %get3A_604 = vector.shape_cast %get3A_603 : vector<1x16xf32> to vector<16xf32>
        %mul3A_605 = vector.broadcast %squeeze3A_585 : f32 to vector<16xf32>
        %mul3A_606 = arith.mulf %get3A_604, %mul3A_605 : vector<16xf32>
        %swap3A_607 = arith.index_cast %add3A_589 : i32 to index
        %swap3A_608 = arith.constant 16 : index
        %swap3A_609 = tpu.vector_load %arg14[%swap3A_607, %swap3A_608] {strides = array<i32>} : memref<128x64xf32, #tpu.memory_space<vmem>>, vector<1x16xf32>,
        %swap3A_610 = vector.shape_cast %swap3A_609 : vector<1x16xf32> to vector<16xf32>
        %swap3A_611 = vector.shape_cast %mul3A_606 : vector<16xf32> to vector<1x16xf32>
        tpu.vector_store %arg14[%swap3A_607, %swap3A_608], %swap3A_611 {strides = array<i32>} : memref<128x64xf32, #tpu.memory_space<vmem>>, vector<1x16xf32>,
        %get3A_612 = arith.index_cast %add3A_589 : i32 to index
        %get3A_613 = arith.constant 32 : index
        %get3A_614 = tpu.vector_load %arg14[%get3A_612, %get3A_613] {strides = array<i32>} : memref<128x64xf32, #tpu.memory_space<vmem>>, vector<1x16xf32>,
        %get3A_615 = vector.shape_cast %get3A_614 : vector<1x16xf32> to vector<16xf32>
        %mul3A_616 = vector.broadcast %squeeze3A_585 : f32 to vector<16xf32>
        %mul3A_617 = arith.mulf %get3A_615, %mul3A_616 : vector<16xf32>
        %swap3A_618 = arith.index_cast %add3A_589 : i32 to index
        %swap3A_619 = arith.constant 32 : index
        %swap3A_620 = tpu.vector_load %arg14[%swap3A_618, %swap3A_619] {strides = array<i32>} : memref<128x64xf32, #tpu.memory_space<vmem>>, vector<1x16xf32>,
        %swap3A_621 = vector.shape_cast %swap3A_620 : vector<1x16xf32> to vector<16xf32>
        %swap3A_622 = vector.shape_cast %mul3A_617 : vector<16xf32> to vector<1x16xf32>
        tpu.vector_store %arg14[%swap3A_618, %swap3A_619], %swap3A_622 {strides = array<i32>} : memref<128x64xf32, #tpu.memory_space<vmem>>, vector<1x16xf32>,
        %get3A_623 = arith.index_cast %add3A_589 : i32 to index
        %get3A_624 = arith.constant 48 : index
        %get3A_625 = tpu.vector_load %arg14[%get3A_623, %get3A_624] {strides = array<i32>} : memref<128x64xf32, #tpu.memory_space<vmem>>, vector<1x16xf32>,
        %get3A_626 = vector.shape_cast %get3A_625 : vector<1x16xf32> to vector<16xf32>
        %mul3A_627 = vector.broadcast %squeeze3A_585 : f32 to vector<16xf32>
        %mul3A_628 = arith.mulf %get3A_626, %mul3A_627 : vector<16xf32>
        %swap3A_629 = arith.index_cast %add3A_589 : i32 to index
        %swap3A_630 = arith.constant 48 : index
        %swap3A_631 = tpu.vector_load %arg14[%swap3A_629, %swap3A_630] {strides = array<i32>} : memref<128x64xf32, #tpu.memory_space<vmem>>, vector<1x16xf32>,
        %swap3A_632 = vector.shape_cast %swap3A_631 : vector<1x16xf32> to vector<16xf32>
        %swap3A_633 = vector.shape_cast %mul3A_628 : vector<16xf32> to vector<1x16xf32>
        tpu.vector_store %arg14[%swap3A_629, %swap3A_630], %swap3A_633 {strides = array<i32>} : memref<128x64xf32, #tpu.memory_space<vmem>>, vector<1x16xf32>,
        %slice3A_634 = vector.extract_strided_slice %get3A_236 {offsets = [8], sizes = [1], strides = [1]} : vector<16xf32> to vector<1xf32>
        %squeeze3A_635 = vector.extract %slice3A_634[0] : f32 from vector<1xf32>
        %mul3A_636 = arith.constant 16 : i32
        %mul3A_637 = arith.muli %scan3A_232, %mul3A_636 : i32
        %add3A_638 = arith.constant 8 : i32
        %add3A_639 = arith.addi %mul3A_637, %add3A_638 : i32
        %get3A_640 = arith.index_cast %add3A_639 : i32 to index
        %get3A_641 = arith.constant 0 : index
        %get3A_642 = tpu.vector_load %arg14[%get3A_640, %get3A_641] {strides = array<i32>} : memref<128x64xf32, #tpu.memory_space<vmem>>, vector<1x16xf32>,
        %get3A_643 = vector.shape_cast %get3A_642 : vector<1x16xf32> to vector<16xf32>
        %mul3A_644 = vector.broadcast %squeeze3A_635 : f32 to vector<16xf32>
        %mul3A_645 = arith.mulf %get3A_643, %mul3A_644 : vector<16xf32>
        %swap3A_646 = arith.index_cast %add3A_639 : i32 to index
        %swap3A_647 = arith.constant 0 : index
        %swap3A_648 = tpu.vector_load %arg14[%swap3A_646, %swap3A_647] {strides = array<i32>} : memref<128x64xf32, #tpu.memory_space<vmem>>, vector<1x16xf32>,
        %swap3A_649 = vector.shape_cast %swap3A_648 : vector<1x16xf32> to vector<16xf32>
        %swap3A_650 = vector.shape_cast %mul3A_645 : vector<16xf32> to vector<1x16xf32>
        tpu.vector_store %arg14[%swap3A_646, %swap3A_647], %swap3A_650 {strides = array<i32>} : memref<128x64xf32, #tpu.memory_space<vmem>>, vector<1x16xf32>,
        %get3A_651 = arith.index_cast %add3A_639 : i32 to index
        %get3A_652 = arith.constant 16 : index
        %get3A_653 = tpu.vector_load %arg14[%get3A_651, %get3A_652] {strides = array<i32>} : memref<128x64xf32, #tpu.memory_space<vmem>>, vector<1x16xf32>,
        %get3A_654 = vector.shape_cast %get3A_653 : vector<1x16xf32> to vector<16xf32>
        %mul3A_655 = vector.broadcast %squeeze3A_635 : f32 to vector<16xf32>
        %mul3A_656 = arith.mulf %get3A_654, %mul3A_655 : vector<16xf32>
        %swap3A_657 = arith.index_cast %add3A_639 : i32 to index
        %swap3A_658 = arith.constant 16 : index
        %swap3A_659 = tpu.vector_load %arg14[%swap3A_657, %swap3A_658] {strides = array<i32>} : memref<128x64xf32, #tpu.memory_space<vmem>>, vector<1x16xf32>,
        %swap3A_660 = vector.shape_cast %swap3A_659 : vector<1x16xf32> to vector<16xf32>
        %swap3A_661 = vector.shape_cast %mul3A_656 : vector<16xf32> to vector<1x16xf32>
        tpu.vector_store %arg14[%swap3A_657, %swap3A_658], %swap3A_661 {strides = array<i32>} : memref<128x64xf32, #tpu.memory_space<vmem>>, vector<1x16xf32>,
        %get3A_662 = arith.index_cast %add3A_639 : i32 to index
        %get3A_663 = arith.constant 32 : index
        %get3A_664 = tpu.vector_load %arg14[%get3A_662, %get3A_663] {strides = array<i32>} : memref<128x64xf32, #tpu.memory_space<vmem>>, vector<1x16xf32>,
        %get3A_665 = vector.shape_cast %get3A_664 : vector<1x16xf32> to vector<16xf32>
        %mul3A_666 = vector.broadcast %squeeze3A_635 : f32 to vector<16xf32>
        %mul3A_667 = arith.mulf %get3A_665, %mul3A_666 : vector<16xf32>
        %swap3A_668 = arith.index_cast %add3A_639 : i32 to index
        %swap3A_669 = arith.constant 32 : index
        %swap3A_670 = tpu.vector_load %arg14[%swap3A_668, %swap3A_669] {strides = array<i32>} : memref<128x64xf32, #tpu.memory_space<vmem>>, vector<1x16xf32>,
        %swap3A_671 = vector.shape_cast %swap3A_670 : vector<1x16xf32> to vector<16xf32>
        %swap3A_672 = vector.shape_cast %mul3A_667 : vector<16xf32> to vector<1x16xf32>
        tpu.vector_store %arg14[%swap3A_668, %swap3A_669], %swap3A_672 {strides = array<i32>} : memref<128x64xf32, #tpu.memory_space<vmem>>, vector<1x16xf32>,
        %get3A_673 = arith.index_cast %add3A_639 : i32 to index
        %get3A_674 = arith.constant 48 : index
        %get3A_675 = tpu.vector_load %arg14[%get3A_673, %get3A_674] {strides = array<i32>} : memref<128x64xf32, #tpu.memory_space<vmem>>, vector<1x16xf32>,
        %get3A_676 = vector.shape_cast %get3A_675 : vector<1x16xf32> to vector<16xf32>
        %mul3A_677 = vector.broadcast %squeeze3A_635 : f32 to vector<16xf32>
        %mul3A_678 = arith.mulf %get3A_676, %mul3A_677 : vector<16xf32>
        %swap3A_679 = arith.index_cast %add3A_639 : i32 to index
        %swap3A_680 = arith.constant 48 : index
        %swap3A_681 = tpu.vector_load %arg14[%swap3A_679, %swap3A_680] {strides = array<i32>} : memref<128x64xf32, #tpu.memory_space<vmem>>, vector<1x16xf32>,
        %swap3A_682 = vector.shape_cast %swap3A_681 : vector<1x16xf32> to vector<16xf32>
        %swap3A_683 = vector.shape_cast %mul3A_678 : vector<16xf32> to vector<1x16xf32>
        tpu.vector_store %arg14[%swap3A_679, %swap3A_680], %swap3A_683 {strides = array<i32>} : memref<128x64xf32, #tpu.memory_space<vmem>>, vector<1x16xf32>,
        %slice3A_684 = vector.extract_strided_slice %get3A_236 {offsets = [9], sizes = [1], strides = [1]} : vector<16xf32> to vector<1xf32>
        %squeeze3A_685 = vector.extract %slice3A_684[0] : f32 from vector<1xf32>
        %mul3A_686 = arith.constant 16 : i32
        %mul3A_687 = arith.muli %scan3A_232, %mul3A_686 : i32
        %add3A_688 = arith.constant 9 : i32
        %add3A_689 = arith.addi %mul3A_687, %add3A_688 : i32
        %get3A_690 = arith.index_cast %add3A_689 : i32 to index
        %get3A_691 = arith.constant 0 : index
        %get3A_692 = tpu.vector_load %arg14[%get3A_690, %get3A_691] {strides = array<i32>} : memref<128x64xf32, #tpu.memory_space<vmem>>, vector<1x16xf32>,
        %get3A_693 = vector.shape_cast %get3A_692 : vector<1x16xf32> to vector<16xf32>
        %mul3A_694 = vector.broadcast %squeeze3A_685 : f32 to vector<16xf32>
        %mul3A_695 = arith.mulf %get3A_693, %mul3A_694 : vector<16xf32>
        %swap3A_696 = arith.index_cast %add3A_689 : i32 to index
        %swap3A_697 = arith.constant 0 : index
        %swap3A_698 = tpu.vector_load %arg14[%swap3A_696, %swap3A_697] {strides = array<i32>} : memref<128x64xf32, #tpu.memory_space<vmem>>, vector<1x16xf32>,
        %swap3A_699 = vector.shape_cast %swap3A_698 : vector<1x16xf32> to vector<16xf32>
        %swap3A_700 = vector.shape_cast %mul3A_695 : vector<16xf32> to vector<1x16xf32>
        tpu.vector_store %arg14[%swap3A_696, %swap3A_697], %swap3A_700 {strides = array<i32>} : memref<128x64xf32, #tpu.memory_space<vmem>>, vector<1x16xf32>,
        %get3A_701 = arith.index_cast %add3A_689 : i32 to index
        %get3A_702 = arith.constant 16 : index
        %get3A_703 = tpu.vector_load %arg14[%get3A_701, %get3A_702] {strides = array<i32>} : memref<128x64xf32, #tpu.memory_space<vmem>>, vector<1x16xf32>,
        %get3A_704 = vector.shape_cast %get3A_703 : vector<1x16xf32> to vector<16xf32>
        %mul3A_705 = vector.broadcast %squeeze3A_685 : f32 to vector<16xf32>
        %mul3A_706 = arith.mulf %get3A_704, %mul3A_705 : vector<16xf32>
        %swap3A_707 = arith.index_cast %add3A_689 : i32 to index
        %swap3A_708 = arith.constant 16 : index
        %swap3A_709 = tpu.vector_load %arg14[%swap3A_707, %swap3A_708] {strides = array<i32>} : memref<128x64xf32, #tpu.memory_space<vmem>>, vector<1x16xf32>,
        %swap3A_710 = vector.shape_cast %swap3A_709 : vector<1x16xf32> to vector<16xf32>
        %swap3A_711 = vector.shape_cast %mul3A_706 : vector<16xf32> to vector<1x16xf32>
        tpu.vector_store %arg14[%swap3A_707, %swap3A_708], %swap3A_711 {strides = array<i32>} : memref<128x64xf32, #tpu.memory_space<vmem>>, vector<1x16xf32>,
        %get3A_712 = arith.index_cast %add3A_689 : i32 to index
        %get3A_713 = arith.constant 32 : index
        %get3A_714 = tpu.vector_load %arg14[%get3A_712, %get3A_713] {strides = array<i32>} : memref<128x64xf32, #tpu.memory_space<vmem>>, vector<1x16xf32>,
        %get3A_715 = vector.shape_cast %get3A_714 : vector<1x16xf32> to vector<16xf32>
        %mul3A_716 = vector.broadcast %squeeze3A_685 : f32 to vector<16xf32>
        %mul3A_717 = arith.mulf %get3A_715, %mul3A_716 : vector<16xf32>
        %swap3A_718 = arith.index_cast %add3A_689 : i32 to index
        %swap3A_719 = arith.constant 32 : index
        %swap3A_720 = tpu.vector_load %arg14[%swap3A_718, %swap3A_719] {strides = array<i32>} : memref<128x64xf32, #tpu.memory_space<vmem>>, vector<1x16xf32>,
        %swap3A_721 = vector.shape_cast %swap3A_720 : vector<1x16xf32> to vector<16xf32>
        %swap3A_722 = vector.shape_cast %mul3A_717 : vector<16xf32> to vector<1x16xf32>
        tpu.vector_store %arg14[%swap3A_718, %swap3A_719], %swap3A_722 {strides = array<i32>} : memref<128x64xf32, #tpu.memory_space<vmem>>, vector<1x16xf32>,
        %get3A_723 = arith.index_cast %add3A_689 : i32 to index
        %get3A_724 = arith.constant 48 : index
        %get3A_725 = tpu.vector_load %arg14[%get3A_723, %get3A_724] {strides = array<i32>} : memref<128x64xf32, #tpu.memory_space<vmem>>, vector<1x16xf32>,
        %get3A_726 = vector.shape_cast %get3A_725 : vector<1x16xf32> to vector<16xf32>
        %mul3A_727 = vector.broadcast %squeeze3A_685 : f32 to vector<16xf32>
        %mul3A_728 = arith.mulf %get3A_726, %mul3A_727 : vector<16xf32>
        %swap3A_729 = arith.index_cast %add3A_689 : i32 to index
        %swap3A_730 = arith.constant 48 : index
        %swap3A_731 = tpu.vector_load %arg14[%swap3A_729, %swap3A_730] {strides = array<i32>} : memref<128x64xf32, #tpu.memory_space<vmem>>, vector<1x16xf32>,
        %swap3A_732 = vector.shape_cast %swap3A_731 : vector<1x16xf32> to vector<16xf32>
        %swap3A_733 = vector.shape_cast %mul3A_728 : vector<16xf32> to vector<1x16xf32>
        tpu.vector_store %arg14[%swap3A_729, %swap3A_730], %swap3A_733 {strides = array<i32>} : memref<128x64xf32, #tpu.memory_space<vmem>>, vector<1x16xf32>,
        %slice3A_734 = vector.extract_strided_slice %get3A_236 {offsets = [10], sizes = [1], strides = [1]} : vector<16xf32> to vector<1xf32>
        %squeeze3A_735 = vector.extract %slice3A_734[0] : f32 from vector<1xf32>
        %mul3A_736 = arith.constant 16 : i32
        %mul3A_737 = arith.muli %scan3A_232, %mul3A_736 : i32
        %add3A_738 = arith.constant 10 : i32
        %add3A_739 = arith.addi %mul3A_737, %add3A_738 : i32
        %get3A_740 = arith.index_cast %add3A_739 : i32 to index
        %get3A_741 = arith.constant 0 : index
        %get3A_742 = tpu.vector_load %arg14[%get3A_740, %get3A_741] {strides = array<i32>} : memref<128x64xf32, #tpu.memory_space<vmem>>, vector<1x16xf32>,
        %get3A_743 = vector.shape_cast %get3A_742 : vector<1x16xf32> to vector<16xf32>
        %mul3A_744 = vector.broadcast %squeeze3A_735 : f32 to vector<16xf32>
        %mul3A_745 = arith.mulf %get3A_743, %mul3A_744 : vector<16xf32>
        %swap3A_746 = arith.index_cast %add3A_739 : i32 to index
        %swap3A_747 = arith.constant 0 : index
        %swap3A_748 = tpu.vector_load %arg14[%swap3A_746, %swap3A_747] {strides = array<i32>} : memref<128x64xf32, #tpu.memory_space<vmem>>, vector<1x16xf32>,
        %swap3A_749 = vector.shape_cast %swap3A_748 : vector<1x16xf32> to vector<16xf32>
        %swap3A_750 = vector.shape_cast %mul3A_745 : vector<16xf32> to vector<1x16xf32>
        tpu.vector_store %arg14[%swap3A_746, %swap3A_747], %swap3A_750 {strides = array<i32>} : memref<128x64xf32, #tpu.memory_space<vmem>>, vector<1x16xf32>,
        %get3A_751 = arith.index_cast %add3A_739 : i32 to index
        %get3A_752 = arith.constant 16 : index
        %get3A_753 = tpu.vector_load %arg14[%get3A_751, %get3A_752] {strides = array<i32>} : memref<128x64xf32, #tpu.memory_space<vmem>>, vector<1x16xf32>,
        %get3A_754 = vector.shape_cast %get3A_753 : vector<1x16xf32> to vector<16xf32>
        %mul3A_755 = vector.broadcast %squeeze3A_735 : f32 to vector<16xf32>
        %mul3A_756 = arith.mulf %get3A_754, %mul3A_755 : vector<16xf32>
        %swap3A_757 = arith.index_cast %add3A_739 : i32 to index
        %swap3A_758 = arith.constant 16 : index
        %swap3A_759 = tpu.vector_load %arg14[%swap3A_757, %swap3A_758] {strides = array<i32>} : memref<128x64xf32, #tpu.memory_space<vmem>>, vector<1x16xf32>,
        %swap3A_760 = vector.shape_cast %swap3A_759 : vector<1x16xf32> to vector<16xf32>
        %swap3A_761 = vector.shape_cast %mul3A_756 : vector<16xf32> to vector<1x16xf32>
        tpu.vector_store %arg14[%swap3A_757, %swap3A_758], %swap3A_761 {strides = array<i32>} : memref<128x64xf32, #tpu.memory_space<vmem>>, vector<1x16xf32>,
        %get3A_762 = arith.index_cast %add3A_739 : i32 to index
        %get3A_763 = arith.constant 32 : index
        %get3A_764 = tpu.vector_load %arg14[%get3A_762, %get3A_763] {strides = array<i32>} : memref<128x64xf32, #tpu.memory_space<vmem>>, vector<1x16xf32>,
        %get3A_765 = vector.shape_cast %get3A_764 : vector<1x16xf32> to vector<16xf32>
        %mul3A_766 = vector.broadcast %squeeze3A_735 : f32 to vector<16xf32>
        %mul3A_767 = arith.mulf %get3A_765, %mul3A_766 : vector<16xf32>
        %swap3A_768 = arith.index_cast %add3A_739 : i32 to index
        %swap3A_769 = arith.constant 32 : index
        %swap3A_770 = tpu.vector_load %arg14[%swap3A_768, %swap3A_769] {strides = array<i32>} : memref<128x64xf32, #tpu.memory_space<vmem>>, vector<1x16xf32>,
        %swap3A_771 = vector.shape_cast %swap3A_770 : vector<1x16xf32> to vector<16xf32>
        %swap3A_772 = vector.shape_cast %mul3A_767 : vector<16xf32> to vector<1x16xf32>
        tpu.vector_store %arg14[%swap3A_768, %swap3A_769], %swap3A_772 {strides = array<i32>} : memref<128x64xf32, #tpu.memory_space<vmem>>, vector<1x16xf32>,
        %get3A_773 = arith.index_cast %add3A_739 : i32 to index
        %get3A_774 = arith.constant 48 : index
        %get3A_775 = tpu.vector_load %arg14[%get3A_773, %get3A_774] {strides = array<i32>} : memref<128x64xf32, #tpu.memory_space<vmem>>, vector<1x16xf32>,
        %get3A_776 = vector.shape_cast %get3A_775 : vector<1x16xf32> to vector<16xf32>
        %mul3A_777 = vector.broadcast %squeeze3A_735 : f32 to vector<16xf32>
        %mul3A_778 = arith.mulf %get3A_776, %mul3A_777 : vector<16xf32>
        %swap3A_779 = arith.index_cast %add3A_739 : i32 to index
        %swap3A_780 = arith.constant 48 : index
        %swap3A_781 = tpu.vector_load %arg14[%swap3A_779, %swap3A_780] {strides = array<i32>} : memref<128x64xf32, #tpu.memory_space<vmem>>, vector<1x16xf32>,
        %swap3A_782 = vector.shape_cast %swap3A_781 : vector<1x16xf32> to vector<16xf32>
        %swap3A_783 = vector.shape_cast %mul3A_778 : vector<16xf32> to vector<1x16xf32>
        tpu.vector_store %arg14[%swap3A_779, %swap3A_780], %swap3A_783 {strides = array<i32>} : memref<128x64xf32, #tpu.memory_space<vmem>>, vector<1x16xf32>,
        %slice3A_784 = vector.extract_strided_slice %get3A_236 {offsets = [11], sizes = [1], strides = [1]} : vector<16xf32> to vector<1xf32>
        %squeeze3A_785 = vector.extract %slice3A_784[0] : f32 from vector<1xf32>
        %mul3A_786 = arith.constant 16 : i32
        %mul3A_787 = arith.muli %scan3A_232, %mul3A_786 : i32
        %add3A_788 = arith.constant 11 : i32
        %add3A_789 = arith.addi %mul3A_787, %add3A_788 : i32
        %get3A_790 = arith.index_cast %add3A_789 : i32 to index
        %get3A_791 = arith.constant 0 : index
        %get3A_792 = tpu.vector_load %arg14[%get3A_790, %get3A_791] {strides = array<i32>} : memref<128x64xf32, #tpu.memory_space<vmem>>, vector<1x16xf32>,
        %get3A_793 = vector.shape_cast %get3A_792 : vector<1x16xf32> to vector<16xf32>
        %mul3A_794 = vector.broadcast %squeeze3A_785 : f32 to vector<16xf32>
        %mul3A_795 = arith.mulf %get3A_793, %mul3A_794 : vector<16xf32>
        %swap3A_796 = arith.index_cast %add3A_789 : i32 to index
        %swap3A_797 = arith.constant 0 : index
        %swap3A_798 = tpu.vector_load %arg14[%swap3A_796, %swap3A_797] {strides = array<i32>} : memref<128x64xf32, #tpu.memory_space<vmem>>, vector<1x16xf32>,
        %swap3A_799 = vector.shape_cast %swap3A_798 : vector<1x16xf32> to vector<16xf32>
        %swap3A_800 = vector.shape_cast %mul3A_795 : vector<16xf32> to vector<1x16xf32>
        tpu.vector_store %arg14[%swap3A_796, %swap3A_797], %swap3A_800 {strides = array<i32>} : memref<128x64xf32, #tpu.memory_space<vmem>>, vector<1x16xf32>,
        %get3A_801 = arith.index_cast %add3A_789 : i32 to index
        %get3A_802 = arith.constant 16 : index
        %get3A_803 = tpu.vector_load %arg14[%get3A_801, %get3A_802] {strides = array<i32>} : memref<128x64xf32, #tpu.memory_space<vmem>>, vector<1x16xf32>,
        %get3A_804 = vector.shape_cast %get3A_803 : vector<1x16xf32> to vector<16xf32>
        %mul3A_805 = vector.broadcast %squeeze3A_785 : f32 to vector<16xf32>
        %mul3A_806 = arith.mulf %get3A_804, %mul3A_805 : vector<16xf32>
        %swap3A_807 = arith.index_cast %add3A_789 : i32 to index
        %swap3A_808 = arith.constant 16 : index
        %swap3A_809 = tpu.vector_load %arg14[%swap3A_807, %swap3A_808] {strides = array<i32>} : memref<128x64xf32, #tpu.memory_space<vmem>>, vector<1x16xf32>,
        %swap3A_810 = vector.shape_cast %swap3A_809 : vector<1x16xf32> to vector<16xf32>
        %swap3A_811 = vector.shape_cast %mul3A_806 : vector<16xf32> to vector<1x16xf32>
        tpu.vector_store %arg14[%swap3A_807, %swap3A_808], %swap3A_811 {strides = array<i32>} : memref<128x64xf32, #tpu.memory_space<vmem>>, vector<1x16xf32>,
        %get3A_812 = arith.index_cast %add3A_789 : i32 to index
        %get3A_813 = arith.constant 32 : index
        %get3A_814 = tpu.vector_load %arg14[%get3A_812, %get3A_813] {strides = array<i32>} : memref<128x64xf32, #tpu.memory_space<vmem>>, vector<1x16xf32>,
        %get3A_815 = vector.shape_cast %get3A_814 : vector<1x16xf32> to vector<16xf32>
        %mul3A_816 = vector.broadcast %squeeze3A_785 : f32 to vector<16xf32>
        %mul3A_817 = arith.mulf %get3A_815, %mul3A_816 : vector<16xf32>
        %swap3A_818 = arith.index_cast %add3A_789 : i32 to index
        %swap3A_819 = arith.constant 32 : index
        %swap3A_820 = tpu.vector_load %arg14[%swap3A_818, %swap3A_819] {strides = array<i32>} : memref<128x64xf32, #tpu.memory_space<vmem>>, vector<1x16xf32>,
        %swap3A_821 = vector.shape_cast %swap3A_820 : vector<1x16xf32> to vector<16xf32>
        %swap3A_822 = vector.shape_cast %mul3A_817 : vector<16xf32> to vector<1x16xf32>
        tpu.vector_store %arg14[%swap3A_818, %swap3A_819], %swap3A_822 {strides = array<i32>} : memref<128x64xf32, #tpu.memory_space<vmem>>, vector<1x16xf32>,
        %get3A_823 = arith.index_cast %add3A_789 : i32 to index
        %get3A_824 = arith.constant 48 : index
        %get3A_825 = tpu.vector_load %arg14[%get3A_823, %get3A_824] {strides = array<i32>} : memref<128x64xf32, #tpu.memory_space<vmem>>, vector<1x16xf32>,
        %get3A_826 = vector.shape_cast %get3A_825 : vector<1x16xf32> to vector<16xf32>
        %mul3A_827 = vector.broadcast %squeeze3A_785 : f32 to vector<16xf32>
        %mul3A_828 = arith.mulf %get3A_826, %mul3A_827 : vector<16xf32>
        %swap3A_829 = arith.index_cast %add3A_789 : i32 to index
        %swap3A_830 = arith.constant 48 : index
        %swap3A_831 = tpu.vector_load %arg14[%swap3A_829, %swap3A_830] {strides = array<i32>} : memref<128x64xf32, #tpu.memory_space<vmem>>, vector<1x16xf32>,
        %swap3A_832 = vector.shape_cast %swap3A_831 : vector<1x16xf32> to vector<16xf32>
        %swap3A_833 = vector.shape_cast %mul3A_828 : vector<16xf32> to vector<1x16xf32>
        tpu.vector_store %arg14[%swap3A_829, %swap3A_830], %swap3A_833 {strides = array<i32>} : memref<128x64xf32, #tpu.memory_space<vmem>>, vector<1x16xf32>,
        %slice3A_834 = vector.extract_strided_slice %get3A_236 {offsets = [12], sizes = [1], strides = [1]} : vector<16xf32> to vector<1xf32>
        %squeeze3A_835 = vector.extract %slice3A_834[0] : f32 from vector<1xf32>
        %mul3A_836 = arith.constant 16 : i32
        %mul3A_837 = arith.muli %scan3A_232, %mul3A_836 : i32
        %add3A_838 = arith.constant 12 : i32
        %add3A_839 = arith.addi %mul3A_837, %add3A_838 : i32
        %get3A_840 = arith.index_cast %add3A_839 : i32 to index
        %get3A_841 = arith.constant 0 : index
        %get3A_842 = tpu.vector_load %arg14[%get3A_840, %get3A_841] {strides = array<i32>} : memref<128x64xf32, #tpu.memory_space<vmem>>, vector<1x16xf32>,
        %get3A_843 = vector.shape_cast %get3A_842 : vector<1x16xf32> to vector<16xf32>
        %mul3A_844 = vector.broadcast %squeeze3A_835 : f32 to vector<16xf32>
        %mul3A_845 = arith.mulf %get3A_843, %mul3A_844 : vector<16xf32>
        %swap3A_846 = arith.index_cast %add3A_839 : i32 to index
        %swap3A_847 = arith.constant 0 : index
        %swap3A_848 = tpu.vector_load %arg14[%swap3A_846, %swap3A_847] {strides = array<i32>} : memref<128x64xf32, #tpu.memory_space<vmem>>, vector<1x16xf32>,
        %swap3A_849 = vector.shape_cast %swap3A_848 : vector<1x16xf32> to vector<16xf32>
        %swap3A_850 = vector.shape_cast %mul3A_845 : vector<16xf32> to vector<1x16xf32>
        tpu.vector_store %arg14[%swap3A_846, %swap3A_847], %swap3A_850 {strides = array<i32>} : memref<128x64xf32, #tpu.memory_space<vmem>>, vector<1x16xf32>,
        %get3A_851 = arith.index_cast %add3A_839 : i32 to index
        %get3A_852 = arith.constant 16 : index
        %get3A_853 = tpu.vector_load %arg14[%get3A_851, %get3A_852] {strides = array<i32>} : memref<128x64xf32, #tpu.memory_space<vmem>>, vector<1x16xf32>,
        %get3A_854 = vector.shape_cast %get3A_853 : vector<1x16xf32> to vector<16xf32>
        %mul3A_855 = vector.broadcast %squeeze3A_835 : f32 to vector<16xf32>
        %mul3A_856 = arith.mulf %get3A_854, %mul3A_855 : vector<16xf32>
        %swap3A_857 = arith.index_cast %add3A_839 : i32 to index
        %swap3A_858 = arith.constant 16 : index
        %swap3A_859 = tpu.vector_load %arg14[%swap3A_857, %swap3A_858] {strides = array<i32>} : memref<128x64xf32, #tpu.memory_space<vmem>>, vector<1x16xf32>,
        %swap3A_860 = vector.shape_cast %swap3A_859 : vector<1x16xf32> to vector<16xf32>
        %swap3A_861 = vector.shape_cast %mul3A_856 : vector<16xf32> to vector<1x16xf32>
        tpu.vector_store %arg14[%swap3A_857, %swap3A_858], %swap3A_861 {strides = array<i32>} : memref<128x64xf32, #tpu.memory_space<vmem>>, vector<1x16xf32>,
        %get3A_862 = arith.index_cast %add3A_839 : i32 to index
        %get3A_863 = arith.constant 32 : index
        %get3A_864 = tpu.vector_load %arg14[%get3A_862, %get3A_863] {strides = array<i32>} : memref<128x64xf32, #tpu.memory_space<vmem>>, vector<1x16xf32>,
        %get3A_865 = vector.shape_cast %get3A_864 : vector<1x16xf32> to vector<16xf32>
        %mul3A_866 = vector.broadcast %squeeze3A_835 : f32 to vector<16xf32>
        %mul3A_867 = arith.mulf %get3A_865, %mul3A_866 : vector<16xf32>
        %swap3A_868 = arith.index_cast %add3A_839 : i32 to index
        %swap3A_869 = arith.constant 32 : index
        %swap3A_870 = tpu.vector_load %arg14[%swap3A_868, %swap3A_869] {strides = array<i32>} : memref<128x64xf32, #tpu.memory_space<vmem>>, vector<1x16xf32>,
        %swap3A_871 = vector.shape_cast %swap3A_870 : vector<1x16xf32> to vector<16xf32>
        %swap3A_872 = vector.shape_cast %mul3A_867 : vector<16xf32> to vector<1x16xf32>
        tpu.vector_store %arg14[%swap3A_868, %swap3A_869], %swap3A_872 {strides = array<i32>} : memref<128x64xf32, #tpu.memory_space<vmem>>, vector<1x16xf32>,
        %get3A_873 = arith.index_cast %add3A_839 : i32 to index
        %get3A_874 = arith.constant 48 : index
        %get3A_875 = tpu.vector_load %arg14[%get3A_873, %get3A_874] {strides = array<i32>} : memref<128x64xf32, #tpu.memory_space<vmem>>, vector<1x16xf32>,
        %get3A_876 = vector.shape_cast %get3A_875 : vector<1x16xf32> to vector<16xf32>
        %mul3A_877 = vector.broadcast %squeeze3A_835 : f32 to vector<16xf32>
        %mul3A_878 = arith.mulf %get3A_876, %mul3A_877 : vector<16xf32>
        %swap3A_879 = arith.index_cast %add3A_839 : i32 to index
        %swap3A_880 = arith.constant 48 : index
        %swap3A_881 = tpu.vector_load %arg14[%swap3A_879, %swap3A_880] {strides = array<i32>} : memref<128x64xf32, #tpu.memory_space<vmem>>, vector<1x16xf32>,
        %swap3A_882 = vector.shape_cast %swap3A_881 : vector<1x16xf32> to vector<16xf32>
        %swap3A_883 = vector.shape_cast %mul3A_878 : vector<16xf32> to vector<1x16xf32>
        tpu.vector_store %arg14[%swap3A_879, %swap3A_880], %swap3A_883 {strides = array<i32>} : memref<128x64xf32, #tpu.memory_space<vmem>>, vector<1x16xf32>,
        %slice3A_884 = vector.extract_strided_slice %get3A_236 {offsets = [13], sizes = [1], strides = [1]} : vector<16xf32> to vector<1xf32>
        %squeeze3A_885 = vector.extract %slice3A_884[0] : f32 from vector<1xf32>
        %mul3A_886 = arith.constant 16 : i32
        %mul3A_887 = arith.muli %scan3A_232, %mul3A_886 : i32
        %add3A_888 = arith.constant 13 : i32
        %add3A_889 = arith.addi %mul3A_887, %add3A_888 : i32
        %get3A_890 = arith.index_cast %add3A_889 : i32 to index
        %get3A_891 = arith.constant 0 : index
        %get3A_892 = tpu.vector_load %arg14[%get3A_890, %get3A_891] {strides = array<i32>} : memref<128x64xf32, #tpu.memory_space<vmem>>, vector<1x16xf32>,
        %get3A_893 = vector.shape_cast %get3A_892 : vector<1x16xf32> to vector<16xf32>
        %mul3A_894 = vector.broadcast %squeeze3A_885 : f32 to vector<16xf32>
        %mul3A_895 = arith.mulf %get3A_893, %mul3A_894 : vector<16xf32>
        %swap3A_896 = arith.index_cast %add3A_889 : i32 to index
        %swap3A_897 = arith.constant 0 : index
        %swap3A_898 = tpu.vector_load %arg14[%swap3A_896, %swap3A_897] {strides = array<i32>} : memref<128x64xf32, #tpu.memory_space<vmem>>, vector<1x16xf32>,
        %swap3A_899 = vector.shape_cast %swap3A_898 : vector<1x16xf32> to vector<16xf32>
        %swap3A_900 = vector.shape_cast %mul3A_895 : vector<16xf32> to vector<1x16xf32>
        tpu.vector_store %arg14[%swap3A_896, %swap3A_897], %swap3A_900 {strides = array<i32>} : memref<128x64xf32, #tpu.memory_space<vmem>>, vector<1x16xf32>,
        %get3A_901 = arith.index_cast %add3A_889 : i32 to index
        %get3A_902 = arith.constant 16 : index
        %get3A_903 = tpu.vector_load %arg14[%get3A_901, %get3A_902] {strides = array<i32>} : memref<128x64xf32, #tpu.memory_space<vmem>>, vector<1x16xf32>,
        %get3A_904 = vector.shape_cast %get3A_903 : vector<1x16xf32> to vector<16xf32>
        %mul3A_905 = vector.broadcast %squeeze3A_885 : f32 to vector<16xf32>
        %mul3A_906 = arith.mulf %get3A_904, %mul3A_905 : vector<16xf32>
        %swap3A_907 = arith.index_cast %add3A_889 : i32 to index
        %swap3A_908 = arith.constant 16 : index
        %swap3A_909 = tpu.vector_load %arg14[%swap3A_907, %swap3A_908] {strides = array<i32>} : memref<128x64xf32, #tpu.memory_space<vmem>>, vector<1x16xf32>,
        %swap3A_910 = vector.shape_cast %swap3A_909 : vector<1x16xf32> to vector<16xf32>
        %swap3A_911 = vector.shape_cast %mul3A_906 : vector<16xf32> to vector<1x16xf32>
        tpu.vector_store %arg14[%swap3A_907, %swap3A_908], %swap3A_911 {strides = array<i32>} : memref<128x64xf32, #tpu.memory_space<vmem>>, vector<1x16xf32>,
        %get3A_912 = arith.index_cast %add3A_889 : i32 to index
        %get3A_913 = arith.constant 32 : index
        %get3A_914 = tpu.vector_load %arg14[%get3A_912, %get3A_913] {strides = array<i32>} : memref<128x64xf32, #tpu.memory_space<vmem>>, vector<1x16xf32>,
        %get3A_915 = vector.shape_cast %get3A_914 : vector<1x16xf32> to vector<16xf32>
        %mul3A_916 = vector.broadcast %squeeze3A_885 : f32 to vector<16xf32>
        %mul3A_917 = arith.mulf %get3A_915, %mul3A_916 : vector<16xf32>
        %swap3A_918 = arith.index_cast %add3A_889 : i32 to index
        %swap3A_919 = arith.constant 32 : index
        %swap3A_920 = tpu.vector_load %arg14[%swap3A_918, %swap3A_919] {strides = array<i32>} : memref<128x64xf32, #tpu.memory_space<vmem>>, vector<1x16xf32>,
        %swap3A_921 = vector.shape_cast %swap3A_920 : vector<1x16xf32> to vector<16xf32>
        %swap3A_922 = vector.shape_cast %mul3A_917 : vector<16xf32> to vector<1x16xf32>
        tpu.vector_store %arg14[%swap3A_918, %swap3A_919], %swap3A_922 {strides = array<i32>} : memref<128x64xf32, #tpu.memory_space<vmem>>, vector<1x16xf32>,
        %get3A_923 = arith.index_cast %add3A_889 : i32 to index
        %get3A_924 = arith.constant 48 : index
        %get3A_925 = tpu.vector_load %arg14[%get3A_923, %get3A_924] {strides = array<i32>} : memref<128x64xf32, #tpu.memory_space<vmem>>, vector<1x16xf32>,
        %get3A_926 = vector.shape_cast %get3A_925 : vector<1x16xf32> to vector<16xf32>
        %mul3A_927 = vector.broadcast %squeeze3A_885 : f32 to vector<16xf32>
        %mul3A_928 = arith.mulf %get3A_926, %mul3A_927 : vector<16xf32>
        %swap3A_929 = arith.index_cast %add3A_889 : i32 to index
        %swap3A_930 = arith.constant 48 : index
        %swap3A_931 = tpu.vector_load %arg14[%swap3A_929, %swap3A_930] {strides = array<i32>} : memref<128x64xf32, #tpu.memory_space<vmem>>, vector<1x16xf32>,
        %swap3A_932 = vector.shape_cast %swap3A_931 : vector<1x16xf32> to vector<16xf32>
        %swap3A_933 = vector.shape_cast %mul3A_928 : vector<16xf32> to vector<1x16xf32>
        tpu.vector_store %arg14[%swap3A_929, %swap3A_930], %swap3A_933 {strides = array<i32>} : memref<128x64xf32, #tpu.memory_space<vmem>>, vector<1x16xf32>,
        %slice3A_934 = vector.extract_strided_slice %get3A_236 {offsets = [14], sizes = [1], strides = [1]} : vector<16xf32> to vector<1xf32>
        %squeeze3A_935 = vector.extract %slice3A_934[0] : f32 from vector<1xf32>
        %mul3A_936 = arith.constant 16 : i32
        %mul3A_937 = arith.muli %scan3A_232, %mul3A_936 : i32
        %add3A_938 = arith.constant 14 : i32
        %add3A_939 = arith.addi %mul3A_937, %add3A_938 : i32
        %get3A_940 = arith.index_cast %add3A_939 : i32 to index
        %get3A_941 = arith.constant 0 : index
        %get3A_942 = tpu.vector_load %arg14[%get3A_940, %get3A_941] {strides = array<i32>} : memref<128x64xf32, #tpu.memory_space<vmem>>, vector<1x16xf32>,
        %get3A_943 = vector.shape_cast %get3A_942 : vector<1x16xf32> to vector<16xf32>
        %mul3A_944 = vector.broadcast %squeeze3A_935 : f32 to vector<16xf32>
        %mul3A_945 = arith.mulf %get3A_943, %mul3A_944 : vector<16xf32>
        %swap3A_946 = arith.index_cast %add3A_939 : i32 to index
        %swap3A_947 = arith.constant 0 : index
        %swap3A_948 = tpu.vector_load %arg14[%swap3A_946, %swap3A_947] {strides = array<i32>} : memref<128x64xf32, #tpu.memory_space<vmem>>, vector<1x16xf32>,
        %swap3A_949 = vector.shape_cast %swap3A_948 : vector<1x16xf32> to vector<16xf32>
        %swap3A_950 = vector.shape_cast %mul3A_945 : vector<16xf32> to vector<1x16xf32>
        tpu.vector_store %arg14[%swap3A_946, %swap3A_947], %swap3A_950 {strides = array<i32>} : memref<128x64xf32, #tpu.memory_space<vmem>>, vector<1x16xf32>,
        %get3A_951 = arith.index_cast %add3A_939 : i32 to index
        %get3A_952 = arith.constant 16 : index
        %get3A_953 = tpu.vector_load %arg14[%get3A_951, %get3A_952] {strides = array<i32>} : memref<128x64xf32, #tpu.memory_space<vmem>>, vector<1x16xf32>,
        %get3A_954 = vector.shape_cast %get3A_953 : vector<1x16xf32> to vector<16xf32>
        %mul3A_955 = vector.broadcast %squeeze3A_935 : f32 to vector<16xf32>
        %mul3A_956 = arith.mulf %get3A_954, %mul3A_955 : vector<16xf32>
        %swap3A_957 = arith.index_cast %add3A_939 : i32 to index
        %swap3A_958 = arith.constant 16 : index
        %swap3A_959 = tpu.vector_load %arg14[%swap3A_957, %swap3A_958] {strides = array<i32>} : memref<128x64xf32, #tpu.memory_space<vmem>>, vector<1x16xf32>,
        %swap3A_960 = vector.shape_cast %swap3A_959 : vector<1x16xf32> to vector<16xf32>
        %swap3A_961 = vector.shape_cast %mul3A_956 : vector<16xf32> to vector<1x16xf32>
        tpu.vector_store %arg14[%swap3A_957, %swap3A_958], %swap3A_961 {strides = array<i32>} : memref<128x64xf32, #tpu.memory_space<vmem>>, vector<1x16xf32>,
        %get3A_962 = arith.index_cast %add3A_939 : i32 to index
        %get3A_963 = arith.constant 32 : index
        %get3A_964 = tpu.vector_load %arg14[%get3A_962, %get3A_963] {strides = array<i32>} : memref<128x64xf32, #tpu.memory_space<vmem>>, vector<1x16xf32>,
        %get3A_965 = vector.shape_cast %get3A_964 : vector<1x16xf32> to vector<16xf32>
        %mul3A_966 = vector.broadcast %squeeze3A_935 : f32 to vector<16xf32>
        %mul3A_967 = arith.mulf %get3A_965, %mul3A_966 : vector<16xf32>
        %swap3A_968 = arith.index_cast %add3A_939 : i32 to index
        %swap3A_969 = arith.constant 32 : index
        %swap3A_970 = tpu.vector_load %arg14[%swap3A_968, %swap3A_969] {strides = array<i32>} : memref<128x64xf32, #tpu.memory_space<vmem>>, vector<1x16xf32>,
        %swap3A_971 = vector.shape_cast %swap3A_970 : vector<1x16xf32> to vector<16xf32>
        %swap3A_972 = vector.shape_cast %mul3A_967 : vector<16xf32> to vector<1x16xf32>
        tpu.vector_store %arg14[%swap3A_968, %swap3A_969], %swap3A_972 {strides = array<i32>} : memref<128x64xf32, #tpu.memory_space<vmem>>, vector<1x16xf32>,
        %get3A_973 = arith.index_cast %add3A_939 : i32 to index
        %get3A_974 = arith.constant 48 : index
        %get3A_975 = tpu.vector_load %arg14[%get3A_973, %get3A_974] {strides = array<i32>} : memref<128x64xf32, #tpu.memory_space<vmem>>, vector<1x16xf32>,
        %get3A_976 = vector.shape_cast %get3A_975 : vector<1x16xf32> to vector<16xf32>
        %mul3A_977 = vector.broadcast %squeeze3A_935 : f32 to vector<16xf32>
        %mul3A_978 = arith.mulf %get3A_976, %mul3A_977 : vector<16xf32>
        %swap3A_979 = arith.index_cast %add3A_939 : i32 to index
        %swap3A_980 = arith.constant 48 : index
        %swap3A_981 = tpu.vector_load %arg14[%swap3A_979, %swap3A_980] {strides = array<i32>} : memref<128x64xf32, #tpu.memory_space<vmem>>, vector<1x16xf32>,
        %swap3A_982 = vector.shape_cast %swap3A_981 : vector<1x16xf32> to vector<16xf32>
        %swap3A_983 = vector.shape_cast %mul3A_978 : vector<16xf32> to vector<1x16xf32>
        tpu.vector_store %arg14[%swap3A_979, %swap3A_980], %swap3A_983 {strides = array<i32>} : memref<128x64xf32, #tpu.memory_space<vmem>>, vector<1x16xf32>,
        %slice3A_984 = vector.extract_strided_slice %get3A_236 {offsets = [15], sizes = [1], strides = [1]} : vector<16xf32> to vector<1xf32>
        %squeeze3A_985 = vector.extract %slice3A_984[0] : f32 from vector<1xf32>
        %mul3A_986 = arith.constant 16 : i32
        %mul3A_987 = arith.muli %scan3A_232, %mul3A_986 : i32
        %add3A_988 = arith.constant 15 : i32
        %add3A_989 = arith.addi %mul3A_987, %add3A_988 : i32
        %get3A_990 = arith.index_cast %add3A_989 : i32 to index
        %get3A_991 = arith.constant 0 : index
        %get3A_992 = tpu.vector_load %arg14[%get3A_990, %get3A_991] {strides = array<i32>} : memref<128x64xf32, #tpu.memory_space<vmem>>, vector<1x16xf32>,
        %get3A_993 = vector.shape_cast %get3A_992 : vector<1x16xf32> to vector<16xf32>
        %mul3A_994 = vector.broadcast %squeeze3A_985 : f32 to vector<16xf32>
        %mul3A_995 = arith.mulf %get3A_993, %mul3A_994 : vector<16xf32>
        %swap3A_996 = arith.index_cast %add3A_989 : i32 to index
        %swap3A_997 = arith.constant 0 : index
        %swap3A_998 = tpu.vector_load %arg14[%swap3A_996, %swap3A_997] {strides = array<i32>} : memref<128x64xf32, #tpu.memory_space<vmem>>, vector<1x16xf32>,
        %swap3A_999 = vector.shape_cast %swap3A_998 : vector<1x16xf32> to vector<16xf32>
        %swap3A_1000 = vector.shape_cast %mul3A_995 : vector<16xf32> to vector<1x16xf32>
        tpu.vector_store %arg14[%swap3A_996, %swap3A_997], %swap3A_1000 {strides = array<i32>} : memref<128x64xf32, #tpu.memory_space<vmem>>, vector<1x16xf32>,
        %get3A_1001 = arith.index_cast %add3A_989 : i32 to index
        %get3A_1002 = arith.constant 16 : index
        %get3A_1003 = tpu.vector_load %arg14[%get3A_1001, %get3A_1002] {strides = array<i32>} : memref<128x64xf32, #tpu.memory_space<vmem>>, vector<1x16xf32>,
        %get3A_1004 = vector.shape_cast %get3A_1003 : vector<1x16xf32> to vector<16xf32>
        %mul3A_1005 = vector.broadcast %squeeze3A_985 : f32 to vector<16xf32>
        %mul3A_1006 = arith.mulf %get3A_1004, %mul3A_1005 : vector<16xf32>
        %swap3A_1007 = arith.index_cast %add3A_989 : i32 to index
        %swap3A_1008 = arith.constant 16 : index
        %swap3A_1009 = tpu.vector_load %arg14[%swap3A_1007, %swap3A_1008] {strides = array<i32>} : memref<128x64xf32, #tpu.memory_space<vmem>>, vector<1x16xf32>,
        %swap3A_1010 = vector.shape_cast %swap3A_1009 : vector<1x16xf32> to vector<16xf32>
        %swap3A_1011 = vector.shape_cast %mul3A_1006 : vector<16xf32> to vector<1x16xf32>
        tpu.vector_store %arg14[%swap3A_1007, %swap3A_1008], %swap3A_1011 {strides = array<i32>} : memref<128x64xf32, #tpu.memory_space<vmem>>, vector<1x16xf32>,
        %get3A_1012 = arith.index_cast %add3A_989 : i32 to index
        %get3A_1013 = arith.constant 32 : index
        %get3A_1014 = tpu.vector_load %arg14[%get3A_1012, %get3A_1013] {strides = array<i32>} : memref<128x64xf32, #tpu.memory_space<vmem>>, vector<1x16xf32>,
        %get3A_1015 = vector.shape_cast %get3A_1014 : vector<1x16xf32> to vector<16xf32>
        %mul3A_1016 = vector.broadcast %squeeze3A_985 : f32 to vector<16xf32>
        %mul3A_1017 = arith.mulf %get3A_1015, %mul3A_1016 : vector<16xf32>
        %swap3A_1018 = arith.index_cast %add3A_989 : i32 to index
        %swap3A_1019 = arith.constant 32 : index
        %swap3A_1020 = tpu.vector_load %arg14[%swap3A_1018, %swap3A_1019] {strides = array<i32>} : memref<128x64xf32, #tpu.memory_space<vmem>>, vector<1x16xf32>,
        %swap3A_1021 = vector.shape_cast %swap3A_1020 : vector<1x16xf32> to vector<16xf32>
        %swap3A_1022 = vector.shape_cast %mul3A_1017 : vector<16xf32> to vector<1x16xf32>
        tpu.vector_store %arg14[%swap3A_1018, %swap3A_1019], %swap3A_1022 {strides = array<i32>} : memref<128x64xf32, #tpu.memory_space<vmem>>, vector<1x16xf32>,
        %get3A_1023 = arith.index_cast %add3A_989 : i32 to index
        %get3A_1024 = arith.constant 48 : index
        %get3A_1025 = tpu.vector_load %arg14[%get3A_1023, %get3A_1024] {strides = array<i32>} : memref<128x64xf32, #tpu.memory_space<vmem>>, vector<1x16xf32>,
        %get3A_1026 = vector.shape_cast %get3A_1025 : vector<1x16xf32> to vector<16xf32>
        %mul3A_1027 = vector.broadcast %squeeze3A_985 : f32 to vector<16xf32>
        %mul3A_1028 = arith.mulf %get3A_1026, %mul3A_1027 : vector<16xf32>
        %swap3A_1029 = arith.index_cast %add3A_989 : i32 to index
        %swap3A_1030 = arith.constant 48 : index
        %swap3A_1031 = tpu.vector_load %arg14[%swap3A_1029, %swap3A_1030] {strides = array<i32>} : memref<128x64xf32, #tpu.memory_space<vmem>>, vector<1x16xf32>,
        %swap3A_1032 = vector.shape_cast %swap3A_1031 : vector<1x16xf32> to vector<16xf32>
        %swap3A_1033 = vector.shape_cast %mul3A_1028 : vector<16xf32> to vector<1x16xf32>
        tpu.vector_store %arg14[%swap3A_1029, %swap3A_1030], %swap3A_1033 {strides = array<i32>} : memref<128x64xf32, #tpu.memory_space<vmem>>, vector<1x16xf32>,
      }
      %scan3A_155 = arith.constant 8 : i32
      %dma_start3A_156 = arith.constant 0 : i32
      %dma_start3A_157 = tpu.memref_slice %arg8[%add3A_130, %dma_start3A_156] : memref<160x128xi32, #tpu.memory_space<vmem>> -> memref<1x128xi32, #tpu.memory_space<vmem>>
      %dma_start3A_158 = tpu.memref_squeeze %dma_start3A_157 : memref<1x128xi32, #tpu.memory_space<vmem>> -> memref<128xi32, #tpu.memory_space<vmem>>
      %dma_start3A_159 = arith.constant 0 : i32
      %dma_start3A_160 = arith.constant 0 : i32
      %dma_start3A_161 = tpu.memref_slice %arg17[%dma_start3A_159, %dma_start3A_160] : memref<10000x64xf32, #tpu.memory_space<vmem_shared>> -> memref<10000x64xf32, #tpu.memory_space<vmem_shared>>
      tpu.enqueue_indirect_dma source(%arg14 : memref<128x64xf32, #tpu.memory_space<vmem>>) target(%dma_start3A_161 : memref<10000x64xf32, #tpu.memory_space<vmem_shared>>) offsets(%dma_start3A_158 : memref<128xi32, #tpu.memory_space<vmem>>) semaphore(%arg23 : memref<!tpu.dma_semaphore, #tpu.memory_space<semaphore_mem>>) {add = true}
      %mul3A_162 = arith.constant 4 : i32
      %mul3A_163 = arith.muli %scan3A_91, %mul3A_162 : i32
      %add3A_164 = arith.constant 2 : i32
      %add3A_165 = arith.addi %mul3A_163, %add3A_164 : i32
      %add3A_166 = arith.constant 2 : i32
      %add3A_167 = arith.addi %add3A_165, %add3A_166 : i32
      %lt3A_168 = arith.constant 160 : i32
      %lt3A_169 = arith.cmpi slt, %add3A_167, %lt3A_168 : i32
      %convert_element_type3A_170 = arith.extui %lt3A_169 : i1 to i32
      %cond3A_171 = arith.constant 0 : i32
      %cond3A_172 = arith.cmpi ne, %convert_element_type3A_170, %cond3A_171 : i32
      scf.if %cond3A_172 {
        %ge3A = arith.constant 2 : i32
        %ge3A_232 = arith.cmpi sge, %add3A_165, %ge3A : i32
        %convert_element_type3A_233 = arith.extui %ge3A_232 : i1 to i32
        %cond3A_234 = arith.constant 0 : i32
        %cond3A_235 = arith.cmpi ne, %convert_element_type3A_233, %cond3A_234 : i32
        scf.if %cond3A_235 {
          %dma_wait3A_250 = arith.constant 0 : i32
          %dma_wait3A_251 = tpu.memref_slice %arg8[%add3A_165, %dma_wait3A_250] : memref<160x128xi32, #tpu.memory_space<vmem>> -> memref<1x128xi32, #tpu.memory_space<vmem>>
          %dma_wait3A_252 = tpu.memref_squeeze %dma_wait3A_251 : memref<1x128xi32, #tpu.memory_space<vmem>> -> memref<128xi32, #tpu.memory_space<vmem>>
          %dma_wait3A_253 = arith.constant 0 : i32
          %dma_wait3A_254 = arith.constant 0 : i32
          %dma_wait3A_255 = tpu.memref_slice %arg17[%dma_wait3A_253, %dma_wait3A_254] : memref<10000x64xf32, #tpu.memory_space<vmem_shared>> -> memref<10000x64xf32, #tpu.memory_space<vmem_shared>>
          tpu.wait_indirect_dma semaphore(%arg22 : memref<!tpu.dma_semaphore, #tpu.memory_space<semaphore_mem>>) src(%arg13 : memref<128x64xf32, #tpu.memory_space<vmem>>) dst(%dma_wait3A_255 : memref<10000x64xf32, #tpu.memory_space<vmem_shared>>)
        } else {
        }
        %add3A_236 = arith.constant 2 : i32
        %add3A_237 = arith.addi %add3A_165, %add3A_236 : i32
        %dma_start3A_238 = arith.constant 0 : i32
        %dma_start3A_239 = tpu.memref_slice %arg5[%arg1, %add3A_237, %dma_start3A_238] : memref<16x160x128xf32, #tpu.memory_space<hbm>> -> memref<1x1x128xf32, #tpu.memory_space<hbm>>
        %dma_start3A_240 = tpu.memref_squeeze %dma_start3A_239 : memref<1x1x128xf32, #tpu.memory_space<hbm>> -> memref<128xf32, #tpu.memory_space<hbm>>
        %dma_start3A_241 = arith.constant 0 : i32
        %dma_start3A_242 = tpu.memref_slice %arg5[%arg1, %add3A_237, %dma_start3A_241] : memref<16x160x128xf32, #tpu.memory_space<hbm>> -> memref<1x1x128xf32, #tpu.memory_space<hbm>>
        %dma_start3A_243 = tpu.memref_squeeze %dma_start3A_242 : memref<1x1x128xf32, #tpu.memory_space<hbm>> -> memref<128xf32, #tpu.memory_space<hbm>>
        tpu.enqueue_dma source(%dma_start3A_243 : memref<128xf32, #tpu.memory_space<hbm>>) target(%arg9 : memref<128xf32, #tpu.memory_space<vmem>>) target_semaphore(%arg18 : memref<!tpu.dma_semaphore, #tpu.memory_space<semaphore_mem>>)
        %dma_start3A_244 = arith.constant 0 : i32
        %dma_start3A_245 = tpu.memref_slice %arg7[%add3A_237, %dma_start3A_244] : memref<160x128xi32, #tpu.memory_space<vmem>> -> memref<1x128xi32, #tpu.memory_space<vmem>>
        %dma_start3A_246 = tpu.memref_squeeze %dma_start3A_245 : memref<1x128xi32, #tpu.memory_space<vmem>> -> memref<128xi32, #tpu.memory_space<vmem>>
        %dma_start3A_247 = arith.constant 0 : i32
        %dma_start3A_248 = arith.constant 0 : i32
        %dma_start3A_249 = tpu.memref_slice %arg2[%dma_start3A_247, %dma_start3A_248] : memref<20000x64xf32, #tpu.memory_space<hbm>> -> memref<20000x64xf32, #tpu.memory_space<hbm>>
        tpu.enqueue_indirect_dma source(%dma_start3A_249 : memref<20000x64xf32, #tpu.memory_space<hbm>>) target(%arg13 : memref<128x64xf32, #tpu.memory_space<vmem>>) offsets(%dma_start3A_246 : memref<128xi32, #tpu.memory_space<vmem>>) semaphore(%arg18 : memref<!tpu.dma_semaphore, #tpu.memory_space<semaphore_mem>>)
      } else {
      }
      %dma_wait3A_173 = arith.constant 0 : i32
      %dma_wait3A_174 = tpu.memref_slice %arg5[%arg1, %add3A_165, %dma_wait3A_173] : memref<16x160x128xf32, #tpu.memory_space<hbm>> -> memref<1x1x128xf32, #tpu.memory_space<hbm>>
      %dma_wait3A_175 = tpu.memref_squeeze %dma_wait3A_174 : memref<1x1x128xf32, #tpu.memory_space<hbm>> -> memref<128xf32, #tpu.memory_space<hbm>>
      %dma_wait3A_176 = arith.constant 0 : i32
      %dma_wait3A_177 = tpu.memref_slice %arg5[%arg1, %add3A_165, %dma_wait3A_176] : memref<16x160x128xf32, #tpu.memory_space<hbm>> -> memref<1x1x128xf32, #tpu.memory_space<hbm>>
      %dma_wait3A_178 = tpu.memref_squeeze %dma_wait3A_177 : memref<1x1x128xf32, #tpu.memory_space<hbm>> -> memref<128xf32, #tpu.memory_space<hbm>>
      tpu.wait_dma2 semaphore(%arg20 : memref<!tpu.dma_semaphore, #tpu.memory_space<semaphore_mem>>) src(%dma_wait3A_178 : memref<128xf32, #tpu.memory_space<hbm>>) dst(%arg11 : memref<128xf32, #tpu.memory_space<vmem>>)
      %dma_wait3A_179 = arith.constant 0 : i32
      %dma_wait3A_180 = tpu.memref_slice %arg7[%add3A_165, %dma_wait3A_179] : memref<160x128xi32, #tpu.memory_space<vmem>> -> memref<1x128xi32, #tpu.memory_space<vmem>>
      %dma_wait3A_181 = tpu.memref_squeeze %dma_wait3A_180 : memref<1x128xi32, #tpu.memory_space<vmem>> -> memref<128xi32, #tpu.memory_space<vmem>>
      %dma_wait3A_182 = arith.constant 0 : i32
      %dma_wait3A_183 = arith.constant 0 : i32
      %dma_wait3A_184 = tpu.memref_slice %arg2[%dma_wait3A_182, %dma_wait3A_183] : memref<20000x64xf32, #tpu.memory_space<hbm>> -> memref<20000x64xf32, #tpu.memory_space<hbm>>
      tpu.wait_indirect_dma semaphore(%arg20 : memref<!tpu.dma_semaphore, #tpu.memory_space<semaphore_mem>>) src(%dma_wait3A_184 : memref<20000x64xf32, #tpu.memory_space<hbm>>) dst(%arg15 : memref<128x64xf32, #tpu.memory_space<vmem>>)
      %scan3A_185 = arith.constant 0 : i32
      %scan3A_186 = arith.constant 0 : i32
      %scan3A_187 = arith.constant 8 : i32
      %scan3A_188 = arith.addi %scan3A_186, %scan3A_187 : i32
      %scan3A_189 = arith.constant 1 : i32
      scf.for %scan3A_232 = %scan3A_186 to %scan3A_188 step %scan3A_189  : i32 {
        %mul3A_233 = arith.constant 16 : i32
        %mul3A_234 = arith.muli %scan3A_232, %mul3A_233 : i32
        %get3A = arith.index_cast %mul3A_234 : i32 to index
        %get3A_235 = tpu.vector_load %arg11[%get3A] {strides = array<i32>} : memref<128xf32, #tpu.memory_space<vmem>>, vector<16xf32>,
        %get3A_236 = vector.shape_cast %get3A_235 : vector<16xf32> to vector<16xf32>
        %slice3A = vector.extract_strided_slice %get3A_236 {offsets = [0], sizes = [1], strides = [1]} : vector<16xf32> to vector<1xf32>
        %squeeze3A = vector.extract %slice3A[0] : f32 from vector<1xf32>
        %mul3A_237 = arith.constant 16 : i32
        %mul3A_238 = arith.muli %scan3A_232, %mul3A_237 : i32
        %add3A_239 = arith.constant 0 : i32
        %add3A_240 = arith.addi %mul3A_238, %add3A_239 : i32
        %get3A_241 = arith.index_cast %add3A_240 : i32 to index
        %get3A_242 = arith.constant 0 : index
        %get3A_243 = tpu.vector_load %arg15[%get3A_241, %get3A_242] {strides = array<i32>} : memref<128x64xf32, #tpu.memory_space<vmem>>, vector<1x16xf32>,
        %get3A_244 = vector.shape_cast %get3A_243 : vector<1x16xf32> to vector<16xf32>
        %mul3A_245 = vector.broadcast %squeeze3A : f32 to vector<16xf32>
        %mul3A_246 = arith.mulf %get3A_244, %mul3A_245 : vector<16xf32>
        %swap3A = arith.index_cast %add3A_240 : i32 to index
        %swap3A_247 = arith.constant 0 : index
        %swap3A_248 = tpu.vector_load %arg15[%swap3A, %swap3A_247] {strides = array<i32>} : memref<128x64xf32, #tpu.memory_space<vmem>>, vector<1x16xf32>,
        %swap3A_249 = vector.shape_cast %swap3A_248 : vector<1x16xf32> to vector<16xf32>
        %swap3A_250 = vector.shape_cast %mul3A_246 : vector<16xf32> to vector<1x16xf32>
        tpu.vector_store %arg15[%swap3A, %swap3A_247], %swap3A_250 {strides = array<i32>} : memref<128x64xf32, #tpu.memory_space<vmem>>, vector<1x16xf32>,
        %get3A_251 = arith.index_cast %add3A_240 : i32 to index
        %get3A_252 = arith.constant 16 : index
        %get3A_253 = tpu.vector_load %arg15[%get3A_251, %get3A_252] {strides = array<i32>} : memref<128x64xf32, #tpu.memory_space<vmem>>, vector<1x16xf32>,
        %get3A_254 = vector.shape_cast %get3A_253 : vector<1x16xf32> to vector<16xf32>
        %mul3A_255 = vector.broadcast %squeeze3A : f32 to vector<16xf32>
        %mul3A_256 = arith.mulf %get3A_254, %mul3A_255 : vector<16xf32>
        %swap3A_257 = arith.index_cast %add3A_240 : i32 to index
        %swap3A_258 = arith.constant 16 : index
        %swap3A_259 = tpu.vector_load %arg15[%swap3A_257, %swap3A_258] {strides = array<i32>} : memref<128x64xf32, #tpu.memory_space<vmem>>, vector<1x16xf32>,
        %swap3A_260 = vector.shape_cast %swap3A_259 : vector<1x16xf32> to vector<16xf32>
        %swap3A_261 = vector.shape_cast %mul3A_256 : vector<16xf32> to vector<1x16xf32>
        tpu.vector_store %arg15[%swap3A_257, %swap3A_258], %swap3A_261 {strides = array<i32>} : memref<128x64xf32, #tpu.memory_space<vmem>>, vector<1x16xf32>,
        %get3A_262 = arith.index_cast %add3A_240 : i32 to index
        %get3A_263 = arith.constant 32 : index
        %get3A_264 = tpu.vector_load %arg15[%get3A_262, %get3A_263] {strides = array<i32>} : memref<128x64xf32, #tpu.memory_space<vmem>>, vector<1x16xf32>,
        %get3A_265 = vector.shape_cast %get3A_264 : vector<1x16xf32> to vector<16xf32>
        %mul3A_266 = vector.broadcast %squeeze3A : f32 to vector<16xf32>
        %mul3A_267 = arith.mulf %get3A_265, %mul3A_266 : vector<16xf32>
        %swap3A_268 = arith.index_cast %add3A_240 : i32 to index
        %swap3A_269 = arith.constant 32 : index
        %swap3A_270 = tpu.vector_load %arg15[%swap3A_268, %swap3A_269] {strides = array<i32>} : memref<128x64xf32, #tpu.memory_space<vmem>>, vector<1x16xf32>,
        %swap3A_271 = vector.shape_cast %swap3A_270 : vector<1x16xf32> to vector<16xf32>
        %swap3A_272 = vector.shape_cast %mul3A_267 : vector<16xf32> to vector<1x16xf32>
        tpu.vector_store %arg15[%swap3A_268, %swap3A_269], %swap3A_272 {strides = array<i32>} : memref<128x64xf32, #tpu.memory_space<vmem>>, vector<1x16xf32>,
        %get3A_273 = arith.index_cast %add3A_240 : i32 to index
        %get3A_274 = arith.constant 48 : index
        %get3A_275 = tpu.vector_load %arg15[%get3A_273, %get3A_274] {strides = array<i32>} : memref<128x64xf32, #tpu.memory_space<vmem>>, vector<1x16xf32>,
        %get3A_276 = vector.shape_cast %get3A_275 : vector<1x16xf32> to vector<16xf32>
        %mul3A_277 = vector.broadcast %squeeze3A : f32 to vector<16xf32>
        %mul3A_278 = arith.mulf %get3A_276, %mul3A_277 : vector<16xf32>
        %swap3A_279 = arith.index_cast %add3A_240 : i32 to index
        %swap3A_280 = arith.constant 48 : index
        %swap3A_281 = tpu.vector_load %arg15[%swap3A_279, %swap3A_280] {strides = array<i32>} : memref<128x64xf32, #tpu.memory_space<vmem>>, vector<1x16xf32>,
        %swap3A_282 = vector.shape_cast %swap3A_281 : vector<1x16xf32> to vector<16xf32>
        %swap3A_283 = vector.shape_cast %mul3A_278 : vector<16xf32> to vector<1x16xf32>
        tpu.vector_store %arg15[%swap3A_279, %swap3A_280], %swap3A_283 {strides = array<i32>} : memref<128x64xf32, #tpu.memory_space<vmem>>, vector<1x16xf32>,
        %slice3A_284 = vector.extract_strided_slice %get3A_236 {offsets = [1], sizes = [1], strides = [1]} : vector<16xf32> to vector<1xf32>
        %squeeze3A_285 = vector.extract %slice3A_284[0] : f32 from vector<1xf32>
        %mul3A_286 = arith.constant 16 : i32
        %mul3A_287 = arith.muli %scan3A_232, %mul3A_286 : i32
        %add3A_288 = arith.constant 1 : i32
        %add3A_289 = arith.addi %mul3A_287, %add3A_288 : i32
        %get3A_290 = arith.index_cast %add3A_289 : i32 to index
        %get3A_291 = arith.constant 0 : index
        %get3A_292 = tpu.vector_load %arg15[%get3A_290, %get3A_291] {strides = array<i32>} : memref<128x64xf32, #tpu.memory_space<vmem>>, vector<1x16xf32>,
        %get3A_293 = vector.shape_cast %get3A_292 : vector<1x16xf32> to vector<16xf32>
        %mul3A_294 = vector.broadcast %squeeze3A_285 : f32 to vector<16xf32>
        %mul3A_295 = arith.mulf %get3A_293, %mul3A_294 : vector<16xf32>
        %swap3A_296 = arith.index_cast %add3A_289 : i32 to index
        %swap3A_297 = arith.constant 0 : index
        %swap3A_298 = tpu.vector_load %arg15[%swap3A_296, %swap3A_297] {strides = array<i32>} : memref<128x64xf32, #tpu.memory_space<vmem>>, vector<1x16xf32>,
        %swap3A_299 = vector.shape_cast %swap3A_298 : vector<1x16xf32> to vector<16xf32>
        %swap3A_300 = vector.shape_cast %mul3A_295 : vector<16xf32> to vector<1x16xf32>
        tpu.vector_store %arg15[%swap3A_296, %swap3A_297], %swap3A_300 {strides = array<i32>} : memref<128x64xf32, #tpu.memory_space<vmem>>, vector<1x16xf32>,
        %get3A_301 = arith.index_cast %add3A_289 : i32 to index
        %get3A_302 = arith.constant 16 : index
        %get3A_303 = tpu.vector_load %arg15[%get3A_301, %get3A_302] {strides = array<i32>} : memref<128x64xf32, #tpu.memory_space<vmem>>, vector<1x16xf32>,
        %get3A_304 = vector.shape_cast %get3A_303 : vector<1x16xf32> to vector<16xf32>
        %mul3A_305 = vector.broadcast %squeeze3A_285 : f32 to vector<16xf32>
        %mul3A_306 = arith.mulf %get3A_304, %mul3A_305 : vector<16xf32>
        %swap3A_307 = arith.index_cast %add3A_289 : i32 to index
        %swap3A_308 = arith.constant 16 : index
        %swap3A_309 = tpu.vector_load %arg15[%swap3A_307, %swap3A_308] {strides = array<i32>} : memref<128x64xf32, #tpu.memory_space<vmem>>, vector<1x16xf32>,
        %swap3A_310 = vector.shape_cast %swap3A_309 : vector<1x16xf32> to vector<16xf32>
        %swap3A_311 = vector.shape_cast %mul3A_306 : vector<16xf32> to vector<1x16xf32>
        tpu.vector_store %arg15[%swap3A_307, %swap3A_308], %swap3A_311 {strides = array<i32>} : memref<128x64xf32, #tpu.memory_space<vmem>>, vector<1x16xf32>,
        %get3A_312 = arith.index_cast %add3A_289 : i32 to index
        %get3A_313 = arith.constant 32 : index
        %get3A_314 = tpu.vector_load %arg15[%get3A_312, %get3A_313] {strides = array<i32>} : memref<128x64xf32, #tpu.memory_space<vmem>>, vector<1x16xf32>,
        %get3A_315 = vector.shape_cast %get3A_314 : vector<1x16xf32> to vector<16xf32>
        %mul3A_316 = vector.broadcast %squeeze3A_285 : f32 to vector<16xf32>
        %mul3A_317 = arith.mulf %get3A_315, %mul3A_316 : vector<16xf32>
        %swap3A_318 = arith.index_cast %add3A_289 : i32 to index
        %swap3A_319 = arith.constant 32 : index
        %swap3A_320 = tpu.vector_load %arg15[%swap3A_318, %swap3A_319] {strides = array<i32>} : memref<128x64xf32, #tpu.memory_space<vmem>>, vector<1x16xf32>,
        %swap3A_321 = vector.shape_cast %swap3A_320 : vector<1x16xf32> to vector<16xf32>
        %swap3A_322 = vector.shape_cast %mul3A_317 : vector<16xf32> to vector<1x16xf32>
        tpu.vector_store %arg15[%swap3A_318, %swap3A_319], %swap3A_322 {strides = array<i32>} : memref<128x64xf32, #tpu.memory_space<vmem>>, vector<1x16xf32>,
        %get3A_323 = arith.index_cast %add3A_289 : i32 to index
        %get3A_324 = arith.constant 48 : index
        %get3A_325 = tpu.vector_load %arg15[%get3A_323, %get3A_324] {strides = array<i32>} : memref<128x64xf32, #tpu.memory_space<vmem>>, vector<1x16xf32>,
        %get3A_326 = vector.shape_cast %get3A_325 : vector<1x16xf32> to vector<16xf32>
        %mul3A_327 = vector.broadcast %squeeze3A_285 : f32 to vector<16xf32>
        %mul3A_328 = arith.mulf %get3A_326, %mul3A_327 : vector<16xf32>
        %swap3A_329 = arith.index_cast %add3A_289 : i32 to index
        %swap3A_330 = arith.constant 48 : index
        %swap3A_331 = tpu.vector_load %arg15[%swap3A_329, %swap3A_330] {strides = array<i32>} : memref<128x64xf32, #tpu.memory_space<vmem>>, vector<1x16xf32>,
        %swap3A_332 = vector.shape_cast %swap3A_331 : vector<1x16xf32> to vector<16xf32>
        %swap3A_333 = vector.shape_cast %mul3A_328 : vector<16xf32> to vector<1x16xf32>
        tpu.vector_store %arg15[%swap3A_329, %swap3A_330], %swap3A_333 {strides = array<i32>} : memref<128x64xf32, #tpu.memory_space<vmem>>, vector<1x16xf32>,
        %slice3A_334 = vector.extract_strided_slice %get3A_236 {offsets = [2], sizes = [1], strides = [1]} : vector<16xf32> to vector<1xf32>
        %squeeze3A_335 = vector.extract %slice3A_334[0] : f32 from vector<1xf32>
        %mul3A_336 = arith.constant 16 : i32
        %mul3A_337 = arith.muli %scan3A_232, %mul3A_336 : i32
        %add3A_338 = arith.constant 2 : i32
        %add3A_339 = arith.addi %mul3A_337, %add3A_338 : i32
        %get3A_340 = arith.index_cast %add3A_339 : i32 to index
        %get3A_341 = arith.constant 0 : index
        %get3A_342 = tpu.vector_load %arg15[%get3A_340, %get3A_341] {strides = array<i32>} : memref<128x64xf32, #tpu.memory_space<vmem>>, vector<1x16xf32>,
        %get3A_343 = vector.shape_cast %get3A_342 : vector<1x16xf32> to vector<16xf32>
        %mul3A_344 = vector.broadcast %squeeze3A_335 : f32 to vector<16xf32>
        %mul3A_345 = arith.mulf %get3A_343, %mul3A_344 : vector<16xf32>
        %swap3A_346 = arith.index_cast %add3A_339 : i32 to index
        %swap3A_347 = arith.constant 0 : index
        %swap3A_348 = tpu.vector_load %arg15[%swap3A_346, %swap3A_347] {strides = array<i32>} : memref<128x64xf32, #tpu.memory_space<vmem>>, vector<1x16xf32>,
        %swap3A_349 = vector.shape_cast %swap3A_348 : vector<1x16xf32> to vector<16xf32>
        %swap3A_350 = vector.shape_cast %mul3A_345 : vector<16xf32> to vector<1x16xf32>
        tpu.vector_store %arg15[%swap3A_346, %swap3A_347], %swap3A_350 {strides = array<i32>} : memref<128x64xf32, #tpu.memory_space<vmem>>, vector<1x16xf32>,
        %get3A_351 = arith.index_cast %add3A_339 : i32 to index
        %get3A_352 = arith.constant 16 : index
        %get3A_353 = tpu.vector_load %arg15[%get3A_351, %get3A_352] {strides = array<i32>} : memref<128x64xf32, #tpu.memory_space<vmem>>, vector<1x16xf32>,
        %get3A_354 = vector.shape_cast %get3A_353 : vector<1x16xf32> to vector<16xf32>
        %mul3A_355 = vector.broadcast %squeeze3A_335 : f32 to vector<16xf32>
        %mul3A_356 = arith.mulf %get3A_354, %mul3A_355 : vector<16xf32>
        %swap3A_357 = arith.index_cast %add3A_339 : i32 to index
        %swap3A_358 = arith.constant 16 : index
        %swap3A_359 = tpu.vector_load %arg15[%swap3A_357, %swap3A_358] {strides = array<i32>} : memref<128x64xf32, #tpu.memory_space<vmem>>, vector<1x16xf32>,
        %swap3A_360 = vector.shape_cast %swap3A_359 : vector<1x16xf32> to vector<16xf32>
        %swap3A_361 = vector.shape_cast %mul3A_356 : vector<16xf32> to vector<1x16xf32>
        tpu.vector_store %arg15[%swap3A_357, %swap3A_358], %swap3A_361 {strides = array<i32>} : memref<128x64xf32, #tpu.memory_space<vmem>>, vector<1x16xf32>,
        %get3A_362 = arith.index_cast %add3A_339 : i32 to index
        %get3A_363 = arith.constant 32 : index
        %get3A_364 = tpu.vector_load %arg15[%get3A_362, %get3A_363] {strides = array<i32>} : memref<128x64xf32, #tpu.memory_space<vmem>>, vector<1x16xf32>,
        %get3A_365 = vector.shape_cast %get3A_364 : vector<1x16xf32> to vector<16xf32>
        %mul3A_366 = vector.broadcast %squeeze3A_335 : f32 to vector<16xf32>
        %mul3A_367 = arith.mulf %get3A_365, %mul3A_366 : vector<16xf32>
        %swap3A_368 = arith.index_cast %add3A_339 : i32 to index
        %swap3A_369 = arith.constant 32 : index
        %swap3A_370 = tpu.vector_load %arg15[%swap3A_368, %swap3A_369] {strides = array<i32>} : memref<128x64xf32, #tpu.memory_space<vmem>>, vector<1x16xf32>,
        %swap3A_371 = vector.shape_cast %swap3A_370 : vector<1x16xf32> to vector<16xf32>
        %swap3A_372 = vector.shape_cast %mul3A_367 : vector<16xf32> to vector<1x16xf32>
        tpu.vector_store %arg15[%swap3A_368, %swap3A_369], %swap3A_372 {strides = array<i32>} : memref<128x64xf32, #tpu.memory_space<vmem>>, vector<1x16xf32>,
        %get3A_373 = arith.index_cast %add3A_339 : i32 to index
        %get3A_374 = arith.constant 48 : index
        %get3A_375 = tpu.vector_load %arg15[%get3A_373, %get3A_374] {strides = array<i32>} : memref<128x64xf32, #tpu.memory_space<vmem>>, vector<1x16xf32>,
        %get3A_376 = vector.shape_cast %get3A_375 : vector<1x16xf32> to vector<16xf32>
        %mul3A_377 = vector.broadcast %squeeze3A_335 : f32 to vector<16xf32>
        %mul3A_378 = arith.mulf %get3A_376, %mul3A_377 : vector<16xf32>
        %swap3A_379 = arith.index_cast %add3A_339 : i32 to index
        %swap3A_380 = arith.constant 48 : index
        %swap3A_381 = tpu.vector_load %arg15[%swap3A_379, %swap3A_380] {strides = array<i32>} : memref<128x64xf32, #tpu.memory_space<vmem>>, vector<1x16xf32>,
        %swap3A_382 = vector.shape_cast %swap3A_381 : vector<1x16xf32> to vector<16xf32>
        %swap3A_383 = vector.shape_cast %mul3A_378 : vector<16xf32> to vector<1x16xf32>
        tpu.vector_store %arg15[%swap3A_379, %swap3A_380], %swap3A_383 {strides = array<i32>} : memref<128x64xf32, #tpu.memory_space<vmem>>, vector<1x16xf32>,
        %slice3A_384 = vector.extract_strided_slice %get3A_236 {offsets = [3], sizes = [1], strides = [1]} : vector<16xf32> to vector<1xf32>
        %squeeze3A_385 = vector.extract %slice3A_384[0] : f32 from vector<1xf32>
        %mul3A_386 = arith.constant 16 : i32
        %mul3A_387 = arith.muli %scan3A_232, %mul3A_386 : i32
        %add3A_388 = arith.constant 3 : i32
        %add3A_389 = arith.addi %mul3A_387, %add3A_388 : i32
        %get3A_390 = arith.index_cast %add3A_389 : i32 to index
        %get3A_391 = arith.constant 0 : index
        %get3A_392 = tpu.vector_load %arg15[%get3A_390, %get3A_391] {strides = array<i32>} : memref<128x64xf32, #tpu.memory_space<vmem>>, vector<1x16xf32>,
        %get3A_393 = vector.shape_cast %get3A_392 : vector<1x16xf32> to vector<16xf32>
        %mul3A_394 = vector.broadcast %squeeze3A_385 : f32 to vector<16xf32>
        %mul3A_395 = arith.mulf %get3A_393, %mul3A_394 : vector<16xf32>
        %swap3A_396 = arith.index_cast %add3A_389 : i32 to index
        %swap3A_397 = arith.constant 0 : index
        %swap3A_398 = tpu.vector_load %arg15[%swap3A_396, %swap3A_397] {strides = array<i32>} : memref<128x64xf32, #tpu.memory_space<vmem>>, vector<1x16xf32>,
        %swap3A_399 = vector.shape_cast %swap3A_398 : vector<1x16xf32> to vector<16xf32>
        %swap3A_400 = vector.shape_cast %mul3A_395 : vector<16xf32> to vector<1x16xf32>
        tpu.vector_store %arg15[%swap3A_396, %swap3A_397], %swap3A_400 {strides = array<i32>} : memref<128x64xf32, #tpu.memory_space<vmem>>, vector<1x16xf32>,
        %get3A_401 = arith.index_cast %add3A_389 : i32 to index
        %get3A_402 = arith.constant 16 : index
        %get3A_403 = tpu.vector_load %arg15[%get3A_401, %get3A_402] {strides = array<i32>} : memref<128x64xf32, #tpu.memory_space<vmem>>, vector<1x16xf32>,
        %get3A_404 = vector.shape_cast %get3A_403 : vector<1x16xf32> to vector<16xf32>
        %mul3A_405 = vector.broadcast %squeeze3A_385 : f32 to vector<16xf32>
        %mul3A_406 = arith.mulf %get3A_404, %mul3A_405 : vector<16xf32>
        %swap3A_407 = arith.index_cast %add3A_389 : i32 to index
        %swap3A_408 = arith.constant 16 : index
        %swap3A_409 = tpu.vector_load %arg15[%swap3A_407, %swap3A_408] {strides = array<i32>} : memref<128x64xf32, #tpu.memory_space<vmem>>, vector<1x16xf32>,
        %swap3A_410 = vector.shape_cast %swap3A_409 : vector<1x16xf32> to vector<16xf32>
        %swap3A_411 = vector.shape_cast %mul3A_406 : vector<16xf32> to vector<1x16xf32>
        tpu.vector_store %arg15[%swap3A_407, %swap3A_408], %swap3A_411 {strides = array<i32>} : memref<128x64xf32, #tpu.memory_space<vmem>>, vector<1x16xf32>,
        %get3A_412 = arith.index_cast %add3A_389 : i32 to index
        %get3A_413 = arith.constant 32 : index
        %get3A_414 = tpu.vector_load %arg15[%get3A_412, %get3A_413] {strides = array<i32>} : memref<128x64xf32, #tpu.memory_space<vmem>>, vector<1x16xf32>,
        %get3A_415 = vector.shape_cast %get3A_414 : vector<1x16xf32> to vector<16xf32>
        %mul3A_416 = vector.broadcast %squeeze3A_385 : f32 to vector<16xf32>
        %mul3A_417 = arith.mulf %get3A_415, %mul3A_416 : vector<16xf32>
        %swap3A_418 = arith.index_cast %add3A_389 : i32 to index
        %swap3A_419 = arith.constant 32 : index
        %swap3A_420 = tpu.vector_load %arg15[%swap3A_418, %swap3A_419] {strides = array<i32>} : memref<128x64xf32, #tpu.memory_space<vmem>>, vector<1x16xf32>,
        %swap3A_421 = vector.shape_cast %swap3A_420 : vector<1x16xf32> to vector<16xf32>
        %swap3A_422 = vector.shape_cast %mul3A_417 : vector<16xf32> to vector<1x16xf32>
        tpu.vector_store %arg15[%swap3A_418, %swap3A_419], %swap3A_422 {strides = array<i32>} : memref<128x64xf32, #tpu.memory_space<vmem>>, vector<1x16xf32>,
        %get3A_423 = arith.index_cast %add3A_389 : i32 to index
        %get3A_424 = arith.constant 48 : index
        %get3A_425 = tpu.vector_load %arg15[%get3A_423, %get3A_424] {strides = array<i32>} : memref<128x64xf32, #tpu.memory_space<vmem>>, vector<1x16xf32>,
        %get3A_426 = vector.shape_cast %get3A_425 : vector<1x16xf32> to vector<16xf32>
        %mul3A_427 = vector.broadcast %squeeze3A_385 : f32 to vector<16xf32>
        %mul3A_428 = arith.mulf %get3A_426, %mul3A_427 : vector<16xf32>
        %swap3A_429 = arith.index_cast %add3A_389 : i32 to index
        %swap3A_430 = arith.constant 48 : index
        %swap3A_431 = tpu.vector_load %arg15[%swap3A_429, %swap3A_430] {strides = array<i32>} : memref<128x64xf32, #tpu.memory_space<vmem>>, vector<1x16xf32>,
        %swap3A_432 = vector.shape_cast %swap3A_431 : vector<1x16xf32> to vector<16xf32>
        %swap3A_433 = vector.shape_cast %mul3A_428 : vector<16xf32> to vector<1x16xf32>
        tpu.vector_store %arg15[%swap3A_429, %swap3A_430], %swap3A_433 {strides = array<i32>} : memref<128x64xf32, #tpu.memory_space<vmem>>, vector<1x16xf32>,
        %slice3A_434 = vector.extract_strided_slice %get3A_236 {offsets = [4], sizes = [1], strides = [1]} : vector<16xf32> to vector<1xf32>
        %squeeze3A_435 = vector.extract %slice3A_434[0] : f32 from vector<1xf32>
        %mul3A_436 = arith.constant 16 : i32
        %mul3A_437 = arith.muli %scan3A_232, %mul3A_436 : i32
        %add3A_438 = arith.constant 4 : i32
        %add3A_439 = arith.addi %mul3A_437, %add3A_438 : i32
        %get3A_440 = arith.index_cast %add3A_439 : i32 to index
        %get3A_441 = arith.constant 0 : index
        %get3A_442 = tpu.vector_load %arg15[%get3A_440, %get3A_441] {strides = array<i32>} : memref<128x64xf32, #tpu.memory_space<vmem>>, vector<1x16xf32>,
        %get3A_443 = vector.shape_cast %get3A_442 : vector<1x16xf32> to vector<16xf32>
        %mul3A_444 = vector.broadcast %squeeze3A_435 : f32 to vector<16xf32>
        %mul3A_445 = arith.mulf %get3A_443, %mul3A_444 : vector<16xf32>
        %swap3A_446 = arith.index_cast %add3A_439 : i32 to index
        %swap3A_447 = arith.constant 0 : index
        %swap3A_448 = tpu.vector_load %arg15[%swap3A_446, %swap3A_447] {strides = array<i32>} : memref<128x64xf32, #tpu.memory_space<vmem>>, vector<1x16xf32>,
        %swap3A_449 = vector.shape_cast %swap3A_448 : vector<1x16xf32> to vector<16xf32>
        %swap3A_450 = vector.shape_cast %mul3A_445 : vector<16xf32> to vector<1x16xf32>
        tpu.vector_store %arg15[%swap3A_446, %swap3A_447], %swap3A_450 {strides = array<i32>} : memref<128x64xf32, #tpu.memory_space<vmem>>, vector<1x16xf32>,
        %get3A_451 = arith.index_cast %add3A_439 : i32 to index
        %get3A_452 = arith.constant 16 : index
        %get3A_453 = tpu.vector_load %arg15[%get3A_451, %get3A_452] {strides = array<i32>} : memref<128x64xf32, #tpu.memory_space<vmem>>, vector<1x16xf32>,
        %get3A_454 = vector.shape_cast %get3A_453 : vector<1x16xf32> to vector<16xf32>
        %mul3A_455 = vector.broadcast %squeeze3A_435 : f32 to vector<16xf32>
        %mul3A_456 = arith.mulf %get3A_454, %mul3A_455 : vector<16xf32>
        %swap3A_457 = arith.index_cast %add3A_439 : i32 to index
        %swap3A_458 = arith.constant 16 : index
        %swap3A_459 = tpu.vector_load %arg15[%swap3A_457, %swap3A_458] {strides = array<i32>} : memref<128x64xf32, #tpu.memory_space<vmem>>, vector<1x16xf32>,
        %swap3A_460 = vector.shape_cast %swap3A_459 : vector<1x16xf32> to vector<16xf32>
        %swap3A_461 = vector.shape_cast %mul3A_456 : vector<16xf32> to vector<1x16xf32>
        tpu.vector_store %arg15[%swap3A_457, %swap3A_458], %swap3A_461 {strides = array<i32>} : memref<128x64xf32, #tpu.memory_space<vmem>>, vector<1x16xf32>,
        %get3A_462 = arith.index_cast %add3A_439 : i32 to index
        %get3A_463 = arith.constant 32 : index
        %get3A_464 = tpu.vector_load %arg15[%get3A_462, %get3A_463] {strides = array<i32>} : memref<128x64xf32, #tpu.memory_space<vmem>>, vector<1x16xf32>,
        %get3A_465 = vector.shape_cast %get3A_464 : vector<1x16xf32> to vector<16xf32>
        %mul3A_466 = vector.broadcast %squeeze3A_435 : f32 to vector<16xf32>
        %mul3A_467 = arith.mulf %get3A_465, %mul3A_466 : vector<16xf32>
        %swap3A_468 = arith.index_cast %add3A_439 : i32 to index
        %swap3A_469 = arith.constant 32 : index
        %swap3A_470 = tpu.vector_load %arg15[%swap3A_468, %swap3A_469] {strides = array<i32>} : memref<128x64xf32, #tpu.memory_space<vmem>>, vector<1x16xf32>,
        %swap3A_471 = vector.shape_cast %swap3A_470 : vector<1x16xf32> to vector<16xf32>
        %swap3A_472 = vector.shape_cast %mul3A_467 : vector<16xf32> to vector<1x16xf32>
        tpu.vector_store %arg15[%swap3A_468, %swap3A_469], %swap3A_472 {strides = array<i32>} : memref<128x64xf32, #tpu.memory_space<vmem>>, vector<1x16xf32>,
        %get3A_473 = arith.index_cast %add3A_439 : i32 to index
        %get3A_474 = arith.constant 48 : index
        %get3A_475 = tpu.vector_load %arg15[%get3A_473, %get3A_474] {strides = array<i32>} : memref<128x64xf32, #tpu.memory_space<vmem>>, vector<1x16xf32>,
        %get3A_476 = vector.shape_cast %get3A_475 : vector<1x16xf32> to vector<16xf32>
        %mul3A_477 = vector.broadcast %squeeze3A_435 : f32 to vector<16xf32>
        %mul3A_478 = arith.mulf %get3A_476, %mul3A_477 : vector<16xf32>
        %swap3A_479 = arith.index_cast %add3A_439 : i32 to index
        %swap3A_480 = arith.constant 48 : index
        %swap3A_481 = tpu.vector_load %arg15[%swap3A_479, %swap3A_480] {strides = array<i32>} : memref<128x64xf32, #tpu.memory_space<vmem>>, vector<1x16xf32>,
        %swap3A_482 = vector.shape_cast %swap3A_481 : vector<1x16xf32> to vector<16xf32>
        %swap3A_483 = vector.shape_cast %mul3A_478 : vector<16xf32> to vector<1x16xf32>
        tpu.vector_store %arg15[%swap3A_479, %swap3A_480], %swap3A_483 {strides = array<i32>} : memref<128x64xf32, #tpu.memory_space<vmem>>, vector<1x16xf32>,
        %slice3A_484 = vector.extract_strided_slice %get3A_236 {offsets = [5], sizes = [1], strides = [1]} : vector<16xf32> to vector<1xf32>
        %squeeze3A_485 = vector.extract %slice3A_484[0] : f32 from vector<1xf32>
        %mul3A_486 = arith.constant 16 : i32
        %mul3A_487 = arith.muli %scan3A_232, %mul3A_486 : i32
        %add3A_488 = arith.constant 5 : i32
        %add3A_489 = arith.addi %mul3A_487, %add3A_488 : i32
        %get3A_490 = arith.index_cast %add3A_489 : i32 to index
        %get3A_491 = arith.constant 0 : index
        %get3A_492 = tpu.vector_load %arg15[%get3A_490, %get3A_491] {strides = array<i32>} : memref<128x64xf32, #tpu.memory_space<vmem>>, vector<1x16xf32>,
        %get3A_493 = vector.shape_cast %get3A_492 : vector<1x16xf32> to vector<16xf32>
        %mul3A_494 = vector.broadcast %squeeze3A_485 : f32 to vector<16xf32>
        %mul3A_495 = arith.mulf %get3A_493, %mul3A_494 : vector<16xf32>
        %swap3A_496 = arith.index_cast %add3A_489 : i32 to index
        %swap3A_497 = arith.constant 0 : index
        %swap3A_498 = tpu.vector_load %arg15[%swap3A_496, %swap3A_497] {strides = array<i32>} : memref<128x64xf32, #tpu.memory_space<vmem>>, vector<1x16xf32>,
        %swap3A_499 = vector.shape_cast %swap3A_498 : vector<1x16xf32> to vector<16xf32>
        %swap3A_500 = vector.shape_cast %mul3A_495 : vector<16xf32> to vector<1x16xf32>
        tpu.vector_store %arg15[%swap3A_496, %swap3A_497], %swap3A_500 {strides = array<i32>} : memref<128x64xf32, #tpu.memory_space<vmem>>, vector<1x16xf32>,
        %get3A_501 = arith.index_cast %add3A_489 : i32 to index
        %get3A_502 = arith.constant 16 : index
        %get3A_503 = tpu.vector_load %arg15[%get3A_501, %get3A_502] {strides = array<i32>} : memref<128x64xf32, #tpu.memory_space<vmem>>, vector<1x16xf32>,
        %get3A_504 = vector.shape_cast %get3A_503 : vector<1x16xf32> to vector<16xf32>
        %mul3A_505 = vector.broadcast %squeeze3A_485 : f32 to vector<16xf32>
        %mul3A_506 = arith.mulf %get3A_504, %mul3A_505 : vector<16xf32>
        %swap3A_507 = arith.index_cast %add3A_489 : i32 to index
        %swap3A_508 = arith.constant 16 : index
        %swap3A_509 = tpu.vector_load %arg15[%swap3A_507, %swap3A_508] {strides = array<i32>} : memref<128x64xf32, #tpu.memory_space<vmem>>, vector<1x16xf32>,
        %swap3A_510 = vector.shape_cast %swap3A_509 : vector<1x16xf32> to vector<16xf32>
        %swap3A_511 = vector.shape_cast %mul3A_506 : vector<16xf32> to vector<1x16xf32>
        tpu.vector_store %arg15[%swap3A_507, %swap3A_508], %swap3A_511 {strides = array<i32>} : memref<128x64xf32, #tpu.memory_space<vmem>>, vector<1x16xf32>,
        %get3A_512 = arith.index_cast %add3A_489 : i32 to index
        %get3A_513 = arith.constant 32 : index
        %get3A_514 = tpu.vector_load %arg15[%get3A_512, %get3A_513] {strides = array<i32>} : memref<128x64xf32, #tpu.memory_space<vmem>>, vector<1x16xf32>,
        %get3A_515 = vector.shape_cast %get3A_514 : vector<1x16xf32> to vector<16xf32>
        %mul3A_516 = vector.broadcast %squeeze3A_485 : f32 to vector<16xf32>
        %mul3A_517 = arith.mulf %get3A_515, %mul3A_516 : vector<16xf32>
        %swap3A_518 = arith.index_cast %add3A_489 : i32 to index
        %swap3A_519 = arith.constant 32 : index
        %swap3A_520 = tpu.vector_load %arg15[%swap3A_518, %swap3A_519] {strides = array<i32>} : memref<128x64xf32, #tpu.memory_space<vmem>>, vector<1x16xf32>,
        %swap3A_521 = vector.shape_cast %swap3A_520 : vector<1x16xf32> to vector<16xf32>
        %swap3A_522 = vector.shape_cast %mul3A_517 : vector<16xf32> to vector<1x16xf32>
        tpu.vector_store %arg15[%swap3A_518, %swap3A_519], %swap3A_522 {strides = array<i32>} : memref<128x64xf32, #tpu.memory_space<vmem>>, vector<1x16xf32>,
        %get3A_523 = arith.index_cast %add3A_489 : i32 to index
        %get3A_524 = arith.constant 48 : index
        %get3A_525 = tpu.vector_load %arg15[%get3A_523, %get3A_524] {strides = array<i32>} : memref<128x64xf32, #tpu.memory_space<vmem>>, vector<1x16xf32>,
        %get3A_526 = vector.shape_cast %get3A_525 : vector<1x16xf32> to vector<16xf32>
        %mul3A_527 = vector.broadcast %squeeze3A_485 : f32 to vector<16xf32>
        %mul3A_528 = arith.mulf %get3A_526, %mul3A_527 : vector<16xf32>
        %swap3A_529 = arith.index_cast %add3A_489 : i32 to index
        %swap3A_530 = arith.constant 48 : index
        %swap3A_531 = tpu.vector_load %arg15[%swap3A_529, %swap3A_530] {strides = array<i32>} : memref<128x64xf32, #tpu.memory_space<vmem>>, vector<1x16xf32>,
        %swap3A_532 = vector.shape_cast %swap3A_531 : vector<1x16xf32> to vector<16xf32>
        %swap3A_533 = vector.shape_cast %mul3A_528 : vector<16xf32> to vector<1x16xf32>
        tpu.vector_store %arg15[%swap3A_529, %swap3A_530], %swap3A_533 {strides = array<i32>} : memref<128x64xf32, #tpu.memory_space<vmem>>, vector<1x16xf32>,
        %slice3A_534 = vector.extract_strided_slice %get3A_236 {offsets = [6], sizes = [1], strides = [1]} : vector<16xf32> to vector<1xf32>
        %squeeze3A_535 = vector.extract %slice3A_534[0] : f32 from vector<1xf32>
        %mul3A_536 = arith.constant 16 : i32
        %mul3A_537 = arith.muli %scan3A_232, %mul3A_536 : i32
        %add3A_538 = arith.constant 6 : i32
        %add3A_539 = arith.addi %mul3A_537, %add3A_538 : i32
        %get3A_540 = arith.index_cast %add3A_539 : i32 to index
        %get3A_541 = arith.constant 0 : index
        %get3A_542 = tpu.vector_load %arg15[%get3A_540, %get3A_541] {strides = array<i32>} : memref<128x64xf32, #tpu.memory_space<vmem>>, vector<1x16xf32>,
        %get3A_543 = vector.shape_cast %get3A_542 : vector<1x16xf32> to vector<16xf32>
        %mul3A_544 = vector.broadcast %squeeze3A_535 : f32 to vector<16xf32>
        %mul3A_545 = arith.mulf %get3A_543, %mul3A_544 : vector<16xf32>
        %swap3A_546 = arith.index_cast %add3A_539 : i32 to index
        %swap3A_547 = arith.constant 0 : index
        %swap3A_548 = tpu.vector_load %arg15[%swap3A_546, %swap3A_547] {strides = array<i32>} : memref<128x64xf32, #tpu.memory_space<vmem>>, vector<1x16xf32>,
        %swap3A_549 = vector.shape_cast %swap3A_548 : vector<1x16xf32> to vector<16xf32>
        %swap3A_550 = vector.shape_cast %mul3A_545 : vector<16xf32> to vector<1x16xf32>
        tpu.vector_store %arg15[%swap3A_546, %swap3A_547], %swap3A_550 {strides = array<i32>} : memref<128x64xf32, #tpu.memory_space<vmem>>, vector<1x16xf32>,
        %get3A_551 = arith.index_cast %add3A_539 : i32 to index
        %get3A_552 = arith.constant 16 : index
        %get3A_553 = tpu.vector_load %arg15[%get3A_551, %get3A_552] {strides = array<i32>} : memref<128x64xf32, #tpu.memory_space<vmem>>, vector<1x16xf32>,
        %get3A_554 = vector.shape_cast %get3A_553 : vector<1x16xf32> to vector<16xf32>
        %mul3A_555 = vector.broadcast %squeeze3A_535 : f32 to vector<16xf32>
        %mul3A_556 = arith.mulf %get3A_554, %mul3A_555 : vector<16xf32>
        %swap3A_557 = arith.index_cast %add3A_539 : i32 to index
        %swap3A_558 = arith.constant 16 : index
        %swap3A_559 = tpu.vector_load %arg15[%swap3A_557, %swap3A_558] {strides = array<i32>} : memref<128x64xf32, #tpu.memory_space<vmem>>, vector<1x16xf32>,
        %swap3A_560 = vector.shape_cast %swap3A_559 : vector<1x16xf32> to vector<16xf32>
        %swap3A_561 = vector.shape_cast %mul3A_556 : vector<16xf32> to vector<1x16xf32>
        tpu.vector_store %arg15[%swap3A_557, %swap3A_558], %swap3A_561 {strides = array<i32>} : memref<128x64xf32, #tpu.memory_space<vmem>>, vector<1x16xf32>,
        %get3A_562 = arith.index_cast %add3A_539 : i32 to index
        %get3A_563 = arith.constant 32 : index
        %get3A_564 = tpu.vector_load %arg15[%get3A_562, %get3A_563] {strides = array<i32>} : memref<128x64xf32, #tpu.memory_space<vmem>>, vector<1x16xf32>,
        %get3A_565 = vector.shape_cast %get3A_564 : vector<1x16xf32> to vector<16xf32>
        %mul3A_566 = vector.broadcast %squeeze3A_535 : f32 to vector<16xf32>
        %mul3A_567 = arith.mulf %get3A_565, %mul3A_566 : vector<16xf32>
        %swap3A_568 = arith.index_cast %add3A_539 : i32 to index
        %swap3A_569 = arith.constant 32 : index
        %swap3A_570 = tpu.vector_load %arg15[%swap3A_568, %swap3A_569] {strides = array<i32>} : memref<128x64xf32, #tpu.memory_space<vmem>>, vector<1x16xf32>,
        %swap3A_571 = vector.shape_cast %swap3A_570 : vector<1x16xf32> to vector<16xf32>
        %swap3A_572 = vector.shape_cast %mul3A_567 : vector<16xf32> to vector<1x16xf32>
        tpu.vector_store %arg15[%swap3A_568, %swap3A_569], %swap3A_572 {strides = array<i32>} : memref<128x64xf32, #tpu.memory_space<vmem>>, vector<1x16xf32>,
        %get3A_573 = arith.index_cast %add3A_539 : i32 to index
        %get3A_574 = arith.constant 48 : index
        %get3A_575 = tpu.vector_load %arg15[%get3A_573, %get3A_574] {strides = array<i32>} : memref<128x64xf32, #tpu.memory_space<vmem>>, vector<1x16xf32>,
        %get3A_576 = vector.shape_cast %get3A_575 : vector<1x16xf32> to vector<16xf32>
        %mul3A_577 = vector.broadcast %squeeze3A_535 : f32 to vector<16xf32>
        %mul3A_578 = arith.mulf %get3A_576, %mul3A_577 : vector<16xf32>
        %swap3A_579 = arith.index_cast %add3A_539 : i32 to index
        %swap3A_580 = arith.constant 48 : index
        %swap3A_581 = tpu.vector_load %arg15[%swap3A_579, %swap3A_580] {strides = array<i32>} : memref<128x64xf32, #tpu.memory_space<vmem>>, vector<1x16xf32>,
        %swap3A_582 = vector.shape_cast %swap3A_581 : vector<1x16xf32> to vector<16xf32>
        %swap3A_583 = vector.shape_cast %mul3A_578 : vector<16xf32> to vector<1x16xf32>
        tpu.vector_store %arg15[%swap3A_579, %swap3A_580], %swap3A_583 {strides = array<i32>} : memref<128x64xf32, #tpu.memory_space<vmem>>, vector<1x16xf32>,
        %slice3A_584 = vector.extract_strided_slice %get3A_236 {offsets = [7], sizes = [1], strides = [1]} : vector<16xf32> to vector<1xf32>
        %squeeze3A_585 = vector.extract %slice3A_584[0] : f32 from vector<1xf32>
        %mul3A_586 = arith.constant 16 : i32
        %mul3A_587 = arith.muli %scan3A_232, %mul3A_586 : i32
        %add3A_588 = arith.constant 7 : i32
        %add3A_589 = arith.addi %mul3A_587, %add3A_588 : i32
        %get3A_590 = arith.index_cast %add3A_589 : i32 to index
        %get3A_591 = arith.constant 0 : index
        %get3A_592 = tpu.vector_load %arg15[%get3A_590, %get3A_591] {strides = array<i32>} : memref<128x64xf32, #tpu.memory_space<vmem>>, vector<1x16xf32>,
        %get3A_593 = vector.shape_cast %get3A_592 : vector<1x16xf32> to vector<16xf32>
        %mul3A_594 = vector.broadcast %squeeze3A_585 : f32 to vector<16xf32>
        %mul3A_595 = arith.mulf %get3A_593, %mul3A_594 : vector<16xf32>
        %swap3A_596 = arith.index_cast %add3A_589 : i32 to index
        %swap3A_597 = arith.constant 0 : index
        %swap3A_598 = tpu.vector_load %arg15[%swap3A_596, %swap3A_597] {strides = array<i32>} : memref<128x64xf32, #tpu.memory_space<vmem>>, vector<1x16xf32>,
        %swap3A_599 = vector.shape_cast %swap3A_598 : vector<1x16xf32> to vector<16xf32>
        %swap3A_600 = vector.shape_cast %mul3A_595 : vector<16xf32> to vector<1x16xf32>
        tpu.vector_store %arg15[%swap3A_596, %swap3A_597], %swap3A_600 {strides = array<i32>} : memref<128x64xf32, #tpu.memory_space<vmem>>, vector<1x16xf32>,
        %get3A_601 = arith.index_cast %add3A_589 : i32 to index
        %get3A_602 = arith.constant 16 : index
        %get3A_603 = tpu.vector_load %arg15[%get3A_601, %get3A_602] {strides = array<i32>} : memref<128x64xf32, #tpu.memory_space<vmem>>, vector<1x16xf32>,
        %get3A_604 = vector.shape_cast %get3A_603 : vector<1x16xf32> to vector<16xf32>
        %mul3A_605 = vector.broadcast %squeeze3A_585 : f32 to vector<16xf32>
        %mul3A_606 = arith.mulf %get3A_604, %mul3A_605 : vector<16xf32>
        %swap3A_607 = arith.index_cast %add3A_589 : i32 to index
        %swap3A_608 = arith.constant 16 : index
        %swap3A_609 = tpu.vector_load %arg15[%swap3A_607, %swap3A_608] {strides = array<i32>} : memref<128x64xf32, #tpu.memory_space<vmem>>, vector<1x16xf32>,
        %swap3A_610 = vector.shape_cast %swap3A_609 : vector<1x16xf32> to vector<16xf32>
        %swap3A_611 = vector.shape_cast %mul3A_606 : vector<16xf32> to vector<1x16xf32>
        tpu.vector_store %arg15[%swap3A_607, %swap3A_608], %swap3A_611 {strides = array<i32>} : memref<128x64xf32, #tpu.memory_space<vmem>>, vector<1x16xf32>,
        %get3A_612 = arith.index_cast %add3A_589 : i32 to index
        %get3A_613 = arith.constant 32 : index
        %get3A_614 = tpu.vector_load %arg15[%get3A_612, %get3A_613] {strides = array<i32>} : memref<128x64xf32, #tpu.memory_space<vmem>>, vector<1x16xf32>,
        %get3A_615 = vector.shape_cast %get3A_614 : vector<1x16xf32> to vector<16xf32>
        %mul3A_616 = vector.broadcast %squeeze3A_585 : f32 to vector<16xf32>
        %mul3A_617 = arith.mulf %get3A_615, %mul3A_616 : vector<16xf32>
        %swap3A_618 = arith.index_cast %add3A_589 : i32 to index
        %swap3A_619 = arith.constant 32 : index
        %swap3A_620 = tpu.vector_load %arg15[%swap3A_618, %swap3A_619] {strides = array<i32>} : memref<128x64xf32, #tpu.memory_space<vmem>>, vector<1x16xf32>,
        %swap3A_621 = vector.shape_cast %swap3A_620 : vector<1x16xf32> to vector<16xf32>
        %swap3A_622 = vector.shape_cast %mul3A_617 : vector<16xf32> to vector<1x16xf32>
        tpu.vector_store %arg15[%swap3A_618, %swap3A_619], %swap3A_622 {strides = array<i32>} : memref<128x64xf32, #tpu.memory_space<vmem>>, vector<1x16xf32>,
        %get3A_623 = arith.index_cast %add3A_589 : i32 to index
        %get3A_624 = arith.constant 48 : index
        %get3A_625 = tpu.vector_load %arg15[%get3A_623, %get3A_624] {strides = array<i32>} : memref<128x64xf32, #tpu.memory_space<vmem>>, vector<1x16xf32>,
        %get3A_626 = vector.shape_cast %get3A_625 : vector<1x16xf32> to vector<16xf32>
        %mul3A_627 = vector.broadcast %squeeze3A_585 : f32 to vector<16xf32>
        %mul3A_628 = arith.mulf %get3A_626, %mul3A_627 : vector<16xf32>
        %swap3A_629 = arith.index_cast %add3A_589 : i32 to index
        %swap3A_630 = arith.constant 48 : index
        %swap3A_631 = tpu.vector_load %arg15[%swap3A_629, %swap3A_630] {strides = array<i32>} : memref<128x64xf32, #tpu.memory_space<vmem>>, vector<1x16xf32>,
        %swap3A_632 = vector.shape_cast %swap3A_631 : vector<1x16xf32> to vector<16xf32>
        %swap3A_633 = vector.shape_cast %mul3A_628 : vector<16xf32> to vector<1x16xf32>
        tpu.vector_store %arg15[%swap3A_629, %swap3A_630], %swap3A_633 {strides = array<i32>} : memref<128x64xf32, #tpu.memory_space<vmem>>, vector<1x16xf32>,
        %slice3A_634 = vector.extract_strided_slice %get3A_236 {offsets = [8], sizes = [1], strides = [1]} : vector<16xf32> to vector<1xf32>
        %squeeze3A_635 = vector.extract %slice3A_634[0] : f32 from vector<1xf32>
        %mul3A_636 = arith.constant 16 : i32
        %mul3A_637 = arith.muli %scan3A_232, %mul3A_636 : i32
        %add3A_638 = arith.constant 8 : i32
        %add3A_639 = arith.addi %mul3A_637, %add3A_638 : i32
        %get3A_640 = arith.index_cast %add3A_639 : i32 to index
        %get3A_641 = arith.constant 0 : index
        %get3A_642 = tpu.vector_load %arg15[%get3A_640, %get3A_641] {strides = array<i32>} : memref<128x64xf32, #tpu.memory_space<vmem>>, vector<1x16xf32>,
        %get3A_643 = vector.shape_cast %get3A_642 : vector<1x16xf32> to vector<16xf32>
        %mul3A_644 = vector.broadcast %squeeze3A_635 : f32 to vector<16xf32>
        %mul3A_645 = arith.mulf %get3A_643, %mul3A_644 : vector<16xf32>
        %swap3A_646 = arith.index_cast %add3A_639 : i32 to index
        %swap3A_647 = arith.constant 0 : index
        %swap3A_648 = tpu.vector_load %arg15[%swap3A_646, %swap3A_647] {strides = array<i32>} : memref<128x64xf32, #tpu.memory_space<vmem>>, vector<1x16xf32>,
        %swap3A_649 = vector.shape_cast %swap3A_648 : vector<1x16xf32> to vector<16xf32>
        %swap3A_650 = vector.shape_cast %mul3A_645 : vector<16xf32> to vector<1x16xf32>
        tpu.vector_store %arg15[%swap3A_646, %swap3A_647], %swap3A_650 {strides = array<i32>} : memref<128x64xf32, #tpu.memory_space<vmem>>, vector<1x16xf32>,
        %get3A_651 = arith.index_cast %add3A_639 : i32 to index
        %get3A_652 = arith.constant 16 : index
        %get3A_653 = tpu.vector_load %arg15[%get3A_651, %get3A_652] {strides = array<i32>} : memref<128x64xf32, #tpu.memory_space<vmem>>, vector<1x16xf32>,
        %get3A_654 = vector.shape_cast %get3A_653 : vector<1x16xf32> to vector<16xf32>
        %mul3A_655 = vector.broadcast %squeeze3A_635 : f32 to vector<16xf32>
        %mul3A_656 = arith.mulf %get3A_654, %mul3A_655 : vector<16xf32>
        %swap3A_657 = arith.index_cast %add3A_639 : i32 to index
        %swap3A_658 = arith.constant 16 : index
        %swap3A_659 = tpu.vector_load %arg15[%swap3A_657, %swap3A_658] {strides = array<i32>} : memref<128x64xf32, #tpu.memory_space<vmem>>, vector<1x16xf32>,
        %swap3A_660 = vector.shape_cast %swap3A_659 : vector<1x16xf32> to vector<16xf32>
        %swap3A_661 = vector.shape_cast %mul3A_656 : vector<16xf32> to vector<1x16xf32>
        tpu.vector_store %arg15[%swap3A_657, %swap3A_658], %swap3A_661 {strides = array<i32>} : memref<128x64xf32, #tpu.memory_space<vmem>>, vector<1x16xf32>,
        %get3A_662 = arith.index_cast %add3A_639 : i32 to index
        %get3A_663 = arith.constant 32 : index
        %get3A_664 = tpu.vector_load %arg15[%get3A_662, %get3A_663] {strides = array<i32>} : memref<128x64xf32, #tpu.memory_space<vmem>>, vector<1x16xf32>,
        %get3A_665 = vector.shape_cast %get3A_664 : vector<1x16xf32> to vector<16xf32>
        %mul3A_666 = vector.broadcast %squeeze3A_635 : f32 to vector<16xf32>
        %mul3A_667 = arith.mulf %get3A_665, %mul3A_666 : vector<16xf32>
        %swap3A_668 = arith.index_cast %add3A_639 : i32 to index
        %swap3A_669 = arith.constant 32 : index
        %swap3A_670 = tpu.vector_load %arg15[%swap3A_668, %swap3A_669] {strides = array<i32>} : memref<128x64xf32, #tpu.memory_space<vmem>>, vector<1x16xf32>,
        %swap3A_671 = vector.shape_cast %swap3A_670 : vector<1x16xf32> to vector<16xf32>
        %swap3A_672 = vector.shape_cast %mul3A_667 : vector<16xf32> to vector<1x16xf32>
        tpu.vector_store %arg15[%swap3A_668, %swap3A_669], %swap3A_672 {strides = array<i32>} : memref<128x64xf32, #tpu.memory_space<vmem>>, vector<1x16xf32>,
        %get3A_673 = arith.index_cast %add3A_639 : i32 to index
        %get3A_674 = arith.constant 48 : index
        %get3A_675 = tpu.vector_load %arg15[%get3A_673, %get3A_674] {strides = array<i32>} : memref<128x64xf32, #tpu.memory_space<vmem>>, vector<1x16xf32>,
        %get3A_676 = vector.shape_cast %get3A_675 : vector<1x16xf32> to vector<16xf32>
        %mul3A_677 = vector.broadcast %squeeze3A_635 : f32 to vector<16xf32>
        %mul3A_678 = arith.mulf %get3A_676, %mul3A_677 : vector<16xf32>
        %swap3A_679 = arith.index_cast %add3A_639 : i32 to index
        %swap3A_680 = arith.constant 48 : index
        %swap3A_681 = tpu.vector_load %arg15[%swap3A_679, %swap3A_680] {strides = array<i32>} : memref<128x64xf32, #tpu.memory_space<vmem>>, vector<1x16xf32>,
        %swap3A_682 = vector.shape_cast %swap3A_681 : vector<1x16xf32> to vector<16xf32>
        %swap3A_683 = vector.shape_cast %mul3A_678 : vector<16xf32> to vector<1x16xf32>
        tpu.vector_store %arg15[%swap3A_679, %swap3A_680], %swap3A_683 {strides = array<i32>} : memref<128x64xf32, #tpu.memory_space<vmem>>, vector<1x16xf32>,
        %slice3A_684 = vector.extract_strided_slice %get3A_236 {offsets = [9], sizes = [1], strides = [1]} : vector<16xf32> to vector<1xf32>
        %squeeze3A_685 = vector.extract %slice3A_684[0] : f32 from vector<1xf32>
        %mul3A_686 = arith.constant 16 : i32
        %mul3A_687 = arith.muli %scan3A_232, %mul3A_686 : i32
        %add3A_688 = arith.constant 9 : i32
        %add3A_689 = arith.addi %mul3A_687, %add3A_688 : i32
        %get3A_690 = arith.index_cast %add3A_689 : i32 to index
        %get3A_691 = arith.constant 0 : index
        %get3A_692 = tpu.vector_load %arg15[%get3A_690, %get3A_691] {strides = array<i32>} : memref<128x64xf32, #tpu.memory_space<vmem>>, vector<1x16xf32>,
        %get3A_693 = vector.shape_cast %get3A_692 : vector<1x16xf32> to vector<16xf32>
        %mul3A_694 = vector.broadcast %squeeze3A_685 : f32 to vector<16xf32>
        %mul3A_695 = arith.mulf %get3A_693, %mul3A_694 : vector<16xf32>
        %swap3A_696 = arith.index_cast %add3A_689 : i32 to index
        %swap3A_697 = arith.constant 0 : index
        %swap3A_698 = tpu.vector_load %arg15[%swap3A_696, %swap3A_697] {strides = array<i32>} : memref<128x64xf32, #tpu.memory_space<vmem>>, vector<1x16xf32>,
        %swap3A_699 = vector.shape_cast %swap3A_698 : vector<1x16xf32> to vector<16xf32>
        %swap3A_700 = vector.shape_cast %mul3A_695 : vector<16xf32> to vector<1x16xf32>
        tpu.vector_store %arg15[%swap3A_696, %swap3A_697], %swap3A_700 {strides = array<i32>} : memref<128x64xf32, #tpu.memory_space<vmem>>, vector<1x16xf32>,
        %get3A_701 = arith.index_cast %add3A_689 : i32 to index
        %get3A_702 = arith.constant 16 : index
        %get3A_703 = tpu.vector_load %arg15[%get3A_701, %get3A_702] {strides = array<i32>} : memref<128x64xf32, #tpu.memory_space<vmem>>, vector<1x16xf32>,
        %get3A_704 = vector.shape_cast %get3A_703 : vector<1x16xf32> to vector<16xf32>
        %mul3A_705 = vector.broadcast %squeeze3A_685 : f32 to vector<16xf32>
        %mul3A_706 = arith.mulf %get3A_704, %mul3A_705 : vector<16xf32>
        %swap3A_707 = arith.index_cast %add3A_689 : i32 to index
        %swap3A_708 = arith.constant 16 : index
        %swap3A_709 = tpu.vector_load %arg15[%swap3A_707, %swap3A_708] {strides = array<i32>} : memref<128x64xf32, #tpu.memory_space<vmem>>, vector<1x16xf32>,
        %swap3A_710 = vector.shape_cast %swap3A_709 : vector<1x16xf32> to vector<16xf32>
        %swap3A_711 = vector.shape_cast %mul3A_706 : vector<16xf32> to vector<1x16xf32>
        tpu.vector_store %arg15[%swap3A_707, %swap3A_708], %swap3A_711 {strides = array<i32>} : memref<128x64xf32, #tpu.memory_space<vmem>>, vector<1x16xf32>,
        %get3A_712 = arith.index_cast %add3A_689 : i32 to index
        %get3A_713 = arith.constant 32 : index
        %get3A_714 = tpu.vector_load %arg15[%get3A_712, %get3A_713] {strides = array<i32>} : memref<128x64xf32, #tpu.memory_space<vmem>>, vector<1x16xf32>,
        %get3A_715 = vector.shape_cast %get3A_714 : vector<1x16xf32> to vector<16xf32>
        %mul3A_716 = vector.broadcast %squeeze3A_685 : f32 to vector<16xf32>
        %mul3A_717 = arith.mulf %get3A_715, %mul3A_716 : vector<16xf32>
        %swap3A_718 = arith.index_cast %add3A_689 : i32 to index
        %swap3A_719 = arith.constant 32 : index
        %swap3A_720 = tpu.vector_load %arg15[%swap3A_718, %swap3A_719] {strides = array<i32>} : memref<128x64xf32, #tpu.memory_space<vmem>>, vector<1x16xf32>,
        %swap3A_721 = vector.shape_cast %swap3A_720 : vector<1x16xf32> to vector<16xf32>
        %swap3A_722 = vector.shape_cast %mul3A_717 : vector<16xf32> to vector<1x16xf32>
        tpu.vector_store %arg15[%swap3A_718, %swap3A_719], %swap3A_722 {strides = array<i32>} : memref<128x64xf32, #tpu.memory_space<vmem>>, vector<1x16xf32>,
        %get3A_723 = arith.index_cast %add3A_689 : i32 to index
        %get3A_724 = arith.constant 48 : index
        %get3A_725 = tpu.vector_load %arg15[%get3A_723, %get3A_724] {strides = array<i32>} : memref<128x64xf32, #tpu.memory_space<vmem>>, vector<1x16xf32>,
        %get3A_726 = vector.shape_cast %get3A_725 : vector<1x16xf32> to vector<16xf32>
        %mul3A_727 = vector.broadcast %squeeze3A_685 : f32 to vector<16xf32>
        %mul3A_728 = arith.mulf %get3A_726, %mul3A_727 : vector<16xf32>
        %swap3A_729 = arith.index_cast %add3A_689 : i32 to index
        %swap3A_730 = arith.constant 48 : index
        %swap3A_731 = tpu.vector_load %arg15[%swap3A_729, %swap3A_730] {strides = array<i32>} : memref<128x64xf32, #tpu.memory_space<vmem>>, vector<1x16xf32>,
        %swap3A_732 = vector.shape_cast %swap3A_731 : vector<1x16xf32> to vector<16xf32>
        %swap3A_733 = vector.shape_cast %mul3A_728 : vector<16xf32> to vector<1x16xf32>
        tpu.vector_store %arg15[%swap3A_729, %swap3A_730], %swap3A_733 {strides = array<i32>} : memref<128x64xf32, #tpu.memory_space<vmem>>, vector<1x16xf32>,
        %slice3A_734 = vector.extract_strided_slice %get3A_236 {offsets = [10], sizes = [1], strides = [1]} : vector<16xf32> to vector<1xf32>
        %squeeze3A_735 = vector.extract %slice3A_734[0] : f32 from vector<1xf32>
        %mul3A_736 = arith.constant 16 : i32
        %mul3A_737 = arith.muli %scan3A_232, %mul3A_736 : i32
        %add3A_738 = arith.constant 10 : i32
        %add3A_739 = arith.addi %mul3A_737, %add3A_738 : i32
        %get3A_740 = arith.index_cast %add3A_739 : i32 to index
        %get3A_741 = arith.constant 0 : index
        %get3A_742 = tpu.vector_load %arg15[%get3A_740, %get3A_741] {strides = array<i32>} : memref<128x64xf32, #tpu.memory_space<vmem>>, vector<1x16xf32>,
        %get3A_743 = vector.shape_cast %get3A_742 : vector<1x16xf32> to vector<16xf32>
        %mul3A_744 = vector.broadcast %squeeze3A_735 : f32 to vector<16xf32>
        %mul3A_745 = arith.mulf %get3A_743, %mul3A_744 : vector<16xf32>
        %swap3A_746 = arith.index_cast %add3A_739 : i32 to index
        %swap3A_747 = arith.constant 0 : index
        %swap3A_748 = tpu.vector_load %arg15[%swap3A_746, %swap3A_747] {strides = array<i32>} : memref<128x64xf32, #tpu.memory_space<vmem>>, vector<1x16xf32>,
        %swap3A_749 = vector.shape_cast %swap3A_748 : vector<1x16xf32> to vector<16xf32>
        %swap3A_750 = vector.shape_cast %mul3A_745 : vector<16xf32> to vector<1x16xf32>
        tpu.vector_store %arg15[%swap3A_746, %swap3A_747], %swap3A_750 {strides = array<i32>} : memref<128x64xf32, #tpu.memory_space<vmem>>, vector<1x16xf32>,
        %get3A_751 = arith.index_cast %add3A_739 : i32 to index
        %get3A_752 = arith.constant 16 : index
        %get3A_753 = tpu.vector_load %arg15[%get3A_751, %get3A_752] {strides = array<i32>} : memref<128x64xf32, #tpu.memory_space<vmem>>, vector<1x16xf32>,
        %get3A_754 = vector.shape_cast %get3A_753 : vector<1x16xf32> to vector<16xf32>
        %mul3A_755 = vector.broadcast %squeeze3A_735 : f32 to vector<16xf32>
        %mul3A_756 = arith.mulf %get3A_754, %mul3A_755 : vector<16xf32>
        %swap3A_757 = arith.index_cast %add3A_739 : i32 to index
        %swap3A_758 = arith.constant 16 : index
        %swap3A_759 = tpu.vector_load %arg15[%swap3A_757, %swap3A_758] {strides = array<i32>} : memref<128x64xf32, #tpu.memory_space<vmem>>, vector<1x16xf32>,
        %swap3A_760 = vector.shape_cast %swap3A_759 : vector<1x16xf32> to vector<16xf32>
        %swap3A_761 = vector.shape_cast %mul3A_756 : vector<16xf32> to vector<1x16xf32>
        tpu.vector_store %arg15[%swap3A_757, %swap3A_758], %swap3A_761 {strides = array<i32>} : memref<128x64xf32, #tpu.memory_space<vmem>>, vector<1x16xf32>,
        %get3A_762 = arith.index_cast %add3A_739 : i32 to index
        %get3A_763 = arith.constant 32 : index
        %get3A_764 = tpu.vector_load %arg15[%get3A_762, %get3A_763] {strides = array<i32>} : memref<128x64xf32, #tpu.memory_space<vmem>>, vector<1x16xf32>,
        %get3A_765 = vector.shape_cast %get3A_764 : vector<1x16xf32> to vector<16xf32>
        %mul3A_766 = vector.broadcast %squeeze3A_735 : f32 to vector<16xf32>
        %mul3A_767 = arith.mulf %get3A_765, %mul3A_766 : vector<16xf32>
        %swap3A_768 = arith.index_cast %add3A_739 : i32 to index
        %swap3A_769 = arith.constant 32 : index
        %swap3A_770 = tpu.vector_load %arg15[%swap3A_768, %swap3A_769] {strides = array<i32>} : memref<128x64xf32, #tpu.memory_space<vmem>>, vector<1x16xf32>,
        %swap3A_771 = vector.shape_cast %swap3A_770 : vector<1x16xf32> to vector<16xf32>
        %swap3A_772 = vector.shape_cast %mul3A_767 : vector<16xf32> to vector<1x16xf32>
        tpu.vector_store %arg15[%swap3A_768, %swap3A_769], %swap3A_772 {strides = array<i32>} : memref<128x64xf32, #tpu.memory_space<vmem>>, vector<1x16xf32>,
        %get3A_773 = arith.index_cast %add3A_739 : i32 to index
        %get3A_774 = arith.constant 48 : index
        %get3A_775 = tpu.vector_load %arg15[%get3A_773, %get3A_774] {strides = array<i32>} : memref<128x64xf32, #tpu.memory_space<vmem>>, vector<1x16xf32>,
        %get3A_776 = vector.shape_cast %get3A_775 : vector<1x16xf32> to vector<16xf32>
        %mul3A_777 = vector.broadcast %squeeze3A_735 : f32 to vector<16xf32>
        %mul3A_778 = arith.mulf %get3A_776, %mul3A_777 : vector<16xf32>
        %swap3A_779 = arith.index_cast %add3A_739 : i32 to index
        %swap3A_780 = arith.constant 48 : index
        %swap3A_781 = tpu.vector_load %arg15[%swap3A_779, %swap3A_780] {strides = array<i32>} : memref<128x64xf32, #tpu.memory_space<vmem>>, vector<1x16xf32>,
        %swap3A_782 = vector.shape_cast %swap3A_781 : vector<1x16xf32> to vector<16xf32>
        %swap3A_783 = vector.shape_cast %mul3A_778 : vector<16xf32> to vector<1x16xf32>
        tpu.vector_store %arg15[%swap3A_779, %swap3A_780], %swap3A_783 {strides = array<i32>} : memref<128x64xf32, #tpu.memory_space<vmem>>, vector<1x16xf32>,
        %slice3A_784 = vector.extract_strided_slice %get3A_236 {offsets = [11], sizes = [1], strides = [1]} : vector<16xf32> to vector<1xf32>
        %squeeze3A_785 = vector.extract %slice3A_784[0] : f32 from vector<1xf32>
        %mul3A_786 = arith.constant 16 : i32
        %mul3A_787 = arith.muli %scan3A_232, %mul3A_786 : i32
        %add3A_788 = arith.constant 11 : i32
        %add3A_789 = arith.addi %mul3A_787, %add3A_788 : i32
        %get3A_790 = arith.index_cast %add3A_789 : i32 to index
        %get3A_791 = arith.constant 0 : index
        %get3A_792 = tpu.vector_load %arg15[%get3A_790, %get3A_791] {strides = array<i32>} : memref<128x64xf32, #tpu.memory_space<vmem>>, vector<1x16xf32>,
        %get3A_793 = vector.shape_cast %get3A_792 : vector<1x16xf32> to vector<16xf32>
        %mul3A_794 = vector.broadcast %squeeze3A_785 : f32 to vector<16xf32>
        %mul3A_795 = arith.mulf %get3A_793, %mul3A_794 : vector<16xf32>
        %swap3A_796 = arith.index_cast %add3A_789 : i32 to index
        %swap3A_797 = arith.constant 0 : index
        %swap3A_798 = tpu.vector_load %arg15[%swap3A_796, %swap3A_797] {strides = array<i32>} : memref<128x64xf32, #tpu.memory_space<vmem>>, vector<1x16xf32>,
        %swap3A_799 = vector.shape_cast %swap3A_798 : vector<1x16xf32> to vector<16xf32>
        %swap3A_800 = vector.shape_cast %mul3A_795 : vector<16xf32> to vector<1x16xf32>
        tpu.vector_store %arg15[%swap3A_796, %swap3A_797], %swap3A_800 {strides = array<i32>} : memref<128x64xf32, #tpu.memory_space<vmem>>, vector<1x16xf32>,
        %get3A_801 = arith.index_cast %add3A_789 : i32 to index
        %get3A_802 = arith.constant 16 : index
        %get3A_803 = tpu.vector_load %arg15[%get3A_801, %get3A_802] {strides = array<i32>} : memref<128x64xf32, #tpu.memory_space<vmem>>, vector<1x16xf32>,
        %get3A_804 = vector.shape_cast %get3A_803 : vector<1x16xf32> to vector<16xf32>
        %mul3A_805 = vector.broadcast %squeeze3A_785 : f32 to vector<16xf32>
        %mul3A_806 = arith.mulf %get3A_804, %mul3A_805 : vector<16xf32>
        %swap3A_807 = arith.index_cast %add3A_789 : i32 to index
        %swap3A_808 = arith.constant 16 : index
        %swap3A_809 = tpu.vector_load %arg15[%swap3A_807, %swap3A_808] {strides = array<i32>} : memref<128x64xf32, #tpu.memory_space<vmem>>, vector<1x16xf32>,
        %swap3A_810 = vector.shape_cast %swap3A_809 : vector<1x16xf32> to vector<16xf32>
        %swap3A_811 = vector.shape_cast %mul3A_806 : vector<16xf32> to vector<1x16xf32>
        tpu.vector_store %arg15[%swap3A_807, %swap3A_808], %swap3A_811 {strides = array<i32>} : memref<128x64xf32, #tpu.memory_space<vmem>>, vector<1x16xf32>,
        %get3A_812 = arith.index_cast %add3A_789 : i32 to index
        %get3A_813 = arith.constant 32 : index
        %get3A_814 = tpu.vector_load %arg15[%get3A_812, %get3A_813] {strides = array<i32>} : memref<128x64xf32, #tpu.memory_space<vmem>>, vector<1x16xf32>,
        %get3A_815 = vector.shape_cast %get3A_814 : vector<1x16xf32> to vector<16xf32>
        %mul3A_816 = vector.broadcast %squeeze3A_785 : f32 to vector<16xf32>
        %mul3A_817 = arith.mulf %get3A_815, %mul3A_816 : vector<16xf32>
        %swap3A_818 = arith.index_cast %add3A_789 : i32 to index
        %swap3A_819 = arith.constant 32 : index
        %swap3A_820 = tpu.vector_load %arg15[%swap3A_818, %swap3A_819] {strides = array<i32>} : memref<128x64xf32, #tpu.memory_space<vmem>>, vector<1x16xf32>,
        %swap3A_821 = vector.shape_cast %swap3A_820 : vector<1x16xf32> to vector<16xf32>
        %swap3A_822 = vector.shape_cast %mul3A_817 : vector<16xf32> to vector<1x16xf32>
        tpu.vector_store %arg15[%swap3A_818, %swap3A_819], %swap3A_822 {strides = array<i32>} : memref<128x64xf32, #tpu.memory_space<vmem>>, vector<1x16xf32>,
        %get3A_823 = arith.index_cast %add3A_789 : i32 to index
        %get3A_824 = arith.constant 48 : index
        %get3A_825 = tpu.vector_load %arg15[%get3A_823, %get3A_824] {strides = array<i32>} : memref<128x64xf32, #tpu.memory_space<vmem>>, vector<1x16xf32>,
        %get3A_826 = vector.shape_cast %get3A_825 : vector<1x16xf32> to vector<16xf32>
        %mul3A_827 = vector.broadcast %squeeze3A_785 : f32 to vector<16xf32>
        %mul3A_828 = arith.mulf %get3A_826, %mul3A_827 : vector<16xf32>
        %swap3A_829 = arith.index_cast %add3A_789 : i32 to index
        %swap3A_830 = arith.constant 48 : index
        %swap3A_831 = tpu.vector_load %arg15[%swap3A_829, %swap3A_830] {strides = array<i32>} : memref<128x64xf32, #tpu.memory_space<vmem>>, vector<1x16xf32>,
        %swap3A_832 = vector.shape_cast %swap3A_831 : vector<1x16xf32> to vector<16xf32>
        %swap3A_833 = vector.shape_cast %mul3A_828 : vector<16xf32> to vector<1x16xf32>
        tpu.vector_store %arg15[%swap3A_829, %swap3A_830], %swap3A_833 {strides = array<i32>} : memref<128x64xf32, #tpu.memory_space<vmem>>, vector<1x16xf32>,
        %slice3A_834 = vector.extract_strided_slice %get3A_236 {offsets = [12], sizes = [1], strides = [1]} : vector<16xf32> to vector<1xf32>
        %squeeze3A_835 = vector.extract %slice3A_834[0] : f32 from vector<1xf32>
        %mul3A_836 = arith.constant 16 : i32
        %mul3A_837 = arith.muli %scan3A_232, %mul3A_836 : i32
        %add3A_838 = arith.constant 12 : i32
        %add3A_839 = arith.addi %mul3A_837, %add3A_838 : i32
        %get3A_840 = arith.index_cast %add3A_839 : i32 to index
        %get3A_841 = arith.constant 0 : index
        %get3A_842 = tpu.vector_load %arg15[%get3A_840, %get3A_841] {strides = array<i32>} : memref<128x64xf32, #tpu.memory_space<vmem>>, vector<1x16xf32>,
        %get3A_843 = vector.shape_cast %get3A_842 : vector<1x16xf32> to vector<16xf32>
        %mul3A_844 = vector.broadcast %squeeze3A_835 : f32 to vector<16xf32>
        %mul3A_845 = arith.mulf %get3A_843, %mul3A_844 : vector<16xf32>
        %swap3A_846 = arith.index_cast %add3A_839 : i32 to index
        %swap3A_847 = arith.constant 0 : index
        %swap3A_848 = tpu.vector_load %arg15[%swap3A_846, %swap3A_847] {strides = array<i32>} : memref<128x64xf32, #tpu.memory_space<vmem>>, vector<1x16xf32>,
        %swap3A_849 = vector.shape_cast %swap3A_848 : vector<1x16xf32> to vector<16xf32>
        %swap3A_850 = vector.shape_cast %mul3A_845 : vector<16xf32> to vector<1x16xf32>
        tpu.vector_store %arg15[%swap3A_846, %swap3A_847], %swap3A_850 {strides = array<i32>} : memref<128x64xf32, #tpu.memory_space<vmem>>, vector<1x16xf32>,
        %get3A_851 = arith.index_cast %add3A_839 : i32 to index
        %get3A_852 = arith.constant 16 : index
        %get3A_853 = tpu.vector_load %arg15[%get3A_851, %get3A_852] {strides = array<i32>} : memref<128x64xf32, #tpu.memory_space<vmem>>, vector<1x16xf32>,
        %get3A_854 = vector.shape_cast %get3A_853 : vector<1x16xf32> to vector<16xf32>
        %mul3A_855 = vector.broadcast %squeeze3A_835 : f32 to vector<16xf32>
        %mul3A_856 = arith.mulf %get3A_854, %mul3A_855 : vector<16xf32>
        %swap3A_857 = arith.index_cast %add3A_839 : i32 to index
        %swap3A_858 = arith.constant 16 : index
        %swap3A_859 = tpu.vector_load %arg15[%swap3A_857, %swap3A_858] {strides = array<i32>} : memref<128x64xf32, #tpu.memory_space<vmem>>, vector<1x16xf32>,
        %swap3A_860 = vector.shape_cast %swap3A_859 : vector<1x16xf32> to vector<16xf32>
        %swap3A_861 = vector.shape_cast %mul3A_856 : vector<16xf32> to vector<1x16xf32>
        tpu.vector_store %arg15[%swap3A_857, %swap3A_858], %swap3A_861 {strides = array<i32>} : memref<128x64xf32, #tpu.memory_space<vmem>>, vector<1x16xf32>,
        %get3A_862 = arith.index_cast %add3A_839 : i32 to index
        %get3A_863 = arith.constant 32 : index
        %get3A_864 = tpu.vector_load %arg15[%get3A_862, %get3A_863] {strides = array<i32>} : memref<128x64xf32, #tpu.memory_space<vmem>>, vector<1x16xf32>,
        %get3A_865 = vector.shape_cast %get3A_864 : vector<1x16xf32> to vector<16xf32>
        %mul3A_866 = vector.broadcast %squeeze3A_835 : f32 to vector<16xf32>
        %mul3A_867 = arith.mulf %get3A_865, %mul3A_866 : vector<16xf32>
        %swap3A_868 = arith.index_cast %add3A_839 : i32 to index
        %swap3A_869 = arith.constant 32 : index
        %swap3A_870 = tpu.vector_load %arg15[%swap3A_868, %swap3A_869] {strides = array<i32>} : memref<128x64xf32, #tpu.memory_space<vmem>>, vector<1x16xf32>,
        %swap3A_871 = vector.shape_cast %swap3A_870 : vector<1x16xf32> to vector<16xf32>
        %swap3A_872 = vector.shape_cast %mul3A_867 : vector<16xf32> to vector<1x16xf32>
        tpu.vector_store %arg15[%swap3A_868, %swap3A_869], %swap3A_872 {strides = array<i32>} : memref<128x64xf32, #tpu.memory_space<vmem>>, vector<1x16xf32>,
        %get3A_873 = arith.index_cast %add3A_839 : i32 to index
        %get3A_874 = arith.constant 48 : index
        %get3A_875 = tpu.vector_load %arg15[%get3A_873, %get3A_874] {strides = array<i32>} : memref<128x64xf32, #tpu.memory_space<vmem>>, vector<1x16xf32>,
        %get3A_876 = vector.shape_cast %get3A_875 : vector<1x16xf32> to vector<16xf32>
        %mul3A_877 = vector.broadcast %squeeze3A_835 : f32 to vector<16xf32>
        %mul3A_878 = arith.mulf %get3A_876, %mul3A_877 : vector<16xf32>
        %swap3A_879 = arith.index_cast %add3A_839 : i32 to index
        %swap3A_880 = arith.constant 48 : index
        %swap3A_881 = tpu.vector_load %arg15[%swap3A_879, %swap3A_880] {strides = array<i32>} : memref<128x64xf32, #tpu.memory_space<vmem>>, vector<1x16xf32>,
        %swap3A_882 = vector.shape_cast %swap3A_881 : vector<1x16xf32> to vector<16xf32>
        %swap3A_883 = vector.shape_cast %mul3A_878 : vector<16xf32> to vector<1x16xf32>
        tpu.vector_store %arg15[%swap3A_879, %swap3A_880], %swap3A_883 {strides = array<i32>} : memref<128x64xf32, #tpu.memory_space<vmem>>, vector<1x16xf32>,
        %slice3A_884 = vector.extract_strided_slice %get3A_236 {offsets = [13], sizes = [1], strides = [1]} : vector<16xf32> to vector<1xf32>
        %squeeze3A_885 = vector.extract %slice3A_884[0] : f32 from vector<1xf32>
        %mul3A_886 = arith.constant 16 : i32
        %mul3A_887 = arith.muli %scan3A_232, %mul3A_886 : i32
        %add3A_888 = arith.constant 13 : i32
        %add3A_889 = arith.addi %mul3A_887, %add3A_888 : i32
        %get3A_890 = arith.index_cast %add3A_889 : i32 to index
        %get3A_891 = arith.constant 0 : index
        %get3A_892 = tpu.vector_load %arg15[%get3A_890, %get3A_891] {strides = array<i32>} : memref<128x64xf32, #tpu.memory_space<vmem>>, vector<1x16xf32>,
        %get3A_893 = vector.shape_cast %get3A_892 : vector<1x16xf32> to vector<16xf32>
        %mul3A_894 = vector.broadcast %squeeze3A_885 : f32 to vector<16xf32>
        %mul3A_895 = arith.mulf %get3A_893, %mul3A_894 : vector<16xf32>
        %swap3A_896 = arith.index_cast %add3A_889 : i32 to index
        %swap3A_897 = arith.constant 0 : index
        %swap3A_898 = tpu.vector_load %arg15[%swap3A_896, %swap3A_897] {strides = array<i32>} : memref<128x64xf32, #tpu.memory_space<vmem>>, vector<1x16xf32>,
        %swap3A_899 = vector.shape_cast %swap3A_898 : vector<1x16xf32> to vector<16xf32>
        %swap3A_900 = vector.shape_cast %mul3A_895 : vector<16xf32> to vector<1x16xf32>
        tpu.vector_store %arg15[%swap3A_896, %swap3A_897], %swap3A_900 {strides = array<i32>} : memref<128x64xf32, #tpu.memory_space<vmem>>, vector<1x16xf32>,
        %get3A_901 = arith.index_cast %add3A_889 : i32 to index
        %get3A_902 = arith.constant 16 : index
        %get3A_903 = tpu.vector_load %arg15[%get3A_901, %get3A_902] {strides = array<i32>} : memref<128x64xf32, #tpu.memory_space<vmem>>, vector<1x16xf32>,
        %get3A_904 = vector.shape_cast %get3A_903 : vector<1x16xf32> to vector<16xf32>
        %mul3A_905 = vector.broadcast %squeeze3A_885 : f32 to vector<16xf32>
        %mul3A_906 = arith.mulf %get3A_904, %mul3A_905 : vector<16xf32>
        %swap3A_907 = arith.index_cast %add3A_889 : i32 to index
        %swap3A_908 = arith.constant 16 : index
        %swap3A_909 = tpu.vector_load %arg15[%swap3A_907, %swap3A_908] {strides = array<i32>} : memref<128x64xf32, #tpu.memory_space<vmem>>, vector<1x16xf32>,
        %swap3A_910 = vector.shape_cast %swap3A_909 : vector<1x16xf32> to vector<16xf32>
        %swap3A_911 = vector.shape_cast %mul3A_906 : vector<16xf32> to vector<1x16xf32>
        tpu.vector_store %arg15[%swap3A_907, %swap3A_908], %swap3A_911 {strides = array<i32>} : memref<128x64xf32, #tpu.memory_space<vmem>>, vector<1x16xf32>,
        %get3A_912 = arith.index_cast %add3A_889 : i32 to index
        %get3A_913 = arith.constant 32 : index
        %get3A_914 = tpu.vector_load %arg15[%get3A_912, %get3A_913] {strides = array<i32>} : memref<128x64xf32, #tpu.memory_space<vmem>>, vector<1x16xf32>,
        %get3A_915 = vector.shape_cast %get3A_914 : vector<1x16xf32> to vector<16xf32>
        %mul3A_916 = vector.broadcast %squeeze3A_885 : f32 to vector<16xf32>
        %mul3A_917 = arith.mulf %get3A_915, %mul3A_916 : vector<16xf32>
        %swap3A_918 = arith.index_cast %add3A_889 : i32 to index
        %swap3A_919 = arith.constant 32 : index
        %swap3A_920 = tpu.vector_load %arg15[%swap3A_918, %swap3A_919] {strides = array<i32>} : memref<128x64xf32, #tpu.memory_space<vmem>>, vector<1x16xf32>,
        %swap3A_921 = vector.shape_cast %swap3A_920 : vector<1x16xf32> to vector<16xf32>
        %swap3A_922 = vector.shape_cast %mul3A_917 : vector<16xf32> to vector<1x16xf32>
        tpu.vector_store %arg15[%swap3A_918, %swap3A_919], %swap3A_922 {strides = array<i32>} : memref<128x64xf32, #tpu.memory_space<vmem>>, vector<1x16xf32>,
        %get3A_923 = arith.index_cast %add3A_889 : i32 to index
        %get3A_924 = arith.constant 48 : index
        %get3A_925 = tpu.vector_load %arg15[%get3A_923, %get3A_924] {strides = array<i32>} : memref<128x64xf32, #tpu.memory_space<vmem>>, vector<1x16xf32>,
        %get3A_926 = vector.shape_cast %get3A_925 : vector<1x16xf32> to vector<16xf32>
        %mul3A_927 = vector.broadcast %squeeze3A_885 : f32 to vector<16xf32>
        %mul3A_928 = arith.mulf %get3A_926, %mul3A_927 : vector<16xf32>
        %swap3A_929 = arith.index_cast %add3A_889 : i32 to index
        %swap3A_930 = arith.constant 48 : index
        %swap3A_931 = tpu.vector_load %arg15[%swap3A_929, %swap3A_930] {strides = array<i32>} : memref<128x64xf32, #tpu.memory_space<vmem>>, vector<1x16xf32>,
        %swap3A_932 = vector.shape_cast %swap3A_931 : vector<1x16xf32> to vector<16xf32>
        %swap3A_933 = vector.shape_cast %mul3A_928 : vector<16xf32> to vector<1x16xf32>
        tpu.vector_store %arg15[%swap3A_929, %swap3A_930], %swap3A_933 {strides = array<i32>} : memref<128x64xf32, #tpu.memory_space<vmem>>, vector<1x16xf32>,
        %slice3A_934 = vector.extract_strided_slice %get3A_236 {offsets = [14], sizes = [1], strides = [1]} : vector<16xf32> to vector<1xf32>
        %squeeze3A_935 = vector.extract %slice3A_934[0] : f32 from vector<1xf32>
        %mul3A_936 = arith.constant 16 : i32
        %mul3A_937 = arith.muli %scan3A_232, %mul3A_936 : i32
        %add3A_938 = arith.constant 14 : i32
        %add3A_939 = arith.addi %mul3A_937, %add3A_938 : i32
        %get3A_940 = arith.index_cast %add3A_939 : i32 to index
        %get3A_941 = arith.constant 0 : index
        %get3A_942 = tpu.vector_load %arg15[%get3A_940, %get3A_941] {strides = array<i32>} : memref<128x64xf32, #tpu.memory_space<vmem>>, vector<1x16xf32>,
        %get3A_943 = vector.shape_cast %get3A_942 : vector<1x16xf32> to vector<16xf32>
        %mul3A_944 = vector.broadcast %squeeze3A_935 : f32 to vector<16xf32>
        %mul3A_945 = arith.mulf %get3A_943, %mul3A_944 : vector<16xf32>
        %swap3A_946 = arith.index_cast %add3A_939 : i32 to index
        %swap3A_947 = arith.constant 0 : index
        %swap3A_948 = tpu.vector_load %arg15[%swap3A_946, %swap3A_947] {strides = array<i32>} : memref<128x64xf32, #tpu.memory_space<vmem>>, vector<1x16xf32>,
        %swap3A_949 = vector.shape_cast %swap3A_948 : vector<1x16xf32> to vector<16xf32>
        %swap3A_950 = vector.shape_cast %mul3A_945 : vector<16xf32> to vector<1x16xf32>
        tpu.vector_store %arg15[%swap3A_946, %swap3A_947], %swap3A_950 {strides = array<i32>} : memref<128x64xf32, #tpu.memory_space<vmem>>, vector<1x16xf32>,
        %get3A_951 = arith.index_cast %add3A_939 : i32 to index
        %get3A_952 = arith.constant 16 : index
        %get3A_953 = tpu.vector_load %arg15[%get3A_951, %get3A_952] {strides = array<i32>} : memref<128x64xf32, #tpu.memory_space<vmem>>, vector<1x16xf32>,
        %get3A_954 = vector.shape_cast %get3A_953 : vector<1x16xf32> to vector<16xf32>
        %mul3A_955 = vector.broadcast %squeeze3A_935 : f32 to vector<16xf32>
        %mul3A_956 = arith.mulf %get3A_954, %mul3A_955 : vector<16xf32>
        %swap3A_957 = arith.index_cast %add3A_939 : i32 to index
        %swap3A_958 = arith.constant 16 : index
        %swap3A_959 = tpu.vector_load %arg15[%swap3A_957, %swap3A_958] {strides = array<i32>} : memref<128x64xf32, #tpu.memory_space<vmem>>, vector<1x16xf32>,
        %swap3A_960 = vector.shape_cast %swap3A_959 : vector<1x16xf32> to vector<16xf32>
        %swap3A_961 = vector.shape_cast %mul3A_956 : vector<16xf32> to vector<1x16xf32>
        tpu.vector_store %arg15[%swap3A_957, %swap3A_958], %swap3A_961 {strides = array<i32>} : memref<128x64xf32, #tpu.memory_space<vmem>>, vector<1x16xf32>,
        %get3A_962 = arith.index_cast %add3A_939 : i32 to index
        %get3A_963 = arith.constant 32 : index
        %get3A_964 = tpu.vector_load %arg15[%get3A_962, %get3A_963] {strides = array<i32>} : memref<128x64xf32, #tpu.memory_space<vmem>>, vector<1x16xf32>,
        %get3A_965 = vector.shape_cast %get3A_964 : vector<1x16xf32> to vector<16xf32>
        %mul3A_966 = vector.broadcast %squeeze3A_935 : f32 to vector<16xf32>
        %mul3A_967 = arith.mulf %get3A_965, %mul3A_966 : vector<16xf32>
        %swap3A_968 = arith.index_cast %add3A_939 : i32 to index
        %swap3A_969 = arith.constant 32 : index
        %swap3A_970 = tpu.vector_load %arg15[%swap3A_968, %swap3A_969] {strides = array<i32>} : memref<128x64xf32, #tpu.memory_space<vmem>>, vector<1x16xf32>,
        %swap3A_971 = vector.shape_cast %swap3A_970 : vector<1x16xf32> to vector<16xf32>
        %swap3A_972 = vector.shape_cast %mul3A_967 : vector<16xf32> to vector<1x16xf32>
        tpu.vector_store %arg15[%swap3A_968, %swap3A_969], %swap3A_972 {strides = array<i32>} : memref<128x64xf32, #tpu.memory_space<vmem>>, vector<1x16xf32>,
        %get3A_973 = arith.index_cast %add3A_939 : i32 to index
        %get3A_974 = arith.constant 48 : index
        %get3A_975 = tpu.vector_load %arg15[%get3A_973, %get3A_974] {strides = array<i32>} : memref<128x64xf32, #tpu.memory_space<vmem>>, vector<1x16xf32>,
        %get3A_976 = vector.shape_cast %get3A_975 : vector<1x16xf32> to vector<16xf32>
        %mul3A_977 = vector.broadcast %squeeze3A_935 : f32 to vector<16xf32>
        %mul3A_978 = arith.mulf %get3A_976, %mul3A_977 : vector<16xf32>
        %swap3A_979 = arith.index_cast %add3A_939 : i32 to index
        %swap3A_980 = arith.constant 48 : index
        %swap3A_981 = tpu.vector_load %arg15[%swap3A_979, %swap3A_980] {strides = array<i32>} : memref<128x64xf32, #tpu.memory_space<vmem>>, vector<1x16xf32>,
        %swap3A_982 = vector.shape_cast %swap3A_981 : vector<1x16xf32> to vector<16xf32>
        %swap3A_983 = vector.shape_cast %mul3A_978 : vector<16xf32> to vector<1x16xf32>
        tpu.vector_store %arg15[%swap3A_979, %swap3A_980], %swap3A_983 {strides = array<i32>} : memref<128x64xf32, #tpu.memory_space<vmem>>, vector<1x16xf32>,
        %slice3A_984 = vector.extract_strided_slice %get3A_236 {offsets = [15], sizes = [1], strides = [1]} : vector<16xf32> to vector<1xf32>
        %squeeze3A_985 = vector.extract %slice3A_984[0] : f32 from vector<1xf32>
        %mul3A_986 = arith.constant 16 : i32
        %mul3A_987 = arith.muli %scan3A_232, %mul3A_986 : i32
        %add3A_988 = arith.constant 15 : i32
        %add3A_989 = arith.addi %mul3A_987, %add3A_988 : i32
        %get3A_990 = arith.index_cast %add3A_989 : i32 to index
        %get3A_991 = arith.constant 0 : index
        %get3A_992 = tpu.vector_load %arg15[%get3A_990, %get3A_991] {strides = array<i32>} : memref<128x64xf32, #tpu.memory_space<vmem>>, vector<1x16xf32>,
        %get3A_993 = vector.shape_cast %get3A_992 : vector<1x16xf32> to vector<16xf32>
        %mul3A_994 = vector.broadcast %squeeze3A_985 : f32 to vector<16xf32>
        %mul3A_995 = arith.mulf %get3A_993, %mul3A_994 : vector<16xf32>
        %swap3A_996 = arith.index_cast %add3A_989 : i32 to index
        %swap3A_997 = arith.constant 0 : index
        %swap3A_998 = tpu.vector_load %arg15[%swap3A_996, %swap3A_997] {strides = array<i32>} : memref<128x64xf32, #tpu.memory_space<vmem>>, vector<1x16xf32>,
        %swap3A_999 = vector.shape_cast %swap3A_998 : vector<1x16xf32> to vector<16xf32>
        %swap3A_1000 = vector.shape_cast %mul3A_995 : vector<16xf32> to vector<1x16xf32>
        tpu.vector_store %arg15[%swap3A_996, %swap3A_997], %swap3A_1000 {strides = array<i32>} : memref<128x64xf32, #tpu.memory_space<vmem>>, vector<1x16xf32>,
        %get3A_1001 = arith.index_cast %add3A_989 : i32 to index
        %get3A_1002 = arith.constant 16 : index
        %get3A_1003 = tpu.vector_load %arg15[%get3A_1001, %get3A_1002] {strides = array<i32>} : memref<128x64xf32, #tpu.memory_space<vmem>>, vector<1x16xf32>,
        %get3A_1004 = vector.shape_cast %get3A_1003 : vector<1x16xf32> to vector<16xf32>
        %mul3A_1005 = vector.broadcast %squeeze3A_985 : f32 to vector<16xf32>
        %mul3A_1006 = arith.mulf %get3A_1004, %mul3A_1005 : vector<16xf32>
        %swap3A_1007 = arith.index_cast %add3A_989 : i32 to index
        %swap3A_1008 = arith.constant 16 : index
        %swap3A_1009 = tpu.vector_load %arg15[%swap3A_1007, %swap3A_1008] {strides = array<i32>} : memref<128x64xf32, #tpu.memory_space<vmem>>, vector<1x16xf32>,
        %swap3A_1010 = vector.shape_cast %swap3A_1009 : vector<1x16xf32> to vector<16xf32>
        %swap3A_1011 = vector.shape_cast %mul3A_1006 : vector<16xf32> to vector<1x16xf32>
        tpu.vector_store %arg15[%swap3A_1007, %swap3A_1008], %swap3A_1011 {strides = array<i32>} : memref<128x64xf32, #tpu.memory_space<vmem>>, vector<1x16xf32>,
        %get3A_1012 = arith.index_cast %add3A_989 : i32 to index
        %get3A_1013 = arith.constant 32 : index
        %get3A_1014 = tpu.vector_load %arg15[%get3A_1012, %get3A_1013] {strides = array<i32>} : memref<128x64xf32, #tpu.memory_space<vmem>>, vector<1x16xf32>,
        %get3A_1015 = vector.shape_cast %get3A_1014 : vector<1x16xf32> to vector<16xf32>
        %mul3A_1016 = vector.broadcast %squeeze3A_985 : f32 to vector<16xf32>
        %mul3A_1017 = arith.mulf %get3A_1015, %mul3A_1016 : vector<16xf32>
        %swap3A_1018 = arith.index_cast %add3A_989 : i32 to index
        %swap3A_1019 = arith.constant 32 : index
        %swap3A_1020 = tpu.vector_load %arg15[%swap3A_1018, %swap3A_1019] {strides = array<i32>} : memref<128x64xf32, #tpu.memory_space<vmem>>, vector<1x16xf32>,
        %swap3A_1021 = vector.shape_cast %swap3A_1020 : vector<1x16xf32> to vector<16xf32>
        %swap3A_1022 = vector.shape_cast %mul3A_1017 : vector<16xf32> to vector<1x16xf32>
        tpu.vector_store %arg15[%swap3A_1018, %swap3A_1019], %swap3A_1022 {strides = array<i32>} : memref<128x64xf32, #tpu.memory_space<vmem>>, vector<1x16xf32>,
        %get3A_1023 = arith.index_cast %add3A_989 : i32 to index
        %get3A_1024 = arith.constant 48 : index
        %get3A_1025 = tpu.vector_load %arg15[%get3A_1023, %get3A_1024] {strides = array<i32>} : memref<128x64xf32, #tpu.memory_space<vmem>>, vector<1x16xf32>,
        %get3A_1026 = vector.shape_cast %get3A_1025 : vector<1x16xf32> to vector<16xf32>
        %mul3A_1027 = vector.broadcast %squeeze3A_985 : f32 to vector<16xf32>
        %mul3A_1028 = arith.mulf %get3A_1026, %mul3A_1027 : vector<16xf32>
        %swap3A_1029 = arith.index_cast %add3A_989 : i32 to index
        %swap3A_1030 = arith.constant 48 : index
        %swap3A_1031 = tpu.vector_load %arg15[%swap3A_1029, %swap3A_1030] {strides = array<i32>} : memref<128x64xf32, #tpu.memory_space<vmem>>, vector<1x16xf32>,
        %swap3A_1032 = vector.shape_cast %swap3A_1031 : vector<1x16xf32> to vector<16xf32>
        %swap3A_1033 = vector.shape_cast %mul3A_1028 : vector<16xf32> to vector<1x16xf32>
        tpu.vector_store %arg15[%swap3A_1029, %swap3A_1030], %swap3A_1033 {strides = array<i32>} : memref<128x64xf32, #tpu.memory_space<vmem>>, vector<1x16xf32>,
      }
      %scan3A_190 = arith.constant 8 : i32
      %dma_start3A_191 = arith.constant 0 : i32
      %dma_start3A_192 = tpu.memref_slice %arg8[%add3A_165, %dma_start3A_191] : memref<160x128xi32, #tpu.memory_space<vmem>> -> memref<1x128xi32, #tpu.memory_space<vmem>>
      %dma_start3A_193 = tpu.memref_squeeze %dma_start3A_192 : memref<1x128xi32, #tpu.memory_space<vmem>> -> memref<128xi32, #tpu.memory_space<vmem>>
      %dma_start3A_194 = arith.constant 0 : i32
      %dma_start3A_195 = arith.constant 0 : i32
      %dma_start3A_196 = tpu.memref_slice %arg17[%dma_start3A_194, %dma_start3A_195] : memref<10000x64xf32, #tpu.memory_space<vmem_shared>> -> memref<10000x64xf32, #tpu.memory_space<vmem_shared>>
      tpu.enqueue_indirect_dma source(%arg15 : memref<128x64xf32, #tpu.memory_space<vmem>>) target(%dma_start3A_196 : memref<10000x64xf32, #tpu.memory_space<vmem_shared>>) offsets(%dma_start3A_193 : memref<128xi32, #tpu.memory_space<vmem>>) semaphore(%arg24 : memref<!tpu.dma_semaphore, #tpu.memory_space<semaphore_mem>>) {add = true}
      %mul3A_197 = arith.constant 4 : i32
      %mul3A_198 = arith.muli %scan3A_91, %mul3A_197 : i32
      %add3A_199 = arith.constant 3 : i32
      %add3A_200 = arith.addi %mul3A_198, %add3A_199 : i32
      %add3A_201 = arith.constant 2 : i32
      %add3A_202 = arith.addi %add3A_200, %add3A_201 : i32
      %lt3A_203 = arith.constant 160 : i32
      %lt3A_204 = arith.cmpi slt, %add3A_202, %lt3A_203 : i32
      %convert_element_type3A_205 = arith.extui %lt3A_204 : i1 to i32
      %cond3A_206 = arith.constant 0 : i32
      %cond3A_207 = arith.cmpi ne, %convert_element_type3A_205, %cond3A_206 : i32
      scf.if %cond3A_207 {
        %ge3A = arith.constant 2 : i32
        %ge3A_232 = arith.cmpi sge, %add3A_200, %ge3A : i32
        %convert_element_type3A_233 = arith.extui %ge3A_232 : i1 to i32
        %cond3A_234 = arith.constant 0 : i32
        %cond3A_235 = arith.cmpi ne, %convert_element_type3A_233, %cond3A_234 : i32
        scf.if %cond3A_235 {
          %dma_wait3A_250 = arith.constant 0 : i32
          %dma_wait3A_251 = tpu.memref_slice %arg8[%add3A_200, %dma_wait3A_250] : memref<160x128xi32, #tpu.memory_space<vmem>> -> memref<1x128xi32, #tpu.memory_space<vmem>>
          %dma_wait3A_252 = tpu.memref_squeeze %dma_wait3A_251 : memref<1x128xi32, #tpu.memory_space<vmem>> -> memref<128xi32, #tpu.memory_space<vmem>>
          %dma_wait3A_253 = arith.constant 0 : i32
          %dma_wait3A_254 = arith.constant 0 : i32
          %dma_wait3A_255 = tpu.memref_slice %arg17[%dma_wait3A_253, %dma_wait3A_254] : memref<10000x64xf32, #tpu.memory_space<vmem_shared>> -> memref<10000x64xf32, #tpu.memory_space<vmem_shared>>
          tpu.wait_indirect_dma semaphore(%arg23 : memref<!tpu.dma_semaphore, #tpu.memory_space<semaphore_mem>>) src(%arg14 : memref<128x64xf32, #tpu.memory_space<vmem>>) dst(%dma_wait3A_255 : memref<10000x64xf32, #tpu.memory_space<vmem_shared>>)
        } else {
        }
        %add3A_236 = arith.constant 2 : i32
        %add3A_237 = arith.addi %add3A_200, %add3A_236 : i32
        %dma_start3A_238 = arith.constant 0 : i32
        %dma_start3A_239 = tpu.memref_slice %arg5[%arg1, %add3A_237, %dma_start3A_238] : memref<16x160x128xf32, #tpu.memory_space<hbm>> -> memref<1x1x128xf32, #tpu.memory_space<hbm>>
        %dma_start3A_240 = tpu.memref_squeeze %dma_start3A_239 : memref<1x1x128xf32, #tpu.memory_space<hbm>> -> memref<128xf32, #tpu.memory_space<hbm>>
        %dma_start3A_241 = arith.constant 0 : i32
        %dma_start3A_242 = tpu.memref_slice %arg5[%arg1, %add3A_237, %dma_start3A_241] : memref<16x160x128xf32, #tpu.memory_space<hbm>> -> memref<1x1x128xf32, #tpu.memory_space<hbm>>
        %dma_start3A_243 = tpu.memref_squeeze %dma_start3A_242 : memref<1x1x128xf32, #tpu.memory_space<hbm>> -> memref<128xf32, #tpu.memory_space<hbm>>
        tpu.enqueue_dma source(%dma_start3A_243 : memref<128xf32, #tpu.memory_space<hbm>>) target(%arg10 : memref<128xf32, #tpu.memory_space<vmem>>) target_semaphore(%arg19 : memref<!tpu.dma_semaphore, #tpu.memory_space<semaphore_mem>>)
        %dma_start3A_244 = arith.constant 0 : i32
        %dma_start3A_245 = tpu.memref_slice %arg7[%add3A_237, %dma_start3A_244] : memref<160x128xi32, #tpu.memory_space<vmem>> -> memref<1x128xi32, #tpu.memory_space<vmem>>
        %dma_start3A_246 = tpu.memref_squeeze %dma_start3A_245 : memref<1x128xi32, #tpu.memory_space<vmem>> -> memref<128xi32, #tpu.memory_space<vmem>>
        %dma_start3A_247 = arith.constant 0 : i32
        %dma_start3A_248 = arith.constant 0 : i32
        %dma_start3A_249 = tpu.memref_slice %arg2[%dma_start3A_247, %dma_start3A_248] : memref<20000x64xf32, #tpu.memory_space<hbm>> -> memref<20000x64xf32, #tpu.memory_space<hbm>>
        tpu.enqueue_indirect_dma source(%dma_start3A_249 : memref<20000x64xf32, #tpu.memory_space<hbm>>) target(%arg14 : memref<128x64xf32, #tpu.memory_space<vmem>>) offsets(%dma_start3A_246 : memref<128xi32, #tpu.memory_space<vmem>>) semaphore(%arg19 : memref<!tpu.dma_semaphore, #tpu.memory_space<semaphore_mem>>)
      } else {
      }
      %dma_wait3A_208 = arith.constant 0 : i32
      %dma_wait3A_209 = tpu.memref_slice %arg5[%arg1, %add3A_200, %dma_wait3A_208] : memref<16x160x128xf32, #tpu.memory_space<hbm>> -> memref<1x1x128xf32, #tpu.memory_space<hbm>>
      %dma_wait3A_210 = tpu.memref_squeeze %dma_wait3A_209 : memref<1x1x128xf32, #tpu.memory_space<hbm>> -> memref<128xf32, #tpu.memory_space<hbm>>
      %dma_wait3A_211 = arith.constant 0 : i32
      %dma_wait3A_212 = tpu.memref_slice %arg5[%arg1, %add3A_200, %dma_wait3A_211] : memref<16x160x128xf32, #tpu.memory_space<hbm>> -> memref<1x1x128xf32, #tpu.memory_space<hbm>>
      %dma_wait3A_213 = tpu.memref_squeeze %dma_wait3A_212 : memref<1x1x128xf32, #tpu.memory_space<hbm>> -> memref<128xf32, #tpu.memory_space<hbm>>
      tpu.wait_dma2 semaphore(%arg21 : memref<!tpu.dma_semaphore, #tpu.memory_space<semaphore_mem>>) src(%dma_wait3A_213 : memref<128xf32, #tpu.memory_space<hbm>>) dst(%arg12 : memref<128xf32, #tpu.memory_space<vmem>>)
      %dma_wait3A_214 = arith.constant 0 : i32
      %dma_wait3A_215 = tpu.memref_slice %arg7[%add3A_200, %dma_wait3A_214] : memref<160x128xi32, #tpu.memory_space<vmem>> -> memref<1x128xi32, #tpu.memory_space<vmem>>
      %dma_wait3A_216 = tpu.memref_squeeze %dma_wait3A_215 : memref<1x128xi32, #tpu.memory_space<vmem>> -> memref<128xi32, #tpu.memory_space<vmem>>
      %dma_wait3A_217 = arith.constant 0 : i32
      %dma_wait3A_218 = arith.constant 0 : i32
      %dma_wait3A_219 = tpu.memref_slice %arg2[%dma_wait3A_217, %dma_wait3A_218] : memref<20000x64xf32, #tpu.memory_space<hbm>> -> memref<20000x64xf32, #tpu.memory_space<hbm>>
      tpu.wait_indirect_dma semaphore(%arg21 : memref<!tpu.dma_semaphore, #tpu.memory_space<semaphore_mem>>) src(%dma_wait3A_219 : memref<20000x64xf32, #tpu.memory_space<hbm>>) dst(%arg16 : memref<128x64xf32, #tpu.memory_space<vmem>>)
      %scan3A_220 = arith.constant 0 : i32
      %scan3A_221 = arith.constant 0 : i32
      %scan3A_222 = arith.constant 8 : i32
      %scan3A_223 = arith.addi %scan3A_221, %scan3A_222 : i32
      %scan3A_224 = arith.constant 1 : i32
      scf.for %scan3A_232 = %scan3A_221 to %scan3A_223 step %scan3A_224  : i32 {
        %mul3A_233 = arith.constant 16 : i32
        %mul3A_234 = arith.muli %scan3A_232, %mul3A_233 : i32
        %get3A = arith.index_cast %mul3A_234 : i32 to index
        %get3A_235 = tpu.vector_load %arg12[%get3A] {strides = array<i32>} : memref<128xf32, #tpu.memory_space<vmem>>, vector<16xf32>,
        %get3A_236 = vector.shape_cast %get3A_235 : vector<16xf32> to vector<16xf32>
        %slice3A = vector.extract_strided_slice %get3A_236 {offsets = [0], sizes = [1], strides = [1]} : vector<16xf32> to vector<1xf32>
        %squeeze3A = vector.extract %slice3A[0] : f32 from vector<1xf32>
        %mul3A_237 = arith.constant 16 : i32
        %mul3A_238 = arith.muli %scan3A_232, %mul3A_237 : i32
        %add3A_239 = arith.constant 0 : i32
        %add3A_240 = arith.addi %mul3A_238, %add3A_239 : i32
        %get3A_241 = arith.index_cast %add3A_240 : i32 to index
        %get3A_242 = arith.constant 0 : index
        %get3A_243 = tpu.vector_load %arg16[%get3A_241, %get3A_242] {strides = array<i32>} : memref<128x64xf32, #tpu.memory_space<vmem>>, vector<1x16xf32>,
        %get3A_244 = vector.shape_cast %get3A_243 : vector<1x16xf32> to vector<16xf32>
        %mul3A_245 = vector.broadcast %squeeze3A : f32 to vector<16xf32>
        %mul3A_246 = arith.mulf %get3A_244, %mul3A_245 : vector<16xf32>
        %swap3A = arith.index_cast %add3A_240 : i32 to index
        %swap3A_247 = arith.constant 0 : index
        %swap3A_248 = tpu.vector_load %arg16[%swap3A, %swap3A_247] {strides = array<i32>} : memref<128x64xf32, #tpu.memory_space<vmem>>, vector<1x16xf32>,
        %swap3A_249 = vector.shape_cast %swap3A_248 : vector<1x16xf32> to vector<16xf32>
        %swap3A_250 = vector.shape_cast %mul3A_246 : vector<16xf32> to vector<1x16xf32>
        tpu.vector_store %arg16[%swap3A, %swap3A_247], %swap3A_250 {strides = array<i32>} : memref<128x64xf32, #tpu.memory_space<vmem>>, vector<1x16xf32>,
        %get3A_251 = arith.index_cast %add3A_240 : i32 to index
        %get3A_252 = arith.constant 16 : index
        %get3A_253 = tpu.vector_load %arg16[%get3A_251, %get3A_252] {strides = array<i32>} : memref<128x64xf32, #tpu.memory_space<vmem>>, vector<1x16xf32>,
        %get3A_254 = vector.shape_cast %get3A_253 : vector<1x16xf32> to vector<16xf32>
        %mul3A_255 = vector.broadcast %squeeze3A : f32 to vector<16xf32>
        %mul3A_256 = arith.mulf %get3A_254, %mul3A_255 : vector<16xf32>
        %swap3A_257 = arith.index_cast %add3A_240 : i32 to index
        %swap3A_258 = arith.constant 16 : index
        %swap3A_259 = tpu.vector_load %arg16[%swap3A_257, %swap3A_258] {strides = array<i32>} : memref<128x64xf32, #tpu.memory_space<vmem>>, vector<1x16xf32>,
        %swap3A_260 = vector.shape_cast %swap3A_259 : vector<1x16xf32> to vector<16xf32>
        %swap3A_261 = vector.shape_cast %mul3A_256 : vector<16xf32> to vector<1x16xf32>
        tpu.vector_store %arg16[%swap3A_257, %swap3A_258], %swap3A_261 {strides = array<i32>} : memref<128x64xf32, #tpu.memory_space<vmem>>, vector<1x16xf32>,
        %get3A_262 = arith.index_cast %add3A_240 : i32 to index
        %get3A_263 = arith.constant 32 : index
        %get3A_264 = tpu.vector_load %arg16[%get3A_262, %get3A_263] {strides = array<i32>} : memref<128x64xf32, #tpu.memory_space<vmem>>, vector<1x16xf32>,
        %get3A_265 = vector.shape_cast %get3A_264 : vector<1x16xf32> to vector<16xf32>
        %mul3A_266 = vector.broadcast %squeeze3A : f32 to vector<16xf32>
        %mul3A_267 = arith.mulf %get3A_265, %mul3A_266 : vector<16xf32>
        %swap3A_268 = arith.index_cast %add3A_240 : i32 to index
        %swap3A_269 = arith.constant 32 : index
        %swap3A_270 = tpu.vector_load %arg16[%swap3A_268, %swap3A_269] {strides = array<i32>} : memref<128x64xf32, #tpu.memory_space<vmem>>, vector<1x16xf32>,
        %swap3A_271 = vector.shape_cast %swap3A_270 : vector<1x16xf32> to vector<16xf32>
        %swap3A_272 = vector.shape_cast %mul3A_267 : vector<16xf32> to vector<1x16xf32>
        tpu.vector_store %arg16[%swap3A_268, %swap3A_269], %swap3A_272 {strides = array<i32>} : memref<128x64xf32, #tpu.memory_space<vmem>>, vector<1x16xf32>,
        %get3A_273 = arith.index_cast %add3A_240 : i32 to index
        %get3A_274 = arith.constant 48 : index
        %get3A_275 = tpu.vector_load %arg16[%get3A_273, %get3A_274] {strides = array<i32>} : memref<128x64xf32, #tpu.memory_space<vmem>>, vector<1x16xf32>,
        %get3A_276 = vector.shape_cast %get3A_275 : vector<1x16xf32> to vector<16xf32>
        %mul3A_277 = vector.broadcast %squeeze3A : f32 to vector<16xf32>
        %mul3A_278 = arith.mulf %get3A_276, %mul3A_277 : vector<16xf32>
        %swap3A_279 = arith.index_cast %add3A_240 : i32 to index
        %swap3A_280 = arith.constant 48 : index
        %swap3A_281 = tpu.vector_load %arg16[%swap3A_279, %swap3A_280] {strides = array<i32>} : memref<128x64xf32, #tpu.memory_space<vmem>>, vector<1x16xf32>,
        %swap3A_282 = vector.shape_cast %swap3A_281 : vector<1x16xf32> to vector<16xf32>
        %swap3A_283 = vector.shape_cast %mul3A_278 : vector<16xf32> to vector<1x16xf32>
        tpu.vector_store %arg16[%swap3A_279, %swap3A_280], %swap3A_283 {strides = array<i32>} : memref<128x64xf32, #tpu.memory_space<vmem>>, vector<1x16xf32>,
        %slice3A_284 = vector.extract_strided_slice %get3A_236 {offsets = [1], sizes = [1], strides = [1]} : vector<16xf32> to vector<1xf32>
        %squeeze3A_285 = vector.extract %slice3A_284[0] : f32 from vector<1xf32>
        %mul3A_286 = arith.constant 16 : i32
        %mul3A_287 = arith.muli %scan3A_232, %mul3A_286 : i32
        %add3A_288 = arith.constant 1 : i32
        %add3A_289 = arith.addi %mul3A_287, %add3A_288 : i32
        %get3A_290 = arith.index_cast %add3A_289 : i32 to index
        %get3A_291 = arith.constant 0 : index
        %get3A_292 = tpu.vector_load %arg16[%get3A_290, %get3A_291] {strides = array<i32>} : memref<128x64xf32, #tpu.memory_space<vmem>>, vector<1x16xf32>,
        %get3A_293 = vector.shape_cast %get3A_292 : vector<1x16xf32> to vector<16xf32>
        %mul3A_294 = vector.broadcast %squeeze3A_285 : f32 to vector<16xf32>
        %mul3A_295 = arith.mulf %get3A_293, %mul3A_294 : vector<16xf32>
        %swap3A_296 = arith.index_cast %add3A_289 : i32 to index
        %swap3A_297 = arith.constant 0 : index
        %swap3A_298 = tpu.vector_load %arg16[%swap3A_296, %swap3A_297] {strides = array<i32>} : memref<128x64xf32, #tpu.memory_space<vmem>>, vector<1x16xf32>,
        %swap3A_299 = vector.shape_cast %swap3A_298 : vector<1x16xf32> to vector<16xf32>
        %swap3A_300 = vector.shape_cast %mul3A_295 : vector<16xf32> to vector<1x16xf32>
        tpu.vector_store %arg16[%swap3A_296, %swap3A_297], %swap3A_300 {strides = array<i32>} : memref<128x64xf32, #tpu.memory_space<vmem>>, vector<1x16xf32>,
        %get3A_301 = arith.index_cast %add3A_289 : i32 to index
        %get3A_302 = arith.constant 16 : index
        %get3A_303 = tpu.vector_load %arg16[%get3A_301, %get3A_302] {strides = array<i32>} : memref<128x64xf32, #tpu.memory_space<vmem>>, vector<1x16xf32>,
        %get3A_304 = vector.shape_cast %get3A_303 : vector<1x16xf32> to vector<16xf32>
        %mul3A_305 = vector.broadcast %squeeze3A_285 : f32 to vector<16xf32>
        %mul3A_306 = arith.mulf %get3A_304, %mul3A_305 : vector<16xf32>
        %swap3A_307 = arith.index_cast %add3A_289 : i32 to index
        %swap3A_308 = arith.constant 16 : index
        %swap3A_309 = tpu.vector_load %arg16[%swap3A_307, %swap3A_308] {strides = array<i32>} : memref<128x64xf32, #tpu.memory_space<vmem>>, vector<1x16xf32>,
        %swap3A_310 = vector.shape_cast %swap3A_309 : vector<1x16xf32> to vector<16xf32>
        %swap3A_311 = vector.shape_cast %mul3A_306 : vector<16xf32> to vector<1x16xf32>
        tpu.vector_store %arg16[%swap3A_307, %swap3A_308], %swap3A_311 {strides = array<i32>} : memref<128x64xf32, #tpu.memory_space<vmem>>, vector<1x16xf32>,
        %get3A_312 = arith.index_cast %add3A_289 : i32 to index
        %get3A_313 = arith.constant 32 : index
        %get3A_314 = tpu.vector_load %arg16[%get3A_312, %get3A_313] {strides = array<i32>} : memref<128x64xf32, #tpu.memory_space<vmem>>, vector<1x16xf32>,
        %get3A_315 = vector.shape_cast %get3A_314 : vector<1x16xf32> to vector<16xf32>
        %mul3A_316 = vector.broadcast %squeeze3A_285 : f32 to vector<16xf32>
        %mul3A_317 = arith.mulf %get3A_315, %mul3A_316 : vector<16xf32>
        %swap3A_318 = arith.index_cast %add3A_289 : i32 to index
        %swap3A_319 = arith.constant 32 : index
        %swap3A_320 = tpu.vector_load %arg16[%swap3A_318, %swap3A_319] {strides = array<i32>} : memref<128x64xf32, #tpu.memory_space<vmem>>, vector<1x16xf32>,
        %swap3A_321 = vector.shape_cast %swap3A_320 : vector<1x16xf32> to vector<16xf32>
        %swap3A_322 = vector.shape_cast %mul3A_317 : vector<16xf32> to vector<1x16xf32>
        tpu.vector_store %arg16[%swap3A_318, %swap3A_319], %swap3A_322 {strides = array<i32>} : memref<128x64xf32, #tpu.memory_space<vmem>>, vector<1x16xf32>,
        %get3A_323 = arith.index_cast %add3A_289 : i32 to index
        %get3A_324 = arith.constant 48 : index
        %get3A_325 = tpu.vector_load %arg16[%get3A_323, %get3A_324] {strides = array<i32>} : memref<128x64xf32, #tpu.memory_space<vmem>>, vector<1x16xf32>,
        %get3A_326 = vector.shape_cast %get3A_325 : vector<1x16xf32> to vector<16xf32>
        %mul3A_327 = vector.broadcast %squeeze3A_285 : f32 to vector<16xf32>
        %mul3A_328 = arith.mulf %get3A_326, %mul3A_327 : vector<16xf32>
        %swap3A_329 = arith.index_cast %add3A_289 : i32 to index
        %swap3A_330 = arith.constant 48 : index
        %swap3A_331 = tpu.vector_load %arg16[%swap3A_329, %swap3A_330] {strides = array<i32>} : memref<128x64xf32, #tpu.memory_space<vmem>>, vector<1x16xf32>,
        %swap3A_332 = vector.shape_cast %swap3A_331 : vector<1x16xf32> to vector<16xf32>
        %swap3A_333 = vector.shape_cast %mul3A_328 : vector<16xf32> to vector<1x16xf32>
        tpu.vector_store %arg16[%swap3A_329, %swap3A_330], %swap3A_333 {strides = array<i32>} : memref<128x64xf32, #tpu.memory_space<vmem>>, vector<1x16xf32>,
        %slice3A_334 = vector.extract_strided_slice %get3A_236 {offsets = [2], sizes = [1], strides = [1]} : vector<16xf32> to vector<1xf32>
        %squeeze3A_335 = vector.extract %slice3A_334[0] : f32 from vector<1xf32>
        %mul3A_336 = arith.constant 16 : i32
        %mul3A_337 = arith.muli %scan3A_232, %mul3A_336 : i32
        %add3A_338 = arith.constant 2 : i32
        %add3A_339 = arith.addi %mul3A_337, %add3A_338 : i32
        %get3A_340 = arith.index_cast %add3A_339 : i32 to index
        %get3A_341 = arith.constant 0 : index
        %get3A_342 = tpu.vector_load %arg16[%get3A_340, %get3A_341] {strides = array<i32>} : memref<128x64xf32, #tpu.memory_space<vmem>>, vector<1x16xf32>,
        %get3A_343 = vector.shape_cast %get3A_342 : vector<1x16xf32> to vector<16xf32>
        %mul3A_344 = vector.broadcast %squeeze3A_335 : f32 to vector<16xf32>
        %mul3A_345 = arith.mulf %get3A_343, %mul3A_344 : vector<16xf32>
        %swap3A_346 = arith.index_cast %add3A_339 : i32 to index
        %swap3A_347 = arith.constant 0 : index
        %swap3A_348 = tpu.vector_load %arg16[%swap3A_346, %swap3A_347] {strides = array<i32>} : memref<128x64xf32, #tpu.memory_space<vmem>>, vector<1x16xf32>,
        %swap3A_349 = vector.shape_cast %swap3A_348 : vector<1x16xf32> to vector<16xf32>
        %swap3A_350 = vector.shape_cast %mul3A_345 : vector<16xf32> to vector<1x16xf32>
        tpu.vector_store %arg16[%swap3A_346, %swap3A_347], %swap3A_350 {strides = array<i32>} : memref<128x64xf32, #tpu.memory_space<vmem>>, vector<1x16xf32>,
        %get3A_351 = arith.index_cast %add3A_339 : i32 to index
        %get3A_352 = arith.constant 16 : index
        %get3A_353 = tpu.vector_load %arg16[%get3A_351, %get3A_352] {strides = array<i32>} : memref<128x64xf32, #tpu.memory_space<vmem>>, vector<1x16xf32>,
        %get3A_354 = vector.shape_cast %get3A_353 : vector<1x16xf32> to vector<16xf32>
        %mul3A_355 = vector.broadcast %squeeze3A_335 : f32 to vector<16xf32>
        %mul3A_356 = arith.mulf %get3A_354, %mul3A_355 : vector<16xf32>
        %swap3A_357 = arith.index_cast %add3A_339 : i32 to index
        %swap3A_358 = arith.constant 16 : index
        %swap3A_359 = tpu.vector_load %arg16[%swap3A_357, %swap3A_358] {strides = array<i32>} : memref<128x64xf32, #tpu.memory_space<vmem>>, vector<1x16xf32>,
        %swap3A_360 = vector.shape_cast %swap3A_359 : vector<1x16xf32> to vector<16xf32>
        %swap3A_361 = vector.shape_cast %mul3A_356 : vector<16xf32> to vector<1x16xf32>
        tpu.vector_store %arg16[%swap3A_357, %swap3A_358], %swap3A_361 {strides = array<i32>} : memref<128x64xf32, #tpu.memory_space<vmem>>, vector<1x16xf32>,
        %get3A_362 = arith.index_cast %add3A_339 : i32 to index
        %get3A_363 = arith.constant 32 : index
        %get3A_364 = tpu.vector_load %arg16[%get3A_362, %get3A_363] {strides = array<i32>} : memref<128x64xf32, #tpu.memory_space<vmem>>, vector<1x16xf32>,
        %get3A_365 = vector.shape_cast %get3A_364 : vector<1x16xf32> to vector<16xf32>
        %mul3A_366 = vector.broadcast %squeeze3A_335 : f32 to vector<16xf32>
        %mul3A_367 = arith.mulf %get3A_365, %mul3A_366 : vector<16xf32>
        %swap3A_368 = arith.index_cast %add3A_339 : i32 to index
        %swap3A_369 = arith.constant 32 : index
        %swap3A_370 = tpu.vector_load %arg16[%swap3A_368, %swap3A_369] {strides = array<i32>} : memref<128x64xf32, #tpu.memory_space<vmem>>, vector<1x16xf32>,
        %swap3A_371 = vector.shape_cast %swap3A_370 : vector<1x16xf32> to vector<16xf32>
        %swap3A_372 = vector.shape_cast %mul3A_367 : vector<16xf32> to vector<1x16xf32>
        tpu.vector_store %arg16[%swap3A_368, %swap3A_369], %swap3A_372 {strides = array<i32>} : memref<128x64xf32, #tpu.memory_space<vmem>>, vector<1x16xf32>,
        %get3A_373 = arith.index_cast %add3A_339 : i32 to index
        %get3A_374 = arith.constant 48 : index
        %get3A_375 = tpu.vector_load %arg16[%get3A_373, %get3A_374] {strides = array<i32>} : memref<128x64xf32, #tpu.memory_space<vmem>>, vector<1x16xf32>,
        %get3A_376 = vector.shape_cast %get3A_375 : vector<1x16xf32> to vector<16xf32>
        %mul3A_377 = vector.broadcast %squeeze3A_335 : f32 to vector<16xf32>
        %mul3A_378 = arith.mulf %get3A_376, %mul3A_377 : vector<16xf32>
        %swap3A_379 = arith.index_cast %add3A_339 : i32 to index
        %swap3A_380 = arith.constant 48 : index
        %swap3A_381 = tpu.vector_load %arg16[%swap3A_379, %swap3A_380] {strides = array<i32>} : memref<128x64xf32, #tpu.memory_space<vmem>>, vector<1x16xf32>,
        %swap3A_382 = vector.shape_cast %swap3A_381 : vector<1x16xf32> to vector<16xf32>
        %swap3A_383 = vector.shape_cast %mul3A_378 : vector<16xf32> to vector<1x16xf32>
        tpu.vector_store %arg16[%swap3A_379, %swap3A_380], %swap3A_383 {strides = array<i32>} : memref<128x64xf32, #tpu.memory_space<vmem>>, vector<1x16xf32>,
        %slice3A_384 = vector.extract_strided_slice %get3A_236 {offsets = [3], sizes = [1], strides = [1]} : vector<16xf32> to vector<1xf32>
        %squeeze3A_385 = vector.extract %slice3A_384[0] : f32 from vector<1xf32>
        %mul3A_386 = arith.constant 16 : i32
        %mul3A_387 = arith.muli %scan3A_232, %mul3A_386 : i32
        %add3A_388 = arith.constant 3 : i32
        %add3A_389 = arith.addi %mul3A_387, %add3A_388 : i32
        %get3A_390 = arith.index_cast %add3A_389 : i32 to index
        %get3A_391 = arith.constant 0 : index
        %get3A_392 = tpu.vector_load %arg16[%get3A_390, %get3A_391] {strides = array<i32>} : memref<128x64xf32, #tpu.memory_space<vmem>>, vector<1x16xf32>,
        %get3A_393 = vector.shape_cast %get3A_392 : vector<1x16xf32> to vector<16xf32>
        %mul3A_394 = vector.broadcast %squeeze3A_385 : f32 to vector<16xf32>
        %mul3A_395 = arith.mulf %get3A_393, %mul3A_394 : vector<16xf32>
        %swap3A_396 = arith.index_cast %add3A_389 : i32 to index
        %swap3A_397 = arith.constant 0 : index
        %swap3A_398 = tpu.vector_load %arg16[%swap3A_396, %swap3A_397] {strides = array<i32>} : memref<128x64xf32, #tpu.memory_space<vmem>>, vector<1x16xf32>,
        %swap3A_399 = vector.shape_cast %swap3A_398 : vector<1x16xf32> to vector<16xf32>
        %swap3A_400 = vector.shape_cast %mul3A_395 : vector<16xf32> to vector<1x16xf32>
        tpu.vector_store %arg16[%swap3A_396, %swap3A_397], %swap3A_400 {strides = array<i32>} : memref<128x64xf32, #tpu.memory_space<vmem>>, vector<1x16xf32>,
        %get3A_401 = arith.index_cast %add3A_389 : i32 to index
        %get3A_402 = arith.constant 16 : index
        %get3A_403 = tpu.vector_load %arg16[%get3A_401, %get3A_402] {strides = array<i32>} : memref<128x64xf32, #tpu.memory_space<vmem>>, vector<1x16xf32>,
        %get3A_404 = vector.shape_cast %get3A_403 : vector<1x16xf32> to vector<16xf32>
        %mul3A_405 = vector.broadcast %squeeze3A_385 : f32 to vector<16xf32>
        %mul3A_406 = arith.mulf %get3A_404, %mul3A_405 : vector<16xf32>
        %swap3A_407 = arith.index_cast %add3A_389 : i32 to index
        %swap3A_408 = arith.constant 16 : index
        %swap3A_409 = tpu.vector_load %arg16[%swap3A_407, %swap3A_408] {strides = array<i32>} : memref<128x64xf32, #tpu.memory_space<vmem>>, vector<1x16xf32>,
        %swap3A_410 = vector.shape_cast %swap3A_409 : vector<1x16xf32> to vector<16xf32>
        %swap3A_411 = vector.shape_cast %mul3A_406 : vector<16xf32> to vector<1x16xf32>
        tpu.vector_store %arg16[%swap3A_407, %swap3A_408], %swap3A_411 {strides = array<i32>} : memref<128x64xf32, #tpu.memory_space<vmem>>, vector<1x16xf32>,
        %get3A_412 = arith.index_cast %add3A_389 : i32 to index
        %get3A_413 = arith.constant 32 : index
        %get3A_414 = tpu.vector_load %arg16[%get3A_412, %get3A_413] {strides = array<i32>} : memref<128x64xf32, #tpu.memory_space<vmem>>, vector<1x16xf32>,
        %get3A_415 = vector.shape_cast %get3A_414 : vector<1x16xf32> to vector<16xf32>
        %mul3A_416 = vector.broadcast %squeeze3A_385 : f32 to vector<16xf32>
        %mul3A_417 = arith.mulf %get3A_415, %mul3A_416 : vector<16xf32>
        %swap3A_418 = arith.index_cast %add3A_389 : i32 to index
        %swap3A_419 = arith.constant 32 : index
        %swap3A_420 = tpu.vector_load %arg16[%swap3A_418, %swap3A_419] {strides = array<i32>} : memref<128x64xf32, #tpu.memory_space<vmem>>, vector<1x16xf32>,
        %swap3A_421 = vector.shape_cast %swap3A_420 : vector<1x16xf32> to vector<16xf32>
        %swap3A_422 = vector.shape_cast %mul3A_417 : vector<16xf32> to vector<1x16xf32>
        tpu.vector_store %arg16[%swap3A_418, %swap3A_419], %swap3A_422 {strides = array<i32>} : memref<128x64xf32, #tpu.memory_space<vmem>>, vector<1x16xf32>,
        %get3A_423 = arith.index_cast %add3A_389 : i32 to index
        %get3A_424 = arith.constant 48 : index
        %get3A_425 = tpu.vector_load %arg16[%get3A_423, %get3A_424] {strides = array<i32>} : memref<128x64xf32, #tpu.memory_space<vmem>>, vector<1x16xf32>,
        %get3A_426 = vector.shape_cast %get3A_425 : vector<1x16xf32> to vector<16xf32>
        %mul3A_427 = vector.broadcast %squeeze3A_385 : f32 to vector<16xf32>
        %mul3A_428 = arith.mulf %get3A_426, %mul3A_427 : vector<16xf32>
        %swap3A_429 = arith.index_cast %add3A_389 : i32 to index
        %swap3A_430 = arith.constant 48 : index
        %swap3A_431 = tpu.vector_load %arg16[%swap3A_429, %swap3A_430] {strides = array<i32>} : memref<128x64xf32, #tpu.memory_space<vmem>>, vector<1x16xf32>,
        %swap3A_432 = vector.shape_cast %swap3A_431 : vector<1x16xf32> to vector<16xf32>
        %swap3A_433 = vector.shape_cast %mul3A_428 : vector<16xf32> to vector<1x16xf32>
        tpu.vector_store %arg16[%swap3A_429, %swap3A_430], %swap3A_433 {strides = array<i32>} : memref<128x64xf32, #tpu.memory_space<vmem>>, vector<1x16xf32>,
        %slice3A_434 = vector.extract_strided_slice %get3A_236 {offsets = [4], sizes = [1], strides = [1]} : vector<16xf32> to vector<1xf32>
        %squeeze3A_435 = vector.extract %slice3A_434[0] : f32 from vector<1xf32>
        %mul3A_436 = arith.constant 16 : i32
        %mul3A_437 = arith.muli %scan3A_232, %mul3A_436 : i32
        %add3A_438 = arith.constant 4 : i32
        %add3A_439 = arith.addi %mul3A_437, %add3A_438 : i32
        %get3A_440 = arith.index_cast %add3A_439 : i32 to index
        %get3A_441 = arith.constant 0 : index
        %get3A_442 = tpu.vector_load %arg16[%get3A_440, %get3A_441] {strides = array<i32>} : memref<128x64xf32, #tpu.memory_space<vmem>>, vector<1x16xf32>,
        %get3A_443 = vector.shape_cast %get3A_442 : vector<1x16xf32> to vector<16xf32>
        %mul3A_444 = vector.broadcast %squeeze3A_435 : f32 to vector<16xf32>
        %mul3A_445 = arith.mulf %get3A_443, %mul3A_444 : vector<16xf32>
        %swap3A_446 = arith.index_cast %add3A_439 : i32 to index
        %swap3A_447 = arith.constant 0 : index
        %swap3A_448 = tpu.vector_load %arg16[%swap3A_446, %swap3A_447] {strides = array<i32>} : memref<128x64xf32, #tpu.memory_space<vmem>>, vector<1x16xf32>,
        %swap3A_449 = vector.shape_cast %swap3A_448 : vector<1x16xf32> to vector<16xf32>
        %swap3A_450 = vector.shape_cast %mul3A_445 : vector<16xf32> to vector<1x16xf32>
        tpu.vector_store %arg16[%swap3A_446, %swap3A_447], %swap3A_450 {strides = array<i32>} : memref<128x64xf32, #tpu.memory_space<vmem>>, vector<1x16xf32>,
        %get3A_451 = arith.index_cast %add3A_439 : i32 to index
        %get3A_452 = arith.constant 16 : index
        %get3A_453 = tpu.vector_load %arg16[%get3A_451, %get3A_452] {strides = array<i32>} : memref<128x64xf32, #tpu.memory_space<vmem>>, vector<1x16xf32>,
        %get3A_454 = vector.shape_cast %get3A_453 : vector<1x16xf32> to vector<16xf32>
        %mul3A_455 = vector.broadcast %squeeze3A_435 : f32 to vector<16xf32>
        %mul3A_456 = arith.mulf %get3A_454, %mul3A_455 : vector<16xf32>
        %swap3A_457 = arith.index_cast %add3A_439 : i32 to index
        %swap3A_458 = arith.constant 16 : index
        %swap3A_459 = tpu.vector_load %arg16[%swap3A_457, %swap3A_458] {strides = array<i32>} : memref<128x64xf32, #tpu.memory_space<vmem>>, vector<1x16xf32>,
        %swap3A_460 = vector.shape_cast %swap3A_459 : vector<1x16xf32> to vector<16xf32>
        %swap3A_461 = vector.shape_cast %mul3A_456 : vector<16xf32> to vector<1x16xf32>
        tpu.vector_store %arg16[%swap3A_457, %swap3A_458], %swap3A_461 {strides = array<i32>} : memref<128x64xf32, #tpu.memory_space<vmem>>, vector<1x16xf32>,
        %get3A_462 = arith.index_cast %add3A_439 : i32 to index
        %get3A_463 = arith.constant 32 : index
        %get3A_464 = tpu.vector_load %arg16[%get3A_462, %get3A_463] {strides = array<i32>} : memref<128x64xf32, #tpu.memory_space<vmem>>, vector<1x16xf32>,
        %get3A_465 = vector.shape_cast %get3A_464 : vector<1x16xf32> to vector<16xf32>
        %mul3A_466 = vector.broadcast %squeeze3A_435 : f32 to vector<16xf32>
        %mul3A_467 = arith.mulf %get3A_465, %mul3A_466 : vector<16xf32>
        %swap3A_468 = arith.index_cast %add3A_439 : i32 to index
        %swap3A_469 = arith.constant 32 : index
        %swap3A_470 = tpu.vector_load %arg16[%swap3A_468, %swap3A_469] {strides = array<i32>} : memref<128x64xf32, #tpu.memory_space<vmem>>, vector<1x16xf32>,
        %swap3A_471 = vector.shape_cast %swap3A_470 : vector<1x16xf32> to vector<16xf32>
        %swap3A_472 = vector.shape_cast %mul3A_467 : vector<16xf32> to vector<1x16xf32>
        tpu.vector_store %arg16[%swap3A_468, %swap3A_469], %swap3A_472 {strides = array<i32>} : memref<128x64xf32, #tpu.memory_space<vmem>>, vector<1x16xf32>,
        %get3A_473 = arith.index_cast %add3A_439 : i32 to index
        %get3A_474 = arith.constant 48 : index
        %get3A_475 = tpu.vector_load %arg16[%get3A_473, %get3A_474] {strides = array<i32>} : memref<128x64xf32, #tpu.memory_space<vmem>>, vector<1x16xf32>,
        %get3A_476 = vector.shape_cast %get3A_475 : vector<1x16xf32> to vector<16xf32>
        %mul3A_477 = vector.broadcast %squeeze3A_435 : f32 to vector<16xf32>
        %mul3A_478 = arith.mulf %get3A_476, %mul3A_477 : vector<16xf32>
        %swap3A_479 = arith.index_cast %add3A_439 : i32 to index
        %swap3A_480 = arith.constant 48 : index
        %swap3A_481 = tpu.vector_load %arg16[%swap3A_479, %swap3A_480] {strides = array<i32>} : memref<128x64xf32, #tpu.memory_space<vmem>>, vector<1x16xf32>,
        %swap3A_482 = vector.shape_cast %swap3A_481 : vector<1x16xf32> to vector<16xf32>
        %swap3A_483 = vector.shape_cast %mul3A_478 : vector<16xf32> to vector<1x16xf32>
        tpu.vector_store %arg16[%swap3A_479, %swap3A_480], %swap3A_483 {strides = array<i32>} : memref<128x64xf32, #tpu.memory_space<vmem>>, vector<1x16xf32>,
        %slice3A_484 = vector.extract_strided_slice %get3A_236 {offsets = [5], sizes = [1], strides = [1]} : vector<16xf32> to vector<1xf32>
        %squeeze3A_485 = vector.extract %slice3A_484[0] : f32 from vector<1xf32>
        %mul3A_486 = arith.constant 16 : i32
        %mul3A_487 = arith.muli %scan3A_232, %mul3A_486 : i32
        %add3A_488 = arith.constant 5 : i32
        %add3A_489 = arith.addi %mul3A_487, %add3A_488 : i32
        %get3A_490 = arith.index_cast %add3A_489 : i32 to index
        %get3A_491 = arith.constant 0 : index
        %get3A_492 = tpu.vector_load %arg16[%get3A_490, %get3A_491] {strides = array<i32>} : memref<128x64xf32, #tpu.memory_space<vmem>>, vector<1x16xf32>,
        %get3A_493 = vector.shape_cast %get3A_492 : vector<1x16xf32> to vector<16xf32>
        %mul3A_494 = vector.broadcast %squeeze3A_485 : f32 to vector<16xf32>
        %mul3A_495 = arith.mulf %get3A_493, %mul3A_494 : vector<16xf32>
        %swap3A_496 = arith.index_cast %add3A_489 : i32 to index
        %swap3A_497 = arith.constant 0 : index
        %swap3A_498 = tpu.vector_load %arg16[%swap3A_496, %swap3A_497] {strides = array<i32>} : memref<128x64xf32, #tpu.memory_space<vmem>>, vector<1x16xf32>,
        %swap3A_499 = vector.shape_cast %swap3A_498 : vector<1x16xf32> to vector<16xf32>
        %swap3A_500 = vector.shape_cast %mul3A_495 : vector<16xf32> to vector<1x16xf32>
        tpu.vector_store %arg16[%swap3A_496, %swap3A_497], %swap3A_500 {strides = array<i32>} : memref<128x64xf32, #tpu.memory_space<vmem>>, vector<1x16xf32>,
        %get3A_501 = arith.index_cast %add3A_489 : i32 to index
        %get3A_502 = arith.constant 16 : index
        %get3A_503 = tpu.vector_load %arg16[%get3A_501, %get3A_502] {strides = array<i32>} : memref<128x64xf32, #tpu.memory_space<vmem>>, vector<1x16xf32>,
        %get3A_504 = vector.shape_cast %get3A_503 : vector<1x16xf32> to vector<16xf32>
        %mul3A_505 = vector.broadcast %squeeze3A_485 : f32 to vector<16xf32>
        %mul3A_506 = arith.mulf %get3A_504, %mul3A_505 : vector<16xf32>
        %swap3A_507 = arith.index_cast %add3A_489 : i32 to index
        %swap3A_508 = arith.constant 16 : index
        %swap3A_509 = tpu.vector_load %arg16[%swap3A_507, %swap3A_508] {strides = array<i32>} : memref<128x64xf32, #tpu.memory_space<vmem>>, vector<1x16xf32>,
        %swap3A_510 = vector.shape_cast %swap3A_509 : vector<1x16xf32> to vector<16xf32>
        %swap3A_511 = vector.shape_cast %mul3A_506 : vector<16xf32> to vector<1x16xf32>
        tpu.vector_store %arg16[%swap3A_507, %swap3A_508], %swap3A_511 {strides = array<i32>} : memref<128x64xf32, #tpu.memory_space<vmem>>, vector<1x16xf32>,
        %get3A_512 = arith.index_cast %add3A_489 : i32 to index
        %get3A_513 = arith.constant 32 : index
        %get3A_514 = tpu.vector_load %arg16[%get3A_512, %get3A_513] {strides = array<i32>} : memref<128x64xf32, #tpu.memory_space<vmem>>, vector<1x16xf32>,
        %get3A_515 = vector.shape_cast %get3A_514 : vector<1x16xf32> to vector<16xf32>
        %mul3A_516 = vector.broadcast %squeeze3A_485 : f32 to vector<16xf32>
        %mul3A_517 = arith.mulf %get3A_515, %mul3A_516 : vector<16xf32>
        %swap3A_518 = arith.index_cast %add3A_489 : i32 to index
        %swap3A_519 = arith.constant 32 : index
        %swap3A_520 = tpu.vector_load %arg16[%swap3A_518, %swap3A_519] {strides = array<i32>} : memref<128x64xf32, #tpu.memory_space<vmem>>, vector<1x16xf32>,
        %swap3A_521 = vector.shape_cast %swap3A_520 : vector<1x16xf32> to vector<16xf32>
        %swap3A_522 = vector.shape_cast %mul3A_517 : vector<16xf32> to vector<1x16xf32>
        tpu.vector_store %arg16[%swap3A_518, %swap3A_519], %swap3A_522 {strides = array<i32>} : memref<128x64xf32, #tpu.memory_space<vmem>>, vector<1x16xf32>,
        %get3A_523 = arith.index_cast %add3A_489 : i32 to index
        %get3A_524 = arith.constant 48 : index
        %get3A_525 = tpu.vector_load %arg16[%get3A_523, %get3A_524] {strides = array<i32>} : memref<128x64xf32, #tpu.memory_space<vmem>>, vector<1x16xf32>,
        %get3A_526 = vector.shape_cast %get3A_525 : vector<1x16xf32> to vector<16xf32>
        %mul3A_527 = vector.broadcast %squeeze3A_485 : f32 to vector<16xf32>
        %mul3A_528 = arith.mulf %get3A_526, %mul3A_527 : vector<16xf32>
        %swap3A_529 = arith.index_cast %add3A_489 : i32 to index
        %swap3A_530 = arith.constant 48 : index
        %swap3A_531 = tpu.vector_load %arg16[%swap3A_529, %swap3A_530] {strides = array<i32>} : memref<128x64xf32, #tpu.memory_space<vmem>>, vector<1x16xf32>,
        %swap3A_532 = vector.shape_cast %swap3A_531 : vector<1x16xf32> to vector<16xf32>
        %swap3A_533 = vector.shape_cast %mul3A_528 : vector<16xf32> to vector<1x16xf32>
        tpu.vector_store %arg16[%swap3A_529, %swap3A_530], %swap3A_533 {strides = array<i32>} : memref<128x64xf32, #tpu.memory_space<vmem>>, vector<1x16xf32>,
        %slice3A_534 = vector.extract_strided_slice %get3A_236 {offsets = [6], sizes = [1], strides = [1]} : vector<16xf32> to vector<1xf32>
        %squeeze3A_535 = vector.extract %slice3A_534[0] : f32 from vector<1xf32>
        %mul3A_536 = arith.constant 16 : i32
        %mul3A_537 = arith.muli %scan3A_232, %mul3A_536 : i32
        %add3A_538 = arith.constant 6 : i32
        %add3A_539 = arith.addi %mul3A_537, %add3A_538 : i32
        %get3A_540 = arith.index_cast %add3A_539 : i32 to index
        %get3A_541 = arith.constant 0 : index
        %get3A_542 = tpu.vector_load %arg16[%get3A_540, %get3A_541] {strides = array<i32>} : memref<128x64xf32, #tpu.memory_space<vmem>>, vector<1x16xf32>,
        %get3A_543 = vector.shape_cast %get3A_542 : vector<1x16xf32> to vector<16xf32>
        %mul3A_544 = vector.broadcast %squeeze3A_535 : f32 to vector<16xf32>
        %mul3A_545 = arith.mulf %get3A_543, %mul3A_544 : vector<16xf32>
        %swap3A_546 = arith.index_cast %add3A_539 : i32 to index
        %swap3A_547 = arith.constant 0 : index
        %swap3A_548 = tpu.vector_load %arg16[%swap3A_546, %swap3A_547] {strides = array<i32>} : memref<128x64xf32, #tpu.memory_space<vmem>>, vector<1x16xf32>,
        %swap3A_549 = vector.shape_cast %swap3A_548 : vector<1x16xf32> to vector<16xf32>
        %swap3A_550 = vector.shape_cast %mul3A_545 : vector<16xf32> to vector<1x16xf32>
        tpu.vector_store %arg16[%swap3A_546, %swap3A_547], %swap3A_550 {strides = array<i32>} : memref<128x64xf32, #tpu.memory_space<vmem>>, vector<1x16xf32>,
        %get3A_551 = arith.index_cast %add3A_539 : i32 to index
        %get3A_552 = arith.constant 16 : index
        %get3A_553 = tpu.vector_load %arg16[%get3A_551, %get3A_552] {strides = array<i32>} : memref<128x64xf32, #tpu.memory_space<vmem>>, vector<1x16xf32>,
        %get3A_554 = vector.shape_cast %get3A_553 : vector<1x16xf32> to vector<16xf32>
        %mul3A_555 = vector.broadcast %squeeze3A_535 : f32 to vector<16xf32>
        %mul3A_556 = arith.mulf %get3A_554, %mul3A_555 : vector<16xf32>
        %swap3A_557 = arith.index_cast %add3A_539 : i32 to index
        %swap3A_558 = arith.constant 16 : index
        %swap3A_559 = tpu.vector_load %arg16[%swap3A_557, %swap3A_558] {strides = array<i32>} : memref<128x64xf32, #tpu.memory_space<vmem>>, vector<1x16xf32>,
        %swap3A_560 = vector.shape_cast %swap3A_559 : vector<1x16xf32> to vector<16xf32>
        %swap3A_561 = vector.shape_cast %mul3A_556 : vector<16xf32> to vector<1x16xf32>
        tpu.vector_store %arg16[%swap3A_557, %swap3A_558], %swap3A_561 {strides = array<i32>} : memref<128x64xf32, #tpu.memory_space<vmem>>, vector<1x16xf32>,
        %get3A_562 = arith.index_cast %add3A_539 : i32 to index
        %get3A_563 = arith.constant 32 : index
        %get3A_564 = tpu.vector_load %arg16[%get3A_562, %get3A_563] {strides = array<i32>} : memref<128x64xf32, #tpu.memory_space<vmem>>, vector<1x16xf32>,
        %get3A_565 = vector.shape_cast %get3A_564 : vector<1x16xf32> to vector<16xf32>
        %mul3A_566 = vector.broadcast %squeeze3A_535 : f32 to vector<16xf32>
        %mul3A_567 = arith.mulf %get3A_565, %mul3A_566 : vector<16xf32>
        %swap3A_568 = arith.index_cast %add3A_539 : i32 to index
        %swap3A_569 = arith.constant 32 : index
        %swap3A_570 = tpu.vector_load %arg16[%swap3A_568, %swap3A_569] {strides = array<i32>} : memref<128x64xf32, #tpu.memory_space<vmem>>, vector<1x16xf32>,
        %swap3A_571 = vector.shape_cast %swap3A_570 : vector<1x16xf32> to vector<16xf32>
        %swap3A_572 = vector.shape_cast %mul3A_567 : vector<16xf32> to vector<1x16xf32>
        tpu.vector_store %arg16[%swap3A_568, %swap3A_569], %swap3A_572 {strides = array<i32>} : memref<128x64xf32, #tpu.memory_space<vmem>>, vector<1x16xf32>,
        %get3A_573 = arith.index_cast %add3A_539 : i32 to index
        %get3A_574 = arith.constant 48 : index
        %get3A_575 = tpu.vector_load %arg16[%get3A_573, %get3A_574] {strides = array<i32>} : memref<128x64xf32, #tpu.memory_space<vmem>>, vector<1x16xf32>,
        %get3A_576 = vector.shape_cast %get3A_575 : vector<1x16xf32> to vector<16xf32>
        %mul3A_577 = vector.broadcast %squeeze3A_535 : f32 to vector<16xf32>
        %mul3A_578 = arith.mulf %get3A_576, %mul3A_577 : vector<16xf32>
        %swap3A_579 = arith.index_cast %add3A_539 : i32 to index
        %swap3A_580 = arith.constant 48 : index
        %swap3A_581 = tpu.vector_load %arg16[%swap3A_579, %swap3A_580] {strides = array<i32>} : memref<128x64xf32, #tpu.memory_space<vmem>>, vector<1x16xf32>,
        %swap3A_582 = vector.shape_cast %swap3A_581 : vector<1x16xf32> to vector<16xf32>
        %swap3A_583 = vector.shape_cast %mul3A_578 : vector<16xf32> to vector<1x16xf32>
        tpu.vector_store %arg16[%swap3A_579, %swap3A_580], %swap3A_583 {strides = array<i32>} : memref<128x64xf32, #tpu.memory_space<vmem>>, vector<1x16xf32>,
        %slice3A_584 = vector.extract_strided_slice %get3A_236 {offsets = [7], sizes = [1], strides = [1]} : vector<16xf32> to vector<1xf32>
        %squeeze3A_585 = vector.extract %slice3A_584[0] : f32 from vector<1xf32>
        %mul3A_586 = arith.constant 16 : i32
        %mul3A_587 = arith.muli %scan3A_232, %mul3A_586 : i32
        %add3A_588 = arith.constant 7 : i32
        %add3A_589 = arith.addi %mul3A_587, %add3A_588 : i32
        %get3A_590 = arith.index_cast %add3A_589 : i32 to index
        %get3A_591 = arith.constant 0 : index
        %get3A_592 = tpu.vector_load %arg16[%get3A_590, %get3A_591] {strides = array<i32>} : memref<128x64xf32, #tpu.memory_space<vmem>>, vector<1x16xf32>,
        %get3A_593 = vector.shape_cast %get3A_592 : vector<1x16xf32> to vector<16xf32>
        %mul3A_594 = vector.broadcast %squeeze3A_585 : f32 to vector<16xf32>
        %mul3A_595 = arith.mulf %get3A_593, %mul3A_594 : vector<16xf32>
        %swap3A_596 = arith.index_cast %add3A_589 : i32 to index
        %swap3A_597 = arith.constant 0 : index
        %swap3A_598 = tpu.vector_load %arg16[%swap3A_596, %swap3A_597] {strides = array<i32>} : memref<128x64xf32, #tpu.memory_space<vmem>>, vector<1x16xf32>,
        %swap3A_599 = vector.shape_cast %swap3A_598 : vector<1x16xf32> to vector<16xf32>
        %swap3A_600 = vector.shape_cast %mul3A_595 : vector<16xf32> to vector<1x16xf32>
        tpu.vector_store %arg16[%swap3A_596, %swap3A_597], %swap3A_600 {strides = array<i32>} : memref<128x64xf32, #tpu.memory_space<vmem>>, vector<1x16xf32>,
        %get3A_601 = arith.index_cast %add3A_589 : i32 to index
        %get3A_602 = arith.constant 16 : index
        %get3A_603 = tpu.vector_load %arg16[%get3A_601, %get3A_602] {strides = array<i32>} : memref<128x64xf32, #tpu.memory_space<vmem>>, vector<1x16xf32>,
        %get3A_604 = vector.shape_cast %get3A_603 : vector<1x16xf32> to vector<16xf32>
        %mul3A_605 = vector.broadcast %squeeze3A_585 : f32 to vector<16xf32>
        %mul3A_606 = arith.mulf %get3A_604, %mul3A_605 : vector<16xf32>
        %swap3A_607 = arith.index_cast %add3A_589 : i32 to index
        %swap3A_608 = arith.constant 16 : index
        %swap3A_609 = tpu.vector_load %arg16[%swap3A_607, %swap3A_608] {strides = array<i32>} : memref<128x64xf32, #tpu.memory_space<vmem>>, vector<1x16xf32>,
        %swap3A_610 = vector.shape_cast %swap3A_609 : vector<1x16xf32> to vector<16xf32>
        %swap3A_611 = vector.shape_cast %mul3A_606 : vector<16xf32> to vector<1x16xf32>
        tpu.vector_store %arg16[%swap3A_607, %swap3A_608], %swap3A_611 {strides = array<i32>} : memref<128x64xf32, #tpu.memory_space<vmem>>, vector<1x16xf32>,
        %get3A_612 = arith.index_cast %add3A_589 : i32 to index
        %get3A_613 = arith.constant 32 : index
        %get3A_614 = tpu.vector_load %arg16[%get3A_612, %get3A_613] {strides = array<i32>} : memref<128x64xf32, #tpu.memory_space<vmem>>, vector<1x16xf32>,
        %get3A_615 = vector.shape_cast %get3A_614 : vector<1x16xf32> to vector<16xf32>
        %mul3A_616 = vector.broadcast %squeeze3A_585 : f32 to vector<16xf32>
        %mul3A_617 = arith.mulf %get3A_615, %mul3A_616 : vector<16xf32>
        %swap3A_618 = arith.index_cast %add3A_589 : i32 to index
        %swap3A_619 = arith.constant 32 : index
        %swap3A_620 = tpu.vector_load %arg16[%swap3A_618, %swap3A_619] {strides = array<i32>} : memref<128x64xf32, #tpu.memory_space<vmem>>, vector<1x16xf32>,
        %swap3A_621 = vector.shape_cast %swap3A_620 : vector<1x16xf32> to vector<16xf32>
        %swap3A_622 = vector.shape_cast %mul3A_617 : vector<16xf32> to vector<1x16xf32>
        tpu.vector_store %arg16[%swap3A_618, %swap3A_619], %swap3A_622 {strides = array<i32>} : memref<128x64xf32, #tpu.memory_space<vmem>>, vector<1x16xf32>,
        %get3A_623 = arith.index_cast %add3A_589 : i32 to index
        %get3A_624 = arith.constant 48 : index
        %get3A_625 = tpu.vector_load %arg16[%get3A_623, %get3A_624] {strides = array<i32>} : memref<128x64xf32, #tpu.memory_space<vmem>>, vector<1x16xf32>,
        %get3A_626 = vector.shape_cast %get3A_625 : vector<1x16xf32> to vector<16xf32>
        %mul3A_627 = vector.broadcast %squeeze3A_585 : f32 to vector<16xf32>
        %mul3A_628 = arith.mulf %get3A_626, %mul3A_627 : vector<16xf32>
        %swap3A_629 = arith.index_cast %add3A_589 : i32 to index
        %swap3A_630 = arith.constant 48 : index
        %swap3A_631 = tpu.vector_load %arg16[%swap3A_629, %swap3A_630] {strides = array<i32>} : memref<128x64xf32, #tpu.memory_space<vmem>>, vector<1x16xf32>,
        %swap3A_632 = vector.shape_cast %swap3A_631 : vector<1x16xf32> to vector<16xf32>
        %swap3A_633 = vector.shape_cast %mul3A_628 : vector<16xf32> to vector<1x16xf32>
        tpu.vector_store %arg16[%swap3A_629, %swap3A_630], %swap3A_633 {strides = array<i32>} : memref<128x64xf32, #tpu.memory_space<vmem>>, vector<1x16xf32>,
        %slice3A_634 = vector.extract_strided_slice %get3A_236 {offsets = [8], sizes = [1], strides = [1]} : vector<16xf32> to vector<1xf32>
        %squeeze3A_635 = vector.extract %slice3A_634[0] : f32 from vector<1xf32>
        %mul3A_636 = arith.constant 16 : i32
        %mul3A_637 = arith.muli %scan3A_232, %mul3A_636 : i32
        %add3A_638 = arith.constant 8 : i32
        %add3A_639 = arith.addi %mul3A_637, %add3A_638 : i32
        %get3A_640 = arith.index_cast %add3A_639 : i32 to index
        %get3A_641 = arith.constant 0 : index
        %get3A_642 = tpu.vector_load %arg16[%get3A_640, %get3A_641] {strides = array<i32>} : memref<128x64xf32, #tpu.memory_space<vmem>>, vector<1x16xf32>,
        %get3A_643 = vector.shape_cast %get3A_642 : vector<1x16xf32> to vector<16xf32>
        %mul3A_644 = vector.broadcast %squeeze3A_635 : f32 to vector<16xf32>
        %mul3A_645 = arith.mulf %get3A_643, %mul3A_644 : vector<16xf32>
        %swap3A_646 = arith.index_cast %add3A_639 : i32 to index
        %swap3A_647 = arith.constant 0 : index
        %swap3A_648 = tpu.vector_load %arg16[%swap3A_646, %swap3A_647] {strides = array<i32>} : memref<128x64xf32, #tpu.memory_space<vmem>>, vector<1x16xf32>,
        %swap3A_649 = vector.shape_cast %swap3A_648 : vector<1x16xf32> to vector<16xf32>
        %swap3A_650 = vector.shape_cast %mul3A_645 : vector<16xf32> to vector<1x16xf32>
        tpu.vector_store %arg16[%swap3A_646, %swap3A_647], %swap3A_650 {strides = array<i32>} : memref<128x64xf32, #tpu.memory_space<vmem>>, vector<1x16xf32>,
        %get3A_651 = arith.index_cast %add3A_639 : i32 to index
        %get3A_652 = arith.constant 16 : index
        %get3A_653 = tpu.vector_load %arg16[%get3A_651, %get3A_652] {strides = array<i32>} : memref<128x64xf32, #tpu.memory_space<vmem>>, vector<1x16xf32>,
        %get3A_654 = vector.shape_cast %get3A_653 : vector<1x16xf32> to vector<16xf32>
        %mul3A_655 = vector.broadcast %squeeze3A_635 : f32 to vector<16xf32>
        %mul3A_656 = arith.mulf %get3A_654, %mul3A_655 : vector<16xf32>
        %swap3A_657 = arith.index_cast %add3A_639 : i32 to index
        %swap3A_658 = arith.constant 16 : index
        %swap3A_659 = tpu.vector_load %arg16[%swap3A_657, %swap3A_658] {strides = array<i32>} : memref<128x64xf32, #tpu.memory_space<vmem>>, vector<1x16xf32>,
        %swap3A_660 = vector.shape_cast %swap3A_659 : vector<1x16xf32> to vector<16xf32>
        %swap3A_661 = vector.shape_cast %mul3A_656 : vector<16xf32> to vector<1x16xf32>
        tpu.vector_store %arg16[%swap3A_657, %swap3A_658], %swap3A_661 {strides = array<i32>} : memref<128x64xf32, #tpu.memory_space<vmem>>, vector<1x16xf32>,
        %get3A_662 = arith.index_cast %add3A_639 : i32 to index
        %get3A_663 = arith.constant 32 : index
        %get3A_664 = tpu.vector_load %arg16[%get3A_662, %get3A_663] {strides = array<i32>} : memref<128x64xf32, #tpu.memory_space<vmem>>, vector<1x16xf32>,
        %get3A_665 = vector.shape_cast %get3A_664 : vector<1x16xf32> to vector<16xf32>
        %mul3A_666 = vector.broadcast %squeeze3A_635 : f32 to vector<16xf32>
        %mul3A_667 = arith.mulf %get3A_665, %mul3A_666 : vector<16xf32>
        %swap3A_668 = arith.index_cast %add3A_639 : i32 to index
        %swap3A_669 = arith.constant 32 : index
        %swap3A_670 = tpu.vector_load %arg16[%swap3A_668, %swap3A_669] {strides = array<i32>} : memref<128x64xf32, #tpu.memory_space<vmem>>, vector<1x16xf32>,
        %swap3A_671 = vector.shape_cast %swap3A_670 : vector<1x16xf32> to vector<16xf32>
        %swap3A_672 = vector.shape_cast %mul3A_667 : vector<16xf32> to vector<1x16xf32>
        tpu.vector_store %arg16[%swap3A_668, %swap3A_669], %swap3A_672 {strides = array<i32>} : memref<128x64xf32, #tpu.memory_space<vmem>>, vector<1x16xf32>,
        %get3A_673 = arith.index_cast %add3A_639 : i32 to index
        %get3A_674 = arith.constant 48 : index
        %get3A_675 = tpu.vector_load %arg16[%get3A_673, %get3A_674] {strides = array<i32>} : memref<128x64xf32, #tpu.memory_space<vmem>>, vector<1x16xf32>,
        %get3A_676 = vector.shape_cast %get3A_675 : vector<1x16xf32> to vector<16xf32>
        %mul3A_677 = vector.broadcast %squeeze3A_635 : f32 to vector<16xf32>
        %mul3A_678 = arith.mulf %get3A_676, %mul3A_677 : vector<16xf32>
        %swap3A_679 = arith.index_cast %add3A_639 : i32 to index
        %swap3A_680 = arith.constant 48 : index
        %swap3A_681 = tpu.vector_load %arg16[%swap3A_679, %swap3A_680] {strides = array<i32>} : memref<128x64xf32, #tpu.memory_space<vmem>>, vector<1x16xf32>,
        %swap3A_682 = vector.shape_cast %swap3A_681 : vector<1x16xf32> to vector<16xf32>
        %swap3A_683 = vector.shape_cast %mul3A_678 : vector<16xf32> to vector<1x16xf32>
        tpu.vector_store %arg16[%swap3A_679, %swap3A_680], %swap3A_683 {strides = array<i32>} : memref<128x64xf32, #tpu.memory_space<vmem>>, vector<1x16xf32>,
        %slice3A_684 = vector.extract_strided_slice %get3A_236 {offsets = [9], sizes = [1], strides = [1]} : vector<16xf32> to vector<1xf32>
        %squeeze3A_685 = vector.extract %slice3A_684[0] : f32 from vector<1xf32>
        %mul3A_686 = arith.constant 16 : i32
        %mul3A_687 = arith.muli %scan3A_232, %mul3A_686 : i32
        %add3A_688 = arith.constant 9 : i32
        %add3A_689 = arith.addi %mul3A_687, %add3A_688 : i32
        %get3A_690 = arith.index_cast %add3A_689 : i32 to index
        %get3A_691 = arith.constant 0 : index
        %get3A_692 = tpu.vector_load %arg16[%get3A_690, %get3A_691] {strides = array<i32>} : memref<128x64xf32, #tpu.memory_space<vmem>>, vector<1x16xf32>,
        %get3A_693 = vector.shape_cast %get3A_692 : vector<1x16xf32> to vector<16xf32>
        %mul3A_694 = vector.broadcast %squeeze3A_685 : f32 to vector<16xf32>
        %mul3A_695 = arith.mulf %get3A_693, %mul3A_694 : vector<16xf32>
        %swap3A_696 = arith.index_cast %add3A_689 : i32 to index
        %swap3A_697 = arith.constant 0 : index
        %swap3A_698 = tpu.vector_load %arg16[%swap3A_696, %swap3A_697] {strides = array<i32>} : memref<128x64xf32, #tpu.memory_space<vmem>>, vector<1x16xf32>,
        %swap3A_699 = vector.shape_cast %swap3A_698 : vector<1x16xf32> to vector<16xf32>
        %swap3A_700 = vector.shape_cast %mul3A_695 : vector<16xf32> to vector<1x16xf32>
        tpu.vector_store %arg16[%swap3A_696, %swap3A_697], %swap3A_700 {strides = array<i32>} : memref<128x64xf32, #tpu.memory_space<vmem>>, vector<1x16xf32>,
        %get3A_701 = arith.index_cast %add3A_689 : i32 to index
        %get3A_702 = arith.constant 16 : index
        %get3A_703 = tpu.vector_load %arg16[%get3A_701, %get3A_702] {strides = array<i32>} : memref<128x64xf32, #tpu.memory_space<vmem>>, vector<1x16xf32>,
        %get3A_704 = vector.shape_cast %get3A_703 : vector<1x16xf32> to vector<16xf32>
        %mul3A_705 = vector.broadcast %squeeze3A_685 : f32 to vector<16xf32>
        %mul3A_706 = arith.mulf %get3A_704, %mul3A_705 : vector<16xf32>
        %swap3A_707 = arith.index_cast %add3A_689 : i32 to index
        %swap3A_708 = arith.constant 16 : index
        %swap3A_709 = tpu.vector_load %arg16[%swap3A_707, %swap3A_708] {strides = array<i32>} : memref<128x64xf32, #tpu.memory_space<vmem>>, vector<1x16xf32>,
        %swap3A_710 = vector.shape_cast %swap3A_709 : vector<1x16xf32> to vector<16xf32>
        %swap3A_711 = vector.shape_cast %mul3A_706 : vector<16xf32> to vector<1x16xf32>
        tpu.vector_store %arg16[%swap3A_707, %swap3A_708], %swap3A_711 {strides = array<i32>} : memref<128x64xf32, #tpu.memory_space<vmem>>, vector<1x16xf32>,
        %get3A_712 = arith.index_cast %add3A_689 : i32 to index
        %get3A_713 = arith.constant 32 : index
        %get3A_714 = tpu.vector_load %arg16[%get3A_712, %get3A_713] {strides = array<i32>} : memref<128x64xf32, #tpu.memory_space<vmem>>, vector<1x16xf32>,
        %get3A_715 = vector.shape_cast %get3A_714 : vector<1x16xf32> to vector<16xf32>
        %mul3A_716 = vector.broadcast %squeeze3A_685 : f32 to vector<16xf32>
        %mul3A_717 = arith.mulf %get3A_715, %mul3A_716 : vector<16xf32>
        %swap3A_718 = arith.index_cast %add3A_689 : i32 to index
        %swap3A_719 = arith.constant 32 : index
        %swap3A_720 = tpu.vector_load %arg16[%swap3A_718, %swap3A_719] {strides = array<i32>} : memref<128x64xf32, #tpu.memory_space<vmem>>, vector<1x16xf32>,
        %swap3A_721 = vector.shape_cast %swap3A_720 : vector<1x16xf32> to vector<16xf32>
        %swap3A_722 = vector.shape_cast %mul3A_717 : vector<16xf32> to vector<1x16xf32>
        tpu.vector_store %arg16[%swap3A_718, %swap3A_719], %swap3A_722 {strides = array<i32>} : memref<128x64xf32, #tpu.memory_space<vmem>>, vector<1x16xf32>,
        %get3A_723 = arith.index_cast %add3A_689 : i32 to index
        %get3A_724 = arith.constant 48 : index
        %get3A_725 = tpu.vector_load %arg16[%get3A_723, %get3A_724] {strides = array<i32>} : memref<128x64xf32, #tpu.memory_space<vmem>>, vector<1x16xf32>,
        %get3A_726 = vector.shape_cast %get3A_725 : vector<1x16xf32> to vector<16xf32>
        %mul3A_727 = vector.broadcast %squeeze3A_685 : f32 to vector<16xf32>
        %mul3A_728 = arith.mulf %get3A_726, %mul3A_727 : vector<16xf32>
        %swap3A_729 = arith.index_cast %add3A_689 : i32 to index
        %swap3A_730 = arith.constant 48 : index
        %swap3A_731 = tpu.vector_load %arg16[%swap3A_729, %swap3A_730] {strides = array<i32>} : memref<128x64xf32, #tpu.memory_space<vmem>>, vector<1x16xf32>,
        %swap3A_732 = vector.shape_cast %swap3A_731 : vector<1x16xf32> to vector<16xf32>
        %swap3A_733 = vector.shape_cast %mul3A_728 : vector<16xf32> to vector<1x16xf32>
        tpu.vector_store %arg16[%swap3A_729, %swap3A_730], %swap3A_733 {strides = array<i32>} : memref<128x64xf32, #tpu.memory_space<vmem>>, vector<1x16xf32>,
        %slice3A_734 = vector.extract_strided_slice %get3A_236 {offsets = [10], sizes = [1], strides = [1]} : vector<16xf32> to vector<1xf32>
        %squeeze3A_735 = vector.extract %slice3A_734[0] : f32 from vector<1xf32>
        %mul3A_736 = arith.constant 16 : i32
        %mul3A_737 = arith.muli %scan3A_232, %mul3A_736 : i32
        %add3A_738 = arith.constant 10 : i32
        %add3A_739 = arith.addi %mul3A_737, %add3A_738 : i32
        %get3A_740 = arith.index_cast %add3A_739 : i32 to index
        %get3A_741 = arith.constant 0 : index
        %get3A_742 = tpu.vector_load %arg16[%get3A_740, %get3A_741] {strides = array<i32>} : memref<128x64xf32, #tpu.memory_space<vmem>>, vector<1x16xf32>,
        %get3A_743 = vector.shape_cast %get3A_742 : vector<1x16xf32> to vector<16xf32>
        %mul3A_744 = vector.broadcast %squeeze3A_735 : f32 to vector<16xf32>
        %mul3A_745 = arith.mulf %get3A_743, %mul3A_744 : vector<16xf32>
        %swap3A_746 = arith.index_cast %add3A_739 : i32 to index
        %swap3A_747 = arith.constant 0 : index
        %swap3A_748 = tpu.vector_load %arg16[%swap3A_746, %swap3A_747] {strides = array<i32>} : memref<128x64xf32, #tpu.memory_space<vmem>>, vector<1x16xf32>,
        %swap3A_749 = vector.shape_cast %swap3A_748 : vector<1x16xf32> to vector<16xf32>
        %swap3A_750 = vector.shape_cast %mul3A_745 : vector<16xf32> to vector<1x16xf32>
        tpu.vector_store %arg16[%swap3A_746, %swap3A_747], %swap3A_750 {strides = array<i32>} : memref<128x64xf32, #tpu.memory_space<vmem>>, vector<1x16xf32>,
        %get3A_751 = arith.index_cast %add3A_739 : i32 to index
        %get3A_752 = arith.constant 16 : index
        %get3A_753 = tpu.vector_load %arg16[%get3A_751, %get3A_752] {strides = array<i32>} : memref<128x64xf32, #tpu.memory_space<vmem>>, vector<1x16xf32>,
        %get3A_754 = vector.shape_cast %get3A_753 : vector<1x16xf32> to vector<16xf32>
        %mul3A_755 = vector.broadcast %squeeze3A_735 : f32 to vector<16xf32>
        %mul3A_756 = arith.mulf %get3A_754, %mul3A_755 : vector<16xf32>
        %swap3A_757 = arith.index_cast %add3A_739 : i32 to index
        %swap3A_758 = arith.constant 16 : index
        %swap3A_759 = tpu.vector_load %arg16[%swap3A_757, %swap3A_758] {strides = array<i32>} : memref<128x64xf32, #tpu.memory_space<vmem>>, vector<1x16xf32>,
        %swap3A_760 = vector.shape_cast %swap3A_759 : vector<1x16xf32> to vector<16xf32>
        %swap3A_761 = vector.shape_cast %mul3A_756 : vector<16xf32> to vector<1x16xf32>
        tpu.vector_store %arg16[%swap3A_757, %swap3A_758], %swap3A_761 {strides = array<i32>} : memref<128x64xf32, #tpu.memory_space<vmem>>, vector<1x16xf32>,
        %get3A_762 = arith.index_cast %add3A_739 : i32 to index
        %get3A_763 = arith.constant 32 : index
        %get3A_764 = tpu.vector_load %arg16[%get3A_762, %get3A_763] {strides = array<i32>} : memref<128x64xf32, #tpu.memory_space<vmem>>, vector<1x16xf32>,
        %get3A_765 = vector.shape_cast %get3A_764 : vector<1x16xf32> to vector<16xf32>
        %mul3A_766 = vector.broadcast %squeeze3A_735 : f32 to vector<16xf32>
        %mul3A_767 = arith.mulf %get3A_765, %mul3A_766 : vector<16xf32>
        %swap3A_768 = arith.index_cast %add3A_739 : i32 to index
        %swap3A_769 = arith.constant 32 : index
        %swap3A_770 = tpu.vector_load %arg16[%swap3A_768, %swap3A_769] {strides = array<i32>} : memref<128x64xf32, #tpu.memory_space<vmem>>, vector<1x16xf32>,
        %swap3A_771 = vector.shape_cast %swap3A_770 : vector<1x16xf32> to vector<16xf32>
        %swap3A_772 = vector.shape_cast %mul3A_767 : vector<16xf32> to vector<1x16xf32>
        tpu.vector_store %arg16[%swap3A_768, %swap3A_769], %swap3A_772 {strides = array<i32>} : memref<128x64xf32, #tpu.memory_space<vmem>>, vector<1x16xf32>,
        %get3A_773 = arith.index_cast %add3A_739 : i32 to index
        %get3A_774 = arith.constant 48 : index
        %get3A_775 = tpu.vector_load %arg16[%get3A_773, %get3A_774] {strides = array<i32>} : memref<128x64xf32, #tpu.memory_space<vmem>>, vector<1x16xf32>,
        %get3A_776 = vector.shape_cast %get3A_775 : vector<1x16xf32> to vector<16xf32>
        %mul3A_777 = vector.broadcast %squeeze3A_735 : f32 to vector<16xf32>
        %mul3A_778 = arith.mulf %get3A_776, %mul3A_777 : vector<16xf32>
        %swap3A_779 = arith.index_cast %add3A_739 : i32 to index
        %swap3A_780 = arith.constant 48 : index
        %swap3A_781 = tpu.vector_load %arg16[%swap3A_779, %swap3A_780] {strides = array<i32>} : memref<128x64xf32, #tpu.memory_space<vmem>>, vector<1x16xf32>,
        %swap3A_782 = vector.shape_cast %swap3A_781 : vector<1x16xf32> to vector<16xf32>
        %swap3A_783 = vector.shape_cast %mul3A_778 : vector<16xf32> to vector<1x16xf32>
        tpu.vector_store %arg16[%swap3A_779, %swap3A_780], %swap3A_783 {strides = array<i32>} : memref<128x64xf32, #tpu.memory_space<vmem>>, vector<1x16xf32>,
        %slice3A_784 = vector.extract_strided_slice %get3A_236 {offsets = [11], sizes = [1], strides = [1]} : vector<16xf32> to vector<1xf32>
        %squeeze3A_785 = vector.extract %slice3A_784[0] : f32 from vector<1xf32>
        %mul3A_786 = arith.constant 16 : i32
        %mul3A_787 = arith.muli %scan3A_232, %mul3A_786 : i32
        %add3A_788 = arith.constant 11 : i32
        %add3A_789 = arith.addi %mul3A_787, %add3A_788 : i32
        %get3A_790 = arith.index_cast %add3A_789 : i32 to index
        %get3A_791 = arith.constant 0 : index
        %get3A_792 = tpu.vector_load %arg16[%get3A_790, %get3A_791] {strides = array<i32>} : memref<128x64xf32, #tpu.memory_space<vmem>>, vector<1x16xf32>,
        %get3A_793 = vector.shape_cast %get3A_792 : vector<1x16xf32> to vector<16xf32>
        %mul3A_794 = vector.broadcast %squeeze3A_785 : f32 to vector<16xf32>
        %mul3A_795 = arith.mulf %get3A_793, %mul3A_794 : vector<16xf32>
        %swap3A_796 = arith.index_cast %add3A_789 : i32 to index
        %swap3A_797 = arith.constant 0 : index
        %swap3A_798 = tpu.vector_load %arg16[%swap3A_796, %swap3A_797] {strides = array<i32>} : memref<128x64xf32, #tpu.memory_space<vmem>>, vector<1x16xf32>,
        %swap3A_799 = vector.shape_cast %swap3A_798 : vector<1x16xf32> to vector<16xf32>
        %swap3A_800 = vector.shape_cast %mul3A_795 : vector<16xf32> to vector<1x16xf32>
        tpu.vector_store %arg16[%swap3A_796, %swap3A_797], %swap3A_800 {strides = array<i32>} : memref<128x64xf32, #tpu.memory_space<vmem>>, vector<1x16xf32>,
        %get3A_801 = arith.index_cast %add3A_789 : i32 to index
        %get3A_802 = arith.constant 16 : index
        %get3A_803 = tpu.vector_load %arg16[%get3A_801, %get3A_802] {strides = array<i32>} : memref<128x64xf32, #tpu.memory_space<vmem>>, vector<1x16xf32>,
        %get3A_804 = vector.shape_cast %get3A_803 : vector<1x16xf32> to vector<16xf32>
        %mul3A_805 = vector.broadcast %squeeze3A_785 : f32 to vector<16xf32>
        %mul3A_806 = arith.mulf %get3A_804, %mul3A_805 : vector<16xf32>
        %swap3A_807 = arith.index_cast %add3A_789 : i32 to index
        %swap3A_808 = arith.constant 16 : index
        %swap3A_809 = tpu.vector_load %arg16[%swap3A_807, %swap3A_808] {strides = array<i32>} : memref<128x64xf32, #tpu.memory_space<vmem>>, vector<1x16xf32>,
        %swap3A_810 = vector.shape_cast %swap3A_809 : vector<1x16xf32> to vector<16xf32>
        %swap3A_811 = vector.shape_cast %mul3A_806 : vector<16xf32> to vector<1x16xf32>
        tpu.vector_store %arg16[%swap3A_807, %swap3A_808], %swap3A_811 {strides = array<i32>} : memref<128x64xf32, #tpu.memory_space<vmem>>, vector<1x16xf32>,
        %get3A_812 = arith.index_cast %add3A_789 : i32 to index
        %get3A_813 = arith.constant 32 : index
        %get3A_814 = tpu.vector_load %arg16[%get3A_812, %get3A_813] {strides = array<i32>} : memref<128x64xf32, #tpu.memory_space<vmem>>, vector<1x16xf32>,
        %get3A_815 = vector.shape_cast %get3A_814 : vector<1x16xf32> to vector<16xf32>
        %mul3A_816 = vector.broadcast %squeeze3A_785 : f32 to vector<16xf32>
        %mul3A_817 = arith.mulf %get3A_815, %mul3A_816 : vector<16xf32>
        %swap3A_818 = arith.index_cast %add3A_789 : i32 to index
        %swap3A_819 = arith.constant 32 : index
        %swap3A_820 = tpu.vector_load %arg16[%swap3A_818, %swap3A_819] {strides = array<i32>} : memref<128x64xf32, #tpu.memory_space<vmem>>, vector<1x16xf32>,
        %swap3A_821 = vector.shape_cast %swap3A_820 : vector<1x16xf32> to vector<16xf32>
        %swap3A_822 = vector.shape_cast %mul3A_817 : vector<16xf32> to vector<1x16xf32>
        tpu.vector_store %arg16[%swap3A_818, %swap3A_819], %swap3A_822 {strides = array<i32>} : memref<128x64xf32, #tpu.memory_space<vmem>>, vector<1x16xf32>,
        %get3A_823 = arith.index_cast %add3A_789 : i32 to index
        %get3A_824 = arith.constant 48 : index
        %get3A_825 = tpu.vector_load %arg16[%get3A_823, %get3A_824] {strides = array<i32>} : memref<128x64xf32, #tpu.memory_space<vmem>>, vector<1x16xf32>,
        %get3A_826 = vector.shape_cast %get3A_825 : vector<1x16xf32> to vector<16xf32>
        %mul3A_827 = vector.broadcast %squeeze3A_785 : f32 to vector<16xf32>
        %mul3A_828 = arith.mulf %get3A_826, %mul3A_827 : vector<16xf32>
        %swap3A_829 = arith.index_cast %add3A_789 : i32 to index
        %swap3A_830 = arith.constant 48 : index
        %swap3A_831 = tpu.vector_load %arg16[%swap3A_829, %swap3A_830] {strides = array<i32>} : memref<128x64xf32, #tpu.memory_space<vmem>>, vector<1x16xf32>,
        %swap3A_832 = vector.shape_cast %swap3A_831 : vector<1x16xf32> to vector<16xf32>
        %swap3A_833 = vector.shape_cast %mul3A_828 : vector<16xf32> to vector<1x16xf32>
        tpu.vector_store %arg16[%swap3A_829, %swap3A_830], %swap3A_833 {strides = array<i32>} : memref<128x64xf32, #tpu.memory_space<vmem>>, vector<1x16xf32>,
        %slice3A_834 = vector.extract_strided_slice %get3A_236 {offsets = [12], sizes = [1], strides = [1]} : vector<16xf32> to vector<1xf32>
        %squeeze3A_835 = vector.extract %slice3A_834[0] : f32 from vector<1xf32>
        %mul3A_836 = arith.constant 16 : i32
        %mul3A_837 = arith.muli %scan3A_232, %mul3A_836 : i32
        %add3A_838 = arith.constant 12 : i32
        %add3A_839 = arith.addi %mul3A_837, %add3A_838 : i32
        %get3A_840 = arith.index_cast %add3A_839 : i32 to index
        %get3A_841 = arith.constant 0 : index
        %get3A_842 = tpu.vector_load %arg16[%get3A_840, %get3A_841] {strides = array<i32>} : memref<128x64xf32, #tpu.memory_space<vmem>>, vector<1x16xf32>,
        %get3A_843 = vector.shape_cast %get3A_842 : vector<1x16xf32> to vector<16xf32>
        %mul3A_844 = vector.broadcast %squeeze3A_835 : f32 to vector<16xf32>
        %mul3A_845 = arith.mulf %get3A_843, %mul3A_844 : vector<16xf32>
        %swap3A_846 = arith.index_cast %add3A_839 : i32 to index
        %swap3A_847 = arith.constant 0 : index
        %swap3A_848 = tpu.vector_load %arg16[%swap3A_846, %swap3A_847] {strides = array<i32>} : memref<128x64xf32, #tpu.memory_space<vmem>>, vector<1x16xf32>,
        %swap3A_849 = vector.shape_cast %swap3A_848 : vector<1x16xf32> to vector<16xf32>
        %swap3A_850 = vector.shape_cast %mul3A_845 : vector<16xf32> to vector<1x16xf32>
        tpu.vector_store %arg16[%swap3A_846, %swap3A_847], %swap3A_850 {strides = array<i32>} : memref<128x64xf32, #tpu.memory_space<vmem>>, vector<1x16xf32>,
        %get3A_851 = arith.index_cast %add3A_839 : i32 to index
        %get3A_852 = arith.constant 16 : index
        %get3A_853 = tpu.vector_load %arg16[%get3A_851, %get3A_852] {strides = array<i32>} : memref<128x64xf32, #tpu.memory_space<vmem>>, vector<1x16xf32>,
        %get3A_854 = vector.shape_cast %get3A_853 : vector<1x16xf32> to vector<16xf32>
        %mul3A_855 = vector.broadcast %squeeze3A_835 : f32 to vector<16xf32>
        %mul3A_856 = arith.mulf %get3A_854, %mul3A_855 : vector<16xf32>
        %swap3A_857 = arith.index_cast %add3A_839 : i32 to index
        %swap3A_858 = arith.constant 16 : index
        %swap3A_859 = tpu.vector_load %arg16[%swap3A_857, %swap3A_858] {strides = array<i32>} : memref<128x64xf32, #tpu.memory_space<vmem>>, vector<1x16xf32>,
        %swap3A_860 = vector.shape_cast %swap3A_859 : vector<1x16xf32> to vector<16xf32>
        %swap3A_861 = vector.shape_cast %mul3A_856 : vector<16xf32> to vector<1x16xf32>
        tpu.vector_store %arg16[%swap3A_857, %swap3A_858], %swap3A_861 {strides = array<i32>} : memref<128x64xf32, #tpu.memory_space<vmem>>, vector<1x16xf32>,
        %get3A_862 = arith.index_cast %add3A_839 : i32 to index
        %get3A_863 = arith.constant 32 : index
        %get3A_864 = tpu.vector_load %arg16[%get3A_862, %get3A_863] {strides = array<i32>} : memref<128x64xf32, #tpu.memory_space<vmem>>, vector<1x16xf32>,
        %get3A_865 = vector.shape_cast %get3A_864 : vector<1x16xf32> to vector<16xf32>
        %mul3A_866 = vector.broadcast %squeeze3A_835 : f32 to vector<16xf32>
        %mul3A_867 = arith.mulf %get3A_865, %mul3A_866 : vector<16xf32>
        %swap3A_868 = arith.index_cast %add3A_839 : i32 to index
        %swap3A_869 = arith.constant 32 : index
        %swap3A_870 = tpu.vector_load %arg16[%swap3A_868, %swap3A_869] {strides = array<i32>} : memref<128x64xf32, #tpu.memory_space<vmem>>, vector<1x16xf32>,
        %swap3A_871 = vector.shape_cast %swap3A_870 : vector<1x16xf32> to vector<16xf32>
        %swap3A_872 = vector.shape_cast %mul3A_867 : vector<16xf32> to vector<1x16xf32>
        tpu.vector_store %arg16[%swap3A_868, %swap3A_869], %swap3A_872 {strides = array<i32>} : memref<128x64xf32, #tpu.memory_space<vmem>>, vector<1x16xf32>,
        %get3A_873 = arith.index_cast %add3A_839 : i32 to index
        %get3A_874 = arith.constant 48 : index
        %get3A_875 = tpu.vector_load %arg16[%get3A_873, %get3A_874] {strides = array<i32>} : memref<128x64xf32, #tpu.memory_space<vmem>>, vector<1x16xf32>,
        %get3A_876 = vector.shape_cast %get3A_875 : vector<1x16xf32> to vector<16xf32>
        %mul3A_877 = vector.broadcast %squeeze3A_835 : f32 to vector<16xf32>
        %mul3A_878 = arith.mulf %get3A_876, %mul3A_877 : vector<16xf32>
        %swap3A_879 = arith.index_cast %add3A_839 : i32 to index
        %swap3A_880 = arith.constant 48 : index
        %swap3A_881 = tpu.vector_load %arg16[%swap3A_879, %swap3A_880] {strides = array<i32>} : memref<128x64xf32, #tpu.memory_space<vmem>>, vector<1x16xf32>,
        %swap3A_882 = vector.shape_cast %swap3A_881 : vector<1x16xf32> to vector<16xf32>
        %swap3A_883 = vector.shape_cast %mul3A_878 : vector<16xf32> to vector<1x16xf32>
        tpu.vector_store %arg16[%swap3A_879, %swap3A_880], %swap3A_883 {strides = array<i32>} : memref<128x64xf32, #tpu.memory_space<vmem>>, vector<1x16xf32>,
        %slice3A_884 = vector.extract_strided_slice %get3A_236 {offsets = [13], sizes = [1], strides = [1]} : vector<16xf32> to vector<1xf32>
        %squeeze3A_885 = vector.extract %slice3A_884[0] : f32 from vector<1xf32>
        %mul3A_886 = arith.constant 16 : i32
        %mul3A_887 = arith.muli %scan3A_232, %mul3A_886 : i32
        %add3A_888 = arith.constant 13 : i32
        %add3A_889 = arith.addi %mul3A_887, %add3A_888 : i32
        %get3A_890 = arith.index_cast %add3A_889 : i32 to index
        %get3A_891 = arith.constant 0 : index
        %get3A_892 = tpu.vector_load %arg16[%get3A_890, %get3A_891] {strides = array<i32>} : memref<128x64xf32, #tpu.memory_space<vmem>>, vector<1x16xf32>,
        %get3A_893 = vector.shape_cast %get3A_892 : vector<1x16xf32> to vector<16xf32>
        %mul3A_894 = vector.broadcast %squeeze3A_885 : f32 to vector<16xf32>
        %mul3A_895 = arith.mulf %get3A_893, %mul3A_894 : vector<16xf32>
        %swap3A_896 = arith.index_cast %add3A_889 : i32 to index
        %swap3A_897 = arith.constant 0 : index
        %swap3A_898 = tpu.vector_load %arg16[%swap3A_896, %swap3A_897] {strides = array<i32>} : memref<128x64xf32, #tpu.memory_space<vmem>>, vector<1x16xf32>,
        %swap3A_899 = vector.shape_cast %swap3A_898 : vector<1x16xf32> to vector<16xf32>
        %swap3A_900 = vector.shape_cast %mul3A_895 : vector<16xf32> to vector<1x16xf32>
        tpu.vector_store %arg16[%swap3A_896, %swap3A_897], %swap3A_900 {strides = array<i32>} : memref<128x64xf32, #tpu.memory_space<vmem>>, vector<1x16xf32>,
        %get3A_901 = arith.index_cast %add3A_889 : i32 to index
        %get3A_902 = arith.constant 16 : index
        %get3A_903 = tpu.vector_load %arg16[%get3A_901, %get3A_902] {strides = array<i32>} : memref<128x64xf32, #tpu.memory_space<vmem>>, vector<1x16xf32>,
        %get3A_904 = vector.shape_cast %get3A_903 : vector<1x16xf32> to vector<16xf32>
        %mul3A_905 = vector.broadcast %squeeze3A_885 : f32 to vector<16xf32>
        %mul3A_906 = arith.mulf %get3A_904, %mul3A_905 : vector<16xf32>
        %swap3A_907 = arith.index_cast %add3A_889 : i32 to index
        %swap3A_908 = arith.constant 16 : index
        %swap3A_909 = tpu.vector_load %arg16[%swap3A_907, %swap3A_908] {strides = array<i32>} : memref<128x64xf32, #tpu.memory_space<vmem>>, vector<1x16xf32>,
        %swap3A_910 = vector.shape_cast %swap3A_909 : vector<1x16xf32> to vector<16xf32>
        %swap3A_911 = vector.shape_cast %mul3A_906 : vector<16xf32> to vector<1x16xf32>
        tpu.vector_store %arg16[%swap3A_907, %swap3A_908], %swap3A_911 {strides = array<i32>} : memref<128x64xf32, #tpu.memory_space<vmem>>, vector<1x16xf32>,
        %get3A_912 = arith.index_cast %add3A_889 : i32 to index
        %get3A_913 = arith.constant 32 : index
        %get3A_914 = tpu.vector_load %arg16[%get3A_912, %get3A_913] {strides = array<i32>} : memref<128x64xf32, #tpu.memory_space<vmem>>, vector<1x16xf32>,
        %get3A_915 = vector.shape_cast %get3A_914 : vector<1x16xf32> to vector<16xf32>
        %mul3A_916 = vector.broadcast %squeeze3A_885 : f32 to vector<16xf32>
        %mul3A_917 = arith.mulf %get3A_915, %mul3A_916 : vector<16xf32>
        %swap3A_918 = arith.index_cast %add3A_889 : i32 to index
        %swap3A_919 = arith.constant 32 : index
        %swap3A_920 = tpu.vector_load %arg16[%swap3A_918, %swap3A_919] {strides = array<i32>} : memref<128x64xf32, #tpu.memory_space<vmem>>, vector<1x16xf32>,
        %swap3A_921 = vector.shape_cast %swap3A_920 : vector<1x16xf32> to vector<16xf32>
        %swap3A_922 = vector.shape_cast %mul3A_917 : vector<16xf32> to vector<1x16xf32>
        tpu.vector_store %arg16[%swap3A_918, %swap3A_919], %swap3A_922 {strides = array<i32>} : memref<128x64xf32, #tpu.memory_space<vmem>>, vector<1x16xf32>,
        %get3A_923 = arith.index_cast %add3A_889 : i32 to index
        %get3A_924 = arith.constant 48 : index
        %get3A_925 = tpu.vector_load %arg16[%get3A_923, %get3A_924] {strides = array<i32>} : memref<128x64xf32, #tpu.memory_space<vmem>>, vector<1x16xf32>,
        %get3A_926 = vector.shape_cast %get3A_925 : vector<1x16xf32> to vector<16xf32>
        %mul3A_927 = vector.broadcast %squeeze3A_885 : f32 to vector<16xf32>
        %mul3A_928 = arith.mulf %get3A_926, %mul3A_927 : vector<16xf32>
        %swap3A_929 = arith.index_cast %add3A_889 : i32 to index
        %swap3A_930 = arith.constant 48 : index
        %swap3A_931 = tpu.vector_load %arg16[%swap3A_929, %swap3A_930] {strides = array<i32>} : memref<128x64xf32, #tpu.memory_space<vmem>>, vector<1x16xf32>,
        %swap3A_932 = vector.shape_cast %swap3A_931 : vector<1x16xf32> to vector<16xf32>
        %swap3A_933 = vector.shape_cast %mul3A_928 : vector<16xf32> to vector<1x16xf32>
        tpu.vector_store %arg16[%swap3A_929, %swap3A_930], %swap3A_933 {strides = array<i32>} : memref<128x64xf32, #tpu.memory_space<vmem>>, vector<1x16xf32>,
        %slice3A_934 = vector.extract_strided_slice %get3A_236 {offsets = [14], sizes = [1], strides = [1]} : vector<16xf32> to vector<1xf32>
        %squeeze3A_935 = vector.extract %slice3A_934[0] : f32 from vector<1xf32>
        %mul3A_936 = arith.constant 16 : i32
        %mul3A_937 = arith.muli %scan3A_232, %mul3A_936 : i32
        %add3A_938 = arith.constant 14 : i32
        %add3A_939 = arith.addi %mul3A_937, %add3A_938 : i32
        %get3A_940 = arith.index_cast %add3A_939 : i32 to index
        %get3A_941 = arith.constant 0 : index
        %get3A_942 = tpu.vector_load %arg16[%get3A_940, %get3A_941] {strides = array<i32>} : memref<128x64xf32, #tpu.memory_space<vmem>>, vector<1x16xf32>,
        %get3A_943 = vector.shape_cast %get3A_942 : vector<1x16xf32> to vector<16xf32>
        %mul3A_944 = vector.broadcast %squeeze3A_935 : f32 to vector<16xf32>
        %mul3A_945 = arith.mulf %get3A_943, %mul3A_944 : vector<16xf32>
        %swap3A_946 = arith.index_cast %add3A_939 : i32 to index
        %swap3A_947 = arith.constant 0 : index
        %swap3A_948 = tpu.vector_load %arg16[%swap3A_946, %swap3A_947] {strides = array<i32>} : memref<128x64xf32, #tpu.memory_space<vmem>>, vector<1x16xf32>,
        %swap3A_949 = vector.shape_cast %swap3A_948 : vector<1x16xf32> to vector<16xf32>
        %swap3A_950 = vector.shape_cast %mul3A_945 : vector<16xf32> to vector<1x16xf32>
        tpu.vector_store %arg16[%swap3A_946, %swap3A_947], %swap3A_950 {strides = array<i32>} : memref<128x64xf32, #tpu.memory_space<vmem>>, vector<1x16xf32>,
        %get3A_951 = arith.index_cast %add3A_939 : i32 to index
        %get3A_952 = arith.constant 16 : index
        %get3A_953 = tpu.vector_load %arg16[%get3A_951, %get3A_952] {strides = array<i32>} : memref<128x64xf32, #tpu.memory_space<vmem>>, vector<1x16xf32>,
        %get3A_954 = vector.shape_cast %get3A_953 : vector<1x16xf32> to vector<16xf32>
        %mul3A_955 = vector.broadcast %squeeze3A_935 : f32 to vector<16xf32>
        %mul3A_956 = arith.mulf %get3A_954, %mul3A_955 : vector<16xf32>
        %swap3A_957 = arith.index_cast %add3A_939 : i32 to index
        %swap3A_958 = arith.constant 16 : index
        %swap3A_959 = tpu.vector_load %arg16[%swap3A_957, %swap3A_958] {strides = array<i32>} : memref<128x64xf32, #tpu.memory_space<vmem>>, vector<1x16xf32>,
        %swap3A_960 = vector.shape_cast %swap3A_959 : vector<1x16xf32> to vector<16xf32>
        %swap3A_961 = vector.shape_cast %mul3A_956 : vector<16xf32> to vector<1x16xf32>
        tpu.vector_store %arg16[%swap3A_957, %swap3A_958], %swap3A_961 {strides = array<i32>} : memref<128x64xf32, #tpu.memory_space<vmem>>, vector<1x16xf32>,
        %get3A_962 = arith.index_cast %add3A_939 : i32 to index
        %get3A_963 = arith.constant 32 : index
        %get3A_964 = tpu.vector_load %arg16[%get3A_962, %get3A_963] {strides = array<i32>} : memref<128x64xf32, #tpu.memory_space<vmem>>, vector<1x16xf32>,
        %get3A_965 = vector.shape_cast %get3A_964 : vector<1x16xf32> to vector<16xf32>
        %mul3A_966 = vector.broadcast %squeeze3A_935 : f32 to vector<16xf32>
        %mul3A_967 = arith.mulf %get3A_965, %mul3A_966 : vector<16xf32>
        %swap3A_968 = arith.index_cast %add3A_939 : i32 to index
        %swap3A_969 = arith.constant 32 : index
        %swap3A_970 = tpu.vector_load %arg16[%swap3A_968, %swap3A_969] {strides = array<i32>} : memref<128x64xf32, #tpu.memory_space<vmem>>, vector<1x16xf32>,
        %swap3A_971 = vector.shape_cast %swap3A_970 : vector<1x16xf32> to vector<16xf32>
        %swap3A_972 = vector.shape_cast %mul3A_967 : vector<16xf32> to vector<1x16xf32>
        tpu.vector_store %arg16[%swap3A_968, %swap3A_969], %swap3A_972 {strides = array<i32>} : memref<128x64xf32, #tpu.memory_space<vmem>>, vector<1x16xf32>,
        %get3A_973 = arith.index_cast %add3A_939 : i32 to index
        %get3A_974 = arith.constant 48 : index
        %get3A_975 = tpu.vector_load %arg16[%get3A_973, %get3A_974] {strides = array<i32>} : memref<128x64xf32, #tpu.memory_space<vmem>>, vector<1x16xf32>,
        %get3A_976 = vector.shape_cast %get3A_975 : vector<1x16xf32> to vector<16xf32>
        %mul3A_977 = vector.broadcast %squeeze3A_935 : f32 to vector<16xf32>
        %mul3A_978 = arith.mulf %get3A_976, %mul3A_977 : vector<16xf32>
        %swap3A_979 = arith.index_cast %add3A_939 : i32 to index
        %swap3A_980 = arith.constant 48 : index
        %swap3A_981 = tpu.vector_load %arg16[%swap3A_979, %swap3A_980] {strides = array<i32>} : memref<128x64xf32, #tpu.memory_space<vmem>>, vector<1x16xf32>,
        %swap3A_982 = vector.shape_cast %swap3A_981 : vector<1x16xf32> to vector<16xf32>
        %swap3A_983 = vector.shape_cast %mul3A_978 : vector<16xf32> to vector<1x16xf32>
        tpu.vector_store %arg16[%swap3A_979, %swap3A_980], %swap3A_983 {strides = array<i32>} : memref<128x64xf32, #tpu.memory_space<vmem>>, vector<1x16xf32>,
        %slice3A_984 = vector.extract_strided_slice %get3A_236 {offsets = [15], sizes = [1], strides = [1]} : vector<16xf32> to vector<1xf32>
        %squeeze3A_985 = vector.extract %slice3A_984[0] : f32 from vector<1xf32>
        %mul3A_986 = arith.constant 16 : i32
        %mul3A_987 = arith.muli %scan3A_232, %mul3A_986 : i32
        %add3A_988 = arith.constant 15 : i32
        %add3A_989 = arith.addi %mul3A_987, %add3A_988 : i32
        %get3A_990 = arith.index_cast %add3A_989 : i32 to index
        %get3A_991 = arith.constant 0 : index
        %get3A_992 = tpu.vector_load %arg16[%get3A_990, %get3A_991] {strides = array<i32>} : memref<128x64xf32, #tpu.memory_space<vmem>>, vector<1x16xf32>,
        %get3A_993 = vector.shape_cast %get3A_992 : vector<1x16xf32> to vector<16xf32>
        %mul3A_994 = vector.broadcast %squeeze3A_985 : f32 to vector<16xf32>
        %mul3A_995 = arith.mulf %get3A_993, %mul3A_994 : vector<16xf32>
        %swap3A_996 = arith.index_cast %add3A_989 : i32 to index
        %swap3A_997 = arith.constant 0 : index
        %swap3A_998 = tpu.vector_load %arg16[%swap3A_996, %swap3A_997] {strides = array<i32>} : memref<128x64xf32, #tpu.memory_space<vmem>>, vector<1x16xf32>,
        %swap3A_999 = vector.shape_cast %swap3A_998 : vector<1x16xf32> to vector<16xf32>
        %swap3A_1000 = vector.shape_cast %mul3A_995 : vector<16xf32> to vector<1x16xf32>
        tpu.vector_store %arg16[%swap3A_996, %swap3A_997], %swap3A_1000 {strides = array<i32>} : memref<128x64xf32, #tpu.memory_space<vmem>>, vector<1x16xf32>,
        %get3A_1001 = arith.index_cast %add3A_989 : i32 to index
        %get3A_1002 = arith.constant 16 : index
        %get3A_1003 = tpu.vector_load %arg16[%get3A_1001, %get3A_1002] {strides = array<i32>} : memref<128x64xf32, #tpu.memory_space<vmem>>, vector<1x16xf32>,
        %get3A_1004 = vector.shape_cast %get3A_1003 : vector<1x16xf32> to vector<16xf32>
        %mul3A_1005 = vector.broadcast %squeeze3A_985 : f32 to vector<16xf32>
        %mul3A_1006 = arith.mulf %get3A_1004, %mul3A_1005 : vector<16xf32>
        %swap3A_1007 = arith.index_cast %add3A_989 : i32 to index
        %swap3A_1008 = arith.constant 16 : index
        %swap3A_1009 = tpu.vector_load %arg16[%swap3A_1007, %swap3A_1008] {strides = array<i32>} : memref<128x64xf32, #tpu.memory_space<vmem>>, vector<1x16xf32>,
        %swap3A_1010 = vector.shape_cast %swap3A_1009 : vector<1x16xf32> to vector<16xf32>
        %swap3A_1011 = vector.shape_cast %mul3A_1006 : vector<16xf32> to vector<1x16xf32>
        tpu.vector_store %arg16[%swap3A_1007, %swap3A_1008], %swap3A_1011 {strides = array<i32>} : memref<128x64xf32, #tpu.memory_space<vmem>>, vector<1x16xf32>,
        %get3A_1012 = arith.index_cast %add3A_989 : i32 to index
        %get3A_1013 = arith.constant 32 : index
        %get3A_1014 = tpu.vector_load %arg16[%get3A_1012, %get3A_1013] {strides = array<i32>} : memref<128x64xf32, #tpu.memory_space<vmem>>, vector<1x16xf32>,
        %get3A_1015 = vector.shape_cast %get3A_1014 : vector<1x16xf32> to vector<16xf32>
        %mul3A_1016 = vector.broadcast %squeeze3A_985 : f32 to vector<16xf32>
        %mul3A_1017 = arith.mulf %get3A_1015, %mul3A_1016 : vector<16xf32>
        %swap3A_1018 = arith.index_cast %add3A_989 : i32 to index
        %swap3A_1019 = arith.constant 32 : index
        %swap3A_1020 = tpu.vector_load %arg16[%swap3A_1018, %swap3A_1019] {strides = array<i32>} : memref<128x64xf32, #tpu.memory_space<vmem>>, vector<1x16xf32>,
        %swap3A_1021 = vector.shape_cast %swap3A_1020 : vector<1x16xf32> to vector<16xf32>
        %swap3A_1022 = vector.shape_cast %mul3A_1017 : vector<16xf32> to vector<1x16xf32>
        tpu.vector_store %arg16[%swap3A_1018, %swap3A_1019], %swap3A_1022 {strides = array<i32>} : memref<128x64xf32, #tpu.memory_space<vmem>>, vector<1x16xf32>,
        %get3A_1023 = arith.index_cast %add3A_989 : i32 to index
        %get3A_1024 = arith.constant 48 : index
        %get3A_1025 = tpu.vector_load %arg16[%get3A_1023, %get3A_1024] {strides = array<i32>} : memref<128x64xf32, #tpu.memory_space<vmem>>, vector<1x16xf32>,
        %get3A_1026 = vector.shape_cast %get3A_1025 : vector<1x16xf32> to vector<16xf32>
        %mul3A_1027 = vector.broadcast %squeeze3A_985 : f32 to vector<16xf32>
        %mul3A_1028 = arith.mulf %get3A_1026, %mul3A_1027 : vector<16xf32>
        %swap3A_1029 = arith.index_cast %add3A_989 : i32 to index
        %swap3A_1030 = arith.constant 48 : index
        %swap3A_1031 = tpu.vector_load %arg16[%swap3A_1029, %swap3A_1030] {strides = array<i32>} : memref<128x64xf32, #tpu.memory_space<vmem>>, vector<1x16xf32>,
        %swap3A_1032 = vector.shape_cast %swap3A_1031 : vector<1x16xf32> to vector<16xf32>
        %swap3A_1033 = vector.shape_cast %mul3A_1028 : vector<16xf32> to vector<1x16xf32>
        tpu.vector_store %arg16[%swap3A_1029, %swap3A_1030], %swap3A_1033 {strides = array<i32>} : memref<128x64xf32, #tpu.memory_space<vmem>>, vector<1x16xf32>,
      }
      %scan3A_225 = arith.constant 8 : i32
      %dma_start3A_226 = arith.constant 0 : i32
      %dma_start3A_227 = tpu.memref_slice %arg8[%add3A_200, %dma_start3A_226] : memref<160x128xi32, #tpu.memory_space<vmem>> -> memref<1x128xi32, #tpu.memory_space<vmem>>
      %dma_start3A_228 = tpu.memref_squeeze %dma_start3A_227 : memref<1x128xi32, #tpu.memory_space<vmem>> -> memref<128xi32, #tpu.memory_space<vmem>>
      %dma_start3A_229 = arith.constant 0 : i32
      %dma_start3A_230 = arith.constant 0 : i32
      %dma_start3A_231 = tpu.memref_slice %arg17[%dma_start3A_229, %dma_start3A_230] : memref<10000x64xf32, #tpu.memory_space<vmem_shared>> -> memref<10000x64xf32, #tpu.memory_space<vmem_shared>>
      tpu.enqueue_indirect_dma source(%arg16 : memref<128x64xf32, #tpu.memory_space<vmem>>) target(%dma_start3A_231 : memref<10000x64xf32, #tpu.memory_space<vmem_shared>>) offsets(%dma_start3A_228 : memref<128xi32, #tpu.memory_space<vmem>>) semaphore(%arg25 : memref<!tpu.dma_semaphore, #tpu.memory_space<semaphore_mem>>) {add = true}
    }
    %scan3A_52 = arith.constant 40 : i32
    %dma_wait3A = arith.constant 0 : i32
    %dma_wait3A_53 = arith.constant 0 : i32
    %dma_wait3A_54 = tpu.memref_slice %arg8[%dma_wait3A, %dma_wait3A_53] : memref<160x128xi32, #tpu.memory_space<vmem>> -> memref<1x128xi32, #tpu.memory_space<vmem>>
    %dma_wait3A_55 = tpu.memref_squeeze %dma_wait3A_54 : memref<1x128xi32, #tpu.memory_space<vmem>> -> memref<128xi32, #tpu.memory_space<vmem>>
    %dma_wait3A_56 = arith.constant 0 : i32
    %dma_wait3A_57 = arith.constant 0 : i32
    %dma_wait3A_58 = tpu.memref_slice %arg17[%dma_wait3A_56, %dma_wait3A_57] : memref<10000x64xf32, #tpu.memory_space<vmem_shared>> -> memref<10000x64xf32, #tpu.memory_space<vmem_shared>>
    tpu.wait_indirect_dma semaphore(%arg22 : memref<!tpu.dma_semaphore, #tpu.memory_space<semaphore_mem>>) src(%arg13 : memref<128x64xf32, #tpu.memory_space<vmem>>) dst(%dma_wait3A_58 : memref<10000x64xf32, #tpu.memory_space<vmem_shared>>)
    %dma_wait3A_59 = arith.constant 0 : i32
    %dma_wait3A_60 = arith.constant 0 : i32
    %dma_wait3A_61 = tpu.memref_slice %arg8[%dma_wait3A_59, %dma_wait3A_60] : memref<160x128xi32, #tpu.memory_space<vmem>> -> memref<1x128xi32, #tpu.memory_space<vmem>>
    %dma_wait3A_62 = tpu.memref_squeeze %dma_wait3A_61 : memref<1x128xi32, #tpu.memory_space<vmem>> -> memref<128xi32, #tpu.memory_space<vmem>>
    %dma_wait3A_63 = arith.constant 0 : i32
    %dma_wait3A_64 = arith.constant 0 : i32
    %dma_wait3A_65 = tpu.memref_slice %arg17[%dma_wait3A_63, %dma_wait3A_64] : memref<10000x64xf32, #tpu.memory_space<vmem_shared>> -> memref<10000x64xf32, #tpu.memory_space<vmem_shared>>
    tpu.wait_indirect_dma semaphore(%arg23 : memref<!tpu.dma_semaphore, #tpu.memory_space<semaphore_mem>>) src(%arg14 : memref<128x64xf32, #tpu.memory_space<vmem>>) dst(%dma_wait3A_65 : memref<10000x64xf32, #tpu.memory_space<vmem_shared>>)
    %dma_wait3A_66 = arith.constant 0 : i32
    %dma_wait3A_67 = arith.constant 0 : i32
    %dma_wait3A_68 = tpu.memref_slice %arg8[%dma_wait3A_66, %dma_wait3A_67] : memref<160x128xi32, #tpu.memory_space<vmem>> -> memref<1x128xi32, #tpu.memory_space<vmem>>
    %dma_wait3A_69 = tpu.memref_squeeze %dma_wait3A_68 : memref<1x128xi32, #tpu.memory_space<vmem>> -> memref<128xi32, #tpu.memory_space<vmem>>
    %dma_wait3A_70 = arith.constant 0 : i32
    %dma_wait3A_71 = arith.constant 0 : i32
    %dma_wait3A_72 = tpu.memref_slice %arg17[%dma_wait3A_70, %dma_wait3A_71] : memref<10000x64xf32, #tpu.memory_space<vmem_shared>> -> memref<10000x64xf32, #tpu.memory_space<vmem_shared>>
    tpu.wait_indirect_dma semaphore(%arg24 : memref<!tpu.dma_semaphore, #tpu.memory_space<semaphore_mem>>) src(%arg15 : memref<128x64xf32, #tpu.memory_space<vmem>>) dst(%dma_wait3A_72 : memref<10000x64xf32, #tpu.memory_space<vmem_shared>>)
    %dma_wait3A_73 = arith.constant 0 : i32
    %dma_wait3A_74 = arith.constant 0 : i32
    %dma_wait3A_75 = tpu.memref_slice %arg8[%dma_wait3A_73, %dma_wait3A_74] : memref<160x128xi32, #tpu.memory_space<vmem>> -> memref<1x128xi32, #tpu.memory_space<vmem>>
    %dma_wait3A_76 = tpu.memref_squeeze %dma_wait3A_75 : memref<1x128xi32, #tpu.memory_space<vmem>> -> memref<128xi32, #tpu.memory_space<vmem>>
    %dma_wait3A_77 = arith.constant 0 : i32
    %dma_wait3A_78 = arith.constant 0 : i32
    %dma_wait3A_79 = tpu.memref_slice %arg17[%dma_wait3A_77, %dma_wait3A_78] : memref<10000x64xf32, #tpu.memory_space<vmem_shared>> -> memref<10000x64xf32, #tpu.memory_space<vmem_shared>>
    tpu.wait_indirect_dma semaphore(%arg25 : memref<!tpu.dma_semaphore, #tpu.memory_space<semaphore_mem>>) src(%arg16 : memref<128x64xf32, #tpu.memory_space<vmem>>) dst(%dma_wait3A_79 : memref<10000x64xf32, #tpu.memory_space<vmem_shared>>)
    %barrier3A_80 = arith.constant 0 : index
    tpu.barrier barrier_id(%barrier3A_80)
    %lt3A_81 = arith.constant 15 : i32
    %lt3A_82 = arith.cmpi slt, %arg1, %lt3A_81 : i32
    %convert_element_type3A_83 = arith.extui %lt3A_82 : i1 to i32
    %cond3A_84 = arith.constant 0 : i32
    %cond3A_85 = arith.cmpi ne, %convert_element_type3A_83, %cond3A_84 : i32
    scf.if %cond3A_85 {
      "tpu.region"() ({
        %run_scoped3A = tpu.sem_alloc : memref<!tpu.dma_semaphore, #tpu.memory_space<semaphore_mem>>
        %dma_start3A_91 = arith.constant 0 : i32
        %dma_start3A_92 = tpu.memref_slice %arg6[%arg0, %multiple_of3A, %dma_start3A_91] : memref<2x10000x64xf32, #tpu.memory_space<hbm>> -> memref<1x624x64xf32, #tpu.memory_space<hbm>>
        %dma_start3A_93 = tpu.memref_squeeze %dma_start3A_92 : memref<1x624x64xf32, #tpu.memory_space<hbm>> -> memref<624x64xf32, #tpu.memory_space<hbm>>
        %dma_start3A_94 = arith.constant 0 : i32
        %dma_start3A_95 = tpu.memref_slice %arg17[%multiple_of3A, %dma_start3A_94] : memref<10000x64xf32, #tpu.memory_space<vmem_shared>> -> memref<624x64xf32, #tpu.memory_space<vmem_shared>>
        tpu.enqueue_dma source(%dma_start3A_95 : memref<624x64xf32, #tpu.memory_space<vmem_shared>>) target(%dma_start3A_93 : memref<624x64xf32, #tpu.memory_space<hbm>>) target_semaphore(%run_scoped3A : memref<!tpu.dma_semaphore, #tpu.memory_space<semaphore_mem>>)
        %dma_wait3A_96 = arith.constant 0 : i32
        %dma_wait3A_97 = tpu.memref_slice %arg6[%arg0, %multiple_of3A, %dma_wait3A_96] : memref<2x10000x64xf32, #tpu.memory_space<hbm>> -> memref<1x624x64xf32, #tpu.memory_space<hbm>>
        %dma_wait3A_98 = tpu.memref_squeeze %dma_wait3A_97 : memref<1x624x64xf32, #tpu.memory_space<hbm>> -> memref<624x64xf32, #tpu.memory_space<hbm>>
        %dma_wait3A_99 = arith.constant 0 : i32
        %dma_wait3A_100 = tpu.memref_slice %arg17[%multiple_of3A, %dma_wait3A_99] : memref<10000x64xf32, #tpu.memory_space<vmem_shared>> -> memref<624x64xf32, #tpu.memory_space<vmem_shared>>
        tpu.wait_dma2 semaphore(%run_scoped3A : memref<!tpu.dma_semaphore, #tpu.memory_space<semaphore_mem>>) src(%dma_wait3A_100 : memref<624x64xf32, #tpu.memory_space<vmem_shared>>) dst(%dma_wait3A_98 : memref<624x64xf32, #tpu.memory_space<hbm>>)
        tpu.yield
      }) : () -> ()
    } else {
    }
    %eq3A_86 = arith.constant 15 : i32
    %eq3A_87 = arith.cmpi eq, %arg1, %eq3A_86 : i32
    %convert_element_type3A_88 = arith.extui %eq3A_87 : i1 to i32
    %cond3A_89 = arith.constant 0 : i32
    %cond3A_90 = arith.cmpi ne, %convert_element_type3A_88, %cond3A_89 : i32
    scf.if %cond3A_90 {
      "tpu.region"() ({
        %run_scoped3A = tpu.sem_alloc : memref<!tpu.dma_semaphore, #tpu.memory_space<semaphore_mem>>
        %dma_start3A_91 = arith.constant 0 : i32
        %dma_start3A_92 = tpu.memref_slice %arg6[%arg0, %multiple_of3A, %dma_start3A_91] : memref<2x10000x64xf32, #tpu.memory_space<hbm>> -> memref<1x640x64xf32, #tpu.memory_space<hbm>>
        %dma_start3A_93 = tpu.memref_squeeze %dma_start3A_92 : memref<1x640x64xf32, #tpu.memory_space<hbm>> -> memref<640x64xf32, #tpu.memory_space<hbm>>
        %dma_start3A_94 = arith.constant 0 : i32
        %dma_start3A_95 = tpu.memref_slice %arg17[%multiple_of3A, %dma_start3A_94] : memref<10000x64xf32, #tpu.memory_space<vmem_shared>> -> memref<640x64xf32, #tpu.memory_space<vmem_shared>>
        tpu.enqueue_dma source(%dma_start3A_95 : memref<640x64xf32, #tpu.memory_space<vmem_shared>>) target(%dma_start3A_93 : memref<640x64xf32, #tpu.memory_space<hbm>>) target_semaphore(%run_scoped3A : memref<!tpu.dma_semaphore, #tpu.memory_space<semaphore_mem>>)
        %dma_wait3A_96 = arith.constant 0 : i32
        %dma_wait3A_97 = tpu.memref_slice %arg6[%arg0, %multiple_of3A, %dma_wait3A_96] : memref<2x10000x64xf32, #tpu.memory_space<hbm>> -> memref<1x640x64xf32, #tpu.memory_space<hbm>>
        %dma_wait3A_98 = tpu.memref_squeeze %dma_wait3A_97 : memref<1x640x64xf32, #tpu.memory_space<hbm>> -> memref<640x64xf32, #tpu.memory_space<hbm>>
        %dma_wait3A_99 = arith.constant 0 : i32
        %dma_wait3A_100 = tpu.memref_slice %arg17[%multiple_of3A, %dma_wait3A_99] : memref<10000x64xf32, #tpu.memory_space<vmem_shared>> -> memref<640x64xf32, #tpu.memory_space<vmem_shared>>
        tpu.wait_dma2 semaphore(%run_scoped3A : memref<!tpu.dma_semaphore, #tpu.memory_space<semaphore_mem>>) src(%dma_wait3A_100 : memref<640x64xf32, #tpu.memory_space<vmem_shared>>) dst(%dma_wait3A_98 : memref<640x64xf32, #tpu.memory_space<hbm>>)
        tpu.yield
      }) : () -> ()
    } else {
    }
    return
  }
}

module attributes {stable_mosaic.version = 14 : i64} {
  func.func @_combine_kernel(%arg0: i32, %arg1: memref<2x2000x64xf32, #tpu.memory_space<vmem>>, %arg2: memref<64x128xf32, #tpu.memory_space<vmem>>, %arg3: memref<64x128xf32, #tpu.memory_space<vmem>>, %arg4: memref<1x128xf32, #tpu.memory_space<vmem>>, %arg5: memref<2000x128xf32, #tpu.memory_space<vmem>>) attributes {dimension_semantics = [#tpu.dimension_semantics<arbitrary>], iteration_bounds = array<i64: 5>, scalar_prefetch = 0 : i64, scratch_operands = 0 : i64, tpu.core_type = #tpu.core_type<tc>, window_params = [{transform_indices = @transform_0, window_bounds = array<i64: 2, 2000, 64>}, {pipeline_mode = #tpu.pipeline_mode<synchronous>, transform_indices = @transform_1, window_bounds = array<i64: 64, 128>}, {pipeline_mode = #tpu.pipeline_mode<synchronous>, transform_indices = @transform_2, window_bounds = array<i64: 64, 128>}, {pipeline_mode = #tpu.pipeline_mode<synchronous>, transform_indices = @transform_3, window_bounds = array<i64: 1, 128>}, {transform_indices = @transform_4, window_bounds = array<i64: 2000, 128>}]} {
    %get3A = arith.constant 0 : index
    %get3A_0 = arith.constant 0 : index
    %get3A_1 = arith.constant 0 : index
    %get3A_2 = vector.load %arg1[%get3A, %get3A_0, %get3A_1] : memref<2x2000x64xf32, #tpu.memory_space<vmem>>, vector<1x2000x64xf32>
    %get3A_3 = vector.shape_cast %get3A_2 : vector<1x2000x64xf32> to vector<2000x64xf32>
    %get3A_4 = arith.constant 0 : index
    %get3A_5 = arith.constant 0 : index
    %get3A_6 = vector.load %arg2[%get3A_4, %get3A_5] : memref<64x128xf32, #tpu.memory_space<vmem>>, vector<64x128xf32>
    %dot_general3A = arith.constant dense<0.000000e+00> : vector<2000x128xf32>
    %dot_general3A_7 = tpu.matmul %get3A_3, %get3A_6, %dot_general3A {dimension_numbers = #tpu.dot_dimension_numbers<[1], [0], [0], [1], [0, 0, 1, 1], [], []>, transpose_lhs_hint = false} : vector<2000x64xf32>, vector<64x128xf32>, vector<2000x128xf32> -> vector<2000x128xf32>
    %get3A_8 = arith.constant 1 : index
    %get3A_9 = arith.constant 0 : index
    %get3A_10 = arith.constant 0 : index
    %get3A_11 = vector.load %arg1[%get3A_8, %get3A_9, %get3A_10] : memref<2x2000x64xf32, #tpu.memory_space<vmem>>, vector<1x2000x64xf32>
    %get3A_12 = vector.shape_cast %get3A_11 : vector<1x2000x64xf32> to vector<2000x64xf32>
    %get3A_13 = arith.constant 0 : index
    %get3A_14 = arith.constant 0 : index
    %get3A_15 = vector.load %arg3[%get3A_13, %get3A_14] : memref<64x128xf32, #tpu.memory_space<vmem>>, vector<64x128xf32>
    %dot_general3A_16 = arith.constant dense<0.000000e+00> : vector<2000x128xf32>
    %dot_general3A_17 = tpu.matmul %get3A_12, %get3A_15, %dot_general3A_16 {dimension_numbers = #tpu.dot_dimension_numbers<[1], [0], [0], [1], [0, 0, 1, 1], [], []>, transpose_lhs_hint = false} : vector<2000x64xf32>, vector<64x128xf32>, vector<2000x128xf32> -> vector<2000x128xf32>
    %add3A = arith.addf %dot_general3A_7, %dot_general3A_17 : vector<2000x128xf32>
    %get3A_18 = arith.constant 0 : index
    %get3A_19 = arith.constant 0 : index
    %get3A_20 = vector.load %arg4[%get3A_18, %get3A_19] : memref<1x128xf32, #tpu.memory_space<vmem>>, vector<1x128xf32>
    %add3A_21 = vector.broadcast %get3A_20 : vector<1x128xf32> to vector<2000x128xf32>
    %add3A_22 = arith.addf %add3A, %add3A_21 : vector<2000x128xf32>
    %swap3A = arith.constant 0 : index
    %swap3A_23 = arith.constant 0 : index
    %swap3A_24 = vector.load %arg5[%swap3A, %swap3A_23] : memref<2000x128xf32, #tpu.memory_space<vmem>>, vector<2000x128xf32>
    tpu.vector_store %arg5[%swap3A, %swap3A_23], %add3A_22 {strides = array<i32>} : memref<2000x128xf32, #tpu.memory_space<vmem>>, vector<2000x128xf32>,
    return
  }
  func.func @transform_0(%arg0: i32) -> (i32, i32, i32) {
    %c0_i32 = arith.constant 0 : i32
    %c0_i32_0 = arith.constant 0 : i32
    %c0_i32_1 = arith.constant 0 : i32
    return %c0_i32, %arg0, %c0_i32_0 : i32, i32, i32
  }
  func.func @transform_1(%arg0: i32) -> (i32, i32) {
    %c0_i32 = arith.constant 0 : i32
    %c0_i32_0 = arith.constant 0 : i32
    %c0_i32_1 = arith.constant 0 : i32
    return %c0_i32, %c0_i32_0 : i32, i32
  }
  func.func @transform_2(%arg0: i32) -> (i32, i32) {
    %c0_i32 = arith.constant 0 : i32
    %c0_i32_0 = arith.constant 0 : i32
    %c0_i32_1 = arith.constant 0 : i32
    return %c0_i32, %c0_i32_0 : i32, i32
  }
  func.func @transform_3(%arg0: i32) -> (i32, i32) {
    %c0_i32 = arith.constant 0 : i32
    %c0_i32_0 = arith.constant 0 : i32
    %c0_i32_1 = arith.constant 0 : i32
    return %c0_i32, %c0_i32_0 : i32, i32
  }
  func.func @transform_4(%arg0: i32) -> (i32, i32) {
    %c0_i32 = arith.constant 0 : i32
    %c0_i32_0 = arith.constant 0 : i32
    return %arg0, %c0_i32 : i32, i32
  }
}

</mosaic_0001>

<sc_bundles>
// kernel: kernel.4.cloned.1.call-start
scs
__scs_entry_jumppad:
0x0: {  	(pc) =	sbr.rel $0x88, $3  }
0x1: {  	(tag) =	ssettag $0x0;
	lr =	simm.s32 $0x1  }
0x2: {  	[smem:$0x3F9C] =	sst lr;
	_ =	strace $0xD0000000  }
0x3: {  	_ = 	snop  }
0x4: {  	_ = 	snop  }
0x5: {  	_ = 	snop  }
0x6: {  	_ = 	snop  }
0x7: {  	_ = 	snop  }
__scs_overlays_trampoline_lowered:
0x8: {  	[smem:$0x3FAB] =	sst s0  }
0x9: {  	[smem:$0x3FAC] =	sst s1  }
0xa: {  	[smem:$0x3FAD] =	sst s2  }
0xb: {  	[smem:$0x3FAE] =	sst s3  }
0xc: {  	[smem:$0x3FAF] =	sst s4  }
0xd: {  	[smem:$0x3FB0] =	sst s5  }
0xe: {  	[smem:$0x3FB1] =	sst s6  }
0xf: {  	[smem:$0x3FB2] =	sst s7  }
0x10: {  	[smem:$0x3FB3] =	sst s8  }
0x11: {  	[smem:$0x3FB4] =	sst s9;
	s0 =	simm.s32 @!p0 $0x0  }
0x12: {  	s1 =	sld [smem:$0x3F9A];
	s0 =	simm.s32 @p0 $0x1  }
0x13: {  	[smem:$0x3FB5] =	sst s0;
	s0 =	simm.s32 @!p1 $0x0  }
0x14: {  	s2 =	sld [smem:$0x3F99];
	s0 =	simm.s32 @p1 $0x1  }
0x15: {  	[smem:$0x3FB6] =	sst s0;
	s0 =	simm.s32 @!p2 $0x0  }
0x16: {  	s3 =	sld [smem:$0x3FDB];
	s0 =	simm.s32 @p2 $0x1  }
0x17: {  	s4 =	simm.s32 $0x1BF5;
	[smem:$0x3FB8] =	sst s0  }
0x18: {  	s0 =	sld [smem:$0x3F9B];
	_ =	swait.ge [sflag:s4], $0x0  }
0x19: {  	s7 =	sld [smem:$0x3F9C]  }
0x1a: {  	s8 =	sadd.s32 $0xFFFFE003, lr  }
0x1b: {  	s9 =	sadd.s32 $0xFFFFFEF7, lr;
	s5 =	simm.s32 $0xFFFFFFFF;
	p2 =	slt.u32 s8, $0xFFFFF086  }
0x1c: {  	p1 =	slt.u32 s9, $0xF7A;
	s5 =	simm.s32 @!p2 $0x0  }
0x1d: {  	s5 =	simm.s32 @p1 $0x1;
	p0 =	seq.s32 s7, s2  }
0x1e: {  	s7 =	smul.u32 @!p0 $0xF7A, s2;
	p2 =	seq.s32 @!p0 s5, $0x0  }
0x1f: {  	s9 =	smul.u32 $0xF7A, s1;
	s8 =	simm.s32 @!p0 $0x1BF5;
	p2 =	por !p2, p0  }
0x20: {  	[sflag:s8] =	ssyncset.s32 @!p0 $0xFFFFF086;
	s6 =	sadd.s32 @!p0 s3, s7;
	s7 =	simm.s32 @!p0 $0x108  }
0x21: {  	s3 =	sadd.s32 s3, s9;
	s6 =	sadd.s32 @!p0 $0x88, s6;
	s7 =	simm.s32 @p2 $0x1082  }
0x22: {  	[simem:s7], [sflag:s8] =	dma.local @!p0 [hbm:s6], $0xF7A  }
0x23: {  	s9 =	sor.u32 $0xD0000000, s2;
	s6 =	simm.s32 $0x108;
	_ =	swait.ge @!p0 [sflag:s8], $0x0  }
0x24: {  	s3 =	sadd.s32 $0x88, s3;
	s6 =	simm.s32 @!p1 $0x1082;
	[sflag:s4] =	ssyncset.s32 $0xFFFFF086  }
0x25: {  	[simem:s6], [sflag:s4] =	dma.local [hbm:s3], $0xF7A  }
0x26: {  	[smem:$0x3F9C] =	sst s1;
	(tag) =	ssettag s2;
	_ =	strace s9  }
0x27: {  	s1 =	sld [smem:$0x3FAC]  }
0x28: {  	s2 =	sld [smem:$0x3FAD]  }
0x29: {  	s4 =	sld [smem:$0x3FAF]  }
0x2a: {  	p0 =	seq.s32 s5, $0x0;
	s5 =	sld [smem:$0x3FB0]  }
0x2b: {  	s6 =	sld [smem:$0x3FB1]  }
0x2c: {  	s7 =	sld [smem:$0x3FB2]  }
0x2d: {  	s3 =	simm.s32 $0x108;
	s8 =	sld [smem:$0x3FB3]  }
0x2e: {  	s3 =	simm.s32 @!p0 $0x1082;
	s9 =	sld [smem:$0x3FB4]  }
0x2f: {  	lr =	sadd.s32 s0, s3;
	s0 =	sld [smem:$0x3FAB]  }
0x30: {  	s3 =	sld [smem:$0x3FAE]  }
0x31: {  	[smem:$0x3FB7] =	sst s10  }
0x32: {  	s10 =	sld [smem:$0x3FB5];
	_ =	sdelay $0x3  }
0x33: {  	p0 =	seq.s32 s10, $0x1;
	s10 =	sld [smem:$0x3FB7];
	_ =	sdelay $0x3  }
0x34: {  	[smem:$0x3FB7] =	sst s10  }
0x35: {  	s10 =	sld [smem:$0x3FB6];
	_ =	sdelay $0x3  }
0x36: {  	p1 =	seq.s32 s10, $0x1;
	s10 =	sld [smem:$0x3FB7];
	_ =	sdelay $0x3  }
0x37: {  	[smem:$0x3FB7] =	sst s10  }
0x38: {  	s10 =	sld [smem:$0x3FB8]  }
0x39: {  	_ = 	snop;
	(pc) =	sbr.ind lr, $3  }
0x3a: {  	_ = 	snop  }
0x3b: {  	_ = 	snop  }
0x3c: {  	p2 =	seq.s32 s10, $0x1;
	s10 =	sld [smem:$0x3FB7]  }
0x3d: {  	_ =	shalt  }
0x3e: {  	_ =	shalt  }
0x3f: {  	_ =	shalt  }
0x40: {  	_ =	shalt  }
0x41: {  	_ =	shalt  }
0x42: {  	_ =	shalt  }
0x43: {  	_ =	shalt  }
0x44: {  	_ =	shalt  }
0x45: {  	_ =	shalt  }
0x46: {  	_ =	shalt  }
0x47: {  	_ =	shalt  }
0x48: {  	_ =	shalt  }
0x49: {  	_ =	shalt  }
0x4a: {  	_ =	shalt  }
0x4b: {  	_ =	shalt  }
0x4c: {  	_ =	shalt  }
0x4d: {  	_ =	shalt  }
0x4e: {  	_ =	shalt  }
0x4f: {  	_ =	shalt  }
0x50: {  	_ =	shalt  }
0x51: {  	_ =	shalt  }
0x52: {  	_ =	shalt  }
0x53: {  	_ =	shalt  }
0x54: {  	_ =	shalt  }
0x55: {  	_ =	shalt  }
0x56: {  	_ =	shalt  }
0x57: {  	_ =	shalt  }
0x58: {  	_ =	shalt  }
0x59: {  	_ =	shalt  }
0x5a: {  	_ =	shalt  }
0x5b: {  	_ =	shalt  }
0x5c: {  	_ =	shalt  }
0x5d: {  	_ =	shalt  }
0x5e: {  	_ =	shalt  }
0x5f: {  	_ =	shalt  }
0x60: {  	_ =	shalt  }
0x61: {  	_ =	shalt  }
0x62: {  	_ =	shalt  }
0x63: {  	_ =	shalt  }
0x64: {  	_ =	shalt  }
0x65: {  	_ =	shalt  }
0x66: {  	_ =	shalt  }
0x67: {  	_ =	shalt  }
0x68: {  	_ =	shalt  }
0x69: {  	_ =	shalt  }
0x6a: {  	_ =	shalt  }
0x6b: {  	_ =	shalt  }
0x6c: {  	_ =	shalt  }
0x6d: {  	_ =	shalt  }
0x6e: {  	_ =	shalt  }
0x6f: {  	_ =	shalt  }
0x70: {  	_ =	shalt  }
0x71: {  	_ =	shalt  }
0x72: {  	_ =	shalt  }
0x73: {  	_ =	shalt  }
0x74: {  	_ =	shalt  }
0x75: {  	_ =	shalt  }
0x76: {  	_ =	shalt  }
0x77: {  	_ =	shalt  }
0x78: {  	_ =	shalt  }
0x79: {  	_ =	shalt  }
0x7a: {  	_ =	shalt  }
0x7b: {  	_ =	shalt  }
0x7c: {  	_ =	shalt  }
0x7d: {  	_ =	shalt  }
0x7e: {  	_ =	shalt  }
0x7f: {  	_ =	shalt  }
0x80: {  	_ =	shalt  }
0x81: {  	_ =	shalt  }
0x82: {  	_ =	shalt  }
0x83: {  	_ =	shalt  }
0x84: {  	_ =	shalt  }
0x85: {  	_ =	shalt  }
0x86: {  	_ =	shalt  }
0x87: {  	_ =	shalt  }
.Lfunc_end0:
.L_simem_size_0:
called_computation_lowered:
.L_overlay_start_0:
0x88: {  	s2 =	sld [smem:$0x3FD9]  }
0x89: {  	s3 =	sld [smem:$0x3FFE];
	_ =	sdelay $0x1  }
0x8a: {  	s1 =	srdreg.scid  }
0x8b: {  	s0 =	sand.u32 $0x1, s1  }
0x8c: {  	s17 =	sshll.u32 s0, $0xA;
	s2 =	sadd.s32 s3, s2  }
0x8d: {  	s2 =	sadd.s32 s2, s17  }
0x8e: {  	[smem:$0x3FC3] =	sst s2  }
0x8f: {  	_ = 	snop  }
0x90: {  	s2 =	sld [smem:$0x3FD0];
	(tm) =	ssettm $0x1  }
0x91: {  	s18 =	sld [smem:$0x3FFB];
	_ =	sdelay $0x3  }
0x92: {  	_ =	strace s18  }
0x93: {  	s3 =	sld [smem:$0x3FFC];
	_ =	sdelay $0x3  }
0x94: {  	_ =	strace s3  }
0x95: {  	s3 =	sld [smem:$0x3FFD];
	_ =	sdelay $0x3  }
0x96: {  	_ =	strace s3  }
0x97: {  	_ =	strace $0x8FFFFFFF  }
0x98: {  	s19 =	sld [smem:$0x3FDB];
	_ =	sdelay $0x1  }
0x99: {  	s4 =	simm.s32 $_scs_section_size  }
0x9a: {  	s5 =	simm.s32 $_size__tile_overlayer_lowered;
	s6 =	simm.s32 $_tile_overlayer_lowered  }
0x9b: {  	s22 =	simm.s32 $0x1BFF;
	s21 =	sshll.u32 s6, $0x1;
	s3 =	sadd.s32 s4, s19  }
0x9c: {  	s7 =	simm.s32 $0x0;
	s20 =	sshll.u32 s5, $0x1;
	s5 =	sadd.s32 s21, s3  }
0x9d: {  	[timem:s7], [sflag:s22] =	dma.local [hbm:s5], s20  }
0x9e: {  	_ =	swait.ge [sflag:s22], s20  }
0x9f: {  	s4 =	ssub.s32 $0x0, s20;
	[sflag:s22] =	ssyncset.done $0x0  }
0xa0: {  	[sflag:s22] =	ssyncadd.s32 s4;
	_ =	sdelay $0x1  }
0xa1: {  	s23 =	simm.s32 $0x1B8B  }
0xa2: {  	_ =	swait.ge [sflag:s23], $0x1  }
0xa3: {  	[sflag:s23] =	ssyncset.done $0x0  }
0xa4: {  	s25 =	simm.s32 $0x1B8E;
	s24 =	sld [smem:$0x3FFE];
	[sflag:s23] =	ssyncadd.s32 $0xFFFFFFFF  }
0xa5: {  	s26 =	simm.s32 $execute0_lowered;
	[smem:$0x3FD2] =	sst s25  }
0xa6: {  	s5 =	sshll.u32 s26, $0x1;
	_ =	strace $0x80000046;
	[dreg:$0x1] =	wrdreg $0xFFFFFFFF  }
0xa7: {  	s28 =	simm.s32 $_size_execute0_lowered;
	s3 =	sadd.s32 s3, s5;
	[dreg:$0x0] =	wrdreg $0x0  }
0xa8: {  	s5 =	sshll.u32 s28, $0x1;
	[dreg:$0x2] =	wrdreg s3  }
0xa9: {  	[dreg:$0x3] =	wrdreg s5  }
0xaa: {  	[dreg:$0x4] =	wrdreg $0xC0  }
0xab: {  	_ =	task [dreg:s7], $0x5FFFF  }
0xac: {  	[dreg:$0x1] =	wrdreg $0xFFFFFFFF  }
0xad: {  	[dreg:$0x0] =	wrdreg $0x60  }
0xae: {  	[dreg:$0x2] =	wrdreg s2  }
0xaf: {  	[dreg:$0x3] =	wrdreg s24  }
0xb0: {  	[dreg:$0x4] =	wrdreg $0x122000  }
0xb1: {  	[dreg:$0x5] =	wrdreg $0x9  }
0xb2: {  	_ =	task.clear_ibuf [dreg:s7], $0x6FFFF;
	_ =	strace $0x90000046  }
0xb3: {  	s29 =	simm.s32 $0x9;
	_ =	strace $0x80000048  }
0xb4: {  	_ =	swait.ge [sflag:s29], $0x1  }
0xb5: {  	[sflag:s29] =	ssyncadd.s32 $0xFFFFFFFF  }
0xb6: {  	_ =	strace $0x90000048  }
0xb7: {  	_ =	sfence  }
0xb8: {  	s30 =	sld [smem:$0x0];
	_ =	sdelay $0x2  }
0xb9: {  	s31 =	sshll.u32 s1, $0xD;
	s1 =	sshrl.u32 s1, $0x2  }
0xba: {  	s3 =	sand.u32 $0x4000, s31;
	s1 =	sadd.s32 s1, s30  }
0xbb: {  	s0 =	sor.u32 s3, s0;
	s1 =	sshll.u32 s1, $0x11  }
0xbc: {  	s0 =	sor.u32 s1, s0  }
0xbd: {  	s0 =	sadd.s32 $0x8F2B, s0  }
0xbe: {  	[sflag:s0] =	ssyncadd.remote.s32 $0x1  }
0xbf: {  	_ =	sfence.sel $0xFFFF  }
0xc0: {  	[dreg:$0x0] =	wrdreg $0xFFFFFFFF;
	(pc) =	sbr.abs _section_cstart, $3  }
0xc1: {  	[dreg:$0x1] =	wrdreg $0xFFFFFFFF  }
0xc2: {  	_ =	task.clear_ibuf [dreg:s7], $0x2FFFF;
	_ =	strace $0x9FFFFFFF  }
0xc3: {  	(tm) =	ssettm $0x7FFFFFFF  }
tec
execute0_lowered:
.L_overlay_start_1:
0x0: {  	(tag) =	ssettag $0x1  }
0x1: {  	s1 =	rddreg [dreg:$0x0]  }
0x2: {  	s0 =	rddreg [dreg:$0x1];
	s2 =	srdreg.scid  }
0x3: {  	s15 =	stileid.u32;
	s3 =	rddreg [dreg:$0x2];
	s5 =	simm.s32 $0x0  }
0x4: {  	s28 =	simm.s32 $0xA100;
	s29 =	simm.s32 $0xE200;
	s4 =	smul.u32 $0x5000, s15  }
0x5: {  	s30 =	simm.s32 $0x1;
	s31 =	simm.s32 $0xA180;
	s7 =	smul.u32 $0x27000, s15  }
0x6: {  	s2 =	sand.u32 $0x1, s2;
	[smem:$0x7FF] =	sst s5;
	s12 =	smul.u32 $0x9C00, s15  }
0x7: {  	s19 =	sadd.s32 $0x9A400, s3;
	p0 =	seq.s32 s15, $0xF;
	s6 =	smul.u32 $0x50000, s2  }
0x8: {  	_ =	strace $0x80000047;
	s11 =	ssub.s32 $0x2, s2;
	s2 =	smul.u32 $0x9C400, s2  }
0x9: {  	[dreg:$0x8] =	wrdreg s19;
	s8 =	sshrl.u32 s4, $0x3;
	s7 =	sshrl.u32 s7, $0x2  }
0xa: {  	s13 =	sshrl.u32 s11, $0x1;
	s6 =	sadd.s32 s4, s6;
	s10 =	sadd.s32 s8, s0  }
0xb: {  	s14 =	sadd.s32 s7, s3;
	s11 =	ssub.s32 s11, s13;
	s7 =	sadd.s32 s12, s3  }
0xc: {  	s21 =	sadd.s32 s12, s2;
	s2 =	sshrl.u32 s2, $0x3;
	s6 =	sshrl.u32 s6, $0x3  }
0xd: {  	s26 =	sadd.s32 $0x2000, s14;
	s16 =	sadd.s32 $0x4000, s14;
	s17 =	sadd.s32 $0x6000, s14  }
0xe: {  	s18 =	sadd.s32 $0x8000, s14;
	s20 =	sadd.s32 $0xA00, s10;
	[dreg:$0x4] =	wrdreg s26  }
0xf: {  	s23 =	sshrl.u32 s21, $0x3;
	s21 =	simm.s32 $0x9;
	[dreg:$0x5] =	wrdreg s16  }
0x10: {  	s10 =	simm.s32 $0x8;
	s9 =	sadd.s32 s6, s0;
	[dreg:$0x6] =	wrdreg s17  }
0x11: {  	s6 =	sadd.s32 $0x1EA00, s0;
	s0 =	sadd.s32 $0x28A00, s0;
	[dreg:$0x7] =	wrdreg s18  }
0x12: {  	[dreg:$0xa] =	wrdreg s20;
	s26 =	smax.u32 s11, $0x1;
	s20 =	simm.s32 $0xA200  }
0x13: {  	s9 =	sadd.s32 $0xAA00, s9;
	s22 =	sadd.s32 s6, s8;
	[dreg:$0xf] =	wrdreg s26  }
0x14: {  	s2 =	sadd.s32 s0, s2;
	s0 =	sadd.s32 s0, s23;
	[dreg:$0x9] =	wrdreg s9  }
0x15: {  	s26 =	simm.s32 $0xC200;
	s23 =	simm.s32 $0x3;
	[dreg:$0xb] =	wrdreg s22  }
0x16: {  	s8 =	simm.s32 $0x6;
	s24 =	sadd.s32 $0x10, s22;
	[dreg:$0xd] =	wrdreg s0  }
0x17: {  	s25 =	sadd.s32 $0x12480, s2;
	s2 =	simm.s32 $0x10200;
	s22 =	simm.s32 $0x2  }
0x18: {  	s0 =	simm.s32 $0x5;
	s9 =	simm.s32 $0x7;
	[dreg:$0xc] =	wrdreg s24  }
0x19: {  	v0 =	vimm.f32 $0.0e+00;
	[dreg:$0xe] =	wrdreg s25;
	s24 =	simm.s32 $0x80;
	s25 =	simm.s32 $0x4  }
.LBB2_1:
0x1a: {  	s12 =	simm.s32 $0x100;
	s11 =	simm.s32 $0x0  }
.LBB2_2:
0x1b: {  	p1 =	sne.s32 s12, $0x7F00;
	[tilespmem:s11+$0xA230] =	vst v0;
	s13 =	smov.u32 s12;
	s12 =	sadd.s32 $0x100, s12  }
.Ltmp0:
0x1c: {  	[tilespmem:s11+$0xA220] =	vst v0;
	(pc) =	sbr.rel @p1 .LBB2_2-.Ltmp0, $3  }
0x1d: {  	[tilespmem:s11+$0xA200] =	vst v0  }
0x1e: {  	[tilespmem:s11+$0xA210] =	vst v0;
	_ =	sdelay $0x1  }
0x1f: {  	s11 =	sshra.s32 s13, $0x2  }
0x20: {  	[tilespmem:s11+$0xA230] =	vst v0  }
0x21: {  	[tilespmem:s11+$0xA220] =	vst v0  }
0x22: {  	[tilespmem:s11+$0xA200] =	vst v0  }
0x23: {  	[tilespmem:s11+$0xA210] =	vst v0  }
0x24: {  	[spmem:s7] =	stream.linear.scatter [tilespmem:s20], [sflag:$0x9], $0x2000, $0x38;
	[tilespmem:$0x1BE40] =	vst v63  }
0x25: {  	_ =	swait.ge [sflag:s21], $0x2000  }
0x26: {  	[sflag:s21] =	ssyncset.done $0x0  }
0x27: {  	s19 =	rddreg [dreg:$0x4];
	[sflag:s21] =	ssyncadd.s32 $0xFFFFE000  }
0x28: {  	[spmem:s19] =	stream.linear.scatter [tilespmem:s20], [sflag:$0x9], $0x2000, $0x38;
	[tilespmem:$0x1BE40] =	vst v63  }
0x29: {  	_ =	swait.ge [sflag:s21], $0x2000  }
0x2a: {  	[sflag:s21] =	ssyncset.done $0x0  }
0x2b: {  	s12 =	rddreg [dreg:$0x5];
	[sflag:s21] =	ssyncadd.s32 $0xFFFFE000  }
0x2c: {  	[spmem:s12] =	stream.linear.scatter [tilespmem:s20], [sflag:$0x9], $0x2000, $0x38;
	[tilespmem:$0x1BE40] =	vst v63  }
0x2d: {  	_ =	swait.ge [sflag:s21], $0x2000  }
0x2e: {  	[sflag:s21] =	ssyncset.done $0x0  }
0x2f: {  	s13 =	rddreg [dreg:$0x6];
	[sflag:s21] =	ssyncadd.s32 $0xFFFFE000  }
0x30: {  	[spmem:s13] =	stream.linear.scatter [tilespmem:s20], [sflag:$0x9], $0x2000, $0x38;
	[tilespmem:$0x1BE40] =	vst v63  }
0x31: {  	_ =	swait.ge [sflag:s21], $0x2000  }
0x32: {  	[sflag:s21] =	ssyncset.done $0x0  }
0x33: {  	s11 =	simm.s32 @p0 $0xA200;
	s12 =	rddreg [dreg:$0x8];
	[sflag:s21] =	ssyncadd.s32 $0xFFFFE000  }
0x34: {  	[spmem:s12] =	stream.linear.scatter @p0 [tilespmem:s11], [sflag:$0x9], $0x2000, $0x38;
	[tilespmem:$0x1BE40] =	vst v63  }
0x35: {  	s11 =	simm.s32 @p0 $0x9  }
0x36: {  	_ =	swait.ge @p0 [sflag:s11], $0x2000  }
0x37: {  	[sflag:s11] =	ssyncset.done @p0 $0x0  }
0x38: {  	s12 =	rddreg [dreg:$0x7];
	[sflag:s11] =	ssyncadd.s32 @p0 $0xFFFFE000;
	s11 =	simm.s32 @!p0 $0xA200  }
0x39: {  	[spmem:s12] =	stream.linear.scatter @!p0 [tilespmem:s11], [sflag:$0x9], $0x1C00, $0x38;
	[tilespmem:$0x1BE40] =	vst v63  }
0x3a: {  	s11 =	simm.s32 @!p0 $0x9  }
0x3b: {  	_ =	swait.ge @!p0 [sflag:s11], $0x1C00  }
0x3c: {  	[sflag:s11] =	ssyncset.done @!p0 $0x0  }
0x3d: {  	[sflag:s11] =	ssyncadd.s32 @!p0 $0xFFFFE400  }
0x3e: {  	[bflag:$0x0] =	sbarrier.arrive $0xFFFF  }
0x3f: {  	s11 =	simm.s32 $0x0;
	s14 =	rddreg [dreg:$0x9]  }
0x40: {  	[tilespmem:s11], [sflag:$0x9] =	stream.linear.gather [hbm4b:s14+s11], $0x5000, $0x38;
	[tilespmem:$0x1BE40] =	vst v63  }
0x41: {  	_ =	swait.ge [sflag:s21], $0x5000  }
0x42: {  	[sflag:s21] =	ssyncset.done $0x0  }
0x43: {  	s13 =	simm.s32 $0x5000;
	s15 =	rddreg [dreg:$0xa];
	[sflag:s21] =	ssyncadd.s32 $0xFFFFB000  }
0x44: {  	[tilespmem:s13], [sflag:$0x9] =	stream.linear.gather [hbm4b:s15+s11], $0x5000, $0x38;
	[tilespmem:$0x1BE40] =	vst v63  }
0x45: {  	_ =	swait.ge [sflag:s21], $0x5000  }
0x46: {  	[sflag:s21] =	ssyncset.done $0x0  }
0x47: {  	s17 =	simm.s32 $0xA000;
	s16 =	rddreg [dreg:$0xb];
	[sflag:s21] =	ssyncadd.s32 $0xFFFFB000  }
0x48: {  	[tilespmem:s17], [sflag:$0x1] =	stream.linear.gather [hbm4b:s16+s11], $0x80, $0x38;
	[tilespmem:$0x1BE40] =	vst v63  }
0x49: {  	_ = 	snop  }
0x4a: {  	[tilespmem:s20], [sflag:$0x1] =	stream.indirect.gather [hbm4b:s1+s24], $0x40, s11, s24, $0xb8;
	[tilespmem:$0x1BE40] =	vst v63  }
0x4b: {  	s19 =	simm.s32 $0xA080;
	s18 =	rddreg [dreg:$0xc]  }
0x4c: {  	[tilespmem:s19], [sflag:$0x2] =	stream.linear.gather [hbm4b:s18+s11], $0x80, $0x38;
	[tilespmem:$0x1BE40] =	vst v63  }
0x4d: {  	s12 =	simm.s32 $0x0  }
0x4e: {  	[tilespmem:s26], [sflag:$0x2] =	stream.indirect.gather [hbm4b:s1+s24], $0x40, s24, s24, $0xb8;
	[tilespmem:$0x1BE40] =	vst v63  }
.LBB2_4:
0x4f: {  	s13 =	sshll.u32 s12, $0x2  }
0x50: {  	p1 =	seq.s32 s12, $0x0;
	s14 =	sor.u32 $0x2, s13  }
0x51: {  	s16 =	simm.s32 @!p1 $0x7;
	s14 =	sshll.u32 s14, $0x7  }
0x52: {  	_ =	swait.ge @!p1 [sflag:s16], $0x2000;
	s17 =	sadd.s32 s4, s14  }
0x53: {  	[sflag:s16] =	ssyncset.done @!p1 $0x0;
	s17 =	sshrl.u32 s17, $0x3  }
0x54: {  	[sflag:s16] =	ssyncadd.s32 @!p1 $0xFFFFE000;
	s19 =	sadd.s32 s6, s17  }
0x55: {  	[tilespmem:s28], [sflag:$0x3] =	stream.linear.gather [hbm4b:s19+s11], $0x80, $0x38;
	[tilespmem:$0x1BE40] =	vst v63  }
0x56: {  	_ = 	snop  }
0x57: {  	[tilespmem:s29], [sflag:$0x3] =	stream.indirect.gather [hbm4b:s1+s24], $0x40, s14, s24, $0xb8;
	[tilespmem:$0x1BE40] =	vst v63  }
0x58: {  	_ =	swait.ge [sflag:s30], $0x80  }
0x59: {  	[sflag:s30] =	ssyncset.done $0x0  }
0x5a: {  	[sflag:s30] =	ssyncadd.s32 $0xFFFFFF80  }
0x5b: {  	_ =	swait.ge [sflag:s30], $0x2000  }
0x5c: {  	[sflag:s30] =	ssyncset.done $0x0  }
0x5d: {  	s16 =	simm.s32 $0xA400;
	s17 =	simm.s32 $0x0;
	[sflag:s30] =	ssyncadd.s32 $0xFFFFE000  }
.LBB2_5:
0x5e: {  	s18 =	sshra.s32 s17, $0x2  }
0x5f: {  	v1 =	vld [tilespmem:s18+$0xA000];
	_ =	sdelay $0x1  }
0x60: {  	v2 =	vld [tilespmem:s16+$0xFFFFFE00];
	_ =	sdelay $0x2  }
0x61: {  	v3 =	vbroadcast v1, $0x0;
	_ =	sdelay $0x1  }
0x62: {  	v2 =	vmul.f32 v3, v2;
	_ =	sdelay $0x1  }
0x63: {  	[tilespmem:s16+$0xFFFFFE00] =	vst v2;
	v2 =	vld [tilespmem:s16+$0xFFFFFE10];
	_ =	sdelay $0x4  }
0x64: {  	v2 =	vmul.f32 v2, v3;
	_ =	sdelay $0x1  }
0x65: {  	[tilespmem:s16+$0xFFFFFE10] =	vst v2;
	v2 =	vld [tilespmem:s16+$0xFFFFFE20];
	_ =	sdelay $0x4  }
0x66: {  	v2 =	vmul.f32 v2, v3;
	_ =	sdelay $0x1  }
0x67: {  	[tilespmem:s16+$0xFFFFFE20] =	vst v2;
	v2 =	vld [tilespmem:s16+$0xFFFFFE30];
	_ =	sdelay $0x4  }
0x68: {  	v2 =	vmul.f32 v2, v3;
	_ =	sdelay $0x1  }
0x69: {  	[tilespmem:s16+$0xFFFFFE30] =	vst v2;
	v2 =	vld [tilespmem:s16+$0xFFFFFE40];
	_ =	sdelay $0x2  }
0x6a: {  	v3 =	vbroadcast v1, $0x1;
	_ =	sdelay $0x1  }
0x6b: {  	v2 =	vmul.f32 v2, v3;
	_ =	sdelay $0x1  }
0x6c: {  	[tilespmem:s16+$0xFFFFFE40] =	vst v2;
	v2 =	vld [tilespmem:s16+$0xFFFFFE50];
	_ =	sdelay $0x4  }
0x6d: {  	v2 =	vmul.f32 v2, v3;
	_ =	sdelay $0x1  }
0x6e: {  	[tilespmem:s16+$0xFFFFFE50] =	vst v2;
	v2 =	vld [tilespmem:s16+$0xFFFFFE60];
	_ =	sdelay $0x4  }
0x6f: {  	v2 =	vmul.f32 v2, v3;
	_ =	sdelay $0x1  }
0x70: {  	[tilespmem:s16+$0xFFFFFE60] =	vst v2;
	v2 =	vld [tilespmem:s16+$0xFFFFFE70];
	_ =	sdelay $0x4  }
0x71: {  	v2 =	vmul.f32 v2, v3;
	_ =	sdelay $0x1  }
0x72: {  	[tilespmem:s16+$0xFFFFFE70] =	vst v2;
	v2 =	vld [tilespmem:s16+$0xFFFFFE80];
	_ =	sdelay $0x2  }
0x73: {  	v3 =	vbroadcast v1, $0x2;
	_ =	sdelay $0x1  }
0x74: {  	v2 =	vmul.f32 v2, v3;
	_ =	sdelay $0x1  }
0x75: {  	[tilespmem:s16+$0xFFFFFE80] =	vst v2;
	v2 =	vld [tilespmem:s16+$0xFFFFFE90];
	_ =	sdelay $0x4  }
0x76: {  	v2 =	vmul.f32 v2, v3;
	_ =	sdelay $0x1  }
0x77: {  	[tilespmem:s16+$0xFFFFFE90] =	vst v2;
	v2 =	vld [tilespmem:s16+$0xFFFFFEA0];
	_ =	sdelay $0x4  }
0x78: {  	v2 =	vmul.f32 v2, v3;
	_ =	sdelay $0x1  }
0x79: {  	[tilespmem:s16+$0xFFFFFEA0] =	vst v2;
	v2 =	vld [tilespmem:s16+$0xFFFFFEB0];
	_ =	sdelay $0x4  }
0x7a: {  	v2 =	vmul.f32 v2, v3;
	_ =	sdelay $0x1  }
0x7b: {  	[tilespmem:s16+$0xFFFFFEB0] =	vst v2;
	v2 =	vld [tilespmem:s16+$0xFFFFFEC0];
	_ =	sdelay $0x2  }
0x7c: {  	v3 =	vbroadcast v1, $0x3;
	_ =	sdelay $0x1  }
0x7d: {  	v2 =	vmul.f32 v2, v3;
	_ =	sdelay $0x1  }
0x7e: {  	[tilespmem:s16+$0xFFFFFEC0] =	vst v2;
	v2 =	vld [tilespmem:s16+$0xFFFFFED0];
	_ =	sdelay $0x4  }
0x7f: {  	v2 =	vmul.f32 v2, v3;
	_ =	sdelay $0x1  }
0x80: {  	[tilespmem:s16+$0xFFFFFED0] =	vst v2;
	v2 =	vld [tilespmem:s16+$0xFFFFFEE0];
	_ =	sdelay $0x4  }
0x81: {  	v2 =	vmul.f32 v2, v3;
	_ =	sdelay $0x1  }
0x82: {  	[tilespmem:s16+$0xFFFFFEE0] =	vst v2;
	v2 =	vld [tilespmem:s16+$0xFFFFFEF0];
	_ =	sdelay $0x4  }
0x83: {  	v2 =	vmul.f32 v2, v3;
	_ =	sdelay $0x1  }
0x84: {  	[tilespmem:s16+$0xFFFFFEF0] =	vst v2;
	v2 =	vld [tilespmem:s16+$0xFFFFFF00];
	_ =	sdelay $0x2  }
0x85: {  	v3 =	vbroadcast v1, $0x4;
	_ =	sdelay $0x1  }
0x86: {  	v2 =	vmul.f32 v2, v3;
	_ =	sdelay $0x1  }
0x87: {  	[tilespmem:s16+$0xFFFFFF00] =	vst v2;
	v2 =	vld [tilespmem:s16+$0xFFFFFF10];
	_ =	sdelay $0x4  }
0x88: {  	v2 =	vmul.f32 v2, v3;
	_ =	sdelay $0x1  }
0x89: {  	[tilespmem:s16+$0xFFFFFF10] =	vst v2;
	v2 =	vld [tilespmem:s16+$0xFFFFFF20];
	_ =	sdelay $0x4  }
0x8a: {  	v2 =	vmul.f32 v2, v3;
	_ =	sdelay $0x1  }
0x8b: {  	[tilespmem:s16+$0xFFFFFF20] =	vst v2;
	v2 =	vld [tilespmem:s16+$0xFFFFFF30];
	_ =	sdelay $0x4  }
0x8c: {  	v2 =	vmul.f32 v2, v3;
	_ =	sdelay $0x1  }
0x8d: {  	[tilespmem:s16+$0xFFFFFF30] =	vst v2;
	v2 =	vld [tilespmem:s16+$0xFFFFFF40];
	_ =	sdelay $0x2  }
0x8e: {  	v3 =	vbroadcast v1, $0x5;
	_ =	sdelay $0x1  }
0x8f: {  	v2 =	vmul.f32 v2, v3;
	_ =	sdelay $0x1  }
0x90: {  	[tilespmem:s16+$0xFFFFFF40] =	vst v2;
	v2 =	vld [tilespmem:s16+$0xFFFFFF50];
	_ =	sdelay $0x4  }
0x91: {  	v2 =	vmul.f32 v2, v3;
	_ =	sdelay $0x1  }
0x92: {  	[tilespmem:s16+$0xFFFFFF50] =	vst v2;
	v2 =	vld [tilespmem:s16+$0xFFFFFF60];
	_ =	sdelay $0x4  }
0x93: {  	v2 =	vmul.f32 v2, v3;
	_ =	sdelay $0x1  }
0x94: {  	[tilespmem:s16+$0xFFFFFF60] =	vst v2;
	v2 =	vld [tilespmem:s16+$0xFFFFFF70];
	_ =	sdelay $0x4  }
0x95: {  	v2 =	vmul.f32 v2, v3;
	_ =	sdelay $0x1  }
0x96: {  	[tilespmem:s16+$0xFFFFFF70] =	vst v2;
	v2 =	vld [tilespmem:s16+$0xFFFFFF80];
	_ =	sdelay $0x2  }
0x97: {  	v3 =	vbroadcast v1, $0x6;
	_ =	sdelay $0x1  }
0x98: {  	v2 =	vmul.f32 v2, v3;
	_ =	sdelay $0x1  }
0x99: {  	[tilespmem:s16+$0xFFFFFF80] =	vst v2;
	v2 =	vld [tilespmem:s16+$0xFFFFFF90];
	_ =	sdelay $0x4  }
0x9a: {  	v2 =	vmul.f32 v2, v3;
	_ =	sdelay $0x1  }
0x9b: {  	[tilespmem:s16+$0xFFFFFF90] =	vst v2;
	v2 =	vld [tilespmem:s16+$0xFFFFFFA0];
	_ =	sdelay $0x4  }
0x9c: {  	v2 =	vmul.f32 v2, v3;
	_ =	sdelay $0x1  }
0x9d: {  	[tilespmem:s16+$0xFFFFFFA0] =	vst v2;
	v2 =	vld [tilespmem:s16+$0xFFFFFFB0];
	_ =	sdelay $0x4  }
0x9e: {  	v2 =	vmul.f32 v2, v3;
	_ =	sdelay $0x1  }
0x9f: {  	[tilespmem:s16+$0xFFFFFFB0] =	vst v2;
	v2 =	vld [tilespmem:s16+$0xFFFFFFC0];
	_ =	sdelay $0x2  }
0xa0: {  	v3 =	vbroadcast v1, $0x7;
	_ =	sdelay $0x1  }
0xa1: {  	v2 =	vmul.f32 v2, v3;
	_ =	sdelay $0x1  }
0xa2: {  	[tilespmem:s16+$0xFFFFFFC0] =	vst v2;
	v2 =	vld [tilespmem:s16+$0xFFFFFFD0];
	_ =	sdelay $0x4  }
0xa3: {  	v2 =	vmul.f32 v2, v3;
	_ =	sdelay $0x1  }
0xa4: {  	[tilespmem:s16+$0xFFFFFFD0] =	vst v2;
	v2 =	vld [tilespmem:s16+$0xFFFFFFE0];
	_ =	sdelay $0x4  }
0xa5: {  	v2 =	vmul.f32 v2, v3;
	_ =	sdelay $0x1  }
0xa6: {  	[tilespmem:s16+$0xFFFFFFE0] =	vst v2;
	v2 =	vld [tilespmem:s16+$0xFFFFFFF0];
	_ =	sdelay $0x4  }
0xa7: {  	v2 =	vmul.f32 v2, v3;
	_ =	sdelay $0x1  }
0xa8: {  	[tilespmem:s16+$0xFFFFFFF0] =	vst v2;
	v2 =	vld [tilespmem:s16+$0x0];
	_ =	sdelay $0x2  }
0xa9: {  	v3 =	vbroadcast v1, $0x8;
	_ =	sdelay $0x1  }
0xaa: {  	v2 =	vmul.f32 v2, v3;
	_ =	sdelay $0x1  }
0xab: {  	[tilespmem:s16+$0x0] =	vst v2;
	v2 =	vld [tilespmem:s16+$0x10];
	_ =	sdelay $0x4  }
0xac: {  	v2 =	vmul.f32 v2, v3;
	_ =	sdelay $0x1  }
0xad: {  	[tilespmem:s16+$0x10] =	vst v2;
	v2 =	vld [tilespmem:s16+$0x20];
	_ =	sdelay $0x4  }
0xae: {  	v2 =	vmul.f32 v2, v3;
	_ =	sdelay $0x1  }
0xaf: {  	[tilespmem:s16+$0x20] =	vst v2;
	v2 =	vld [tilespmem:s16+$0x30];
	_ =	sdelay $0x4  }
0xb0: {  	v2 =	vmul.f32 v2, v3;
	_ =	sdelay $0x1  }
0xb1: {  	[tilespmem:s16+$0x30] =	vst v2;
	v2 =	vld [tilespmem:s16+$0x40];
	_ =	sdelay $0x2  }
0xb2: {  	v3 =	vbroadcast v1, $0x9;
	_ =	sdelay $0x1  }
0xb3: {  	v2 =	vmul.f32 v2, v3;
	_ =	sdelay $0x1  }
0xb4: {  	[tilespmem:s16+$0x40] =	vst v2;
	v2 =	vld [tilespmem:s16+$0x50];
	_ =	sdelay $0x4  }
0xb5: {  	v2 =	vmul.f32 v2, v3;
	_ =	sdelay $0x1  }
0xb6: {  	[tilespmem:s16+$0x50] =	vst v2;
	v2 =	vld [tilespmem:s16+$0x60];
	_ =	sdelay $0x4  }
0xb7: {  	v2 =	vmul.f32 v2, v3;
	_ =	sdelay $0x1  }
0xb8: {  	[tilespmem:s16+$0x60] =	vst v2;
	v2 =	vld [tilespmem:s16+$0x70];
	_ =	sdelay $0x4  }
0xb9: {  	v2 =	vmul.f32 v2, v3;
	_ =	sdelay $0x1  }
0xba: {  	[tilespmem:s16+$0x70] =	vst v2;
	v2 =	vld [tilespmem:s16+$0x80];
	_ =	sdelay $0x2  }
0xbb: {  	v3 =	vbroadcast v1, $0xA;
	_ =	sdelay $0x1  }
0xbc: {  	v2 =	vmul.f32 v2, v3;
	_ =	sdelay $0x1  }
0xbd: {  	[tilespmem:s16+$0x80] =	vst v2;
	v2 =	vld [tilespmem:s16+$0x90];
	_ =	sdelay $0x4  }
0xbe: {  	v2 =	vmul.f32 v2, v3;
	_ =	sdelay $0x1  }
0xbf: {  	[tilespmem:s16+$0x90] =	vst v2;
	v2 =	vld [tilespmem:s16+$0xA0];
	_ =	sdelay $0x4  }
0xc0: {  	v2 =	vmul.f32 v2, v3;
	_ =	sdelay $0x1  }
0xc1: {  	[tilespmem:s16+$0xA0] =	vst v2;
	v2 =	vld [tilespmem:s16+$0xB0];
	_ =	sdelay $0x4  }
0xc2: {  	v2 =	vmul.f32 v2, v3;
	_ =	sdelay $0x1  }
0xc3: {  	[tilespmem:s16+$0xB0] =	vst v2;
	v2 =	vld [tilespmem:s16+$0xC0];
	_ =	sdelay $0x2  }
0xc4: {  	v3 =	vbroadcast v1, $0xB;
	_ =	sdelay $0x1  }
0xc5: {  	v2 =	vmul.f32 v2, v3;
	_ =	sdelay $0x1  }
0xc6: {  	[tilespmem:s16+$0xC0] =	vst v2;
	v2 =	vld [tilespmem:s16+$0xD0];
	_ =	sdelay $0x4  }
0xc7: {  	v2 =	vmul.f32 v2, v3;
	_ =	sdelay $0x1  }
0xc8: {  	[tilespmem:s16+$0xD0] =	vst v2;
	v2 =	vld [tilespmem:s16+$0xE0];
	_ =	sdelay $0x4  }
0xc9: {  	v2 =	vmul.f32 v2, v3;
	_ =	sdelay $0x1  }
0xca: {  	[tilespmem:s16+$0xE0] =	vst v2;
	v2 =	vld [tilespmem:s16+$0xF0];
	_ =	sdelay $0x4  }
0xcb: {  	v2 =	vmul.f32 v2, v3;
	_ =	sdelay $0x1  }
0xcc: {  	[tilespmem:s16+$0xF0] =	vst v2;
	v2 =	vld [tilespmem:s16+$0x100];
	_ =	sdelay $0x2  }
0xcd: {  	v3 =	vbroadcast v1, $0xC;
	_ =	sdelay $0x1  }
0xce: {  	v2 =	vmul.f32 v2, v3;
	_ =	sdelay $0x1  }
0xcf: {  	[tilespmem:s16+$0x100] =	vst v2;
	v2 =	vld [tilespmem:s16+$0x110];
	_ =	sdelay $0x4  }
0xd0: {  	v2 =	vmul.f32 v2, v3;
	_ =	sdelay $0x1  }
0xd1: {  	[tilespmem:s16+$0x110] =	vst v2;
	v2 =	vld [tilespmem:s16+$0x120];
	_ =	sdelay $0x4  }
0xd2: {  	v2 =	vmul.f32 v2, v3;
	_ =	sdelay $0x1  }
0xd3: {  	[tilespmem:s16+$0x120] =	vst v2;
	v2 =	vld [tilespmem:s16+$0x130];
	_ =	sdelay $0x4  }
0xd4: {  	v2 =	vmul.f32 v2, v3;
	_ =	sdelay $0x1  }
0xd5: {  	[tilespmem:s16+$0x130] =	vst v2;
	v2 =	vld [tilespmem:s16+$0x140];
	_ =	sdelay $0x2  }
0xd6: {  	v3 =	vbroadcast v1, $0xD;
	_ =	sdelay $0x1  }
0xd7: {  	v2 =	vmul.f32 v2, v3;
	_ =	sdelay $0x1  }
0xd8: {  	[tilespmem:s16+$0x140] =	vst v2;
	v2 =	vld [tilespmem:s16+$0x150];
	_ =	sdelay $0x4  }
0xd9: {  	v2 =	vmul.f32 v2, v3;
	_ =	sdelay $0x1  }
0xda: {  	[tilespmem:s16+$0x150] =	vst v2;
	v2 =	vld [tilespmem:s16+$0x160];
	_ =	sdelay $0x4  }
0xdb: {  	v2 =	vmul.f32 v2, v3;
	_ =	sdelay $0x1  }
0xdc: {  	[tilespmem:s16+$0x160] =	vst v2;
	v2 =	vld [tilespmem:s16+$0x170];
	_ =	sdelay $0x4  }
0xdd: {  	v2 =	vmul.f32 v2, v3;
	_ =	sdelay $0x1  }
0xde: {  	[tilespmem:s16+$0x170] =	vst v2;
	v2 =	vld [tilespmem:s16+$0x180];
	_ =	sdelay $0x2  }
0xdf: {  	v3 =	vbroadcast v1, $0xE;
	_ =	sdelay $0x1  }
0xe0: {  	v2 =	vmul.f32 v2, v3;
	_ =	sdelay $0x1  }
0xe1: {  	[tilespmem:s16+$0x180] =	vst v2;
	v2 =	vld [tilespmem:s16+$0x190];
	_ =	sdelay $0x4  }
0xe2: {  	v2 =	vmul.f32 v2, v3;
	_ =	sdelay $0x1  }
0xe3: {  	[tilespmem:s16+$0x190] =	vst v2;
	v2 =	vld [tilespmem:s16+$0x1A0];
	_ =	sdelay $0x4  }
0xe4: {  	v2 =	vmul.f32 v2, v3;
	_ =	sdelay $0x1  }
0xe5: {  	[tilespmem:s16+$0x1A0] =	vst v2;
	v2 =	vld [tilespmem:s16+$0x1B0];
	_ =	sdelay $0x4  }
0xe6: {  	v2 =	vmul.f32 v2, v3;
	_ =	sdelay $0x1  }
0xe7: {  	[tilespmem:s16+$0x1B0] =	vst v2;
	v2 =	vld [tilespmem:s16+$0x1C0];
	_ =	sdelay $0x2  }
0xe8: {  	v1 =	vbroadcast v1, $0xF;
	_ =	sdelay $0x1  }
0xe9: {  	v2 =	vmul.f32 v2, v1;
	_ =	sdelay $0x1  }
0xea: {  	[tilespmem:s16+$0x1C0] =	vst v2;
	v2 =	vld [tilespmem:s16+$0x1D0];
	_ =	sdelay $0x4  }
0xeb: {  	v2 =	vmul.f32 v2, v1;
	_ =	sdelay $0x1  }
0xec: {  	[tilespmem:s16+$0x1D0] =	vst v2;
	v2 =	vld [tilespmem:s16+$0x1E0];
	_ =	sdelay $0x4  }
0xed: {  	v2 =	vmul.f32 v2, v1;
	_ =	sdelay $0x1  }
0xee: {  	[tilespmem:s16+$0x1E0] =	vst v2;
	v2 =	vld [tilespmem:s16+$0x1F0];
	_ =	sdelay $0x1  }
0xef: {  	p2 =	sne.s32 s17, $0x1C0  }
.Ltmp1:
0xf0: {  	_ = 	snop;
	(pc) =	sbr.rel @p2 .LBB2_5-.Ltmp1, $3  }
0xf1: {  	_ = 	snop  }
0xf2: {  	v1 =	vmul.f32 v2, v1;
	_ =	sdelay $0x1  }
0xf3: {  	s17 =	sadd.s32 $0x40, s17;
	[tilespmem:s16+$0x1F0] =	vst v1;
	s16 =	sadd.s32 $0x400, s16  }
0xf4: {  	s16 =	sshll.u32 s12, $0x9  }
0xf5: {  	s16 =	sand.u32 $0x3FFFFE00, s16  }
0xf6: {  	s13 =	sor.u32 $0x3, s13;
	s17 =	sadd.s32 $0x5000, s16  }
0xf7: {  	[spmem:s3] =	stream.indirect.scatter.add.f32 [tilespmem:s20], [sflag:$0x5], $0x40, s17, s24, $0xb8;
	[tilespmem:$0x1BE40] =	vst v63  }
0xf8: {  	s13 =	sshll.u32 s13, $0x7;
	s17 =	simm.s32 @!p1 $0x8  }
0xf9: {  	s18 =	sadd.s32 s4, s13;
	_ =	swait.ge @!p1 [sflag:s17], $0x2000  }
0xfa: {  	s18 =	sshrl.u32 s18, $0x3;
	[sflag:s17] =	ssyncset.done @!p1 $0x0  }
0xfb: {  	s18 =	sadd.s32 s6, s18;
	[sflag:s17] =	ssyncadd.s32 @!p1 $0xFFFFE000;
	s17 =	simm.s32 $0x0  }
0xfc: {  	[tilespmem:s31], [sflag:$0x4] =	stream.linear.gather [hbm4b:s18+s17], $0x80, $0x38;
	[tilespmem:$0x1BE40] =	vst v63  }
0xfd: {  	_ = 	snop  }
0xfe: {  	[tilespmem:s2], [sflag:$0x4] =	stream.indirect.gather [hbm4b:s1+s24], $0x40, s13, s24, $0xb8;
	[tilespmem:$0x1BE40] =	vst v63  }
0xff: {  	_ =	swait.ge [sflag:s22], $0x80  }
0x100: {  	[sflag:s22] =	ssyncset.done $0x0  }
0x101: {  	[sflag:s22] =	ssyncadd.s32 $0xFFFFFF80  }
0x102: {  	_ =	swait.ge [sflag:s22], $0x2000  }
0x103: {  	[sflag:s22] =	ssyncset.done $0x0  }
0x104: {  	s18 =	simm.s32 $0xC400;
	[sflag:s22] =	ssyncadd.s32 $0xFFFFE000  }
.LBB2_7:
0x105: {  	s19 =	sshra.s32 s17, $0x2  }
0x106: {  	v1 =	vld [tilespmem:s19+$0xA080];
	_ =	sdelay $0x1  }
0x107: {  	v2 =	vld [tilespmem:s18+$0xFFFFFE00];
	_ =	sdelay $0x2  }
0x108: {  	v3 =	vbroadcast v1, $0x0;
	_ =	sdelay $0x1  }
0x109: {  	v2 =	vmul.f32 v3, v2;
	_ =	sdelay $0x1  }
0x10a: {  	[tilespmem:s18+$0xFFFFFE00] =	vst v2;
	v2 =	vld [tilespmem:s18+$0xFFFFFE10];
	_ =	sdelay $0x4  }
0x10b: {  	v2 =	vmul.f32 v2, v3;
	_ =	sdelay $0x1  }
0x10c: {  	[tilespmem:s18+$0xFFFFFE10] =	vst v2;
	v2 =	vld [tilespmem:s18+$0xFFFFFE20];
	_ =	sdelay $0x4  }
0x10d: {  	v2 =	vmul.f32 v2, v3;
	_ =	sdelay $0x1  }
0x10e: {  	[tilespmem:s18+$0xFFFFFE20] =	vst v2;
	v2 =	vld [tilespmem:s18+$0xFFFFFE30];
	_ =	sdelay $0x4  }
0x10f: {  	v2 =	vmul.f32 v2, v3;
	_ =	sdelay $0x1  }
0x110: {  	[tilespmem:s18+$0xFFFFFE30] =	vst v2;
	v2 =	vld [tilespmem:s18+$0xFFFFFE40];
	_ =	sdelay $0x2  }
0x111: {  	v3 =	vbroadcast v1, $0x1;
	_ =	sdelay $0x1  }
0x112: {  	v2 =	vmul.f32 v2, v3;
	_ =	sdelay $0x1  }
0x113: {  	[tilespmem:s18+$0xFFFFFE40] =	vst v2;
	v2 =	vld [tilespmem:s18+$0xFFFFFE50];
	_ =	sdelay $0x4  }
0x114: {  	v2 =	vmul.f32 v2, v3;
	_ =	sdelay $0x1  }
0x115: {  	[tilespmem:s18+$0xFFFFFE50] =	vst v2;
	v2 =	vld [tilespmem:s18+$0xFFFFFE60];
	_ =	sdelay $0x4  }
0x116: {  	v2 =	vmul.f32 v2, v3;
	_ =	sdelay $0x1  }
0x117: {  	[tilespmem:s18+$0xFFFFFE60] =	vst v2;
	v2 =	vld [tilespmem:s18+$0xFFFFFE70];
	_ =	sdelay $0x4  }
0x118: {  	v2 =	vmul.f32 v2, v3;
	_ =	sdelay $0x1  }
0x119: {  	[tilespmem:s18+$0xFFFFFE70] =	vst v2;
	v2 =	vld [tilespmem:s18+$0xFFFFFE80];
	_ =	sdelay $0x2  }
0x11a: {  	v3 =	vbroadcast v1, $0x2;
	_ =	sdelay $0x1  }
0x11b: {  	v2 =	vmul.f32 v2, v3;
	_ =	sdelay $0x1  }
0x11c: {  	[tilespmem:s18+$0xFFFFFE80] =	vst v2;
	v2 =	vld [tilespmem:s18+$0xFFFFFE90];
	_ =	sdelay $0x4  }
0x11d: {  	v2 =	vmul.f32 v2, v3;
	_ =	sdelay $0x1  }
0x11e: {  	[tilespmem:s18+$0xFFFFFE90] =	vst v2;
	v2 =	vld [tilespmem:s18+$0xFFFFFEA0];
	_ =	sdelay $0x4  }
0x11f: {  	v2 =	vmul.f32 v2, v3;
	_ =	sdelay $0x1  }
0x120: {  	[tilespmem:s18+$0xFFFFFEA0] =	vst v2;
	v2 =	vld [tilespmem:s18+$0xFFFFFEB0];
	_ =	sdelay $0x4  }
0x121: {  	v2 =	vmul.f32 v2, v3;
	_ =	sdelay $0x1  }
0x122: {  	[tilespmem:s18+$0xFFFFFEB0] =	vst v2;
	v2 =	vld [tilespmem:s18+$0xFFFFFEC0];
	_ =	sdelay $0x2  }
0x123: {  	v3 =	vbroadcast v1, $0x3;
	_ =	sdelay $0x1  }
0x124: {  	v2 =	vmul.f32 v2, v3;
	_ =	sdelay $0x1  }
0x125: {  	[tilespmem:s18+$0xFFFFFEC0] =	vst v2;
	v2 =	vld [tilespmem:s18+$0xFFFFFED0];
	_ =	sdelay $0x4  }
0x126: {  	v2 =	vmul.f32 v2, v3;
	_ =	sdelay $0x1  }
0x127: {  	[tilespmem:s18+$0xFFFFFED0] =	vst v2;
	v2 =	vld [tilespmem:s18+$0xFFFFFEE0];
	_ =	sdelay $0x4  }
0x128: {  	v2 =	vmul.f32 v2, v3;
	_ =	sdelay $0x1  }
0x129: {  	[tilespmem:s18+$0xFFFFFEE0] =	vst v2;
	v2 =	vld [tilespmem:s18+$0xFFFFFEF0];
	_ =	sdelay $0x4  }
0x12a: {  	v2 =	vmul.f32 v2, v3;
	_ =	sdelay $0x1  }
0x12b: {  	[tilespmem:s18+$0xFFFFFEF0] =	vst v2;
	v2 =	vld [tilespmem:s18+$0xFFFFFF00];
	_ =	sdelay $0x2  }
0x12c: {  	v3 =	vbroadcast v1, $0x4;
	_ =	sdelay $0x1  }
0x12d: {  	v2 =	vmul.f32 v2, v3;
	_ =	sdelay $0x1  }
0x12e: {  	[tilespmem:s18+$0xFFFFFF00] =	vst v2;
	v2 =	vld [tilespmem:s18+$0xFFFFFF10];
	_ =	sdelay $0x4  }
0x12f: {  	v2 =	vmul.f32 v2, v3;
	_ =	sdelay $0x1  }
0x130: {  	[tilespmem:s18+$0xFFFFFF10] =	vst v2;
	v2 =	vld [tilespmem:s18+$0xFFFFFF20];
	_ =	sdelay $0x4  }
0x131: {  	v2 =	vmul.f32 v2, v3;
	_ =	sdelay $0x1  }
0x132: {  	[tilespmem:s18+$0xFFFFFF20] =	vst v2;
	v2 =	vld [tilespmem:s18+$0xFFFFFF30];
	_ =	sdelay $0x4  }
0x133: {  	v2 =	vmul.f32 v2, v3;
	_ =	sdelay $0x1  }
0x134: {  	[tilespmem:s18+$0xFFFFFF30] =	vst v2;
	v2 =	vld [tilespmem:s18+$0xFFFFFF40];
	_ =	sdelay $0x2  }
0x135: {  	v3 =	vbroadcast v1, $0x5;
	_ =	sdelay $0x1  }
0x136: {  	v2 =	vmul.f32 v2, v3;
	_ =	sdelay $0x1  }
0x137: {  	[tilespmem:s18+$0xFFFFFF40] =	vst v2;
	v2 =	vld [tilespmem:s18+$0xFFFFFF50];
	_ =	sdelay $0x4  }
0x138: {  	v2 =	vmul.f32 v2, v3;
	_ =	sdelay $0x1  }
0x139: {  	[tilespmem:s18+$0xFFFFFF50] =	vst v2;
	v2 =	vld [tilespmem:s18+$0xFFFFFF60];
	_ =	sdelay $0x4  }
0x13a: {  	v2 =	vmul.f32 v2, v3;
	_ =	sdelay $0x1  }
0x13b: {  	[tilespmem:s18+$0xFFFFFF60] =	vst v2;
	v2 =	vld [tilespmem:s18+$0xFFFFFF70];
	_ =	sdelay $0x4  }
0x13c: {  	v2 =	vmul.f32 v2, v3;
	_ =	sdelay $0x1  }
0x13d: {  	[tilespmem:s18+$0xFFFFFF70] =	vst v2;
	v2 =	vld [tilespmem:s18+$0xFFFFFF80];
	_ =	sdelay $0x2  }
0x13e: {  	v3 =	vbroadcast v1, $0x6;
	_ =	sdelay $0x1  }
0x13f: {  	v2 =	vmul.f32 v2, v3;
	_ =	sdelay $0x1  }
0x140: {  	[tilespmem:s18+$0xFFFFFF80] =	vst v2;
	v2 =	vld [tilespmem:s18+$0xFFFFFF90];
	_ =	sdelay $0x4  }
0x141: {  	v2 =	vmul.f32 v2, v3;
	_ =	sdelay $0x1  }
0x142: {  	[tilespmem:s18+$0xFFFFFF90] =	vst v2;
	v2 =	vld [tilespmem:s18+$0xFFFFFFA0];
	_ =	sdelay $0x4  }
0x143: {  	v2 =	vmul.f32 v2, v3;
	_ =	sdelay $0x1  }
0x144: {  	[tilespmem:s18+$0xFFFFFFA0] =	vst v2;
	v2 =	vld [tilespmem:s18+$0xFFFFFFB0];
	_ =	sdelay $0x4  }
0x145: {  	v2 =	vmul.f32 v2, v3;
	_ =	sdelay $0x1  }
0x146: {  	[tilespmem:s18+$0xFFFFFFB0] =	vst v2;
	v2 =	vld [tilespmem:s18+$0xFFFFFFC0];
	_ =	sdelay $0x2  }
0x147: {  	v3 =	vbroadcast v1, $0x7;
	_ =	sdelay $0x1  }
0x148: {  	v2 =	vmul.f32 v2, v3;
	_ =	sdelay $0x1  }
0x149: {  	[tilespmem:s18+$0xFFFFFFC0] =	vst v2;
	v2 =	vld [tilespmem:s18+$0xFFFFFFD0];
	_ =	sdelay $0x4  }
0x14a: {  	v2 =	vmul.f32 v2, v3;
	_ =	sdelay $0x1  }
0x14b: {  	[tilespmem:s18+$0xFFFFFFD0] =	vst v2;
	v2 =	vld [tilespmem:s18+$0xFFFFFFE0];
	_ =	sdelay $0x4  }
0x14c: {  	v2 =	vmul.f32 v2, v3;
	_ =	sdelay $0x1  }
0x14d: {  	[tilespmem:s18+$0xFFFFFFE0] =	vst v2;
	v2 =	vld [tilespmem:s18+$0xFFFFFFF0];
	_ =	sdelay $0x4  }
0x14e: {  	v2 =	vmul.f32 v2, v3;
	_ =	sdelay $0x1  }
0x14f: {  	[tilespmem:s18+$0xFFFFFFF0] =	vst v2;
	v2 =	vld [tilespmem:s18+$0x0];
	_ =	sdelay $0x2  }
0x150: {  	v3 =	vbroadcast v1, $0x8;
	_ =	sdelay $0x1  }
0x151: {  	v2 =	vmul.f32 v2, v3;
	_ =	sdelay $0x1  }
0x152: {  	[tilespmem:s18+$0x0] =	vst v2;
	v2 =	vld [tilespmem:s18+$0x10];
	_ =	sdelay $0x4  }
0x153: {  	v2 =	vmul.f32 v2, v3;
	_ =	sdelay $0x1  }
0x154: {  	[tilespmem:s18+$0x10] =	vst v2;
	v2 =	vld [tilespmem:s18+$0x20];
	_ =	sdelay $0x4  }
0x155: {  	v2 =	vmul.f32 v2, v3;
	_ =	sdelay $0x1  }
0x156: {  	[tilespmem:s18+$0x20] =	vst v2;
	v2 =	vld [tilespmem:s18+$0x30];
	_ =	sdelay $0x4  }
0x157: {  	v2 =	vmul.f32 v2, v3;
	_ =	sdelay $0x1  }
0x158: {  	[tilespmem:s18+$0x30] =	vst v2;
	v2 =	vld [tilespmem:s18+$0x40];
	_ =	sdelay $0x2  }
0x159: {  	v3 =	vbroadcast v1, $0x9;
	_ =	sdelay $0x1  }
0x15a: {  	v2 =	vmul.f32 v2, v3;
	_ =	sdelay $0x1  }
0x15b: {  	[tilespmem:s18+$0x40] =	vst v2;
	v2 =	vld [tilespmem:s18+$0x50];
	_ =	sdelay $0x4  }
0x15c: {  	v2 =	vmul.f32 v2, v3;
	_ =	sdelay $0x1  }
0x15d: {  	[tilespmem:s18+$0x50] =	vst v2;
	v2 =	vld [tilespmem:s18+$0x60];
	_ =	sdelay $0x4  }
0x15e: {  	v2 =	vmul.f32 v2, v3;
	_ =	sdelay $0x1  }
0x15f: {  	[tilespmem:s18+$0x60] =	vst v2;
	v2 =	vld [tilespmem:s18+$0x70];
	_ =	sdelay $0x4  }
0x160: {  	v2 =	vmul.f32 v2, v3;
	_ =	sdelay $0x1  }
0x161: {  	[tilespmem:s18+$0x70] =	vst v2;
	v2 =	vld [tilespmem:s18+$0x80];
	_ =	sdelay $0x2  }
0x162: {  	v3 =	vbroadcast v1, $0xA;
	_ =	sdelay $0x1  }
0x163: {  	v2 =	vmul.f32 v2, v3;
	_ =	sdelay $0x1  }
0x164: {  	[tilespmem:s18+$0x80] =	vst v2;
	v2 =	vld [tilespmem:s18+$0x90];
	_ =	sdelay $0x4  }
0x165: {  	v2 =	vmul.f32 v2, v3;
	_ =	sdelay $0x1  }
0x166: {  	[tilespmem:s18+$0x90] =	vst v2;
	v2 =	vld [tilespmem:s18+$0xA0];
	_ =	sdelay $0x4  }
0x167: {  	v2 =	vmul.f32 v2, v3;
	_ =	sdelay $0x1  }
0x168: {  	[tilespmem:s18+$0xA0] =	vst v2;
	v2 =	vld [tilespmem:s18+$0xB0];
	_ =	sdelay $0x4  }
0x169: {  	v2 =	vmul.f32 v2, v3;
	_ =	sdelay $0x1  }
0x16a: {  	[tilespmem:s18+$0xB0] =	vst v2;
	v2 =	vld [tilespmem:s18+$0xC0];
	_ =	sdelay $0x2  }
0x16b: {  	v3 =	vbroadcast v1, $0xB;
	_ =	sdelay $0x1  }
0x16c: {  	v2 =	vmul.f32 v2, v3;
	_ =	sdelay $0x1  }
0x16d: {  	[tilespmem:s18+$0xC0] =	vst v2;
	v2 =	vld [tilespmem:s18+$0xD0];
	_ =	sdelay $0x4  }
0x16e: {  	v2 =	vmul.f32 v2, v3;
	_ =	sdelay $0x1  }
0x16f: {  	[tilespmem:s18+$0xD0] =	vst v2;
	v2 =	vld [tilespmem:s18+$0xE0];
	_ =	sdelay $0x4  }
0x170: {  	v2 =	vmul.f32 v2, v3;
	_ =	sdelay $0x1  }
0x171: {  	[tilespmem:s18+$0xE0] =	vst v2;
	v2 =	vld [tilespmem:s18+$0xF0];
	_ =	sdelay $0x4  }
0x172: {  	v2 =	vmul.f32 v2, v3;
	_ =	sdelay $0x1  }
0x173: {  	[tilespmem:s18+$0xF0] =	vst v2;
	v2 =	vld [tilespmem:s18+$0x100];
	_ =	sdelay $0x2  }
0x174: {  	v3 =	vbroadcast v1, $0xC;
	_ =	sdelay $0x1  }
0x175: {  	v2 =	vmul.f32 v2, v3;
	_ =	sdelay $0x1  }
0x176: {  	[tilespmem:s18+$0x100] =	vst v2;
	v2 =	vld [tilespmem:s18+$0x110];
	_ =	sdelay $0x4  }
0x177: {  	v2 =	vmul.f32 v2, v3;
	_ =	sdelay $0x1  }
0x178: {  	[tilespmem:s18+$0x110] =	vst v2;
	v2 =	vld [tilespmem:s18+$0x120];
	_ =	sdelay $0x4  }
0x179: {  	v2 =	vmul.f32 v2, v3;
	_ =	sdelay $0x1  }
0x17a: {  	[tilespmem:s18+$0x120] =	vst v2;
	v2 =	vld [tilespmem:s18+$0x130];
	_ =	sdelay $0x4  }
0x17b: {  	v2 =	vmul.f32 v2, v3;
	_ =	sdelay $0x1  }
0x17c: {  	[tilespmem:s18+$0x130] =	vst v2;
	v2 =	vld [tilespmem:s18+$0x140];
	_ =	sdelay $0x2  }
0x17d: {  	v3 =	vbroadcast v1, $0xD;
	_ =	sdelay $0x1  }
0x17e: {  	v2 =	vmul.f32 v2, v3;
	_ =	sdelay $0x1  }
0x17f: {  	[tilespmem:s18+$0x140] =	vst v2;
	v2 =	vld [tilespmem:s18+$0x150];
	_ =	sdelay $0x4  }
0x180: {  	v2 =	vmul.f32 v2, v3;
	_ =	sdelay $0x1  }
0x181: {  	[tilespmem:s18+$0x150] =	vst v2;
	v2 =	vld [tilespmem:s18+$0x160];
	_ =	sdelay $0x4  }
0x182: {  	v2 =	vmul.f32 v2, v3;
	_ =	sdelay $0x1  }
0x183: {  	[tilespmem:s18+$0x160] =	vst v2;
	v2 =	vld [tilespmem:s18+$0x170];
	_ =	sdelay $0x4  }
0x184: {  	v2 =	vmul.f32 v2, v3;
	_ =	sdelay $0x1  }
0x185: {  	[tilespmem:s18+$0x170] =	vst v2;
	v2 =	vld [tilespmem:s18+$0x180];
	_ =	sdelay $0x2  }
0x186: {  	v3 =	vbroadcast v1, $0xE;
	_ =	sdelay $0x1  }
0x187: {  	v2 =	vmul.f32 v2, v3;
	_ =	sdelay $0x1  }
0x188: {  	[tilespmem:s18+$0x180] =	vst v2;
	v2 =	vld [tilespmem:s18+$0x190];
	_ =	sdelay $0x4  }
0x189: {  	v2 =	vmul.f32 v2, v3;
	_ =	sdelay $0x1  }
0x18a: {  	[tilespmem:s18+$0x190] =	vst v2;
	v2 =	vld [tilespmem:s18+$0x1A0];
	_ =	sdelay $0x4  }
0x18b: {  	v2 =	vmul.f32 v2, v3;
	_ =	sdelay $0x1  }
0x18c: {  	[tilespmem:s18+$0x1A0] =	vst v2;
	v2 =	vld [tilespmem:s18+$0x1B0];
	_ =	sdelay $0x4  }
0x18d: {  	v2 =	vmul.f32 v2, v3;
	_ =	sdelay $0x1  }
0x18e: {  	[tilespmem:s18+$0x1B0] =	vst v2;
	v2 =	vld [tilespmem:s18+$0x1C0];
	_ =	sdelay $0x2  }
0x18f: {  	v1 =	vbroadcast v1, $0xF;
	_ =	sdelay $0x1  }
0x190: {  	v2 =	vmul.f32 v2, v1;
	_ =	sdelay $0x1  }
0x191: {  	[tilespmem:s18+$0x1C0] =	vst v2;
	v2 =	vld [tilespmem:s18+$0x1D0];
	_ =	sdelay $0x4  }
0x192: {  	v2 =	vmul.f32 v2, v1;
	_ =	sdelay $0x1  }
0x193: {  	[tilespmem:s18+$0x1D0] =	vst v2;
	v2 =	vld [tilespmem:s18+$0x1E0];
	_ =	sdelay $0x4  }
0x194: {  	v2 =	vmul.f32 v2, v1;
	_ =	sdelay $0x1  }
0x195: {  	[tilespmem:s18+$0x1E0] =	vst v2;
	v2 =	vld [tilespmem:s18+$0x1F0];
	_ =	sdelay $0x1  }
0x196: {  	p1 =	sne.s32 s17, $0x1C0  }
.Ltmp2:
0x197: {  	_ = 	snop;
	(pc) =	sbr.rel @p1 .LBB2_7-.Ltmp2, $3  }
0x198: {  	_ = 	snop  }
0x199: {  	v1 =	vmul.f32 v2, v1;
	_ =	sdelay $0x1  }
0x19a: {  	s17 =	sadd.s32 $0x40, s17;
	[tilespmem:s18+$0x1F0] =	vst v1;
	s18 =	sadd.s32 $0x400, s18  }
0x19b: {  	s16 =	sadd.s32 $0x5080, s16;
	p1 =	seq.s32 s12, $0x27  }
0x19c: {  	[spmem:s3] =	stream.indirect.scatter.add.f32 [tilespmem:s26], [sflag:$0x6], $0x40, s16, s24, $0xb8;
	[tilespmem:$0x1BE40] =	vst v63  }
0x19d: {  	s17 =	simm.s32 @!p1 $0x5;
	s16 =	sshll.u32 @!p1 s12, $0x9  }
0x19e: {  	_ =	swait.ge @!p1 [sflag:s17], $0x2000;
	s18 =	sadd.s32 @!p1 $0x200, s16  }
0x19f: {  	[sflag:s17] =	ssyncset.done @!p1 $0x0;
	s19 =	sadd.s32 @!p1 s4, s18  }
0x1a0: {  	[sflag:s17] =	ssyncadd.s32 @!p1 $0xFFFFE000;
	s17 =	sshrl.u32 @!p1 s19, $0x3  }
0x1a1: {  	s15 =	simm.s32 @!p1 $0xA000;
	s19 =	simm.s32 @!p1 $0x0;
	s17 =	sadd.s32 @!p1 s6, s17  }
0x1a2: {  	[tilespmem:s15], [sflag:$0x1] =	stream.linear.gather @!p1 [hbm4b:s17+s19], $0x80, $0x38;
	[tilespmem:$0x1BE40] =	vst v63  }
0x1a3: {  	s15 =	simm.s32 @!p1 $0x80;
	s17 =	simm.s32 @!p1 $0xA200  }
0x1a4: {  	[tilespmem:s17], [sflag:$0x1] =	stream.indirect.gather @!p1 [hbm4b:s1+s15], $0x40, s18, s15, $0xb8;
	[tilespmem:$0x1BE40] =	vst v63  }
0x1a5: {  	_ =	swait.ge [sflag:s23], $0x80  }
0x1a6: {  	[sflag:s23] =	ssyncset.done $0x0  }
0x1a7: {  	[sflag:s23] =	ssyncadd.s32 $0xFFFFFF80  }
0x1a8: {  	_ =	swait.ge [sflag:s23], $0x2000  }
0x1a9: {  	[sflag:s23] =	ssyncset.done $0x0  }
0x1aa: {  	s17 =	simm.s32 $0x0;
	s18 =	simm.s32 $0xE400;
	[sflag:s23] =	ssyncadd.s32 $0xFFFFE000  }
.LBB2_9:
0x1ab: {  	s15 =	sshra.s32 s17, $0x2  }
0x1ac: {  	v1 =	vld [tilespmem:s15+$0xA100];
	_ =	sdelay $0x1  }
0x1ad: {  	v2 =	vld [tilespmem:s18+$0xFFFFFE00];
	_ =	sdelay $0x2  }
0x1ae: {  	v3 =	vbroadcast v1, $0x0;
	_ =	sdelay $0x1  }
0x1af: {  	v2 =	vmul.f32 v3, v2;
	_ =	sdelay $0x1  }
0x1b0: {  	[tilespmem:s18+$0xFFFFFE00] =	vst v2;
	v2 =	vld [tilespmem:s18+$0xFFFFFE10];
	_ =	sdelay $0x4  }
0x1b1: {  	v2 =	vmul.f32 v2, v3;
	_ =	sdelay $0x1  }
0x1b2: {  	[tilespmem:s18+$0xFFFFFE10] =	vst v2;
	v2 =	vld [tilespmem:s18+$0xFFFFFE20];
	_ =	sdelay $0x4  }
0x1b3: {  	v2 =	vmul.f32 v2, v3;
	_ =	sdelay $0x1  }
0x1b4: {  	[tilespmem:s18+$0xFFFFFE20] =	vst v2;
	v2 =	vld [tilespmem:s18+$0xFFFFFE30];
	_ =	sdelay $0x4  }
0x1b5: {  	v2 =	vmul.f32 v2, v3;
	_ =	sdelay $0x1  }
0x1b6: {  	[tilespmem:s18+$0xFFFFFE30] =	vst v2;
	v2 =	vld [tilespmem:s18+$0xFFFFFE40];
	_ =	sdelay $0x2  }
0x1b7: {  	v3 =	vbroadcast v1, $0x1;
	_ =	sdelay $0x1  }
0x1b8: {  	v2 =	vmul.f32 v2, v3;
	_ =	sdelay $0x1  }
0x1b9: {  	[tilespmem:s18+$0xFFFFFE40] =	vst v2;
	v2 =	vld [tilespmem:s18+$0xFFFFFE50];
	_ =	sdelay $0x4  }
0x1ba: {  	v2 =	vmul.f32 v2, v3;
	_ =	sdelay $0x1  }
0x1bb: {  	[tilespmem:s18+$0xFFFFFE50] =	vst v2;
	v2 =	vld [tilespmem:s18+$0xFFFFFE60];
	_ =	sdelay $0x4  }
0x1bc: {  	v2 =	vmul.f32 v2, v3;
	_ =	sdelay $0x1  }
0x1bd: {  	[tilespmem:s18+$0xFFFFFE60] =	vst v2;
	v2 =	vld [tilespmem:s18+$0xFFFFFE70];
	_ =	sdelay $0x4  }
0x1be: {  	v2 =	vmul.f32 v2, v3;
	_ =	sdelay $0x1  }
0x1bf: {  	[tilespmem:s18+$0xFFFFFE70] =	vst v2;
	v2 =	vld [tilespmem:s18+$0xFFFFFE80];
	_ =	sdelay $0x2  }
0x1c0: {  	v3 =	vbroadcast v1, $0x2;
	_ =	sdelay $0x1  }
0x1c1: {  	v2 =	vmul.f32 v2, v3;
	_ =	sdelay $0x1  }
0x1c2: {  	[tilespmem:s18+$0xFFFFFE80] =	vst v2;
	v2 =	vld [tilespmem:s18+$0xFFFFFE90];
	_ =	sdelay $0x4  }
0x1c3: {  	v2 =	vmul.f32 v2, v3;
	_ =	sdelay $0x1  }
0x1c4: {  	[tilespmem:s18+$0xFFFFFE90] =	vst v2;
	v2 =	vld [tilespmem:s18+$0xFFFFFEA0];
	_ =	sdelay $0x4  }
0x1c5: {  	v2 =	vmul.f32 v2, v3;
	_ =	sdelay $0x1  }
0x1c6: {  	[tilespmem:s18+$0xFFFFFEA0] =	vst v2;
	v2 =	vld [tilespmem:s18+$0xFFFFFEB0];
	_ =	sdelay $0x4  }
0x1c7: {  	v2 =	vmul.f32 v2, v3;
	_ =	sdelay $0x1  }
0x1c8: {  	[tilespmem:s18+$0xFFFFFEB0] =	vst v2;
	v2 =	vld [tilespmem:s18+$0xFFFFFEC0];
	_ =	sdelay $0x2  }
0x1c9: {  	v3 =	vbroadcast v1, $0x3;
	_ =	sdelay $0x1  }
0x1ca: {  	v2 =	vmul.f32 v2, v3;
	_ =	sdelay $0x1  }
0x1cb: {  	[tilespmem:s18+$0xFFFFFEC0] =	vst v2;
	v2 =	vld [tilespmem:s18+$0xFFFFFED0];
	_ =	sdelay $0x4  }
0x1cc: {  	v2 =	vmul.f32 v2, v3;
	_ =	sdelay $0x1  }
0x1cd: {  	[tilespmem:s18+$0xFFFFFED0] =	vst v2;
	v2 =	vld [tilespmem:s18+$0xFFFFFEE0];
	_ =	sdelay $0x4  }
0x1ce: {  	v2 =	vmul.f32 v2, v3;
	_ =	sdelay $0x1  }
0x1cf: {  	[tilespmem:s18+$0xFFFFFEE0] =	vst v2;
	v2 =	vld [tilespmem:s18+$0xFFFFFEF0];
	_ =	sdelay $0x4  }
0x1d0: {  	v2 =	vmul.f32 v2, v3;
	_ =	sdelay $0x1  }
0x1d1: {  	[tilespmem:s18+$0xFFFFFEF0] =	vst v2;
	v2 =	vld [tilespmem:s18+$0xFFFFFF00];
	_ =	sdelay $0x2  }
0x1d2: {  	v3 =	vbroadcast v1, $0x4;
	_ =	sdelay $0x1  }
0x1d3: {  	v2 =	vmul.f32 v2, v3;
	_ =	sdelay $0x1  }
0x1d4: {  	[tilespmem:s18+$0xFFFFFF00] =	vst v2;
	v2 =	vld [tilespmem:s18+$0xFFFFFF10];
	_ =	sdelay $0x4  }
0x1d5: {  	v2 =	vmul.f32 v2, v3;
	_ =	sdelay $0x1  }
0x1d6: {  	[tilespmem:s18+$0xFFFFFF10] =	vst v2;
	v2 =	vld [tilespmem:s18+$0xFFFFFF20];
	_ =	sdelay $0x4  }
0x1d7: {  	v2 =	vmul.f32 v2, v3;
	_ =	sdelay $0x1  }
0x1d8: {  	[tilespmem:s18+$0xFFFFFF20] =	vst v2;
	v2 =	vld [tilespmem:s18+$0xFFFFFF30];
	_ =	sdelay $0x4  }
0x1d9: {  	v2 =	vmul.f32 v2, v3;
	_ =	sdelay $0x1  }
0x1da: {  	[tilespmem:s18+$0xFFFFFF30] =	vst v2;
	v2 =	vld [tilespmem:s18+$0xFFFFFF40];
	_ =	sdelay $0x2  }
0x1db: {  	v3 =	vbroadcast v1, $0x5;
	_ =	sdelay $0x1  }
0x1dc: {  	v2 =	vmul.f32 v2, v3;
	_ =	sdelay $0x1  }
0x1dd: {  	[tilespmem:s18+$0xFFFFFF40] =	vst v2;
	v2 =	vld [tilespmem:s18+$0xFFFFFF50];
	_ =	sdelay $0x4  }
0x1de: {  	v2 =	vmul.f32 v2, v3;
	_ =	sdelay $0x1  }
0x1df: {  	[tilespmem:s18+$0xFFFFFF50] =	vst v2;
	v2 =	vld [tilespmem:s18+$0xFFFFFF60];
	_ =	sdelay $0x4  }
0x1e0: {  	v2 =	vmul.f32 v2, v3;
	_ =	sdelay $0x1  }
0x1e1: {  	[tilespmem:s18+$0xFFFFFF60] =	vst v2;
	v2 =	vld [tilespmem:s18+$0xFFFFFF70];
	_ =	sdelay $0x4  }
0x1e2: {  	v2 =	vmul.f32 v2, v3;
	_ =	sdelay $0x1  }
0x1e3: {  	[tilespmem:s18+$0xFFFFFF70] =	vst v2;
	v2 =	vld [tilespmem:s18+$0xFFFFFF80];
	_ =	sdelay $0x2  }
0x1e4: {  	v3 =	vbroadcast v1, $0x6;
	_ =	sdelay $0x1  }
0x1e5: {  	v2 =	vmul.f32 v2, v3;
	_ =	sdelay $0x1  }
0x1e6: {  	[tilespmem:s18+$0xFFFFFF80] =	vst v2;
	v2 =	vld [tilespmem:s18+$0xFFFFFF90];
	_ =	sdelay $0x4  }
0x1e7: {  	v2 =	vmul.f32 v2, v3;
	_ =	sdelay $0x1  }
0x1e8: {  	[tilespmem:s18+$0xFFFFFF90] =	vst v2;
	v2 =	vld [tilespmem:s18+$0xFFFFFFA0];
	_ =	sdelay $0x4  }
0x1e9: {  	v2 =	vmul.f32 v2, v3;
	_ =	sdelay $0x1  }
0x1ea: {  	[tilespmem:s18+$0xFFFFFFA0] =	vst v2;
	v2 =	vld [tilespmem:s18+$0xFFFFFFB0];
	_ =	sdelay $0x4  }
0x1eb: {  	v2 =	vmul.f32 v2, v3;
	_ =	sdelay $0x1  }
0x1ec: {  	[tilespmem:s18+$0xFFFFFFB0] =	vst v2;
	v2 =	vld [tilespmem:s18+$0xFFFFFFC0];
	_ =	sdelay $0x2  }
0x1ed: {  	v3 =	vbroadcast v1, $0x7;
	_ =	sdelay $0x1  }
0x1ee: {  	v2 =	vmul.f32 v2, v3;
	_ =	sdelay $0x1  }
0x1ef: {  	[tilespmem:s18+$0xFFFFFFC0] =	vst v2;
	v2 =	vld [tilespmem:s18+$0xFFFFFFD0];
	_ =	sdelay $0x4  }
0x1f0: {  	v2 =	vmul.f32 v2, v3;
	_ =	sdelay $0x1  }
0x1f1: {  	[tilespmem:s18+$0xFFFFFFD0] =	vst v2;
	v2 =	vld [tilespmem:s18+$0xFFFFFFE0];
	_ =	sdelay $0x4  }
0x1f2: {  	v2 =	vmul.f32 v2, v3;
	_ =	sdelay $0x1  }
0x1f3: {  	[tilespmem:s18+$0xFFFFFFE0] =	vst v2;
	v2 =	vld [tilespmem:s18+$0xFFFFFFF0];
	_ =	sdelay $0x4  }
0x1f4: {  	v2 =	vmul.f32 v2, v3;
	_ =	sdelay $0x1  }
0x1f5: {  	[tilespmem:s18+$0xFFFFFFF0] =	vst v2;
	v2 =	vld [tilespmem:s18+$0x0];
	_ =	sdelay $0x2  }
0x1f6: {  	v3 =	vbroadcast v1, $0x8;
	_ =	sdelay $0x1  }
0x1f7: {  	v2 =	vmul.f32 v2, v3;
	_ =	sdelay $0x1  }
0x1f8: {  	[tilespmem:s18+$0x0] =	vst v2;
	v2 =	vld [tilespmem:s18+$0x10];
	_ =	sdelay $0x4  }
0x1f9: {  	v2 =	vmul.f32 v2, v3;
	_ =	sdelay $0x1  }
0x1fa: {  	[tilespmem:s18+$0x10] =	vst v2;
	v2 =	vld [tilespmem:s18+$0x20];
	_ =	sdelay $0x4  }
0x1fb: {  	v2 =	vmul.f32 v2, v3;
	_ =	sdelay $0x1  }
0x1fc: {  	[tilespmem:s18+$0x20] =	vst v2;
	v2 =	vld [tilespmem:s18+$0x30];
	_ =	sdelay $0x4  }
0x1fd: {  	v2 =	vmul.f32 v2, v3;
	_ =	sdelay $0x1  }
0x1fe: {  	[tilespmem:s18+$0x30] =	vst v2;
	v2 =	vld [tilespmem:s18+$0x40];
	_ =	sdelay $0x2  }
0x1ff: {  	v3 =	vbroadcast v1, $0x9;
	_ =	sdelay $0x1  }
0x200: {  	v2 =	vmul.f32 v2, v3;
	_ =	sdelay $0x1  }
0x201: {  	[tilespmem:s18+$0x40] =	vst v2;
	v2 =	vld [tilespmem:s18+$0x50];
	_ =	sdelay $0x4  }
0x202: {  	v2 =	vmul.f32 v2, v3;
	_ =	sdelay $0x1  }
0x203: {  	[tilespmem:s18+$0x50] =	vst v2;
	v2 =	vld [tilespmem:s18+$0x60];
	_ =	sdelay $0x4  }
0x204: {  	v2 =	vmul.f32 v2, v3;
	_ =	sdelay $0x1  }
0x205: {  	[tilespmem:s18+$0x60] =	vst v2;
	v2 =	vld [tilespmem:s18+$0x70];
	_ =	sdelay $0x4  }
0x206: {  	v2 =	vmul.f32 v2, v3;
	_ =	sdelay $0x1  }
0x207: {  	[tilespmem:s18+$0x70] =	vst v2;
	v2 =	vld [tilespmem:s18+$0x80];
	_ =	sdelay $0x2  }
0x208: {  	v3 =	vbroadcast v1, $0xA;
	_ =	sdelay $0x1  }
0x209: {  	v2 =	vmul.f32 v2, v3;
	_ =	sdelay $0x1  }
0x20a: {  	[tilespmem:s18+$0x80] =	vst v2;
	v2 =	vld [tilespmem:s18+$0x90];
	_ =	sdelay $0x4  }
0x20b: {  	v2 =	vmul.f32 v2, v3;
	_ =	sdelay $0x1  }
0x20c: {  	[tilespmem:s18+$0x90] =	vst v2;
	v2 =	vld [tilespmem:s18+$0xA0];
	_ =	sdelay $0x4  }
0x20d: {  	v2 =	vmul.f32 v2, v3;
	_ =	sdelay $0x1  }
0x20e: {  	[tilespmem:s18+$0xA0] =	vst v2;
	v2 =	vld [tilespmem:s18+$0xB0];
	_ =	sdelay $0x4  }
0x20f: {  	v2 =	vmul.f32 v2, v3;
	_ =	sdelay $0x1  }
0x210: {  	[tilespmem:s18+$0xB0] =	vst v2;
	v2 =	vld [tilespmem:s18+$0xC0];
	_ =	sdelay $0x2  }
0x211: {  	v3 =	vbroadcast v1, $0xB;
	_ =	sdelay $0x1  }
0x212: {  	v2 =	vmul.f32 v2, v3;
	_ =	sdelay $0x1  }
0x213: {  	[tilespmem:s18+$0xC0] =	vst v2;
	v2 =	vld [tilespmem:s18+$0xD0];
	_ =	sdelay $0x4  }
0x214: {  	v2 =	vmul.f32 v2, v3;
	_ =	sdelay $0x1  }
0x215: {  	[tilespmem:s18+$0xD0] =	vst v2;
	v2 =	vld [tilespmem:s18+$0xE0];
	_ =	sdelay $0x4  }
0x216: {  	v2 =	vmul.f32 v2, v3;
	_ =	sdelay $0x1  }
0x217: {  	[tilespmem:s18+$0xE0] =	vst v2;
	v2 =	vld [tilespmem:s18+$0xF0];
	_ =	sdelay $0x4  }
0x218: {  	v2 =	vmul.f32 v2, v3;
	_ =	sdelay $0x1  }
0x219: {  	[tilespmem:s18+$0xF0] =	vst v2;
	v2 =	vld [tilespmem:s18+$0x100];
	_ =	sdelay $0x2  }
0x21a: {  	v3 =	vbroadcast v1, $0xC;
	_ =	sdelay $0x1  }
0x21b: {  	v2 =	vmul.f32 v2, v3;
	_ =	sdelay $0x1  }
0x21c: {  	[tilespmem:s18+$0x100] =	vst v2;
	v2 =	vld [tilespmem:s18+$0x110];
	_ =	sdelay $0x4  }
0x21d: {  	v2 =	vmul.f32 v2, v3;
	_ =	sdelay $0x1  }
0x21e: {  	[tilespmem:s18+$0x110] =	vst v2;
	v2 =	vld [tilespmem:s18+$0x120];
	_ =	sdelay $0x4  }
0x21f: {  	v2 =	vmul.f32 v2, v3;
	_ =	sdelay $0x1  }
0x220: {  	[tilespmem:s18+$0x120] =	vst v2;
	v2 =	vld [tilespmem:s18+$0x130];
	_ =	sdelay $0x4  }
0x221: {  	v2 =	vmul.f32 v2, v3;
	_ =	sdelay $0x1  }
0x222: {  	[tilespmem:s18+$0x130] =	vst v2;
	v2 =	vld [tilespmem:s18+$0x140];
	_ =	sdelay $0x2  }
0x223: {  	v3 =	vbroadcast v1, $0xD;
	_ =	sdelay $0x1  }
0x224: {  	v2 =	vmul.f32 v2, v3;
	_ =	sdelay $0x1  }
0x225: {  	[tilespmem:s18+$0x140] =	vst v2;
	v2 =	vld [tilespmem:s18+$0x150];
	_ =	sdelay $0x4  }
0x226: {  	v2 =	vmul.f32 v2, v3;
	_ =	sdelay $0x1  }
0x227: {  	[tilespmem:s18+$0x150] =	vst v2;
	v2 =	vld [tilespmem:s18+$0x160];
	_ =	sdelay $0x4  }
0x228: {  	v2 =	vmul.f32 v2, v3;
	_ =	sdelay $0x1  }
0x229: {  	[tilespmem:s18+$0x160] =	vst v2;
	v2 =	vld [tilespmem:s18+$0x170];
	_ =	sdelay $0x4  }
0x22a: {  	v2 =	vmul.f32 v2, v3;
	_ =	sdelay $0x1  }
0x22b: {  	[tilespmem:s18+$0x170] =	vst v2;
	v2 =	vld [tilespmem:s18+$0x180];
	_ =	sdelay $0x2  }
0x22c: {  	v3 =	vbroadcast v1, $0xE;
	_ =	sdelay $0x1  }
0x22d: {  	v2 =	vmul.f32 v2, v3;
	_ =	sdelay $0x1  }
0x22e: {  	[tilespmem:s18+$0x180] =	vst v2;
	v2 =	vld [tilespmem:s18+$0x190];
	_ =	sdelay $0x4  }
0x22f: {  	v2 =	vmul.f32 v2, v3;
	_ =	sdelay $0x1  }
0x230: {  	[tilespmem:s18+$0x190] =	vst v2;
	v2 =	vld [tilespmem:s18+$0x1A0];
	_ =	sdelay $0x4  }
0x231: {  	v2 =	vmul.f32 v2, v3;
	_ =	sdelay $0x1  }
0x232: {  	[tilespmem:s18+$0x1A0] =	vst v2;
	v2 =	vld [tilespmem:s18+$0x1B0];
	_ =	sdelay $0x4  }
0x233: {  	v2 =	vmul.f32 v2, v3;
	_ =	sdelay $0x1  }
0x234: {  	[tilespmem:s18+$0x1B0] =	vst v2;
	v2 =	vld [tilespmem:s18+$0x1C0];
	_ =	sdelay $0x2  }
0x235: {  	v1 =	vbroadcast v1, $0xF;
	_ =	sdelay $0x1  }
0x236: {  	v2 =	vmul.f32 v2, v1;
	_ =	sdelay $0x1  }
0x237: {  	[tilespmem:s18+$0x1C0] =	vst v2;
	v2 =	vld [tilespmem:s18+$0x1D0];
	_ =	sdelay $0x4  }
0x238: {  	v2 =	vmul.f32 v2, v1;
	_ =	sdelay $0x1  }
0x239: {  	[tilespmem:s18+$0x1D0] =	vst v2;
	v2 =	vld [tilespmem:s18+$0x1E0];
	_ =	sdelay $0x4  }
0x23a: {  	v2 =	vmul.f32 v2, v1;
	_ =	sdelay $0x1  }
0x23b: {  	[tilespmem:s18+$0x1E0] =	vst v2;
	v2 =	vld [tilespmem:s18+$0x1F0];
	_ =	sdelay $0x1  }
0x23c: {  	p2 =	sne.s32 s17, $0x1C0  }
.Ltmp3:
0x23d: {  	_ = 	snop;
	(pc) =	sbr.rel @p2 .LBB2_9-.Ltmp3, $3  }
0x23e: {  	_ = 	snop  }
0x23f: {  	v1 =	vmul.f32 v2, v1;
	_ =	sdelay $0x1  }
0x240: {  	s17 =	sadd.s32 $0x40, s17;
	[tilespmem:s18+$0x1F0] =	vst v1;
	s18 =	sadd.s32 $0x400, s18  }
0x241: {  	s14 =	sand.u32 $0x3FFFFF80, s14  }
0x242: {  	s14 =	sadd.s32 $0x5000, s14  }
0x243: {  	[spmem:s3] =	stream.indirect.scatter.add.f32 [tilespmem:s29], [sflag:$0x7], $0x40, s14, s24, $0xb8;
	[tilespmem:$0x1BE40] =	vst v63  }
0x244: {  	s14 =	simm.s32 @!p1 $0x6  }
0x245: {  	s15 =	sadd.s32 @!p1 $0x280, s16;
	_ =	swait.ge @!p1 [sflag:s14], $0x2000  }
0x246: {  	s16 =	sadd.s32 @!p1 s4, s15;
	[sflag:s14] =	ssyncset.done @!p1 $0x0  }
0x247: {  	[sflag:s14] =	ssyncadd.s32 @!p1 $0xFFFFE000;
	s14 =	sshrl.u32 @!p1 s16, $0x3  }
0x248: {  	s17 =	simm.s32 @!p1 $0xA080;
	s16 =	simm.s32 @!p1 $0x0;
	s14 =	sadd.s32 @!p1 s6, s14  }
0x249: {  	[tilespmem:s17], [sflag:$0x2] =	stream.linear.gather @!p1 [hbm4b:s14+s16], $0x80, $0x38;
	[tilespmem:$0x1BE40] =	vst v63  }
0x24a: {  	s14 =	simm.s32 @!p1 $0x80;
	s16 =	simm.s32 @!p1 $0xC200  }
0x24b: {  	[tilespmem:s16], [sflag:$0x2] =	stream.indirect.gather @!p1 [hbm4b:s1+s14], $0x40, s15, s14, $0xb8;
	[tilespmem:$0x1BE40] =	vst v63  }
0x24c: {  	_ =	swait.ge [sflag:s25], $0x80  }
0x24d: {  	[sflag:s25] =	ssyncset.done $0x0  }
0x24e: {  	[sflag:s25] =	ssyncadd.s32 $0xFFFFFF80  }
0x24f: {  	_ =	swait.ge [sflag:s25], $0x2000  }
0x250: {  	[sflag:s25] =	ssyncset.done $0x0  }
0x251: {  	s14 =	simm.s32 $0x0;
	s16 =	simm.s32 $0x10400;
	[sflag:s25] =	ssyncadd.s32 $0xFFFFE000  }
.LBB2_11:
0x252: {  	s15 =	sshra.s32 s14, $0x2  }
0x253: {  	v1 =	vld [tilespmem:s15+$0xA180];
	_ =	sdelay $0x1  }
0x254: {  	v2 =	vld [tilespmem:s16+$0xFFFFFE00];
	_ =	sdelay $0x2  }
0x255: {  	v3 =	vbroadcast v1, $0x0;
	_ =	sdelay $0x1  }
0x256: {  	v2 =	vmul.f32 v3, v2;
	_ =	sdelay $0x1  }
0x257: {  	[tilespmem:s16+$0xFFFFFE00] =	vst v2;
	v2 =	vld [tilespmem:s16+$0xFFFFFE10];
	_ =	sdelay $0x4  }
0x258: {  	v2 =	vmul.f32 v2, v3;
	_ =	sdelay $0x1  }
0x259: {  	[tilespmem:s16+$0xFFFFFE10] =	vst v2;
	v2 =	vld [tilespmem:s16+$0xFFFFFE20];
	_ =	sdelay $0x4  }
0x25a: {  	v2 =	vmul.f32 v2, v3;
	_ =	sdelay $0x1  }
0x25b: {  	[tilespmem:s16+$0xFFFFFE20] =	vst v2;
	v2 =	vld [tilespmem:s16+$0xFFFFFE30];
	_ =	sdelay $0x4  }
0x25c: {  	v2 =	vmul.f32 v2, v3;
	_ =	sdelay $0x1  }
0x25d: {  	[tilespmem:s16+$0xFFFFFE30] =	vst v2;
	v2 =	vld [tilespmem:s16+$0xFFFFFE40];
	_ =	sdelay $0x2  }
0x25e: {  	v3 =	vbroadcast v1, $0x1;
	_ =	sdelay $0x1  }
0x25f: {  	v2 =	vmul.f32 v2, v3;
	_ =	sdelay $0x1  }
0x260: {  	[tilespmem:s16+$0xFFFFFE40] =	vst v2;
	v2 =	vld [tilespmem:s16+$0xFFFFFE50];
	_ =	sdelay $0x4  }
0x261: {  	v2 =	vmul.f32 v2, v3;
	_ =	sdelay $0x1  }
0x262: {  	[tilespmem:s16+$0xFFFFFE50] =	vst v2;
	v2 =	vld [tilespmem:s16+$0xFFFFFE60];
	_ =	sdelay $0x4  }
0x263: {  	v2 =	vmul.f32 v2, v3;
	_ =	sdelay $0x1  }
0x264: {  	[tilespmem:s16+$0xFFFFFE60] =	vst v2;
	v2 =	vld [tilespmem:s16+$0xFFFFFE70];
	_ =	sdelay $0x4  }
0x265: {  	v2 =	vmul.f32 v2, v3;
	_ =	sdelay $0x1  }
0x266: {  	[tilespmem:s16+$0xFFFFFE70] =	vst v2;
	v2 =	vld [tilespmem:s16+$0xFFFFFE80];
	_ =	sdelay $0x2  }
0x267: {  	v3 =	vbroadcast v1, $0x2;
	_ =	sdelay $0x1  }
0x268: {  	v2 =	vmul.f32 v2, v3;
	_ =	sdelay $0x1  }
0x269: {  	[tilespmem:s16+$0xFFFFFE80] =	vst v2;
	v2 =	vld [tilespmem:s16+$0xFFFFFE90];
	_ =	sdelay $0x4  }
0x26a: {  	v2 =	vmul.f32 v2, v3;
	_ =	sdelay $0x1  }
0x26b: {  	[tilespmem:s16+$0xFFFFFE90] =	vst v2;
	v2 =	vld [tilespmem:s16+$0xFFFFFEA0];
	_ =	sdelay $0x4  }
0x26c: {  	v2 =	vmul.f32 v2, v3;
	_ =	sdelay $0x1  }
0x26d: {  	[tilespmem:s16+$0xFFFFFEA0] =	vst v2;
	v2 =	vld [tilespmem:s16+$0xFFFFFEB0];
	_ =	sdelay $0x4  }
0x26e: {  	v2 =	vmul.f32 v2, v3;
	_ =	sdelay $0x1  }
0x26f: {  	[tilespmem:s16+$0xFFFFFEB0] =	vst v2;
	v2 =	vld [tilespmem:s16+$0xFFFFFEC0];
	_ =	sdelay $0x2  }
0x270: {  	v3 =	vbroadcast v1, $0x3;
	_ =	sdelay $0x1  }
0x271: {  	v2 =	vmul.f32 v2, v3;
	_ =	sdelay $0x1  }
0x272: {  	[tilespmem:s16+$0xFFFFFEC0] =	vst v2;
	v2 =	vld [tilespmem:s16+$0xFFFFFED0];
	_ =	sdelay $0x4  }
0x273: {  	v2 =	vmul.f32 v2, v3;
	_ =	sdelay $0x1  }
0x274: {  	[tilespmem:s16+$0xFFFFFED0] =	vst v2;
	v2 =	vld [tilespmem:s16+$0xFFFFFEE0];
	_ =	sdelay $0x4  }
0x275: {  	v2 =	vmul.f32 v2, v3;
	_ =	sdelay $0x1  }
0x276: {  	[tilespmem:s16+$0xFFFFFEE0] =	vst v2;
	v2 =	vld [tilespmem:s16+$0xFFFFFEF0];
	_ =	sdelay $0x4  }
0x277: {  	v2 =	vmul.f32 v2, v3;
	_ =	sdelay $0x1  }
0x278: {  	[tilespmem:s16+$0xFFFFFEF0] =	vst v2;
	v2 =	vld [tilespmem:s16+$0xFFFFFF00];
	_ =	sdelay $0x2  }
0x279: {  	v3 =	vbroadcast v1, $0x4;
	_ =	sdelay $0x1  }
0x27a: {  	v2 =	vmul.f32 v2, v3;
	_ =	sdelay $0x1  }
0x27b: {  	[tilespmem:s16+$0xFFFFFF00] =	vst v2;
	v2 =	vld [tilespmem:s16+$0xFFFFFF10];
	_ =	sdelay $0x4  }
0x27c: {  	v2 =	vmul.f32 v2, v3;
	_ =	sdelay $0x1  }
0x27d: {  	[tilespmem:s16+$0xFFFFFF10] =	vst v2;
	v2 =	vld [tilespmem:s16+$0xFFFFFF20];
	_ =	sdelay $0x4  }
0x27e: {  	v2 =	vmul.f32 v2, v3;
	_ =	sdelay $0x1  }
0x27f: {  	[tilespmem:s16+$0xFFFFFF20] =	vst v2;
	v2 =	vld [tilespmem:s16+$0xFFFFFF30];
	_ =	sdelay $0x4  }
0x280: {  	v2 =	vmul.f32 v2, v3;
	_ =	sdelay $0x1  }
0x281: {  	[tilespmem:s16+$0xFFFFFF30] =	vst v2;
	v2 =	vld [tilespmem:s16+$0xFFFFFF40];
	_ =	sdelay $0x2  }
0x282: {  	v3 =	vbroadcast v1, $0x5;
	_ =	sdelay $0x1  }
0x283: {  	v2 =	vmul.f32 v2, v3;
	_ =	sdelay $0x1  }
0x284: {  	[tilespmem:s16+$0xFFFFFF40] =	vst v2;
	v2 =	vld [tilespmem:s16+$0xFFFFFF50];
	_ =	sdelay $0x4  }
0x285: {  	v2 =	vmul.f32 v2, v3;
	_ =	sdelay $0x1  }
0x286: {  	[tilespmem:s16+$0xFFFFFF50] =	vst v2;
	v2 =	vld [tilespmem:s16+$0xFFFFFF60];
	_ =	sdelay $0x4  }
0x287: {  	v2 =	vmul.f32 v2, v3;
	_ =	sdelay $0x1  }
0x288: {  	[tilespmem:s16+$0xFFFFFF60] =	vst v2;
	v2 =	vld [tilespmem:s16+$0xFFFFFF70];
	_ =	sdelay $0x4  }
0x289: {  	v2 =	vmul.f32 v2, v3;
	_ =	sdelay $0x1  }
0x28a: {  	[tilespmem:s16+$0xFFFFFF70] =	vst v2;
	v2 =	vld [tilespmem:s16+$0xFFFFFF80];
	_ =	sdelay $0x2  }
0x28b: {  	v3 =	vbroadcast v1, $0x6;
	_ =	sdelay $0x1  }
0x28c: {  	v2 =	vmul.f32 v2, v3;
	_ =	sdelay $0x1  }
0x28d: {  	[tilespmem:s16+$0xFFFFFF80] =	vst v2;
	v2 =	vld [tilespmem:s16+$0xFFFFFF90];
	_ =	sdelay $0x4  }
0x28e: {  	v2 =	vmul.f32 v2, v3;
	_ =	sdelay $0x1  }
0x28f: {  	[tilespmem:s16+$0xFFFFFF90] =	vst v2;
	v2 =	vld [tilespmem:s16+$0xFFFFFFA0];
	_ =	sdelay $0x4  }
0x290: {  	v2 =	vmul.f32 v2, v3;
	_ =	sdelay $0x1  }
0x291: {  	[tilespmem:s16+$0xFFFFFFA0] =	vst v2;
	v2 =	vld [tilespmem:s16+$0xFFFFFFB0];
	_ =	sdelay $0x4  }
0x292: {  	v2 =	vmul.f32 v2, v3;
	_ =	sdelay $0x1  }
0x293: {  	[tilespmem:s16+$0xFFFFFFB0] =	vst v2;
	v2 =	vld [tilespmem:s16+$0xFFFFFFC0];
	_ =	sdelay $0x2  }
0x294: {  	v3 =	vbroadcast v1, $0x7;
	_ =	sdelay $0x1  }
0x295: {  	v2 =	vmul.f32 v2, v3;
	_ =	sdelay $0x1  }
0x296: {  	[tilespmem:s16+$0xFFFFFFC0] =	vst v2;
	v2 =	vld [tilespmem:s16+$0xFFFFFFD0];
	_ =	sdelay $0x4  }
0x297: {  	v2 =	vmul.f32 v2, v3;
	_ =	sdelay $0x1  }
0x298: {  	[tilespmem:s16+$0xFFFFFFD0] =	vst v2;
	v2 =	vld [tilespmem:s16+$0xFFFFFFE0];
	_ =	sdelay $0x4  }
0x299: {  	v2 =	vmul.f32 v2, v3;
	_ =	sdelay $0x1  }
0x29a: {  	[tilespmem:s16+$0xFFFFFFE0] =	vst v2;
	v2 =	vld [tilespmem:s16+$0xFFFFFFF0];
	_ =	sdelay $0x4  }
0x29b: {  	v2 =	vmul.f32 v2, v3;
	_ =	sdelay $0x1  }
0x29c: {  	[tilespmem:s16+$0xFFFFFFF0] =	vst v2;
	v2 =	vld [tilespmem:s16+$0x0];
	_ =	sdelay $0x2  }
0x29d: {  	v3 =	vbroadcast v1, $0x8;
	_ =	sdelay $0x1  }
0x29e: {  	v2 =	vmul.f32 v2, v3;
	_ =	sdelay $0x1  }
0x29f: {  	[tilespmem:s16+$0x0] =	vst v2;
	v2 =	vld [tilespmem:s16+$0x10];
	_ =	sdelay $0x4  }
0x2a0: {  	v2 =	vmul.f32 v2, v3;
	_ =	sdelay $0x1  }
0x2a1: {  	[tilespmem:s16+$0x10] =	vst v2;
	v2 =	vld [tilespmem:s16+$0x20];
	_ =	sdelay $0x4  }
0x2a2: {  	v2 =	vmul.f32 v2, v3;
	_ =	sdelay $0x1  }
0x2a3: {  	[tilespmem:s16+$0x20] =	vst v2;
	v2 =	vld [tilespmem:s16+$0x30];
	_ =	sdelay $0x4  }
0x2a4: {  	v2 =	vmul.f32 v2, v3;
	_ =	sdelay $0x1  }
0x2a5: {  	[tilespmem:s16+$0x30] =	vst v2;
	v2 =	vld [tilespmem:s16+$0x40];
	_ =	sdelay $0x2  }
0x2a6: {  	v3 =	vbroadcast v1, $0x9;
	_ =	sdelay $0x1  }
0x2a7: {  	v2 =	vmul.f32 v2, v3;
	_ =	sdelay $0x1  }
0x2a8: {  	[tilespmem:s16+$0x40] =	vst v2;
	v2 =	vld [tilespmem:s16+$0x50];
	_ =	sdelay $0x4  }
0x2a9: {  	v2 =	vmul.f32 v2, v3;
	_ =	sdelay $0x1  }
0x2aa: {  	[tilespmem:s16+$0x50] =	vst v2;
	v2 =	vld [tilespmem:s16+$0x60];
	_ =	sdelay $0x4  }
0x2ab: {  	v2 =	vmul.f32 v2, v3;
	_ =	sdelay $0x1  }
0x2ac: {  	[tilespmem:s16+$0x60] =	vst v2;
	v2 =	vld [tilespmem:s16+$0x70];
	_ =	sdelay $0x4  }
0x2ad: {  	v2 =	vmul.f32 v2, v3;
	_ =	sdelay $0x1  }
0x2ae: {  	[tilespmem:s16+$0x70] =	vst v2;
	v2 =	vld [tilespmem:s16+$0x80];
	_ =	sdelay $0x2  }
0x2af: {  	v3 =	vbroadcast v1, $0xA;
	_ =	sdelay $0x1  }
0x2b0: {  	v2 =	vmul.f32 v2, v3;
	_ =	sdelay $0x1  }
0x2b1: {  	[tilespmem:s16+$0x80] =	vst v2;
	v2 =	vld [tilespmem:s16+$0x90];
	_ =	sdelay $0x4  }
0x2b2: {  	v2 =	vmul.f32 v2, v3;
	_ =	sdelay $0x1  }
0x2b3: {  	[tilespmem:s16+$0x90] =	vst v2;
	v2 =	vld [tilespmem:s16+$0xA0];
	_ =	sdelay $0x4  }
0x2b4: {  	v2 =	vmul.f32 v2, v3;
	_ =	sdelay $0x1  }
0x2b5: {  	[tilespmem:s16+$0xA0] =	vst v2;
	v2 =	vld [tilespmem:s16+$0xB0];
	_ =	sdelay $0x4  }
0x2b6: {  	v2 =	vmul.f32 v2, v3;
	_ =	sdelay $0x1  }
0x2b7: {  	[tilespmem:s16+$0xB0] =	vst v2;
	v2 =	vld [tilespmem:s16+$0xC0];
	_ =	sdelay $0x2  }
0x2b8: {  	v3 =	vbroadcast v1, $0xB;
	_ =	sdelay $0x1  }
0x2b9: {  	v2 =	vmul.f32 v2, v3;
	_ =	sdelay $0x1  }
0x2ba: {  	[tilespmem:s16+$0xC0] =	vst v2;
	v2 =	vld [tilespmem:s16+$0xD0];
	_ =	sdelay $0x4  }
0x2bb: {  	v2 =	vmul.f32 v2, v3;
	_ =	sdelay $0x1  }
0x2bc: {  	[tilespmem:s16+$0xD0] =	vst v2;
	v2 =	vld [tilespmem:s16+$0xE0];
	_ =	sdelay $0x4  }
0x2bd: {  	v2 =	vmul.f32 v2, v3;
	_ =	sdelay $0x1  }
0x2be: {  	[tilespmem:s16+$0xE0] =	vst v2;
	v2 =	vld [tilespmem:s16+$0xF0];
	_ =	sdelay $0x4  }
0x2bf: {  	v2 =	vmul.f32 v2, v3;
	_ =	sdelay $0x1  }
0x2c0: {  	[tilespmem:s16+$0xF0] =	vst v2;
	v2 =	vld [tilespmem:s16+$0x100];
	_ =	sdelay $0x2  }
0x2c1: {  	v3 =	vbroadcast v1, $0xC;
	_ =	sdelay $0x1  }
0x2c2: {  	v2 =	vmul.f32 v2, v3;
	_ =	sdelay $0x1  }
0x2c3: {  	[tilespmem:s16+$0x100] =	vst v2;
	v2 =	vld [tilespmem:s16+$0x110];
	_ =	sdelay $0x4  }
0x2c4: {  	v2 =	vmul.f32 v2, v3;
	_ =	sdelay $0x1  }
0x2c5: {  	[tilespmem:s16+$0x110] =	vst v2;
	v2 =	vld [tilespmem:s16+$0x120];
	_ =	sdelay $0x4  }
0x2c6: {  	v2 =	vmul.f32 v2, v3;
	_ =	sdelay $0x1  }
0x2c7: {  	[tilespmem:s16+$0x120] =	vst v2;
	v2 =	vld [tilespmem:s16+$0x130];
	_ =	sdelay $0x4  }
0x2c8: {  	v2 =	vmul.f32 v2, v3;
	_ =	sdelay $0x1  }
0x2c9: {  	[tilespmem:s16+$0x130] =	vst v2;
	v2 =	vld [tilespmem:s16+$0x140];
	_ =	sdelay $0x2  }
0x2ca: {  	v3 =	vbroadcast v1, $0xD;
	_ =	sdelay $0x1  }
0x2cb: {  	v2 =	vmul.f32 v2, v3;
	_ =	sdelay $0x1  }
0x2cc: {  	[tilespmem:s16+$0x140] =	vst v2;
	v2 =	vld [tilespmem:s16+$0x150];
	_ =	sdelay $0x4  }
0x2cd: {  	v2 =	vmul.f32 v2, v3;
	_ =	sdelay $0x1  }
0x2ce: {  	[tilespmem:s16+$0x150] =	vst v2;
	v2 =	vld [tilespmem:s16+$0x160];
	_ =	sdelay $0x4  }
0x2cf: {  	v2 =	vmul.f32 v2, v3;
	_ =	sdelay $0x1  }
0x2d0: {  	[tilespmem:s16+$0x160] =	vst v2;
	v2 =	vld [tilespmem:s16+$0x170];
	_ =	sdelay $0x4  }
0x2d1: {  	v2 =	vmul.f32 v2, v3;
	_ =	sdelay $0x1  }
0x2d2: {  	[tilespmem:s16+$0x170] =	vst v2;
	v2 =	vld [tilespmem:s16+$0x180];
	_ =	sdelay $0x2  }
0x2d3: {  	v3 =	vbroadcast v1, $0xE;
	_ =	sdelay $0x1  }
0x2d4: {  	v2 =	vmul.f32 v2, v3;
	_ =	sdelay $0x1  }
0x2d5: {  	[tilespmem:s16+$0x180] =	vst v2;
	v2 =	vld [tilespmem:s16+$0x190];
	_ =	sdelay $0x4  }
0x2d6: {  	v2 =	vmul.f32 v2, v3;
	_ =	sdelay $0x1  }
0x2d7: {  	[tilespmem:s16+$0x190] =	vst v2;
	v2 =	vld [tilespmem:s16+$0x1A0];
	_ =	sdelay $0x4  }
0x2d8: {  	v2 =	vmul.f32 v2, v3;
	_ =	sdelay $0x1  }
0x2d9: {  	[tilespmem:s16+$0x1A0] =	vst v2;
	v2 =	vld [tilespmem:s16+$0x1B0];
	_ =	sdelay $0x4  }
0x2da: {  	v2 =	vmul.f32 v2, v3;
	_ =	sdelay $0x1  }
0x2db: {  	[tilespmem:s16+$0x1B0] =	vst v2;
	v2 =	vld [tilespmem:s16+$0x1C0];
	_ =	sdelay $0x2  }
0x2dc: {  	v1 =	vbroadcast v1, $0xF;
	_ =	sdelay $0x1  }
0x2dd: {  	v2 =	vmul.f32 v2, v1;
	_ =	sdelay $0x1  }
0x2de: {  	[tilespmem:s16+$0x1C0] =	vst v2;
	v2 =	vld [tilespmem:s16+$0x1D0];
	_ =	sdelay $0x4  }
0x2df: {  	v2 =	vmul.f32 v2, v1;
	_ =	sdelay $0x1  }
0x2e0: {  	[tilespmem:s16+$0x1D0] =	vst v2;
	v2 =	vld [tilespmem:s16+$0x1E0];
	_ =	sdelay $0x4  }
0x2e1: {  	v2 =	vmul.f32 v2, v1;
	_ =	sdelay $0x1  }
0x2e2: {  	[tilespmem:s16+$0x1E0] =	vst v2;
	v2 =	vld [tilespmem:s16+$0x1F0];
	_ =	sdelay $0x1  }
0x2e3: {  	p1 =	sne.s32 s14, $0x1C0  }
.Ltmp4:
0x2e4: {  	_ = 	snop;
	(pc) =	sbr.rel @p1 .LBB2_11-.Ltmp4, $3  }
0x2e5: {  	_ = 	snop  }
0x2e6: {  	v1 =	vmul.f32 v2, v1;
	_ =	sdelay $0x1  }
0x2e7: {  	s14 =	sadd.s32 $0x40, s14;
	[tilespmem:s16+$0x1F0] =	vst v1;
	s16 =	sadd.s32 $0x400, s16  }
0x2e8: {  	s12 =	sadd.s32 $0x1, s12  }
0x2e9: {  	p1 =	sne.s32 s12, $0x28  }
.Ltmp5:
0x2ea: {  	_ = 	snop;
	(pc) =	sbr.rel @p1 .LBB2_4-.Ltmp5, $4  }
0x2eb: {  	_ = 	snop  }
0x2ec: {  	s13 =	sand.u32 $0x3FFFFF80, s13  }
0x2ed: {  	s13 =	sadd.s32 $0x5000, s13  }
0x2ee: {  	[spmem:s3] =	stream.indirect.scatter.add.f32 [tilespmem:s2], [sflag:$0x8], $0x40, s13, s24, $0xb8;
	[tilespmem:$0x1BE40] =	vst v63  }
0x2ef: {  	_ =	swait.ge [sflag:s0], $0x2000  }
0x2f0: {  	[sflag:s0] =	ssyncset.done $0x0  }
0x2f1: {  	[sflag:s0] =	ssyncadd.s32 $0xFFFFE000  }
0x2f2: {  	_ =	swait.ge [sflag:s8], $0x2000  }
0x2f3: {  	[sflag:s8] =	ssyncset.done $0x0  }
0x2f4: {  	[sflag:s8] =	ssyncadd.s32 $0xFFFFE000  }
0x2f5: {  	_ =	swait.ge [sflag:s9], $0x2000  }
0x2f6: {  	[sflag:s9] =	ssyncset.done $0x0  }
0x2f7: {  	[sflag:s9] =	ssyncadd.s32 $0xFFFFE000  }
0x2f8: {  	_ =	swait.ge [sflag:s10], $0x2000  }
0x2f9: {  	[sflag:s10] =	ssyncset.done $0x0  }
0x2fa: {  	[sflag:s10] =	ssyncadd.s32 $0xFFFFE000  }
0x2fb: {  	[bflag:$0x0] =	sbarrier.arrive $0xFFFF  }
0x2fc: {  	s11 =	sshrl.u32 @p0 s7, $0x3;
	s12 =	simm.s32 @p0 $0x1FC9;
	s13 =	rddreg [dreg:$0xe]  }
0x2fd: {  	[hbm:s13], [sflag:s12] =	dma.local @p0 [spmem:s11], $0x1400  }
0x2fe: {  	s11 =	simm.s32 @p0 $0x9  }
0x2ff: {  	s12 =	stileid.u32;
	_ =	swait.ge @p0 [sflag:s11], $0x1400  }
0x300: {  	s12 =	sshll.u32 @!p0 s12, $0x6;
	[sflag:s11] =	ssyncset.done @p0 $0x0;
	s13 =	rddreg [dreg:$0xd]  }
0x301: {  	[sflag:s11] =	ssyncadd.s32 @p0 $0xFFFFEC00;
	s11 =	sor.u32 @!p0 $0x1C09, s12;
	s12 =	sshrl.u32 @!p0 s7, $0x3  }
0x302: {  	[hbm:s13], [sflag:s11] =	dma.local @!p0 [spmem:s12], $0x1380  }
0x303: {  	s11 =	simm.s32 @!p0 $0x9  }
0x304: {  	_ =	swait.ge @!p0 [sflag:s11], $0x1380  }
0x305: {  	s5 =	sadd.s32 $0x1, s5;
	s19 =	rddreg [dreg:$0xf]  }
0x306: {  	p1 =	sne.s32 s5, s19  }
.Ltmp6:
0x307: {  	_ = 	snop;
	(pc) =	sbr.rel @p1 .LBB2_1-.Ltmp6, $3  }
0x308: {  	_ =	sdelay $0x1  }
0x309: {  	[sflag:s11] =	ssyncset.done @!p0 $0x0  }
0x30a: {  	[sflag:s11] =	ssyncadd.s32 @!p0 $0xFFFFEC80  }
0x30b: {  	_ =	sfence.sel $0x180000  }
0x30c: {  	[bflag:$0x0] =	sbarrier.arrive $0xFFFF  }
0x30d: {  	_ =	strace $0x90000047  }
0x30e: {  	s0 =	stileid.u32;
	[bflag:$0x2] =	sbarrier.arrive $0xFFFF  }
0x30f: {  	p0 =	sne.s32 s0, $0x0;
	s0 =	rddreg [dreg:$0x3]  }
0x310: {  	s0 =	sadd.s32 @!p0 $0x100000, s0  }
0x311: {  	[sflag:s0] =	ssyncadd.tile.s32 @!p0 $0x1;
	_ =	shalt  }
.Lfunc_end2:
_tile_overlayer_lowered:
.L_overlay_start_2:
0x312: {  	(tag) =	ssettag $0x2  }
0x313: {  	s0 =	rddreg [dreg:$0x0];
	s2 =	stileid.u32  }
0x314: {  	s1 =	rddreg [dreg:$0x1];
	p0 =	sne.s32 s2, $0x0  }
0x315: {  	s3 =	rddreg [dreg:$0x2];
	[bflag:$0x3] =	sbarrier.arrive $0xFFFF;
	s2 =	simm.s32 @!p0 $0x1C09  }
0x316: {  	[timem:s3], [sflag:s2] =	dma.local @!p0 [hbm:s0], s1  }
0x317: {  	s0 =	simm.s32 @!p0 $0x9  }
0x318: {  	_ =	swait.ge @!p0 [sflag:s0], s1  }
0x319: {  	s1 =	ssub.s32 @!p0 $0x0, s1;
	[sflag:s0] =	ssyncset.done @!p0 $0x0  }
0x31a: {  	[sflag:s0] =	ssyncadd.s32 @!p0 s1  }
0x31b: {  	[bflag:$0x3] =	sbarrier.arrive $0xFFFF  }
0x31c: {  	_ =	shalt  }

</sc_bundles>
